<compile_context>
chip_gen: v7x
topology: tpu7x:2x2x1
jax: 0.10.2.dev20260603
libtpu: 0.0.44.dev20260713+nightly
codegen_flags: <defaults>
</compile_context>

<pallas_src>
import functools

import jax
import jax.numpy as jnp
from jax import lax
from jax.experimental import pallas as pl
from jax.experimental.pallas import tpu as pltpu
from jax.experimental.pallas import tpu_sc as plsc

_N = 10000
_E = 320000
_D = 128
_NC = 2
_NS = 16
_NW = _NC * _NS
_EPW = _E // _NW
_K = 80
_NIT = 125
_EPP = _NIT * _K
_NPAD = _N + _NW
_ZT = 10
_RPT = _N // _ZT
_CNT_T = 5
_CNT_R = _N // _CNT_T


def _sc_body(with_cnt, *refs):
    if with_cnt:
        (x_hbm, src_hbm, dst_hbm,
         agg_hbm, cnt_hbm,
         acc_sh, cnt_sh,
         src_a, dst_a, src_b, dst_b, src_c, dst_c, src_d, dst_d,
         rows_a, rows_b, rows_c, rows_d,
         ones_v, cnt_v,
         gsem_a, gsem_b, gsem_c, gsem_d,
         ssem_a, ssem_b, ssem_c, ssem_d,
         isem_sa, isem_sb, isem_sc, isem_sd,
         isem_da, isem_db, isem_dc, isem_dd) = refs
    else:
        (x_hbm, src_hbm, dst_hbm,
         agg_hbm,
         acc_sh,
         src_a, dst_a, src_b, dst_b, src_c, dst_c, src_d, dst_d,
         rows_a, rows_b, rows_c, rows_d,
         gsem_a, gsem_b, gsem_c, gsem_d,
         ssem_a, ssem_b, ssem_c, ssem_d,
         isem_sa, isem_sb, isem_sc, isem_sd,
         isem_da, isem_db, isem_dc, isem_dd) = refs
    c = lax.axis_index("c")
    s = lax.axis_index("s")
    wid = c * _NS + s
    base = wid * _EPP

    A = (src_a, dst_a, rows_a, gsem_a, ssem_a, isem_sa, isem_da)
    B = (src_b, dst_b, rows_b, gsem_b, ssem_b, isem_sb, isem_db)
    C = (src_c, dst_c, rows_c, gsem_c, ssem_c, isem_sc, isem_dc)
    D = (src_d, dst_d, rows_d, gsem_d, ssem_d, isem_sd, isem_dd)

    def srcload(j, buf):
        e0 = pl.multiple_of(base + j * _K, 8)
        pltpu.async_copy(src_hbm.at[pl.ds(e0, _K)], buf[0], buf[5])

    def srcwait(buf):
        pltpu.make_async_copy(src_hbm.at[pl.ds(0, _K)], buf[0], buf[5]).wait()

    def dstload(j, buf):
        e0 = pl.multiple_of(base + j * _K, 8)
        pltpu.async_copy(dst_hbm.at[pl.ds(e0, _K)], buf[1], buf[6])

    def dstwait(buf):
        pltpu.make_async_copy(dst_hbm.at[pl.ds(0, _K)], buf[1], buf[6]).wait()

    def gath(buf):
        pltpu.async_copy(x_hbm.at[buf[0]], buf[2], buf[3])

    def gdrain(buf):
        pltpu.make_async_copy(x_hbm.at[buf[0]], buf[2], buf[3]).wait()

    def scat(buf):
        pltpu.async_copy(buf[2], acc_sh.at[buf[1]], buf[4], add=True)
        if with_cnt:
            pltpu.async_copy(ones_v, cnt_sh.at[buf[1]], buf[4], add=True)

    def sdrain(buf):
        pltpu.make_async_copy(buf[2], acc_sh.at[buf[1]], buf[4]).wait()
        if with_cnt:
            pltpu.make_async_copy(ones_v, cnt_sh.at[buf[1]], buf[4]).wait()

    for jj, bb in ((0, A), (1, B), (2, C), (3, D)):
        srcload(jj, bb)
        if jj < 3:
            dstload(jj, bb)

    def _zfill(i, carry):
        for o in range(0, _D, 16):
            rows_d[i, pl.ds(o, 16)] = jnp.zeros((16,), jnp.float32)
        return carry
    lax.fori_loop(0, _K, _zfill, 0)
    rz = s * (_N // _NS)
    for kblk in range(7):
        pltpu.sync_copy(rows_d, acc_sh.at[pl.ds(rz + kblk * _K, _K)])
    pltpu.sync_copy(rows_d.at[pl.ds(0, 65)],
                    acc_sh.at[pl.ds(rz + 7 * _K, 65)])
    if with_cnt:
        @pl.when(s < _CNT_T)
        def _zero_cnt():
            def zstep(i, carry):
                cnt_v[pl.ds(i * 16, 16)] = jnp.zeros((16,), jnp.float32)
                return carry
            lax.fori_loop(0, _CNT_R // 16, zstep, 0)
            q0 = pl.multiple_of(s * _CNT_R, 8)
            pltpu.sync_copy(cnt_v, cnt_sh.at[pl.ds(q0, _CNT_R)])
        for o in range(0, _K, 16):
            ones_v[pl.ds(o, 16)] = jnp.ones((16,), jnp.float32)
    srcwait(A)
    gath(A)
    srcwait(B)
    gath(B)
    srcwait(C)
    gath(C)
    plsc.subcore_barrier()

    def slot(j, X, Z, first=False, dload=True, g2=True, sload=True):
        gdrain(X)
        dstwait(X)
        scat(X)
        if not first:
            sdrain(Z)
        if dload:
            dstload(j + 3, Z)
        if g2:
            srcwait(Z)
            gath(Z)
        if sload:
            srcload(j + 4, X)

    slot(0, A, D, first=True)

    def step(t, carry):
        j = t * 4
        slot(j + 1, B, A)
        slot(j + 2, C, B)
        slot(j + 3, D, C)
        slot(j + 4, A, D)
        return carry

    lax.fori_loop(0, (_NIT - 5) // 4, step, 0, unroll=False)
    slot(_NIT - 4, B, A, sload=False)
    slot(_NIT - 3, C, B, dload=False, g2=False, sload=False)
    slot(_NIT - 2, D, C, dload=False, g2=False, sload=False)
    slot(_NIT - 1, A, D, dload=False, g2=False, sload=False)
    sdrain(A)
    plsc.subcore_barrier()

    r0 = pl.multiple_of(s * _RPT, 8)

    @pl.when(s < _ZT)
    def _write_acc():
        pltpu.sync_copy(acc_sh.at[pl.ds(r0, _RPT)],
                        agg_hbm.at[c, pl.ds(r0, _RPT)])
    if with_cnt:
        @pl.when(s < _CNT_T)
        def _write_cnt():
            q0 = pl.multiple_of(s * _CNT_R, 8)
            qo = pl.multiple_of(c * _N + s * _CNT_R, 8)
            pltpu.sync_copy(cnt_sh.at[pl.ds(q0, _CNT_R)], cnt_v)
            pltpu.sync_copy(cnt_v, cnt_hbm.at[pl.ds(qo, _CNT_R)])


def _make_sc(with_cnt):
    mesh = plsc.VectorSubcoreMesh(core_axis_name="c", subcore_axis_name="s")
    if with_cnt:
        out_type = (jax.ShapeDtypeStruct((_NC, _N, _D), jnp.float32),
                    jax.ShapeDtypeStruct((_NC * _N,), jnp.float32))
    idx6 = [pltpu.VMEM((_K,), jnp.int32) for _ in range(8)]
    rows3 = [pltpu.VMEM((_K, _D), jnp.float32) for _ in range(4)]
    sems9 = [pltpu.SemaphoreType.DMA for _ in range(16)]
    if with_cnt:
        scratch = ([pltpu.VMEM_SHARED((_NPAD, _D), jnp.float32),
                    pltpu.VMEM_SHARED((_NPAD,), jnp.float32)]
                   + idx6 + rows3
                   + [pltpu.VMEM((_K,), jnp.float32),
                      pltpu.VMEM((_CNT_R,), jnp.float32)]
                   + sems9)
    else:
        out_type = jax.ShapeDtypeStruct((_NC, _N, _D), jnp.float32)
        scratch = ([pltpu.VMEM_SHARED((_NPAD, _D), jnp.float32)]
                   + idx6 + rows3 + sems9)
    return pl.kernel(functools.partial(_sc_body, with_cnt),
                     out_type=out_type, mesh=mesh, scratch_types=scratch)


_B = 1000


def _tc_body(act, a0, a1, c0, c1, x, wl, bl, wr, o):
    deg = jnp.maximum(c0[...] + c1[...], 1.0)
    mean = (a0[...] + a1[...]) / deg
    y = (jnp.dot(mean, wl[...], preferred_element_type=jnp.float32)
         + bl[...]
         + jnp.dot(x[...], wr[...], preferred_element_type=jnp.float32))
    if act == "relu":
        o[...] = jnp.maximum(y, 0.0)
    else:
        o[...] = 1.0 / (1.0 + jnp.exp(-y))


def _make_tc(act):
    bs_r = pl.BlockSpec((_B, _D), lambda i: (i, 0))
    bs_c = pl.BlockSpec((_B, 1), lambda i: (i, 0))
    bs_w = pl.BlockSpec((_D, _D), lambda i: (0, 0))
    bs_b = pl.BlockSpec((1, _D), lambda i: (0, 0))
    return pl.pallas_call(
        functools.partial(_tc_body, act),
        grid=(_N // _B,),
        in_specs=[bs_r, bs_r, bs_c, bs_c, bs_r, bs_w, bs_b, bs_w],
        out_specs=bs_r,
        out_shape=jax.ShapeDtypeStruct((_N, _D), jnp.float32),
    )


def kernel(x, edge_index, Wl1, bl1, Wr1, Wl2, bl2, Wr2, Wl3, bl3, Wr3):
    pad = _EPP - _EPW
    src = jnp.pad(edge_index[0].reshape(_NW, _EPW),
                  ((0, 0), (0, pad))).reshape(-1)
    dummy = jnp.broadcast_to((_N + jnp.arange(_NW, dtype=jnp.int32))[:, None],
                             (_NW, pad))
    dst = jnp.concatenate(
        [edge_index[1].reshape(_NW, _EPW), dummy], axis=1).reshape(-1)

    sc_first = _make_sc(True)
    sc_rest = _make_sc(False)
    tc_relu = _make_tc("relu")
    tc_sig = _make_tc("sigmoid")

    agg, cnt = sc_first(x, src, dst)
    cnt = cnt.reshape(_NC, _N)
    c0 = cnt[0].reshape(_N, 1)
    c1 = cnt[1].reshape(_N, 1)

    h = tc_relu(agg[0], agg[1], c0, c1, x,
                Wl1.T, bl1.reshape(1, _D), Wr1.T)
    agg2 = sc_rest(h, src, dst)
    h2 = tc_relu(agg2[0], agg2[1], c0, c1, h,
                 Wl2.T, bl2.reshape(1, _D), Wr2.T)
    agg3 = sc_rest(h2, src, dst)
    h3 = tc_sig(agg3[0], agg3[1], c0, c1, h2,
                Wl3.T, bl3.reshape(1, _D), Wr3.T)
    return h3

# --- scband reference (transcript-rebuilt; emitter-appended) ---
"""Pipeline reference for scband-ucsage-32375463477418 (READ-ONLY COPY).

The authoritative reference and input builder live on the scoring server;
editing this copy changes nothing except your own understanding.
"""

import jax, jax.numpy as jnp
import numpy as np

N = 10000
E = 320000
D_IN = 128
D_HID = 128
D_OUT = 128


def _sage_conv(x, edge_index, Wl, bl, Wr, num_nodes):
    # PyG SAGEConv (mean aggregator):
    #   out = lin_l(mean_{j in N(i)} x_j) + lin_r(x_i)
    # edge_index[0] = source nodes, edge_index[1] = destination nodes
    src = edge_index[0]
    dst = edge_index[1]
    msgs = x[src]  # gather source node features, [E, d]
    agg = jax.ops.segment_sum(msgs, dst, num_segments=num_nodes)
    cnt = jax.ops.segment_sum(jnp.ones((edge_index.shape[1],), dtype=jnp.float32), dst, num_segments=num_nodes)
    mean = agg / jnp.clip(cnt, 1.0)[:, None]
    return mean @ Wl.T + bl + x @ Wr.T


def setup_inputs(seed: int = 0) -> dict:
    key = jax.random.key(seed)
    ks = jax.random.split(key, 12)
    x = jax.random.normal(ks[0], (N, D_IN), dtype=jnp.float32)
    edge_index = jax.random.randint(ks[1], (2, E), 0, N, dtype=jnp.int32)
    s1 = 1.0 / np.sqrt(D_IN)
    s2 = 1.0 / np.sqrt(D_HID)
    Wl1 = jax.random.uniform(ks[2], (D_HID, D_IN), jnp.float32, -s1, s1)
    bl1 = jax.random.uniform(ks[3], (D_HID,), jnp.float32, -s1, s1)
    Wr1 = jax.random.uniform(ks[4], (D_HID, D_IN), jnp.float32, -s1, s1)
    Wl2 = jax.random.uniform(ks[5], (D_HID, D_HID), jnp.float32, -s2, s2)
    bl2 = jax.random.uniform(ks[6], (D_HID,), jnp.float32, -s2, s2)
    Wr2 = jax.random.uniform(ks[7], (D_HID, D_HID), jnp.float32, -s2, s2)
    Wl3 = jax.random.uniform(ks[8], (D_OUT, D_HID), jnp.float32, -s2, s2)
    bl3 = jax.random.uniform(ks[9], (D_OUT,), jnp.float32, -s2, s2)
    Wr3 = jax.random.uniform(ks[10], (D_OUT, D_HID), jnp.float32, -s2, s2)
    return {"x": x, "edge_index": edge_index,
            "Wl1": Wl1, "bl1": bl1, "Wr1": Wr1,
            "Wl2": Wl2, "bl2": bl2, "Wr2": Wr2,
            "Wl3": Wl3, "bl3": bl3, "Wr3": Wr3}


def reference(x, edge_index, Wl1, bl1, Wr1, Wl2, bl2, Wr2, Wl3, bl3, Wr3):
    h = jax.nn.relu(_sage_conv(x, edge_index, Wl1, bl1, Wr1, N))
    h = jax.nn.relu(_sage_conv(h, edge_index, Wl2, bl2, Wr2, N))
    h = jax.nn.sigmoid(_sage_conv(h, edge_index, Wl3, bl3, Wr3, N))
    return h

if __name__ == "__main__":
    import jax
    _d = setup_inputs()
    print(jax.jit(kernel)(*tuple(_d.values())))

</pallas_src>

<mosaic_0001>
#map = affine_map<(d0, d1) -> (0, 0)>
#map1 = affine_map<(d0, d1) -> (0)>
#map2 = affine_map<(d0, d1) -> (0, 0, 0)>
module attributes {stable_mosaic.version = 14 : i64} {
  func.func @_sc_body(%arg0: i32, %arg1: i32, %arg2: memref<10000x128xf32, #tpu.memory_space<hbm>>, %arg3: memref<320000xi32, #tpu.memory_space<hbm>>, %arg4: memref<320000xi32, #tpu.memory_space<hbm>>, %arg5: memref<2x10000x128xf32, #tpu.memory_space<hbm>>, %arg6: memref<10032x128xf32, #tpu.memory_space<vmem_shared>>, %arg7: memref<80xi32, #tpu.memory_space<vmem>>, %arg8: memref<80xi32, #tpu.memory_space<vmem>>, %arg9: memref<80xi32, #tpu.memory_space<vmem>>, %arg10: memref<80xi32, #tpu.memory_space<vmem>>, %arg11: memref<80xi32, #tpu.memory_space<vmem>>, %arg12: memref<80xi32, #tpu.memory_space<vmem>>, %arg13: memref<80xi32, #tpu.memory_space<vmem>>, %arg14: memref<80xi32, #tpu.memory_space<vmem>>, %arg15: memref<80x128xf32, #tpu.memory_space<vmem>>, %arg16: memref<80x128xf32, #tpu.memory_space<vmem>>, %arg17: memref<80x128xf32, #tpu.memory_space<vmem>>, %arg18: memref<80x128xf32, #tpu.memory_space<vmem>>, %arg19: memref<!tpu.dma_semaphore, #tpu.memory_space<semaphore_mem>>, %arg20: memref<!tpu.dma_semaphore, #tpu.memory_space<semaphore_mem>>, %arg21: memref<!tpu.dma_semaphore, #tpu.memory_space<semaphore_mem>>, %arg22: memref<!tpu.dma_semaphore, #tpu.memory_space<semaphore_mem>>, %arg23: memref<!tpu.dma_semaphore, #tpu.memory_space<semaphore_mem>>, %arg24: memref<!tpu.dma_semaphore, #tpu.memory_space<semaphore_mem>>, %arg25: memref<!tpu.dma_semaphore, #tpu.memory_space<semaphore_mem>>, %arg26: memref<!tpu.dma_semaphore, #tpu.memory_space<semaphore_mem>>, %arg27: memref<!tpu.dma_semaphore, #tpu.memory_space<semaphore_mem>>, %arg28: memref<!tpu.dma_semaphore, #tpu.memory_space<semaphore_mem>>, %arg29: memref<!tpu.dma_semaphore, #tpu.memory_space<semaphore_mem>>, %arg30: memref<!tpu.dma_semaphore, #tpu.memory_space<semaphore_mem>>, %arg31: memref<!tpu.dma_semaphore, #tpu.memory_space<semaphore_mem>>, %arg32: memref<!tpu.dma_semaphore, #tpu.memory_space<semaphore_mem>>, %arg33: memref<!tpu.dma_semaphore, #tpu.memory_space<semaphore_mem>>, %arg34: memref<!tpu.dma_semaphore, #tpu.memory_space<semaphore_mem>>) attributes {dimension_semantics = [#tpu.dimension_semantics<core_parallel>, #tpu.dimension_semantics<subcore_parallel>], iteration_bounds = array<i64: 2, 16>, scalar_prefetch = 0 : i64, scratch_operands = 29 : i64, tpu.core_type = #tpu.core_type<sc_vector_subcore>, window_params = [{transform_indices = #map}, {transform_indices = #map1}, {transform_indices = #map1}, {transform_indices = #map2}]} {
    %mul3A = arith.constant 16 : i32
    %mul3A_0 = arith.muli %arg0, %mul3A : i32
    %add3A = arith.addi %mul3A_0, %arg1 : i32
    %mul3A_1 = arith.constant 10000 : i32
    %mul3A_2 = arith.muli %add3A, %mul3A_1 : i32
    %add3A_3 = arith.constant 0 : i32
    %add3A_4 = arith.addi %mul3A_2, %add3A_3 : i32
    %multiple_of3A = tpu.assume_multiple %add3A_4, 8 : i32
    %dma_start3A = tpu.memref_slice %arg3[%multiple_of3A] : memref<320000xi32, #tpu.memory_space<hbm>> -> memref<80xi32, #tpu.memory_space<hbm>>
    %dma_start3A_5 = tpu.memref_slice %arg3[%multiple_of3A] : memref<320000xi32, #tpu.memory_space<hbm>> -> memref<80xi32, #tpu.memory_space<hbm>>
    tpu.enqueue_dma source(%dma_start3A_5 : memref<80xi32, #tpu.memory_space<hbm>>) target(%arg7 : memref<80xi32, #tpu.memory_space<vmem>>) target_semaphore(%arg27 : memref<!tpu.dma_semaphore, #tpu.memory_space<semaphore_mem>>)
    %add3A_6 = arith.constant 0 : i32
    %add3A_7 = arith.addi %mul3A_2, %add3A_6 : i32
    %multiple_of3A_8 = tpu.assume_multiple %add3A_7, 8 : i32
    %dma_start3A_9 = tpu.memref_slice %arg4[%multiple_of3A_8] : memref<320000xi32, #tpu.memory_space<hbm>> -> memref<80xi32, #tpu.memory_space<hbm>>
    %dma_start3A_10 = tpu.memref_slice %arg4[%multiple_of3A_8] : memref<320000xi32, #tpu.memory_space<hbm>> -> memref<80xi32, #tpu.memory_space<hbm>>
    tpu.enqueue_dma source(%dma_start3A_10 : memref<80xi32, #tpu.memory_space<hbm>>) target(%arg8 : memref<80xi32, #tpu.memory_space<vmem>>) target_semaphore(%arg31 : memref<!tpu.dma_semaphore, #tpu.memory_space<semaphore_mem>>)
    %add3A_11 = arith.constant 80 : i32
    %add3A_12 = arith.addi %mul3A_2, %add3A_11 : i32
    %multiple_of3A_13 = tpu.assume_multiple %add3A_12, 8 : i32
    %dma_start3A_14 = tpu.memref_slice %arg3[%multiple_of3A_13] : memref<320000xi32, #tpu.memory_space<hbm>> -> memref<80xi32, #tpu.memory_space<hbm>>
    %dma_start3A_15 = tpu.memref_slice %arg3[%multiple_of3A_13] : memref<320000xi32, #tpu.memory_space<hbm>> -> memref<80xi32, #tpu.memory_space<hbm>>
    tpu.enqueue_dma source(%dma_start3A_15 : memref<80xi32, #tpu.memory_space<hbm>>) target(%arg9 : memref<80xi32, #tpu.memory_space<vmem>>) target_semaphore(%arg28 : memref<!tpu.dma_semaphore, #tpu.memory_space<semaphore_mem>>)
    %add3A_16 = arith.constant 80 : i32
    %add3A_17 = arith.addi %mul3A_2, %add3A_16 : i32
    %multiple_of3A_18 = tpu.assume_multiple %add3A_17, 8 : i32
    %dma_start3A_19 = tpu.memref_slice %arg4[%multiple_of3A_18] : memref<320000xi32, #tpu.memory_space<hbm>> -> memref<80xi32, #tpu.memory_space<hbm>>
    %dma_start3A_20 = tpu.memref_slice %arg4[%multiple_of3A_18] : memref<320000xi32, #tpu.memory_space<hbm>> -> memref<80xi32, #tpu.memory_space<hbm>>
    tpu.enqueue_dma source(%dma_start3A_20 : memref<80xi32, #tpu.memory_space<hbm>>) target(%arg10 : memref<80xi32, #tpu.memory_space<vmem>>) target_semaphore(%arg32 : memref<!tpu.dma_semaphore, #tpu.memory_space<semaphore_mem>>)
    %add3A_21 = arith.constant 160 : i32
    %add3A_22 = arith.addi %mul3A_2, %add3A_21 : i32
    %multiple_of3A_23 = tpu.assume_multiple %add3A_22, 8 : i32
    %dma_start3A_24 = tpu.memref_slice %arg3[%multiple_of3A_23] : memref<320000xi32, #tpu.memory_space<hbm>> -> memref<80xi32, #tpu.memory_space<hbm>>
    %dma_start3A_25 = tpu.memref_slice %arg3[%multiple_of3A_23] : memref<320000xi32, #tpu.memory_space<hbm>> -> memref<80xi32, #tpu.memory_space<hbm>>
    tpu.enqueue_dma source(%dma_start3A_25 : memref<80xi32, #tpu.memory_space<hbm>>) target(%arg11 : memref<80xi32, #tpu.memory_space<vmem>>) target_semaphore(%arg29 : memref<!tpu.dma_semaphore, #tpu.memory_space<semaphore_mem>>)
    %add3A_26 = arith.constant 160 : i32
    %add3A_27 = arith.addi %mul3A_2, %add3A_26 : i32
    %multiple_of3A_28 = tpu.assume_multiple %add3A_27, 8 : i32
    %dma_start3A_29 = tpu.memref_slice %arg4[%multiple_of3A_28] : memref<320000xi32, #tpu.memory_space<hbm>> -> memref<80xi32, #tpu.memory_space<hbm>>
    %dma_start3A_30 = tpu.memref_slice %arg4[%multiple_of3A_28] : memref<320000xi32, #tpu.memory_space<hbm>> -> memref<80xi32, #tpu.memory_space<hbm>>
    tpu.enqueue_dma source(%dma_start3A_30 : memref<80xi32, #tpu.memory_space<hbm>>) target(%arg12 : memref<80xi32, #tpu.memory_space<vmem>>) target_semaphore(%arg33 : memref<!tpu.dma_semaphore, #tpu.memory_space<semaphore_mem>>)
    %add3A_31 = arith.constant 240 : i32
    %add3A_32 = arith.addi %mul3A_2, %add3A_31 : i32
    %multiple_of3A_33 = tpu.assume_multiple %add3A_32, 8 : i32
    %dma_start3A_34 = tpu.memref_slice %arg3[%multiple_of3A_33] : memref<320000xi32, #tpu.memory_space<hbm>> -> memref<80xi32, #tpu.memory_space<hbm>>
    %dma_start3A_35 = tpu.memref_slice %arg3[%multiple_of3A_33] : memref<320000xi32, #tpu.memory_space<hbm>> -> memref<80xi32, #tpu.memory_space<hbm>>
    tpu.enqueue_dma source(%dma_start3A_35 : memref<80xi32, #tpu.memory_space<hbm>>) target(%arg13 : memref<80xi32, #tpu.memory_space<vmem>>) target_semaphore(%arg30 : memref<!tpu.dma_semaphore, #tpu.memory_space<semaphore_mem>>)
    %scan3A = arith.constant 0 : i32
    %scan3A_36 = arith.constant 0 : i32
    %scan3A_37 = arith.constant 80 : i32
    %scan3A_38 = arith.addi %scan3A_36, %scan3A_37 : i32
    %scan3A_39 = arith.constant 1 : i32
    scf.for %scan3A_185 = %scan3A_36 to %scan3A_38 step %scan3A_39  : i32 {
      %broadcast_in_dim3A = arith.constant 0.000000e+00 : f32
      %broadcast_in_dim3A_186 = vector.broadcast %broadcast_in_dim3A : f32 to vector<16xf32>
      %swap3A = arith.index_cast %scan3A_185 : i32 to index
      %swap3A_187 = arith.constant 0 : index
      %swap3A_188 = tpu.vector_load %arg18[%swap3A, %swap3A_187] {strides = array<i32>} : memref<80x128xf32, #tpu.memory_space<vmem>>, vector<1x16xf32>,
      %swap3A_189 = vector.shape_cast %swap3A_188 : vector<1x16xf32> to vector<16xf32>
      %swap3A_190 = vector.shape_cast %broadcast_in_dim3A_186 : vector<16xf32> to vector<1x16xf32>
      tpu.vector_store %arg18[%swap3A, %swap3A_187], %swap3A_190 {strides = array<i32>} : memref<80x128xf32, #tpu.memory_space<vmem>>, vector<1x16xf32>,
      %broadcast_in_dim3A_191 = arith.constant 0.000000e+00 : f32
      %broadcast_in_dim3A_192 = vector.broadcast %broadcast_in_dim3A_191 : f32 to vector<16xf32>
      %swap3A_193 = arith.index_cast %scan3A_185 : i32 to index
      %swap3A_194 = arith.constant 16 : index
      %swap3A_195 = tpu.vector_load %arg18[%swap3A_193, %swap3A_194] {strides = array<i32>} : memref<80x128xf32, #tpu.memory_space<vmem>>, vector<1x16xf32>,
      %swap3A_196 = vector.shape_cast %swap3A_195 : vector<1x16xf32> to vector<16xf32>
      %swap3A_197 = vector.shape_cast %broadcast_in_dim3A_192 : vector<16xf32> to vector<1x16xf32>
      tpu.vector_store %arg18[%swap3A_193, %swap3A_194], %swap3A_197 {strides = array<i32>} : memref<80x128xf32, #tpu.memory_space<vmem>>, vector<1x16xf32>,
      %broadcast_in_dim3A_198 = arith.constant 0.000000e+00 : f32
      %broadcast_in_dim3A_199 = vector.broadcast %broadcast_in_dim3A_198 : f32 to vector<16xf32>
      %swap3A_200 = arith.index_cast %scan3A_185 : i32 to index
      %swap3A_201 = arith.constant 32 : index
      %swap3A_202 = tpu.vector_load %arg18[%swap3A_200, %swap3A_201] {strides = array<i32>} : memref<80x128xf32, #tpu.memory_space<vmem>>, vector<1x16xf32>,
      %swap3A_203 = vector.shape_cast %swap3A_202 : vector<1x16xf32> to vector<16xf32>
      %swap3A_204 = vector.shape_cast %broadcast_in_dim3A_199 : vector<16xf32> to vector<1x16xf32>
      tpu.vector_store %arg18[%swap3A_200, %swap3A_201], %swap3A_204 {strides = array<i32>} : memref<80x128xf32, #tpu.memory_space<vmem>>, vector<1x16xf32>,
      %broadcast_in_dim3A_205 = arith.constant 0.000000e+00 : f32
      %broadcast_in_dim3A_206 = vector.broadcast %broadcast_in_dim3A_205 : f32 to vector<16xf32>
      %swap3A_207 = arith.index_cast %scan3A_185 : i32 to index
      %swap3A_208 = arith.constant 48 : index
      %swap3A_209 = tpu.vector_load %arg18[%swap3A_207, %swap3A_208] {strides = array<i32>} : memref<80x128xf32, #tpu.memory_space<vmem>>, vector<1x16xf32>,
      %swap3A_210 = vector.shape_cast %swap3A_209 : vector<1x16xf32> to vector<16xf32>
      %swap3A_211 = vector.shape_cast %broadcast_in_dim3A_206 : vector<16xf32> to vector<1x16xf32>
      tpu.vector_store %arg18[%swap3A_207, %swap3A_208], %swap3A_211 {strides = array<i32>} : memref<80x128xf32, #tpu.memory_space<vmem>>, vector<1x16xf32>,
      %broadcast_in_dim3A_212 = arith.constant 0.000000e+00 : f32
      %broadcast_in_dim3A_213 = vector.broadcast %broadcast_in_dim3A_212 : f32 to vector<16xf32>
      %swap3A_214 = arith.index_cast %scan3A_185 : i32 to index
      %swap3A_215 = arith.constant 64 : index
      %swap3A_216 = tpu.vector_load %arg18[%swap3A_214, %swap3A_215] {strides = array<i32>} : memref<80x128xf32, #tpu.memory_space<vmem>>, vector<1x16xf32>,
      %swap3A_217 = vector.shape_cast %swap3A_216 : vector<1x16xf32> to vector<16xf32>
      %swap3A_218 = vector.shape_cast %broadcast_in_dim3A_213 : vector<16xf32> to vector<1x16xf32>
      tpu.vector_store %arg18[%swap3A_214, %swap3A_215], %swap3A_218 {strides = array<i32>} : memref<80x128xf32, #tpu.memory_space<vmem>>, vector<1x16xf32>,
      %broadcast_in_dim3A_219 = arith.constant 0.000000e+00 : f32
      %broadcast_in_dim3A_220 = vector.broadcast %broadcast_in_dim3A_219 : f32 to vector<16xf32>
      %swap3A_221 = arith.index_cast %scan3A_185 : i32 to index
      %swap3A_222 = arith.constant 80 : index
      %swap3A_223 = tpu.vector_load %arg18[%swap3A_221, %swap3A_222] {strides = array<i32>} : memref<80x128xf32, #tpu.memory_space<vmem>>, vector<1x16xf32>,
      %swap3A_224 = vector.shape_cast %swap3A_223 : vector<1x16xf32> to vector<16xf32>
      %swap3A_225 = vector.shape_cast %broadcast_in_dim3A_220 : vector<16xf32> to vector<1x16xf32>
      tpu.vector_store %arg18[%swap3A_221, %swap3A_222], %swap3A_225 {strides = array<i32>} : memref<80x128xf32, #tpu.memory_space<vmem>>, vector<1x16xf32>,
      %broadcast_in_dim3A_226 = arith.constant 0.000000e+00 : f32
      %broadcast_in_dim3A_227 = vector.broadcast %broadcast_in_dim3A_226 : f32 to vector<16xf32>
      %swap3A_228 = arith.index_cast %scan3A_185 : i32 to index
      %swap3A_229 = arith.constant 96 : index
      %swap3A_230 = tpu.vector_load %arg18[%swap3A_228, %swap3A_229] {strides = array<i32>} : memref<80x128xf32, #tpu.memory_space<vmem>>, vector<1x16xf32>,
      %swap3A_231 = vector.shape_cast %swap3A_230 : vector<1x16xf32> to vector<16xf32>
      %swap3A_232 = vector.shape_cast %broadcast_in_dim3A_227 : vector<16xf32> to vector<1x16xf32>
      tpu.vector_store %arg18[%swap3A_228, %swap3A_229], %swap3A_232 {strides = array<i32>} : memref<80x128xf32, #tpu.memory_space<vmem>>, vector<1x16xf32>,
      %broadcast_in_dim3A_233 = arith.constant 0.000000e+00 : f32
      %broadcast_in_dim3A_234 = vector.broadcast %broadcast_in_dim3A_233 : f32 to vector<16xf32>
      %swap3A_235 = arith.index_cast %scan3A_185 : i32 to index
      %swap3A_236 = arith.constant 112 : index
      %swap3A_237 = tpu.vector_load %arg18[%swap3A_235, %swap3A_236] {strides = array<i32>} : memref<80x128xf32, #tpu.memory_space<vmem>>, vector<1x16xf32>,
      %swap3A_238 = vector.shape_cast %swap3A_237 : vector<1x16xf32> to vector<16xf32>
      %swap3A_239 = vector.shape_cast %broadcast_in_dim3A_234 : vector<16xf32> to vector<1x16xf32>
      tpu.vector_store %arg18[%swap3A_235, %swap3A_236], %swap3A_239 {strides = array<i32>} : memref<80x128xf32, #tpu.memory_space<vmem>>, vector<1x16xf32>,
    }
    %scan3A_40 = arith.constant 80 : i32
    %mul3A_41 = arith.constant 625 : i32
    %mul3A_42 = arith.muli %arg1, %mul3A_41 : i32
    %add3A_43 = arith.constant 0 : i32
    %add3A_44 = arith.addi %mul3A_42, %add3A_43 : i32
    "tpu.region"() ({
      %run_scoped3A = tpu.sem_alloc : memref<!tpu.dma_semaphore, #tpu.memory_space<semaphore_mem>>
      %dma_start3A_185 = arith.constant 0 : i32
      %dma_start3A_186 = tpu.memref_slice %arg6[%add3A_44, %dma_start3A_185] : memref<10032x128xf32, #tpu.memory_space<vmem_shared>> -> memref<80x128xf32, #tpu.memory_space<vmem_shared>>
      %dma_start3A_187 = arith.constant 0 : i32
      %dma_start3A_188 = tpu.memref_slice %arg6[%add3A_44, %dma_start3A_187] : memref<10032x128xf32, #tpu.memory_space<vmem_shared>> -> memref<80x128xf32, #tpu.memory_space<vmem_shared>>
      tpu.enqueue_dma source(%arg18 : memref<80x128xf32, #tpu.memory_space<vmem>>) target(%dma_start3A_188 : memref<80x128xf32, #tpu.memory_space<vmem_shared>>) target_semaphore(%run_scoped3A : memref<!tpu.dma_semaphore, #tpu.memory_space<semaphore_mem>>)
      %dma_wait3A_189 = arith.constant 0 : i32
      %dma_wait3A_190 = tpu.memref_slice %arg6[%add3A_44, %dma_wait3A_189] : memref<10032x128xf32, #tpu.memory_space<vmem_shared>> -> memref<80x128xf32, #tpu.memory_space<vmem_shared>>
      %dma_wait3A_191 = arith.constant 0 : i32
      %dma_wait3A_192 = tpu.memref_slice %arg6[%add3A_44, %dma_wait3A_191] : memref<10032x128xf32, #tpu.memory_space<vmem_shared>> -> memref<80x128xf32, #tpu.memory_space<vmem_shared>>
      tpu.wait_dma2 semaphore(%run_scoped3A : memref<!tpu.dma_semaphore, #tpu.memory_space<semaphore_mem>>) src(%arg18 : memref<80x128xf32, #tpu.memory_space<vmem>>) dst(%dma_wait3A_192 : memref<80x128xf32, #tpu.memory_space<vmem_shared>>)
      tpu.yield
    }) : () -> ()
    %add3A_45 = arith.constant 80 : i32
    %add3A_46 = arith.addi %mul3A_42, %add3A_45 : i32
    "tpu.region"() ({
      %run_scoped3A = tpu.sem_alloc : memref<!tpu.dma_semaphore, #tpu.memory_space<semaphore_mem>>
      %dma_start3A_185 = arith.constant 0 : i32
      %dma_start3A_186 = tpu.memref_slice %arg6[%add3A_46, %dma_start3A_185] : memref<10032x128xf32, #tpu.memory_space<vmem_shared>> -> memref<80x128xf32, #tpu.memory_space<vmem_shared>>
      %dma_start3A_187 = arith.constant 0 : i32
      %dma_start3A_188 = tpu.memref_slice %arg6[%add3A_46, %dma_start3A_187] : memref<10032x128xf32, #tpu.memory_space<vmem_shared>> -> memref<80x128xf32, #tpu.memory_space<vmem_shared>>
      tpu.enqueue_dma source(%arg18 : memref<80x128xf32, #tpu.memory_space<vmem>>) target(%dma_start3A_188 : memref<80x128xf32, #tpu.memory_space<vmem_shared>>) target_semaphore(%run_scoped3A : memref<!tpu.dma_semaphore, #tpu.memory_space<semaphore_mem>>)
      %dma_wait3A_189 = arith.constant 0 : i32
      %dma_wait3A_190 = tpu.memref_slice %arg6[%add3A_46, %dma_wait3A_189] : memref<10032x128xf32, #tpu.memory_space<vmem_shared>> -> memref<80x128xf32, #tpu.memory_space<vmem_shared>>
      %dma_wait3A_191 = arith.constant 0 : i32
      %dma_wait3A_192 = tpu.memref_slice %arg6[%add3A_46, %dma_wait3A_191] : memref<10032x128xf32, #tpu.memory_space<vmem_shared>> -> memref<80x128xf32, #tpu.memory_space<vmem_shared>>
      tpu.wait_dma2 semaphore(%run_scoped3A : memref<!tpu.dma_semaphore, #tpu.memory_space<semaphore_mem>>) src(%arg18 : memref<80x128xf32, #tpu.memory_space<vmem>>) dst(%dma_wait3A_192 : memref<80x128xf32, #tpu.memory_space<vmem_shared>>)
      tpu.yield
    }) : () -> ()
    %add3A_47 = arith.constant 160 : i32
    %add3A_48 = arith.addi %mul3A_42, %add3A_47 : i32
    "tpu.region"() ({
      %run_scoped3A = tpu.sem_alloc : memref<!tpu.dma_semaphore, #tpu.memory_space<semaphore_mem>>
      %dma_start3A_185 = arith.constant 0 : i32
      %dma_start3A_186 = tpu.memref_slice %arg6[%add3A_48, %dma_start3A_185] : memref<10032x128xf32, #tpu.memory_space<vmem_shared>> -> memref<80x128xf32, #tpu.memory_space<vmem_shared>>
      %dma_start3A_187 = arith.constant 0 : i32
      %dma_start3A_188 = tpu.memref_slice %arg6[%add3A_48, %dma_start3A_187] : memref<10032x128xf32, #tpu.memory_space<vmem_shared>> -> memref<80x128xf32, #tpu.memory_space<vmem_shared>>
      tpu.enqueue_dma source(%arg18 : memref<80x128xf32, #tpu.memory_space<vmem>>) target(%dma_start3A_188 : memref<80x128xf32, #tpu.memory_space<vmem_shared>>) target_semaphore(%run_scoped3A : memref<!tpu.dma_semaphore, #tpu.memory_space<semaphore_mem>>)
      %dma_wait3A_189 = arith.constant 0 : i32
      %dma_wait3A_190 = tpu.memref_slice %arg6[%add3A_48, %dma_wait3A_189] : memref<10032x128xf32, #tpu.memory_space<vmem_shared>> -> memref<80x128xf32, #tpu.memory_space<vmem_shared>>
      %dma_wait3A_191 = arith.constant 0 : i32
      %dma_wait3A_192 = tpu.memref_slice %arg6[%add3A_48, %dma_wait3A_191] : memref<10032x128xf32, #tpu.memory_space<vmem_shared>> -> memref<80x128xf32, #tpu.memory_space<vmem_shared>>
      tpu.wait_dma2 semaphore(%run_scoped3A : memref<!tpu.dma_semaphore, #tpu.memory_space<semaphore_mem>>) src(%arg18 : memref<80x128xf32, #tpu.memory_space<vmem>>) dst(%dma_wait3A_192 : memref<80x128xf32, #tpu.memory_space<vmem_shared>>)
      tpu.yield
    }) : () -> ()
    %add3A_49 = arith.constant 240 : i32
    %add3A_50 = arith.addi %mul3A_42, %add3A_49 : i32
    "tpu.region"() ({
      %run_scoped3A = tpu.sem_alloc : memref<!tpu.dma_semaphore, #tpu.memory_space<semaphore_mem>>
      %dma_start3A_185 = arith.constant 0 : i32
      %dma_start3A_186 = tpu.memref_slice %arg6[%add3A_50, %dma_start3A_185] : memref<10032x128xf32, #tpu.memory_space<vmem_shared>> -> memref<80x128xf32, #tpu.memory_space<vmem_shared>>
      %dma_start3A_187 = arith.constant 0 : i32
      %dma_start3A_188 = tpu.memref_slice %arg6[%add3A_50, %dma_start3A_187] : memref<10032x128xf32, #tpu.memory_space<vmem_shared>> -> memref<80x128xf32, #tpu.memory_space<vmem_shared>>
      tpu.enqueue_dma source(%arg18 : memref<80x128xf32, #tpu.memory_space<vmem>>) target(%dma_start3A_188 : memref<80x128xf32, #tpu.memory_space<vmem_shared>>) target_semaphore(%run_scoped3A : memref<!tpu.dma_semaphore, #tpu.memory_space<semaphore_mem>>)
      %dma_wait3A_189 = arith.constant 0 : i32
      %dma_wait3A_190 = tpu.memref_slice %arg6[%add3A_50, %dma_wait3A_189] : memref<10032x128xf32, #tpu.memory_space<vmem_shared>> -> memref<80x128xf32, #tpu.memory_space<vmem_shared>>
      %dma_wait3A_191 = arith.constant 0 : i32
      %dma_wait3A_192 = tpu.memref_slice %arg6[%add3A_50, %dma_wait3A_191] : memref<10032x128xf32, #tpu.memory_space<vmem_shared>> -> memref<80x128xf32, #tpu.memory_space<vmem_shared>>
      tpu.wait_dma2 semaphore(%run_scoped3A : memref<!tpu.dma_semaphore, #tpu.memory_space<semaphore_mem>>) src(%arg18 : memref<80x128xf32, #tpu.memory_space<vmem>>) dst(%dma_wait3A_192 : memref<80x128xf32, #tpu.memory_space<vmem_shared>>)
      tpu.yield
    }) : () -> ()
    %add3A_51 = arith.constant 320 : i32
    %add3A_52 = arith.addi %mul3A_42, %add3A_51 : i32
    "tpu.region"() ({
      %run_scoped3A = tpu.sem_alloc : memref<!tpu.dma_semaphore, #tpu.memory_space<semaphore_mem>>
      %dma_start3A_185 = arith.constant 0 : i32
      %dma_start3A_186 = tpu.memref_slice %arg6[%add3A_52, %dma_start3A_185] : memref<10032x128xf32, #tpu.memory_space<vmem_shared>> -> memref<80x128xf32, #tpu.memory_space<vmem_shared>>
      %dma_start3A_187 = arith.constant 0 : i32
      %dma_start3A_188 = tpu.memref_slice %arg6[%add3A_52, %dma_start3A_187] : memref<10032x128xf32, #tpu.memory_space<vmem_shared>> -> memref<80x128xf32, #tpu.memory_space<vmem_shared>>
      tpu.enqueue_dma source(%arg18 : memref<80x128xf32, #tpu.memory_space<vmem>>) target(%dma_start3A_188 : memref<80x128xf32, #tpu.memory_space<vmem_shared>>) target_semaphore(%run_scoped3A : memref<!tpu.dma_semaphore, #tpu.memory_space<semaphore_mem>>)
      %dma_wait3A_189 = arith.constant 0 : i32
      %dma_wait3A_190 = tpu.memref_slice %arg6[%add3A_52, %dma_wait3A_189] : memref<10032x128xf32, #tpu.memory_space<vmem_shared>> -> memref<80x128xf32, #tpu.memory_space<vmem_shared>>
      %dma_wait3A_191 = arith.constant 0 : i32
      %dma_wait3A_192 = tpu.memref_slice %arg6[%add3A_52, %dma_wait3A_191] : memref<10032x128xf32, #tpu.memory_space<vmem_shared>> -> memref<80x128xf32, #tpu.memory_space<vmem_shared>>
      tpu.wait_dma2 semaphore(%run_scoped3A : memref<!tpu.dma_semaphore, #tpu.memory_space<semaphore_mem>>) src(%arg18 : memref<80x128xf32, #tpu.memory_space<vmem>>) dst(%dma_wait3A_192 : memref<80x128xf32, #tpu.memory_space<vmem_shared>>)
      tpu.yield
    }) : () -> ()
    %add3A_53 = arith.constant 400 : i32
    %add3A_54 = arith.addi %mul3A_42, %add3A_53 : i32
    "tpu.region"() ({
      %run_scoped3A = tpu.sem_alloc : memref<!tpu.dma_semaphore, #tpu.memory_space<semaphore_mem>>
      %dma_start3A_185 = arith.constant 0 : i32
      %dma_start3A_186 = tpu.memref_slice %arg6[%add3A_54, %dma_start3A_185] : memref<10032x128xf32, #tpu.memory_space<vmem_shared>> -> memref<80x128xf32, #tpu.memory_space<vmem_shared>>
      %dma_start3A_187 = arith.constant 0 : i32
      %dma_start3A_188 = tpu.memref_slice %arg6[%add3A_54, %dma_start3A_187] : memref<10032x128xf32, #tpu.memory_space<vmem_shared>> -> memref<80x128xf32, #tpu.memory_space<vmem_shared>>
      tpu.enqueue_dma source(%arg18 : memref<80x128xf32, #tpu.memory_space<vmem>>) target(%dma_start3A_188 : memref<80x128xf32, #tpu.memory_space<vmem_shared>>) target_semaphore(%run_scoped3A : memref<!tpu.dma_semaphore, #tpu.memory_space<semaphore_mem>>)
      %dma_wait3A_189 = arith.constant 0 : i32
      %dma_wait3A_190 = tpu.memref_slice %arg6[%add3A_54, %dma_wait3A_189] : memref<10032x128xf32, #tpu.memory_space<vmem_shared>> -> memref<80x128xf32, #tpu.memory_space<vmem_shared>>
      %dma_wait3A_191 = arith.constant 0 : i32
      %dma_wait3A_192 = tpu.memref_slice %arg6[%add3A_54, %dma_wait3A_191] : memref<10032x128xf32, #tpu.memory_space<vmem_shared>> -> memref<80x128xf32, #tpu.memory_space<vmem_shared>>
      tpu.wait_dma2 semaphore(%run_scoped3A : memref<!tpu.dma_semaphore, #tpu.memory_space<semaphore_mem>>) src(%arg18 : memref<80x128xf32, #tpu.memory_space<vmem>>) dst(%dma_wait3A_192 : memref<80x128xf32, #tpu.memory_space<vmem_shared>>)
      tpu.yield
    }) : () -> ()
    %add3A_55 = arith.constant 480 : i32
    %add3A_56 = arith.addi %mul3A_42, %add3A_55 : i32
    "tpu.region"() ({
      %run_scoped3A = tpu.sem_alloc : memref<!tpu.dma_semaphore, #tpu.memory_space<semaphore_mem>>
      %dma_start3A_185 = arith.constant 0 : i32
      %dma_start3A_186 = tpu.memref_slice %arg6[%add3A_56, %dma_start3A_185] : memref<10032x128xf32, #tpu.memory_space<vmem_shared>> -> memref<80x128xf32, #tpu.memory_space<vmem_shared>>
      %dma_start3A_187 = arith.constant 0 : i32
      %dma_start3A_188 = tpu.memref_slice %arg6[%add3A_56, %dma_start3A_187] : memref<10032x128xf32, #tpu.memory_space<vmem_shared>> -> memref<80x128xf32, #tpu.memory_space<vmem_shared>>
      tpu.enqueue_dma source(%arg18 : memref<80x128xf32, #tpu.memory_space<vmem>>) target(%dma_start3A_188 : memref<80x128xf32, #tpu.memory_space<vmem_shared>>) target_semaphore(%run_scoped3A : memref<!tpu.dma_semaphore, #tpu.memory_space<semaphore_mem>>)
      %dma_wait3A_189 = arith.constant 0 : i32
      %dma_wait3A_190 = tpu.memref_slice %arg6[%add3A_56, %dma_wait3A_189] : memref<10032x128xf32, #tpu.memory_space<vmem_shared>> -> memref<80x128xf32, #tpu.memory_space<vmem_shared>>
      %dma_wait3A_191 = arith.constant 0 : i32
      %dma_wait3A_192 = tpu.memref_slice %arg6[%add3A_56, %dma_wait3A_191] : memref<10032x128xf32, #tpu.memory_space<vmem_shared>> -> memref<80x128xf32, #tpu.memory_space<vmem_shared>>
      tpu.wait_dma2 semaphore(%run_scoped3A : memref<!tpu.dma_semaphore, #tpu.memory_space<semaphore_mem>>) src(%arg18 : memref<80x128xf32, #tpu.memory_space<vmem>>) dst(%dma_wait3A_192 : memref<80x128xf32, #tpu.memory_space<vmem_shared>>)
      tpu.yield
    }) : () -> ()
    %add3A_57 = arith.constant 560 : i32
    %add3A_58 = arith.addi %mul3A_42, %add3A_57 : i32
    "tpu.region"() ({
      %run_scoped3A = tpu.sem_alloc : memref<!tpu.dma_semaphore, #tpu.memory_space<semaphore_mem>>
      %dma_start3A_185 = arith.constant 0 : i32
      %dma_start3A_186 = arith.constant 0 : i32
      %dma_start3A_187 = tpu.memref_slice %arg18[%dma_start3A_185, %dma_start3A_186] : memref<80x128xf32, #tpu.memory_space<vmem>> -> memref<65x128xf32, #tpu.memory_space<vmem>>
      %dma_start3A_188 = arith.constant 0 : i32
      %dma_start3A_189 = tpu.memref_slice %arg6[%add3A_58, %dma_start3A_188] : memref<10032x128xf32, #tpu.memory_space<vmem_shared>> -> memref<65x128xf32, #tpu.memory_space<vmem_shared>>
      %dma_start3A_190 = arith.constant 0 : i32
      %dma_start3A_191 = tpu.memref_slice %arg6[%add3A_58, %dma_start3A_190] : memref<10032x128xf32, #tpu.memory_space<vmem_shared>> -> memref<65x128xf32, #tpu.memory_space<vmem_shared>>
      %dma_start3A_192 = arith.constant 0 : i32
      %dma_start3A_193 = arith.constant 0 : i32
      %dma_start3A_194 = tpu.memref_slice %arg18[%dma_start3A_192, %dma_start3A_193] : memref<80x128xf32, #tpu.memory_space<vmem>> -> memref<65x128xf32, #tpu.memory_space<vmem>>
      tpu.enqueue_dma source(%dma_start3A_194 : memref<65x128xf32, #tpu.memory_space<vmem>>) target(%dma_start3A_191 : memref<65x128xf32, #tpu.memory_space<vmem_shared>>) target_semaphore(%run_scoped3A : memref<!tpu.dma_semaphore, #tpu.memory_space<semaphore_mem>>)
      %dma_wait3A_195 = arith.constant 0 : i32
      %dma_wait3A_196 = arith.constant 0 : i32
      %dma_wait3A_197 = tpu.memref_slice %arg18[%dma_wait3A_195, %dma_wait3A_196] : memref<80x128xf32, #tpu.memory_space<vmem>> -> memref<65x128xf32, #tpu.memory_space<vmem>>
      %dma_wait3A_198 = arith.constant 0 : i32
      %dma_wait3A_199 = tpu.memref_slice %arg6[%add3A_58, %dma_wait3A_198] : memref<10032x128xf32, #tpu.memory_space<vmem_shared>> -> memref<65x128xf32, #tpu.memory_space<vmem_shared>>
      %dma_wait3A_200 = arith.constant 0 : i32
      %dma_wait3A_201 = tpu.memref_slice %arg6[%add3A_58, %dma_wait3A_200] : memref<10032x128xf32, #tpu.memory_space<vmem_shared>> -> memref<65x128xf32, #tpu.memory_space<vmem_shared>>
      %dma_wait3A_202 = arith.constant 0 : i32
      %dma_wait3A_203 = arith.constant 0 : i32
      %dma_wait3A_204 = tpu.memref_slice %arg18[%dma_wait3A_202, %dma_wait3A_203] : memref<80x128xf32, #tpu.memory_space<vmem>> -> memref<65x128xf32, #tpu.memory_space<vmem>>
      tpu.wait_dma2 semaphore(%run_scoped3A : memref<!tpu.dma_semaphore, #tpu.memory_space<semaphore_mem>>) src(%dma_wait3A_204 : memref<65x128xf32, #tpu.memory_space<vmem>>) dst(%dma_wait3A_201 : memref<65x128xf32, #tpu.memory_space<vmem_shared>>)
      tpu.yield
    }) : () -> ()
    %dma_wait3A = arith.constant 0 : i32
    %dma_wait3A_59 = tpu.memref_slice %arg3[%dma_wait3A] : memref<320000xi32, #tpu.memory_space<hbm>> -> memref<80xi32, #tpu.memory_space<hbm>>
    %dma_wait3A_60 = arith.constant 0 : i32
    %dma_wait3A_61 = tpu.memref_slice %arg3[%dma_wait3A_60] : memref<320000xi32, #tpu.memory_space<hbm>> -> memref<80xi32, #tpu.memory_space<hbm>>
    tpu.wait_dma2 semaphore(%arg27 : memref<!tpu.dma_semaphore, #tpu.memory_space<semaphore_mem>>) src(%dma_wait3A_61 : memref<80xi32, #tpu.memory_space<hbm>>) dst(%arg7 : memref<80xi32, #tpu.memory_space<vmem>>)
    %dma_start3A_62 = arith.constant 0 : i32
    %dma_start3A_63 = arith.constant 0 : i32
    %dma_start3A_64 = tpu.memref_slice %arg2[%dma_start3A_62, %dma_start3A_63] : memref<10000x128xf32, #tpu.memory_space<hbm>> -> memref<10000x128xf32, #tpu.memory_space<hbm>>
    tpu.enqueue_indirect_dma source(%dma_start3A_64 : memref<10000x128xf32, #tpu.memory_space<hbm>>) target(%arg15 : memref<80x128xf32, #tpu.memory_space<vmem>>) offsets(%arg7 : memref<80xi32, #tpu.memory_space<vmem>>) semaphore(%arg19 : memref<!tpu.dma_semaphore, #tpu.memory_space<semaphore_mem>>)
    %dma_wait3A_65 = arith.constant 0 : i32
    %dma_wait3A_66 = tpu.memref_slice %arg3[%dma_wait3A_65] : memref<320000xi32, #tpu.memory_space<hbm>> -> memref<80xi32, #tpu.memory_space<hbm>>
    %dma_wait3A_67 = arith.constant 0 : i32
    %dma_wait3A_68 = tpu.memref_slice %arg3[%dma_wait3A_67] : memref<320000xi32, #tpu.memory_space<hbm>> -> memref<80xi32, #tpu.memory_space<hbm>>
    tpu.wait_dma2 semaphore(%arg28 : memref<!tpu.dma_semaphore, #tpu.memory_space<semaphore_mem>>) src(%dma_wait3A_68 : memref<80xi32, #tpu.memory_space<hbm>>) dst(%arg9 : memref<80xi32, #tpu.memory_space<vmem>>)
    %dma_start3A_69 = arith.constant 0 : i32
    %dma_start3A_70 = arith.constant 0 : i32
    %dma_start3A_71 = tpu.memref_slice %arg2[%dma_start3A_69, %dma_start3A_70] : memref<10000x128xf32, #tpu.memory_space<hbm>> -> memref<10000x128xf32, #tpu.memory_space<hbm>>
    tpu.enqueue_indirect_dma source(%dma_start3A_71 : memref<10000x128xf32, #tpu.memory_space<hbm>>) target(%arg16 : memref<80x128xf32, #tpu.memory_space<vmem>>) offsets(%arg9 : memref<80xi32, #tpu.memory_space<vmem>>) semaphore(%arg20 : memref<!tpu.dma_semaphore, #tpu.memory_space<semaphore_mem>>)
    %dma_wait3A_72 = arith.constant 0 : i32
    %dma_wait3A_73 = tpu.memref_slice %arg3[%dma_wait3A_72] : memref<320000xi32, #tpu.memory_space<hbm>> -> memref<80xi32, #tpu.memory_space<hbm>>
    %dma_wait3A_74 = arith.constant 0 : i32
    %dma_wait3A_75 = tpu.memref_slice %arg3[%dma_wait3A_74] : memref<320000xi32, #tpu.memory_space<hbm>> -> memref<80xi32, #tpu.memory_space<hbm>>
    tpu.wait_dma2 semaphore(%arg29 : memref<!tpu.dma_semaphore, #tpu.memory_space<semaphore_mem>>) src(%dma_wait3A_75 : memref<80xi32, #tpu.memory_space<hbm>>) dst(%arg11 : memref<80xi32, #tpu.memory_space<vmem>>)
    %dma_start3A_76 = arith.constant 0 : i32
    %dma_start3A_77 = arith.constant 0 : i32
    %dma_start3A_78 = tpu.memref_slice %arg2[%dma_start3A_76, %dma_start3A_77] : memref<10000x128xf32, #tpu.memory_space<hbm>> -> memref<10000x128xf32, #tpu.memory_space<hbm>>
    tpu.enqueue_indirect_dma source(%dma_start3A_78 : memref<10000x128xf32, #tpu.memory_space<hbm>>) target(%arg17 : memref<80x128xf32, #tpu.memory_space<vmem>>) offsets(%arg11 : memref<80xi32, #tpu.memory_space<vmem>>) semaphore(%arg21 : memref<!tpu.dma_semaphore, #tpu.memory_space<semaphore_mem>>)
    %barrier3A = arith.constant 0 : index
    tpu.barrier barrier_id(%barrier3A)
    %dma_wait3A_79 = arith.constant 0 : i32
    %dma_wait3A_80 = arith.constant 0 : i32
    %dma_wait3A_81 = tpu.memref_slice %arg2[%dma_wait3A_79, %dma_wait3A_80] : memref<10000x128xf32, #tpu.memory_space<hbm>> -> memref<10000x128xf32, #tpu.memory_space<hbm>>
    tpu.wait_indirect_dma semaphore(%arg19 : memref<!tpu.dma_semaphore, #tpu.memory_space<semaphore_mem>>) src(%dma_wait3A_81 : memref<10000x128xf32, #tpu.memory_space<hbm>>) dst(%arg15 : memref<80x128xf32, #tpu.memory_space<vmem>>)
    %dma_wait3A_82 = arith.constant 0 : i32
    %dma_wait3A_83 = tpu.memref_slice %arg4[%dma_wait3A_82] : memref<320000xi32, #tpu.memory_space<hbm>> -> memref<80xi32, #tpu.memory_space<hbm>>
    %dma_wait3A_84 = arith.constant 0 : i32
    %dma_wait3A_85 = tpu.memref_slice %arg4[%dma_wait3A_84] : memref<320000xi32, #tpu.memory_space<hbm>> -> memref<80xi32, #tpu.memory_space<hbm>>
    tpu.wait_dma2 semaphore(%arg31 : memref<!tpu.dma_semaphore, #tpu.memory_space<semaphore_mem>>) src(%dma_wait3A_85 : memref<80xi32, #tpu.memory_space<hbm>>) dst(%arg8 : memref<80xi32, #tpu.memory_space<vmem>>)
    %dma_start3A_86 = arith.constant 0 : i32
    %dma_start3A_87 = arith.constant 0 : i32
    %dma_start3A_88 = tpu.memref_slice %arg6[%dma_start3A_86, %dma_start3A_87] : memref<10032x128xf32, #tpu.memory_space<vmem_shared>> -> memref<10032x128xf32, #tpu.memory_space<vmem_shared>>
    tpu.enqueue_indirect_dma source(%arg15 : memref<80x128xf32, #tpu.memory_space<vmem>>) target(%dma_start3A_88 : memref<10032x128xf32, #tpu.memory_space<vmem_shared>>) offsets(%arg8 : memref<80xi32, #tpu.memory_space<vmem>>) semaphore(%arg23 : memref<!tpu.dma_semaphore, #tpu.memory_space<semaphore_mem>>) {add = true}
    %add3A_89 = arith.constant 240 : i32
    %add3A_90 = arith.addi %mul3A_2, %add3A_89 : i32
    %multiple_of3A_91 = tpu.assume_multiple %add3A_90, 8 : i32
    %dma_start3A_92 = tpu.memref_slice %arg4[%multiple_of3A_91] : memref<320000xi32, #tpu.memory_space<hbm>> -> memref<80xi32, #tpu.memory_space<hbm>>
    %dma_start3A_93 = tpu.memref_slice %arg4[%multiple_of3A_91] : memref<320000xi32, #tpu.memory_space<hbm>> -> memref<80xi32, #tpu.memory_space<hbm>>
    tpu.enqueue_dma source(%dma_start3A_93 : memref<80xi32, #tpu.memory_space<hbm>>) target(%arg14 : memref<80xi32, #tpu.memory_space<vmem>>) target_semaphore(%arg34 : memref<!tpu.dma_semaphore, #tpu.memory_space<semaphore_mem>>)
    %dma_wait3A_94 = arith.constant 0 : i32
    %dma_wait3A_95 = tpu.memref_slice %arg3[%dma_wait3A_94] : memref<320000xi32, #tpu.memory_space<hbm>> -> memref<80xi32, #tpu.memory_space<hbm>>
    %dma_wait3A_96 = arith.constant 0 : i32
    %dma_wait3A_97 = tpu.memref_slice %arg3[%dma_wait3A_96] : memref<320000xi32, #tpu.memory_space<hbm>> -> memref<80xi32, #tpu.memory_space<hbm>>
    tpu.wait_dma2 semaphore(%arg30 : memref<!tpu.dma_semaphore, #tpu.memory_space<semaphore_mem>>) src(%dma_wait3A_97 : memref<80xi32, #tpu.memory_space<hbm>>) dst(%arg13 : memref<80xi32, #tpu.memory_space<vmem>>)
    %dma_start3A_98 = arith.constant 0 : i32
    %dma_start3A_99 = arith.constant 0 : i32
    %dma_start3A_100 = tpu.memref_slice %arg2[%dma_start3A_98, %dma_start3A_99] : memref<10000x128xf32, #tpu.memory_space<hbm>> -> memref<10000x128xf32, #tpu.memory_space<hbm>>
    tpu.enqueue_indirect_dma source(%dma_start3A_100 : memref<10000x128xf32, #tpu.memory_space<hbm>>) target(%arg18 : memref<80x128xf32, #tpu.memory_space<vmem>>) offsets(%arg13 : memref<80xi32, #tpu.memory_space<vmem>>) semaphore(%arg22 : memref<!tpu.dma_semaphore, #tpu.memory_space<semaphore_mem>>)
    %add3A_101 = arith.constant 320 : i32
    %add3A_102 = arith.addi %mul3A_2, %add3A_101 : i32
    %multiple_of3A_103 = tpu.assume_multiple %add3A_102, 8 : i32
    %dma_start3A_104 = tpu.memref_slice %arg3[%multiple_of3A_103] : memref<320000xi32, #tpu.memory_space<hbm>> -> memref<80xi32, #tpu.memory_space<hbm>>
    %dma_start3A_105 = tpu.memref_slice %arg3[%multiple_of3A_103] : memref<320000xi32, #tpu.memory_space<hbm>> -> memref<80xi32, #tpu.memory_space<hbm>>
    tpu.enqueue_dma source(%dma_start3A_105 : memref<80xi32, #tpu.memory_space<hbm>>) target(%arg7 : memref<80xi32, #tpu.memory_space<vmem>>) target_semaphore(%arg27 : memref<!tpu.dma_semaphore, #tpu.memory_space<semaphore_mem>>)
    %scan3A_106 = arith.constant 0 : i32
    %scan3A_107 = arith.constant 0 : i32
    %scan3A_108 = arith.constant 30 : i32
    %scan3A_109 = arith.addi %scan3A_107, %scan3A_108 : i32
    %scan3A_110 = arith.constant 1 : i32
    scf.for %scan3A_185 = %scan3A_107 to %scan3A_109 step %scan3A_110  : i32 {
      %mul3A_186 = arith.constant 4 : i32
      %mul3A_187 = arith.muli %scan3A_185, %mul3A_186 : i32
      %add3A_188 = arith.constant 1 : i32
      %add3A_189 = arith.addi %mul3A_187, %add3A_188 : i32
      %dma_wait3A_190 = arith.constant 0 : i32
      %dma_wait3A_191 = arith.constant 0 : i32
      %dma_wait3A_192 = tpu.memref_slice %arg2[%dma_wait3A_190, %dma_wait3A_191] : memref<10000x128xf32, #tpu.memory_space<hbm>> -> memref<10000x128xf32, #tpu.memory_space<hbm>>
      tpu.wait_indirect_dma semaphore(%arg20 : memref<!tpu.dma_semaphore, #tpu.memory_space<semaphore_mem>>) src(%dma_wait3A_192 : memref<10000x128xf32, #tpu.memory_space<hbm>>) dst(%arg16 : memref<80x128xf32, #tpu.memory_space<vmem>>)
      %dma_wait3A_193 = arith.constant 0 : i32
      %dma_wait3A_194 = tpu.memref_slice %arg4[%dma_wait3A_193] : memref<320000xi32, #tpu.memory_space<hbm>> -> memref<80xi32, #tpu.memory_space<hbm>>
      %dma_wait3A_195 = arith.constant 0 : i32
      %dma_wait3A_196 = tpu.memref_slice %arg4[%dma_wait3A_195] : memref<320000xi32, #tpu.memory_space<hbm>> -> memref<80xi32, #tpu.memory_space<hbm>>
      tpu.wait_dma2 semaphore(%arg32 : memref<!tpu.dma_semaphore, #tpu.memory_space<semaphore_mem>>) src(%dma_wait3A_196 : memref<80xi32, #tpu.memory_space<hbm>>) dst(%arg10 : memref<80xi32, #tpu.memory_space<vmem>>)
      %dma_start3A_197 = arith.constant 0 : i32
      %dma_start3A_198 = arith.constant 0 : i32
      %dma_start3A_199 = tpu.memref_slice %arg6[%dma_start3A_197, %dma_start3A_198] : memref<10032x128xf32, #tpu.memory_space<vmem_shared>> -> memref<10032x128xf32, #tpu.memory_space<vmem_shared>>
      tpu.enqueue_indirect_dma source(%arg16 : memref<80x128xf32, #tpu.memory_space<vmem>>) target(%dma_start3A_199 : memref<10032x128xf32, #tpu.memory_space<vmem_shared>>) offsets(%arg10 : memref<80xi32, #tpu.memory_space<vmem>>) semaphore(%arg24 : memref<!tpu.dma_semaphore, #tpu.memory_space<semaphore_mem>>) {add = true}
      %dma_wait3A_200 = arith.constant 0 : i32
      %dma_wait3A_201 = arith.constant 0 : i32
      %dma_wait3A_202 = tpu.memref_slice %arg6[%dma_wait3A_200, %dma_wait3A_201] : memref<10032x128xf32, #tpu.memory_space<vmem_shared>> -> memref<10032x128xf32, #tpu.memory_space<vmem_shared>>
      tpu.wait_indirect_dma semaphore(%arg23 : memref<!tpu.dma_semaphore, #tpu.memory_space<semaphore_mem>>) src(%arg15 : memref<80x128xf32, #tpu.memory_space<vmem>>) dst(%dma_wait3A_202 : memref<10032x128xf32, #tpu.memory_space<vmem_shared>>)
      %add3A_203 = arith.constant 3 : i32
      %add3A_204 = arith.addi %add3A_189, %add3A_203 : i32
      %mul3A_205 = arith.constant 80 : i32
      %mul3A_206 = arith.muli %add3A_204, %mul3A_205 : i32
      %add3A_207 = arith.addi %mul3A_2, %mul3A_206 : i32
      %multiple_of3A_208 = tpu.assume_multiple %add3A_207, 8 : i32
      %dma_start3A_209 = tpu.memref_slice %arg4[%multiple_of3A_208] : memref<320000xi32, #tpu.memory_space<hbm>> -> memref<80xi32, #tpu.memory_space<hbm>>
      %dma_start3A_210 = tpu.memref_slice %arg4[%multiple_of3A_208] : memref<320000xi32, #tpu.memory_space<hbm>> -> memref<80xi32, #tpu.memory_space<hbm>>
      tpu.enqueue_dma source(%dma_start3A_210 : memref<80xi32, #tpu.memory_space<hbm>>) target(%arg8 : memref<80xi32, #tpu.memory_space<vmem>>) target_semaphore(%arg31 : memref<!tpu.dma_semaphore, #tpu.memory_space<semaphore_mem>>)
      %dma_wait3A_211 = arith.constant 0 : i32
      %dma_wait3A_212 = tpu.memref_slice %arg3[%dma_wait3A_211] : memref<320000xi32, #tpu.memory_space<hbm>> -> memref<80xi32, #tpu.memory_space<hbm>>
      %dma_wait3A_213 = arith.constant 0 : i32
      %dma_wait3A_214 = tpu.memref_slice %arg3[%dma_wait3A_213] : memref<320000xi32, #tpu.memory_space<hbm>> -> memref<80xi32, #tpu.memory_space<hbm>>
      tpu.wait_dma2 semaphore(%arg27 : memref<!tpu.dma_semaphore, #tpu.memory_space<semaphore_mem>>) src(%dma_wait3A_214 : memref<80xi32, #tpu.memory_space<hbm>>) dst(%arg7 : memref<80xi32, #tpu.memory_space<vmem>>)
      %dma_start3A_215 = arith.constant 0 : i32
      %dma_start3A_216 = arith.constant 0 : i32
      %dma_start3A_217 = tpu.memref_slice %arg2[%dma_start3A_215, %dma_start3A_216] : memref<10000x128xf32, #tpu.memory_space<hbm>> -> memref<10000x128xf32, #tpu.memory_space<hbm>>
      tpu.enqueue_indirect_dma source(%dma_start3A_217 : memref<10000x128xf32, #tpu.memory_space<hbm>>) target(%arg15 : memref<80x128xf32, #tpu.memory_space<vmem>>) offsets(%arg7 : memref<80xi32, #tpu.memory_space<vmem>>) semaphore(%arg19 : memref<!tpu.dma_semaphore, #tpu.memory_space<semaphore_mem>>)
      %add3A_218 = arith.constant 4 : i32
      %add3A_219 = arith.addi %add3A_189, %add3A_218 : i32
      %mul3A_220 = arith.constant 80 : i32
      %mul3A_221 = arith.muli %add3A_219, %mul3A_220 : i32
      %add3A_222 = arith.addi %mul3A_2, %mul3A_221 : i32
      %multiple_of3A_223 = tpu.assume_multiple %add3A_222, 8 : i32
      %dma_start3A_224 = tpu.memref_slice %arg3[%multiple_of3A_223] : memref<320000xi32, #tpu.memory_space<hbm>> -> memref<80xi32, #tpu.memory_space<hbm>>
      %dma_start3A_225 = tpu.memref_slice %arg3[%multiple_of3A_223] : memref<320000xi32, #tpu.memory_space<hbm>> -> memref<80xi32, #tpu.memory_space<hbm>>
      tpu.enqueue_dma source(%dma_start3A_225 : memref<80xi32, #tpu.memory_space<hbm>>) target(%arg9 : memref<80xi32, #tpu.memory_space<vmem>>) target_semaphore(%arg28 : memref<!tpu.dma_semaphore, #tpu.memory_space<semaphore_mem>>)
      %add3A_226 = arith.constant 2 : i32
      %add3A_227 = arith.addi %mul3A_187, %add3A_226 : i32
      %dma_wait3A_228 = arith.constant 0 : i32
      %dma_wait3A_229 = arith.constant 0 : i32
      %dma_wait3A_230 = tpu.memref_slice %arg2[%dma_wait3A_228, %dma_wait3A_229] : memref<10000x128xf32, #tpu.memory_space<hbm>> -> memref<10000x128xf32, #tpu.memory_space<hbm>>
      tpu.wait_indirect_dma semaphore(%arg21 : memref<!tpu.dma_semaphore, #tpu.memory_space<semaphore_mem>>) src(%dma_wait3A_230 : memref<10000x128xf32, #tpu.memory_space<hbm>>) dst(%arg17 : memref<80x128xf32, #tpu.memory_space<vmem>>)
      %dma_wait3A_231 = arith.constant 0 : i32
      %dma_wait3A_232 = tpu.memref_slice %arg4[%dma_wait3A_231] : memref<320000xi32, #tpu.memory_space<hbm>> -> memref<80xi32, #tpu.memory_space<hbm>>
      %dma_wait3A_233 = arith.constant 0 : i32
      %dma_wait3A_234 = tpu.memref_slice %arg4[%dma_wait3A_233] : memref<320000xi32, #tpu.memory_space<hbm>> -> memref<80xi32, #tpu.memory_space<hbm>>
      tpu.wait_dma2 semaphore(%arg33 : memref<!tpu.dma_semaphore, #tpu.memory_space<semaphore_mem>>) src(%dma_wait3A_234 : memref<80xi32, #tpu.memory_space<hbm>>) dst(%arg12 : memref<80xi32, #tpu.memory_space<vmem>>)
      %dma_start3A_235 = arith.constant 0 : i32
      %dma_start3A_236 = arith.constant 0 : i32
      %dma_start3A_237 = tpu.memref_slice %arg6[%dma_start3A_235, %dma_start3A_236] : memref<10032x128xf32, #tpu.memory_space<vmem_shared>> -> memref<10032x128xf32, #tpu.memory_space<vmem_shared>>
      tpu.enqueue_indirect_dma source(%arg17 : memref<80x128xf32, #tpu.memory_space<vmem>>) target(%dma_start3A_237 : memref<10032x128xf32, #tpu.memory_space<vmem_shared>>) offsets(%arg12 : memref<80xi32, #tpu.memory_space<vmem>>) semaphore(%arg25 : memref<!tpu.dma_semaphore, #tpu.memory_space<semaphore_mem>>) {add = true}
      %dma_wait3A_238 = arith.constant 0 : i32
      %dma_wait3A_239 = arith.constant 0 : i32
      %dma_wait3A_240 = tpu.memref_slice %arg6[%dma_wait3A_238, %dma_wait3A_239] : memref<10032x128xf32, #tpu.memory_space<vmem_shared>> -> memref<10032x128xf32, #tpu.memory_space<vmem_shared>>
      tpu.wait_indirect_dma semaphore(%arg24 : memref<!tpu.dma_semaphore, #tpu.memory_space<semaphore_mem>>) src(%arg16 : memref<80x128xf32, #tpu.memory_space<vmem>>) dst(%dma_wait3A_240 : memref<10032x128xf32, #tpu.memory_space<vmem_shared>>)
      %add3A_241 = arith.constant 3 : i32
      %add3A_242 = arith.addi %add3A_227, %add3A_241 : i32
      %mul3A_243 = arith.constant 80 : i32
      %mul3A_244 = arith.muli %add3A_242, %mul3A_243 : i32
      %add3A_245 = arith.addi %mul3A_2, %mul3A_244 : i32
      %multiple_of3A_246 = tpu.assume_multiple %add3A_245, 8 : i32
      %dma_start3A_247 = tpu.memref_slice %arg4[%multiple_of3A_246] : memref<320000xi32, #tpu.memory_space<hbm>> -> memref<80xi32, #tpu.memory_space<hbm>>
      %dma_start3A_248 = tpu.memref_slice %arg4[%multiple_of3A_246] : memref<320000xi32, #tpu.memory_space<hbm>> -> memref<80xi32, #tpu.memory_space<hbm>>
      tpu.enqueue_dma source(%dma_start3A_248 : memref<80xi32, #tpu.memory_space<hbm>>) target(%arg10 : memref<80xi32, #tpu.memory_space<vmem>>) target_semaphore(%arg32 : memref<!tpu.dma_semaphore, #tpu.memory_space<semaphore_mem>>)
      %dma_wait3A_249 = arith.constant 0 : i32
      %dma_wait3A_250 = tpu.memref_slice %arg3[%dma_wait3A_249] : memref<320000xi32, #tpu.memory_space<hbm>> -> memref<80xi32, #tpu.memory_space<hbm>>
      %dma_wait3A_251 = arith.constant 0 : i32
      %dma_wait3A_252 = tpu.memref_slice %arg3[%dma_wait3A_251] : memref<320000xi32, #tpu.memory_space<hbm>> -> memref<80xi32, #tpu.memory_space<hbm>>
      tpu.wait_dma2 semaphore(%arg28 : memref<!tpu.dma_semaphore, #tpu.memory_space<semaphore_mem>>) src(%dma_wait3A_252 : memref<80xi32, #tpu.memory_space<hbm>>) dst(%arg9 : memref<80xi32, #tpu.memory_space<vmem>>)
      %dma_start3A_253 = arith.constant 0 : i32
      %dma_start3A_254 = arith.constant 0 : i32
      %dma_start3A_255 = tpu.memref_slice %arg2[%dma_start3A_253, %dma_start3A_254] : memref<10000x128xf32, #tpu.memory_space<hbm>> -> memref<10000x128xf32, #tpu.memory_space<hbm>>
      tpu.enqueue_indirect_dma source(%dma_start3A_255 : memref<10000x128xf32, #tpu.memory_space<hbm>>) target(%arg16 : memref<80x128xf32, #tpu.memory_space<vmem>>) offsets(%arg9 : memref<80xi32, #tpu.memory_space<vmem>>) semaphore(%arg20 : memref<!tpu.dma_semaphore, #tpu.memory_space<semaphore_mem>>)
      %add3A_256 = arith.constant 4 : i32
      %add3A_257 = arith.addi %add3A_227, %add3A_256 : i32
      %mul3A_258 = arith.constant 80 : i32
      %mul3A_259 = arith.muli %add3A_257, %mul3A_258 : i32
      %add3A_260 = arith.addi %mul3A_2, %mul3A_259 : i32
      %multiple_of3A_261 = tpu.assume_multiple %add3A_260, 8 : i32
      %dma_start3A_262 = tpu.memref_slice %arg3[%multiple_of3A_261] : memref<320000xi32, #tpu.memory_space<hbm>> -> memref<80xi32, #tpu.memory_space<hbm>>
      %dma_start3A_263 = tpu.memref_slice %arg3[%multiple_of3A_261] : memref<320000xi32, #tpu.memory_space<hbm>> -> memref<80xi32, #tpu.memory_space<hbm>>
      tpu.enqueue_dma source(%dma_start3A_263 : memref<80xi32, #tpu.memory_space<hbm>>) target(%arg11 : memref<80xi32, #tpu.memory_space<vmem>>) target_semaphore(%arg29 : memref<!tpu.dma_semaphore, #tpu.memory_space<semaphore_mem>>)
      %add3A_264 = arith.constant 3 : i32
      %add3A_265 = arith.addi %mul3A_187, %add3A_264 : i32
      %dma_wait3A_266 = arith.constant 0 : i32
      %dma_wait3A_267 = arith.constant 0 : i32
      %dma_wait3A_268 = tpu.memref_slice %arg2[%dma_wait3A_266, %dma_wait3A_267] : memref<10000x128xf32, #tpu.memory_space<hbm>> -> memref<10000x128xf32, #tpu.memory_space<hbm>>
      tpu.wait_indirect_dma semaphore(%arg22 : memref<!tpu.dma_semaphore, #tpu.memory_space<semaphore_mem>>) src(%dma_wait3A_268 : memref<10000x128xf32, #tpu.memory_space<hbm>>) dst(%arg18 : memref<80x128xf32, #tpu.memory_space<vmem>>)
      %dma_wait3A_269 = arith.constant 0 : i32
      %dma_wait3A_270 = tpu.memref_slice %arg4[%dma_wait3A_269] : memref<320000xi32, #tpu.memory_space<hbm>> -> memref<80xi32, #tpu.memory_space<hbm>>
      %dma_wait3A_271 = arith.constant 0 : i32
      %dma_wait3A_272 = tpu.memref_slice %arg4[%dma_wait3A_271] : memref<320000xi32, #tpu.memory_space<hbm>> -> memref<80xi32, #tpu.memory_space<hbm>>
      tpu.wait_dma2 semaphore(%arg34 : memref<!tpu.dma_semaphore, #tpu.memory_space<semaphore_mem>>) src(%dma_wait3A_272 : memref<80xi32, #tpu.memory_space<hbm>>) dst(%arg14 : memref<80xi32, #tpu.memory_space<vmem>>)
      %dma_start3A_273 = arith.constant 0 : i32
      %dma_start3A_274 = arith.constant 0 : i32
      %dma_start3A_275 = tpu.memref_slice %arg6[%dma_start3A_273, %dma_start3A_274] : memref<10032x128xf32, #tpu.memory_space<vmem_shared>> -> memref<10032x128xf32, #tpu.memory_space<vmem_shared>>
      tpu.enqueue_indirect_dma source(%arg18 : memref<80x128xf32, #tpu.memory_space<vmem>>) target(%dma_start3A_275 : memref<10032x128xf32, #tpu.memory_space<vmem_shared>>) offsets(%arg14 : memref<80xi32, #tpu.memory_space<vmem>>) semaphore(%arg26 : memref<!tpu.dma_semaphore, #tpu.memory_space<semaphore_mem>>) {add = true}
      %dma_wait3A_276 = arith.constant 0 : i32
      %dma_wait3A_277 = arith.constant 0 : i32
      %dma_wait3A_278 = tpu.memref_slice %arg6[%dma_wait3A_276, %dma_wait3A_277] : memref<10032x128xf32, #tpu.memory_space<vmem_shared>> -> memref<10032x128xf32, #tpu.memory_space<vmem_shared>>
      tpu.wait_indirect_dma semaphore(%arg25 : memref<!tpu.dma_semaphore, #tpu.memory_space<semaphore_mem>>) src(%arg17 : memref<80x128xf32, #tpu.memory_space<vmem>>) dst(%dma_wait3A_278 : memref<10032x128xf32, #tpu.memory_space<vmem_shared>>)
      %add3A_279 = arith.constant 3 : i32
      %add3A_280 = arith.addi %add3A_265, %add3A_279 : i32
      %mul3A_281 = arith.constant 80 : i32
      %mul3A_282 = arith.muli %add3A_280, %mul3A_281 : i32
      %add3A_283 = arith.addi %mul3A_2, %mul3A_282 : i32
      %multiple_of3A_284 = tpu.assume_multiple %add3A_283, 8 : i32
      %dma_start3A_285 = tpu.memref_slice %arg4[%multiple_of3A_284] : memref<320000xi32, #tpu.memory_space<hbm>> -> memref<80xi32, #tpu.memory_space<hbm>>
      %dma_start3A_286 = tpu.memref_slice %arg4[%multiple_of3A_284] : memref<320000xi32, #tpu.memory_space<hbm>> -> memref<80xi32, #tpu.memory_space<hbm>>
      tpu.enqueue_dma source(%dma_start3A_286 : memref<80xi32, #tpu.memory_space<hbm>>) target(%arg12 : memref<80xi32, #tpu.memory_space<vmem>>) target_semaphore(%arg33 : memref<!tpu.dma_semaphore, #tpu.memory_space<semaphore_mem>>)
      %dma_wait3A_287 = arith.constant 0 : i32
      %dma_wait3A_288 = tpu.memref_slice %arg3[%dma_wait3A_287] : memref<320000xi32, #tpu.memory_space<hbm>> -> memref<80xi32, #tpu.memory_space<hbm>>
      %dma_wait3A_289 = arith.constant 0 : i32
      %dma_wait3A_290 = tpu.memref_slice %arg3[%dma_wait3A_289] : memref<320000xi32, #tpu.memory_space<hbm>> -> memref<80xi32, #tpu.memory_space<hbm>>
      tpu.wait_dma2 semaphore(%arg29 : memref<!tpu.dma_semaphore, #tpu.memory_space<semaphore_mem>>) src(%dma_wait3A_290 : memref<80xi32, #tpu.memory_space<hbm>>) dst(%arg11 : memref<80xi32, #tpu.memory_space<vmem>>)
      %dma_start3A_291 = arith.constant 0 : i32
      %dma_start3A_292 = arith.constant 0 : i32
      %dma_start3A_293 = tpu.memref_slice %arg2[%dma_start3A_291, %dma_start3A_292] : memref<10000x128xf32, #tpu.memory_space<hbm>> -> memref<10000x128xf32, #tpu.memory_space<hbm>>
      tpu.enqueue_indirect_dma source(%dma_start3A_293 : memref<10000x128xf32, #tpu.memory_space<hbm>>) target(%arg17 : memref<80x128xf32, #tpu.memory_space<vmem>>) offsets(%arg11 : memref<80xi32, #tpu.memory_space<vmem>>) semaphore(%arg21 : memref<!tpu.dma_semaphore, #tpu.memory_space<semaphore_mem>>)
      %add3A_294 = arith.constant 4 : i32
      %add3A_295 = arith.addi %add3A_265, %add3A_294 : i32
      %mul3A_296 = arith.constant 80 : i32
      %mul3A_297 = arith.muli %add3A_295, %mul3A_296 : i32
      %add3A_298 = arith.addi %mul3A_2, %mul3A_297 : i32
      %multiple_of3A_299 = tpu.assume_multiple %add3A_298, 8 : i32
      %dma_start3A_300 = tpu.memref_slice %arg3[%multiple_of3A_299] : memref<320000xi32, #tpu.memory_space<hbm>> -> memref<80xi32, #tpu.memory_space<hbm>>
      %dma_start3A_301 = tpu.memref_slice %arg3[%multiple_of3A_299] : memref<320000xi32, #tpu.memory_space<hbm>> -> memref<80xi32, #tpu.memory_space<hbm>>
      tpu.enqueue_dma source(%dma_start3A_301 : memref<80xi32, #tpu.memory_space<hbm>>) target(%arg13 : memref<80xi32, #tpu.memory_space<vmem>>) target_semaphore(%arg30 : memref<!tpu.dma_semaphore, #tpu.memory_space<semaphore_mem>>)
      %add3A_302 = arith.constant 4 : i32
      %add3A_303 = arith.addi %mul3A_187, %add3A_302 : i32
      %dma_wait3A_304 = arith.constant 0 : i32
      %dma_wait3A_305 = arith.constant 0 : i32
      %dma_wait3A_306 = tpu.memref_slice %arg2[%dma_wait3A_304, %dma_wait3A_305] : memref<10000x128xf32, #tpu.memory_space<hbm>> -> memref<10000x128xf32, #tpu.memory_space<hbm>>
      tpu.wait_indirect_dma semaphore(%arg19 : memref<!tpu.dma_semaphore, #tpu.memory_space<semaphore_mem>>) src(%dma_wait3A_306 : memref<10000x128xf32, #tpu.memory_space<hbm>>) dst(%arg15 : memref<80x128xf32, #tpu.memory_space<vmem>>)
      %dma_wait3A_307 = arith.constant 0 : i32
      %dma_wait3A_308 = tpu.memref_slice %arg4[%dma_wait3A_307] : memref<320000xi32, #tpu.memory_space<hbm>> -> memref<80xi32, #tpu.memory_space<hbm>>
      %dma_wait3A_309 = arith.constant 0 : i32
      %dma_wait3A_310 = tpu.memref_slice %arg4[%dma_wait3A_309] : memref<320000xi32, #tpu.memory_space<hbm>> -> memref<80xi32, #tpu.memory_space<hbm>>
      tpu.wait_dma2 semaphore(%arg31 : memref<!tpu.dma_semaphore, #tpu.memory_space<semaphore_mem>>) src(%dma_wait3A_310 : memref<80xi32, #tpu.memory_space<hbm>>) dst(%arg8 : memref<80xi32, #tpu.memory_space<vmem>>)
      %dma_start3A_311 = arith.constant 0 : i32
      %dma_start3A_312 = arith.constant 0 : i32
      %dma_start3A_313 = tpu.memref_slice %arg6[%dma_start3A_311, %dma_start3A_312] : memref<10032x128xf32, #tpu.memory_space<vmem_shared>> -> memref<10032x128xf32, #tpu.memory_space<vmem_shared>>
      tpu.enqueue_indirect_dma source(%arg15 : memref<80x128xf32, #tpu.memory_space<vmem>>) target(%dma_start3A_313 : memref<10032x128xf32, #tpu.memory_space<vmem_shared>>) offsets(%arg8 : memref<80xi32, #tpu.memory_space<vmem>>) semaphore(%arg23 : memref<!tpu.dma_semaphore, #tpu.memory_space<semaphore_mem>>) {add = true}
      %dma_wait3A_314 = arith.constant 0 : i32
      %dma_wait3A_315 = arith.constant 0 : i32
      %dma_wait3A_316 = tpu.memref_slice %arg6[%dma_wait3A_314, %dma_wait3A_315] : memref<10032x128xf32, #tpu.memory_space<vmem_shared>> -> memref<10032x128xf32, #tpu.memory_space<vmem_shared>>
      tpu.wait_indirect_dma semaphore(%arg26 : memref<!tpu.dma_semaphore, #tpu.memory_space<semaphore_mem>>) src(%arg18 : memref<80x128xf32, #tpu.memory_space<vmem>>) dst(%dma_wait3A_316 : memref<10032x128xf32, #tpu.memory_space<vmem_shared>>)
      %add3A_317 = arith.constant 3 : i32
      %add3A_318 = arith.addi %add3A_303, %add3A_317 : i32
      %mul3A_319 = arith.constant 80 : i32
      %mul3A_320 = arith.muli %add3A_318, %mul3A_319 : i32
      %add3A_321 = arith.addi %mul3A_2, %mul3A_320 : i32
      %multiple_of3A_322 = tpu.assume_multiple %add3A_321, 8 : i32
      %dma_start3A_323 = tpu.memref_slice %arg4[%multiple_of3A_322] : memref<320000xi32, #tpu.memory_space<hbm>> -> memref<80xi32, #tpu.memory_space<hbm>>
      %dma_start3A_324 = tpu.memref_slice %arg4[%multiple_of3A_322] : memref<320000xi32, #tpu.memory_space<hbm>> -> memref<80xi32, #tpu.memory_space<hbm>>
      tpu.enqueue_dma source(%dma_start3A_324 : memref<80xi32, #tpu.memory_space<hbm>>) target(%arg14 : memref<80xi32, #tpu.memory_space<vmem>>) target_semaphore(%arg34 : memref<!tpu.dma_semaphore, #tpu.memory_space<semaphore_mem>>)
      %dma_wait3A_325 = arith.constant 0 : i32
      %dma_wait3A_326 = tpu.memref_slice %arg3[%dma_wait3A_325] : memref<320000xi32, #tpu.memory_space<hbm>> -> memref<80xi32, #tpu.memory_space<hbm>>
      %dma_wait3A_327 = arith.constant 0 : i32
      %dma_wait3A_328 = tpu.memref_slice %arg3[%dma_wait3A_327] : memref<320000xi32, #tpu.memory_space<hbm>> -> memref<80xi32, #tpu.memory_space<hbm>>
      tpu.wait_dma2 semaphore(%arg30 : memref<!tpu.dma_semaphore, #tpu.memory_space<semaphore_mem>>) src(%dma_wait3A_328 : memref<80xi32, #tpu.memory_space<hbm>>) dst(%arg13 : memref<80xi32, #tpu.memory_space<vmem>>)
      %dma_start3A_329 = arith.constant 0 : i32
      %dma_start3A_330 = arith.constant 0 : i32
      %dma_start3A_331 = tpu.memref_slice %arg2[%dma_start3A_329, %dma_start3A_330] : memref<10000x128xf32, #tpu.memory_space<hbm>> -> memref<10000x128xf32, #tpu.memory_space<hbm>>
      tpu.enqueue_indirect_dma source(%dma_start3A_331 : memref<10000x128xf32, #tpu.memory_space<hbm>>) target(%arg18 : memref<80x128xf32, #tpu.memory_space<vmem>>) offsets(%arg13 : memref<80xi32, #tpu.memory_space<vmem>>) semaphore(%arg22 : memref<!tpu.dma_semaphore, #tpu.memory_space<semaphore_mem>>)
      %add3A_332 = arith.constant 4 : i32
      %add3A_333 = arith.addi %add3A_303, %add3A_332 : i32
      %mul3A_334 = arith.constant 80 : i32
      %mul3A_335 = arith.muli %add3A_333, %mul3A_334 : i32
      %add3A_336 = arith.addi %mul3A_2, %mul3A_335 : i32
      %multiple_of3A_337 = tpu.assume_multiple %add3A_336, 8 : i32
      %dma_start3A_338 = tpu.memref_slice %arg3[%multiple_of3A_337] : memref<320000xi32, #tpu.memory_space<hbm>> -> memref<80xi32, #tpu.memory_space<hbm>>
      %dma_start3A_339 = tpu.memref_slice %arg3[%multiple_of3A_337] : memref<320000xi32, #tpu.memory_space<hbm>> -> memref<80xi32, #tpu.memory_space<hbm>>
      tpu.enqueue_dma source(%dma_start3A_339 : memref<80xi32, #tpu.memory_space<hbm>>) target(%arg7 : memref<80xi32, #tpu.memory_space<vmem>>) target_semaphore(%arg27 : memref<!tpu.dma_semaphore, #tpu.memory_space<semaphore_mem>>)
    }
    %scan3A_111 = arith.constant 30 : i32
    %dma_wait3A_112 = arith.constant 0 : i32
    %dma_wait3A_113 = arith.constant 0 : i32
    %dma_wait3A_114 = tpu.memref_slice %arg2[%dma_wait3A_112, %dma_wait3A_113] : memref<10000x128xf32, #tpu.memory_space<hbm>> -> memref<10000x128xf32, #tpu.memory_space<hbm>>
    tpu.wait_indirect_dma semaphore(%arg20 : memref<!tpu.dma_semaphore, #tpu.memory_space<semaphore_mem>>) src(%dma_wait3A_114 : memref<10000x128xf32, #tpu.memory_space<hbm>>) dst(%arg16 : memref<80x128xf32, #tpu.memory_space<vmem>>)
    %dma_wait3A_115 = arith.constant 0 : i32
    %dma_wait3A_116 = tpu.memref_slice %arg4[%dma_wait3A_115] : memref<320000xi32, #tpu.memory_space<hbm>> -> memref<80xi32, #tpu.memory_space<hbm>>
    %dma_wait3A_117 = arith.constant 0 : i32
    %dma_wait3A_118 = tpu.memref_slice %arg4[%dma_wait3A_117] : memref<320000xi32, #tpu.memory_space<hbm>> -> memref<80xi32, #tpu.memory_space<hbm>>
    tpu.wait_dma2 semaphore(%arg32 : memref<!tpu.dma_semaphore, #tpu.memory_space<semaphore_mem>>) src(%dma_wait3A_118 : memref<80xi32, #tpu.memory_space<hbm>>) dst(%arg10 : memref<80xi32, #tpu.memory_space<vmem>>)
    %dma_start3A_119 = arith.constant 0 : i32
    %dma_start3A_120 = arith.constant 0 : i32
    %dma_start3A_121 = tpu.memref_slice %arg6[%dma_start3A_119, %dma_start3A_120] : memref<10032x128xf32, #tpu.memory_space<vmem_shared>> -> memref<10032x128xf32, #tpu.memory_space<vmem_shared>>
    tpu.enqueue_indirect_dma source(%arg16 : memref<80x128xf32, #tpu.memory_space<vmem>>) target(%dma_start3A_121 : memref<10032x128xf32, #tpu.memory_space<vmem_shared>>) offsets(%arg10 : memref<80xi32, #tpu.memory_space<vmem>>) semaphore(%arg24 : memref<!tpu.dma_semaphore, #tpu.memory_space<semaphore_mem>>) {add = true}
    %dma_wait3A_122 = arith.constant 0 : i32
    %dma_wait3A_123 = arith.constant 0 : i32
    %dma_wait3A_124 = tpu.memref_slice %arg6[%dma_wait3A_122, %dma_wait3A_123] : memref<10032x128xf32, #tpu.memory_space<vmem_shared>> -> memref<10032x128xf32, #tpu.memory_space<vmem_shared>>
    tpu.wait_indirect_dma semaphore(%arg23 : memref<!tpu.dma_semaphore, #tpu.memory_space<semaphore_mem>>) src(%arg15 : memref<80x128xf32, #tpu.memory_space<vmem>>) dst(%dma_wait3A_124 : memref<10032x128xf32, #tpu.memory_space<vmem_shared>>)
    %add3A_125 = arith.constant 9920 : i32
    %add3A_126 = arith.addi %mul3A_2, %add3A_125 : i32
    %multiple_of3A_127 = tpu.assume_multiple %add3A_126, 8 : i32
    %dma_start3A_128 = tpu.memref_slice %arg4[%multiple_of3A_127] : memref<320000xi32, #tpu.memory_space<hbm>> -> memref<80xi32, #tpu.memory_space<hbm>>
    %dma_start3A_129 = tpu.memref_slice %arg4[%multiple_of3A_127] : memref<320000xi32, #tpu.memory_space<hbm>> -> memref<80xi32, #tpu.memory_space<hbm>>
    tpu.enqueue_dma source(%dma_start3A_129 : memref<80xi32, #tpu.memory_space<hbm>>) target(%arg8 : memref<80xi32, #tpu.memory_space<vmem>>) target_semaphore(%arg31 : memref<!tpu.dma_semaphore, #tpu.memory_space<semaphore_mem>>)
    %dma_wait3A_130 = arith.constant 0 : i32
    %dma_wait3A_131 = tpu.memref_slice %arg3[%dma_wait3A_130] : memref<320000xi32, #tpu.memory_space<hbm>> -> memref<80xi32, #tpu.memory_space<hbm>>
    %dma_wait3A_132 = arith.constant 0 : i32
    %dma_wait3A_133 = tpu.memref_slice %arg3[%dma_wait3A_132] : memref<320000xi32, #tpu.memory_space<hbm>> -> memref<80xi32, #tpu.memory_space<hbm>>
    tpu.wait_dma2 semaphore(%arg27 : memref<!tpu.dma_semaphore, #tpu.memory_space<semaphore_mem>>) src(%dma_wait3A_133 : memref<80xi32, #tpu.memory_space<hbm>>) dst(%arg7 : memref<80xi32, #tpu.memory_space<vmem>>)
    %dma_start3A_134 = arith.constant 0 : i32
    %dma_start3A_135 = arith.constant 0 : i32
    %dma_start3A_136 = tpu.memref_slice %arg2[%dma_start3A_134, %dma_start3A_135] : memref<10000x128xf32, #tpu.memory_space<hbm>> -> memref<10000x128xf32, #tpu.memory_space<hbm>>
    tpu.enqueue_indirect_dma source(%dma_start3A_136 : memref<10000x128xf32, #tpu.memory_space<hbm>>) target(%arg15 : memref<80x128xf32, #tpu.memory_space<vmem>>) offsets(%arg7 : memref<80xi32, #tpu.memory_space<vmem>>) semaphore(%arg19 : memref<!tpu.dma_semaphore, #tpu.memory_space<semaphore_mem>>)
    %dma_wait3A_137 = arith.constant 0 : i32
    %dma_wait3A_138 = arith.constant 0 : i32
    %dma_wait3A_139 = tpu.memref_slice %arg2[%dma_wait3A_137, %dma_wait3A_138] : memref<10000x128xf32, #tpu.memory_space<hbm>> -> memref<10000x128xf32, #tpu.memory_space<hbm>>
    tpu.wait_indirect_dma semaphore(%arg21 : memref<!tpu.dma_semaphore, #tpu.memory_space<semaphore_mem>>) src(%dma_wait3A_139 : memref<10000x128xf32, #tpu.memory_space<hbm>>) dst(%arg17 : memref<80x128xf32, #tpu.memory_space<vmem>>)
    %dma_wait3A_140 = arith.constant 0 : i32
    %dma_wait3A_141 = tpu.memref_slice %arg4[%dma_wait3A_140] : memref<320000xi32, #tpu.memory_space<hbm>> -> memref<80xi32, #tpu.memory_space<hbm>>
    %dma_wait3A_142 = arith.constant 0 : i32
    %dma_wait3A_143 = tpu.memref_slice %arg4[%dma_wait3A_142] : memref<320000xi32, #tpu.memory_space<hbm>> -> memref<80xi32, #tpu.memory_space<hbm>>
    tpu.wait_dma2 semaphore(%arg33 : memref<!tpu.dma_semaphore, #tpu.memory_space<semaphore_mem>>) src(%dma_wait3A_143 : memref<80xi32, #tpu.memory_space<hbm>>) dst(%arg12 : memref<80xi32, #tpu.memory_space<vmem>>)
    %dma_start3A_144 = arith.constant 0 : i32
    %dma_start3A_145 = arith.constant 0 : i32
    %dma_start3A_146 = tpu.memref_slice %arg6[%dma_start3A_144, %dma_start3A_145] : memref<10032x128xf32, #tpu.memory_space<vmem_shared>> -> memref<10032x128xf32, #tpu.memory_space<vmem_shared>>
    tpu.enqueue_indirect_dma source(%arg17 : memref<80x128xf32, #tpu.memory_space<vmem>>) target(%dma_start3A_146 : memref<10032x128xf32, #tpu.memory_space<vmem_shared>>) offsets(%arg12 : memref<80xi32, #tpu.memory_space<vmem>>) semaphore(%arg25 : memref<!tpu.dma_semaphore, #tpu.memory_space<semaphore_mem>>) {add = true}
    %dma_wait3A_147 = arith.constant 0 : i32
    %dma_wait3A_148 = arith.constant 0 : i32
    %dma_wait3A_149 = tpu.memref_slice %arg6[%dma_wait3A_147, %dma_wait3A_148] : memref<10032x128xf32, #tpu.memory_space<vmem_shared>> -> memref<10032x128xf32, #tpu.memory_space<vmem_shared>>
    tpu.wait_indirect_dma semaphore(%arg24 : memref<!tpu.dma_semaphore, #tpu.memory_space<semaphore_mem>>) src(%arg16 : memref<80x128xf32, #tpu.memory_space<vmem>>) dst(%dma_wait3A_149 : memref<10032x128xf32, #tpu.memory_space<vmem_shared>>)
    %dma_wait3A_150 = arith.constant 0 : i32
    %dma_wait3A_151 = arith.constant 0 : i32
    %dma_wait3A_152 = tpu.memref_slice %arg2[%dma_wait3A_150, %dma_wait3A_151] : memref<10000x128xf32, #tpu.memory_space<hbm>> -> memref<10000x128xf32, #tpu.memory_space<hbm>>
    tpu.wait_indirect_dma semaphore(%arg22 : memref<!tpu.dma_semaphore, #tpu.memory_space<semaphore_mem>>) src(%dma_wait3A_152 : memref<10000x128xf32, #tpu.memory_space<hbm>>) dst(%arg18 : memref<80x128xf32, #tpu.memory_space<vmem>>)
    %dma_wait3A_153 = arith.constant 0 : i32
    %dma_wait3A_154 = tpu.memref_slice %arg4[%dma_wait3A_153] : memref<320000xi32, #tpu.memory_space<hbm>> -> memref<80xi32, #tpu.memory_space<hbm>>
    %dma_wait3A_155 = arith.constant 0 : i32
    %dma_wait3A_156 = tpu.memref_slice %arg4[%dma_wait3A_155] : memref<320000xi32, #tpu.memory_space<hbm>> -> memref<80xi32, #tpu.memory_space<hbm>>
    tpu.wait_dma2 semaphore(%arg34 : memref<!tpu.dma_semaphore, #tpu.memory_space<semaphore_mem>>) src(%dma_wait3A_156 : memref<80xi32, #tpu.memory_space<hbm>>) dst(%arg14 : memref<80xi32, #tpu.memory_space<vmem>>)
    %dma_start3A_157 = arith.constant 0 : i32
    %dma_start3A_158 = arith.constant 0 : i32
    %dma_start3A_159 = tpu.memref_slice %arg6[%dma_start3A_157, %dma_start3A_158] : memref<10032x128xf32, #tpu.memory_space<vmem_shared>> -> memref<10032x128xf32, #tpu.memory_space<vmem_shared>>
    tpu.enqueue_indirect_dma source(%arg18 : memref<80x128xf32, #tpu.memory_space<vmem>>) target(%dma_start3A_159 : memref<10032x128xf32, #tpu.memory_space<vmem_shared>>) offsets(%arg14 : memref<80xi32, #tpu.memory_space<vmem>>) semaphore(%arg26 : memref<!tpu.dma_semaphore, #tpu.memory_space<semaphore_mem>>) {add = true}
    %dma_wait3A_160 = arith.constant 0 : i32
    %dma_wait3A_161 = arith.constant 0 : i32
    %dma_wait3A_162 = tpu.memref_slice %arg6[%dma_wait3A_160, %dma_wait3A_161] : memref<10032x128xf32, #tpu.memory_space<vmem_shared>> -> memref<10032x128xf32, #tpu.memory_space<vmem_shared>>
    tpu.wait_indirect_dma semaphore(%arg25 : memref<!tpu.dma_semaphore, #tpu.memory_space<semaphore_mem>>) src(%arg17 : memref<80x128xf32, #tpu.memory_space<vmem>>) dst(%dma_wait3A_162 : memref<10032x128xf32, #tpu.memory_space<vmem_shared>>)
    %dma_wait3A_163 = arith.constant 0 : i32
    %dma_wait3A_164 = arith.constant 0 : i32
    %dma_wait3A_165 = tpu.memref_slice %arg2[%dma_wait3A_163, %dma_wait3A_164] : memref<10000x128xf32, #tpu.memory_space<hbm>> -> memref<10000x128xf32, #tpu.memory_space<hbm>>
    tpu.wait_indirect_dma semaphore(%arg19 : memref<!tpu.dma_semaphore, #tpu.memory_space<semaphore_mem>>) src(%dma_wait3A_165 : memref<10000x128xf32, #tpu.memory_space<hbm>>) dst(%arg15 : memref<80x128xf32, #tpu.memory_space<vmem>>)
    %dma_wait3A_166 = arith.constant 0 : i32
    %dma_wait3A_167 = tpu.memref_slice %arg4[%dma_wait3A_166] : memref<320000xi32, #tpu.memory_space<hbm>> -> memref<80xi32, #tpu.memory_space<hbm>>
    %dma_wait3A_168 = arith.constant 0 : i32
    %dma_wait3A_169 = tpu.memref_slice %arg4[%dma_wait3A_168] : memref<320000xi32, #tpu.memory_space<hbm>> -> memref<80xi32, #tpu.memory_space<hbm>>
    tpu.wait_dma2 semaphore(%arg31 : memref<!tpu.dma_semaphore, #tpu.memory_space<semaphore_mem>>) src(%dma_wait3A_169 : memref<80xi32, #tpu.memory_space<hbm>>) dst(%arg8 : memref<80xi32, #tpu.memory_space<vmem>>)
    %dma_start3A_170 = arith.constant 0 : i32
    %dma_start3A_171 = arith.constant 0 : i32
    %dma_start3A_172 = tpu.memref_slice %arg6[%dma_start3A_170, %dma_start3A_171] : memref<10032x128xf32, #tpu.memory_space<vmem_shared>> -> memref<10032x128xf32, #tpu.memory_space<vmem_shared>>
    tpu.enqueue_indirect_dma source(%arg15 : memref<80x128xf32, #tpu.memory_space<vmem>>) target(%dma_start3A_172 : memref<10032x128xf32, #tpu.memory_space<vmem_shared>>) offsets(%arg8 : memref<80xi32, #tpu.memory_space<vmem>>) semaphore(%arg23 : memref<!tpu.dma_semaphore, #tpu.memory_space<semaphore_mem>>) {add = true}
    %dma_wait3A_173 = arith.constant 0 : i32
    %dma_wait3A_174 = arith.constant 0 : i32
    %dma_wait3A_175 = tpu.memref_slice %arg6[%dma_wait3A_173, %dma_wait3A_174] : memref<10032x128xf32, #tpu.memory_space<vmem_shared>> -> memref<10032x128xf32, #tpu.memory_space<vmem_shared>>
    tpu.wait_indirect_dma semaphore(%arg26 : memref<!tpu.dma_semaphore, #tpu.memory_space<semaphore_mem>>) src(%arg18 : memref<80x128xf32, #tpu.memory_space<vmem>>) dst(%dma_wait3A_175 : memref<10032x128xf32, #tpu.memory_space<vmem_shared>>)
    %dma_wait3A_176 = arith.constant 0 : i32
    %dma_wait3A_177 = arith.constant 0 : i32
    %dma_wait3A_178 = tpu.memref_slice %arg6[%dma_wait3A_176, %dma_wait3A_177] : memref<10032x128xf32, #tpu.memory_space<vmem_shared>> -> memref<10032x128xf32, #tpu.memory_space<vmem_shared>>
    tpu.wait_indirect_dma semaphore(%arg23 : memref<!tpu.dma_semaphore, #tpu.memory_space<semaphore_mem>>) src(%arg15 : memref<80x128xf32, #tpu.memory_space<vmem>>) dst(%dma_wait3A_178 : memref<10032x128xf32, #tpu.memory_space<vmem_shared>>)
    %barrier3A_179 = arith.constant 0 : index
    tpu.barrier barrier_id(%barrier3A_179)
    %mul3A_180 = arith.constant 1000 : i32
    %mul3A_181 = arith.muli %arg1, %mul3A_180 : i32
    %multiple_of3A_182 = tpu.assume_multiple %mul3A_181, 8 : i32
    %lt3A = arith.constant 10 : i32
    %lt3A_183 = arith.cmpi slt, %arg1, %lt3A : i32
    %convert_element_type3A = arith.extui %lt3A_183 : i1 to i32
    %cond3A = arith.constant 0 : i32
    %cond3A_184 = arith.cmpi ne, %convert_element_type3A, %cond3A : i32
    scf.if %cond3A_184 {
      "tpu.region"() ({
        %run_scoped3A = tpu.sem_alloc : memref<!tpu.dma_semaphore, #tpu.memory_space<semaphore_mem>>
        %dma_start3A_185 = arith.constant 0 : i32
        %dma_start3A_186 = tpu.memref_slice %arg5[%arg0, %multiple_of3A_182, %dma_start3A_185] : memref<2x10000x128xf32, #tpu.memory_space<hbm>> -> memref<1x1000x128xf32, #tpu.memory_space<hbm>>
        %dma_start3A_187 = tpu.memref_squeeze %dma_start3A_186 : memref<1x1000x128xf32, #tpu.memory_space<hbm>> -> memref<1000x128xf32, #tpu.memory_space<hbm>>
        %dma_start3A_188 = arith.constant 0 : i32
        %dma_start3A_189 = tpu.memref_slice %arg6[%multiple_of3A_182, %dma_start3A_188] : memref<10032x128xf32, #tpu.memory_space<vmem_shared>> -> memref<1000x128xf32, #tpu.memory_space<vmem_shared>>
        tpu.enqueue_dma source(%dma_start3A_189 : memref<1000x128xf32, #tpu.memory_space<vmem_shared>>) target(%dma_start3A_187 : memref<1000x128xf32, #tpu.memory_space<hbm>>) target_semaphore(%run_scoped3A : memref<!tpu.dma_semaphore, #tpu.memory_space<semaphore_mem>>)
        %dma_wait3A_190 = arith.constant 0 : i32
        %dma_wait3A_191 = tpu.memref_slice %arg5[%arg0, %multiple_of3A_182, %dma_wait3A_190] : memref<2x10000x128xf32, #tpu.memory_space<hbm>> -> memref<1x1000x128xf32, #tpu.memory_space<hbm>>
        %dma_wait3A_192 = tpu.memref_squeeze %dma_wait3A_191 : memref<1x1000x128xf32, #tpu.memory_space<hbm>> -> memref<1000x128xf32, #tpu.memory_space<hbm>>
        %dma_wait3A_193 = arith.constant 0 : i32
        %dma_wait3A_194 = tpu.memref_slice %arg6[%multiple_of3A_182, %dma_wait3A_193] : memref<10032x128xf32, #tpu.memory_space<vmem_shared>> -> memref<1000x128xf32, #tpu.memory_space<vmem_shared>>
        tpu.wait_dma2 semaphore(%run_scoped3A : memref<!tpu.dma_semaphore, #tpu.memory_space<semaphore_mem>>) src(%dma_wait3A_194 : memref<1000x128xf32, #tpu.memory_space<vmem_shared>>) dst(%dma_wait3A_192 : memref<1000x128xf32, #tpu.memory_space<hbm>>)
        tpu.yield
      }) : () -> ()
    } else {
    }
    return
  }
}

#map = affine_map<(d0, d1) -> (0, 0)>
#map1 = affine_map<(d0, d1) -> (0)>
#map2 = affine_map<(d0, d1) -> (0, 0, 0)>
module attributes {stable_mosaic.version = 14 : i64} {
  func.func @_sc_body(%arg0: i32, %arg1: i32, %arg2: memref<10000x128xf32, #tpu.memory_space<hbm>>, %arg3: memref<320000xi32, #tpu.memory_space<hbm>>, %arg4: memref<320000xi32, #tpu.memory_space<hbm>>, %arg5: memref<2x10000x128xf32, #tpu.memory_space<hbm>>, %arg6: memref<20000xf32, #tpu.memory_space<hbm>>, %arg7: memref<10032x128xf32, #tpu.memory_space<vmem_shared>>, %arg8: memref<10032xf32, #tpu.memory_space<vmem_shared>>, %arg9: memref<80xi32, #tpu.memory_space<vmem>>, %arg10: memref<80xi32, #tpu.memory_space<vmem>>, %arg11: memref<80xi32, #tpu.memory_space<vmem>>, %arg12: memref<80xi32, #tpu.memory_space<vmem>>, %arg13: memref<80xi32, #tpu.memory_space<vmem>>, %arg14: memref<80xi32, #tpu.memory_space<vmem>>, %arg15: memref<80xi32, #tpu.memory_space<vmem>>, %arg16: memref<80xi32, #tpu.memory_space<vmem>>, %arg17: memref<80x128xf32, #tpu.memory_space<vmem>>, %arg18: memref<80x128xf32, #tpu.memory_space<vmem>>, %arg19: memref<80x128xf32, #tpu.memory_space<vmem>>, %arg20: memref<80x128xf32, #tpu.memory_space<vmem>>, %arg21: memref<80xf32, #tpu.memory_space<vmem>>, %arg22: memref<2000xf32, #tpu.memory_space<vmem>>, %arg23: memref<!tpu.dma_semaphore, #tpu.memory_space<semaphore_mem>>, %arg24: memref<!tpu.dma_semaphore, #tpu.memory_space<semaphore_mem>>, %arg25: memref<!tpu.dma_semaphore, #tpu.memory_space<semaphore_mem>>, %arg26: memref<!tpu.dma_semaphore, #tpu.memory_space<semaphore_mem>>, %arg27: memref<!tpu.dma_semaphore, #tpu.memory_space<semaphore_mem>>, %arg28: memref<!tpu.dma_semaphore, #tpu.memory_space<semaphore_mem>>, %arg29: memref<!tpu.dma_semaphore, #tpu.memory_space<semaphore_mem>>, %arg30: memref<!tpu.dma_semaphore, #tpu.memory_space<semaphore_mem>>, %arg31: memref<!tpu.dma_semaphore, #tpu.memory_space<semaphore_mem>>, %arg32: memref<!tpu.dma_semaphore, #tpu.memory_space<semaphore_mem>>, %arg33: memref<!tpu.dma_semaphore, #tpu.memory_space<semaphore_mem>>, %arg34: memref<!tpu.dma_semaphore, #tpu.memory_space<semaphore_mem>>, %arg35: memref<!tpu.dma_semaphore, #tpu.memory_space<semaphore_mem>>, %arg36: memref<!tpu.dma_semaphore, #tpu.memory_space<semaphore_mem>>, %arg37: memref<!tpu.dma_semaphore, #tpu.memory_space<semaphore_mem>>, %arg38: memref<!tpu.dma_semaphore, #tpu.memory_space<semaphore_mem>>) attributes {dimension_semantics = [#tpu.dimension_semantics<core_parallel>, #tpu.dimension_semantics<subcore_parallel>], iteration_bounds = array<i64: 2, 16>, scalar_prefetch = 0 : i64, scratch_operands = 32 : i64, tpu.core_type = #tpu.core_type<sc_vector_subcore>, window_params = [{transform_indices = #map}, {transform_indices = #map1}, {transform_indices = #map1}, {transform_indices = #map2}, {transform_indices = #map1}]} {
    %mul3A = arith.constant 16 : i32
    %mul3A_0 = arith.muli %arg0, %mul3A : i32
    %add3A = arith.addi %mul3A_0, %arg1 : i32
    %mul3A_1 = arith.constant 10000 : i32
    %mul3A_2 = arith.muli %add3A, %mul3A_1 : i32
    %add3A_3 = arith.constant 0 : i32
    %add3A_4 = arith.addi %mul3A_2, %add3A_3 : i32
    %multiple_of3A = tpu.assume_multiple %add3A_4, 8 : i32
    %dma_start3A = tpu.memref_slice %arg3[%multiple_of3A] : memref<320000xi32, #tpu.memory_space<hbm>> -> memref<80xi32, #tpu.memory_space<hbm>>
    %dma_start3A_5 = tpu.memref_slice %arg3[%multiple_of3A] : memref<320000xi32, #tpu.memory_space<hbm>> -> memref<80xi32, #tpu.memory_space<hbm>>
    tpu.enqueue_dma source(%dma_start3A_5 : memref<80xi32, #tpu.memory_space<hbm>>) target(%arg9 : memref<80xi32, #tpu.memory_space<vmem>>) target_semaphore(%arg31 : memref<!tpu.dma_semaphore, #tpu.memory_space<semaphore_mem>>)
    %add3A_6 = arith.constant 0 : i32
    %add3A_7 = arith.addi %mul3A_2, %add3A_6 : i32
    %multiple_of3A_8 = tpu.assume_multiple %add3A_7, 8 : i32
    %dma_start3A_9 = tpu.memref_slice %arg4[%multiple_of3A_8] : memref<320000xi32, #tpu.memory_space<hbm>> -> memref<80xi32, #tpu.memory_space<hbm>>
    %dma_start3A_10 = tpu.memref_slice %arg4[%multiple_of3A_8] : memref<320000xi32, #tpu.memory_space<hbm>> -> memref<80xi32, #tpu.memory_space<hbm>>
    tpu.enqueue_dma source(%dma_start3A_10 : memref<80xi32, #tpu.memory_space<hbm>>) target(%arg10 : memref<80xi32, #tpu.memory_space<vmem>>) target_semaphore(%arg35 : memref<!tpu.dma_semaphore, #tpu.memory_space<semaphore_mem>>)
    %add3A_11 = arith.constant 80 : i32
    %add3A_12 = arith.addi %mul3A_2, %add3A_11 : i32
    %multiple_of3A_13 = tpu.assume_multiple %add3A_12, 8 : i32
    %dma_start3A_14 = tpu.memref_slice %arg3[%multiple_of3A_13] : memref<320000xi32, #tpu.memory_space<hbm>> -> memref<80xi32, #tpu.memory_space<hbm>>
    %dma_start3A_15 = tpu.memref_slice %arg3[%multiple_of3A_13] : memref<320000xi32, #tpu.memory_space<hbm>> -> memref<80xi32, #tpu.memory_space<hbm>>
    tpu.enqueue_dma source(%dma_start3A_15 : memref<80xi32, #tpu.memory_space<hbm>>) target(%arg11 : memref<80xi32, #tpu.memory_space<vmem>>) target_semaphore(%arg32 : memref<!tpu.dma_semaphore, #tpu.memory_space<semaphore_mem>>)
    %add3A_16 = arith.constant 80 : i32
    %add3A_17 = arith.addi %mul3A_2, %add3A_16 : i32
    %multiple_of3A_18 = tpu.assume_multiple %add3A_17, 8 : i32
    %dma_start3A_19 = tpu.memref_slice %arg4[%multiple_of3A_18] : memref<320000xi32, #tpu.memory_space<hbm>> -> memref<80xi32, #tpu.memory_space<hbm>>
    %dma_start3A_20 = tpu.memref_slice %arg4[%multiple_of3A_18] : memref<320000xi32, #tpu.memory_space<hbm>> -> memref<80xi32, #tpu.memory_space<hbm>>
    tpu.enqueue_dma source(%dma_start3A_20 : memref<80xi32, #tpu.memory_space<hbm>>) target(%arg12 : memref<80xi32, #tpu.memory_space<vmem>>) target_semaphore(%arg36 : memref<!tpu.dma_semaphore, #tpu.memory_space<semaphore_mem>>)
    %add3A_21 = arith.constant 160 : i32
    %add3A_22 = arith.addi %mul3A_2, %add3A_21 : i32
    %multiple_of3A_23 = tpu.assume_multiple %add3A_22, 8 : i32
    %dma_start3A_24 = tpu.memref_slice %arg3[%multiple_of3A_23] : memref<320000xi32, #tpu.memory_space<hbm>> -> memref<80xi32, #tpu.memory_space<hbm>>
    %dma_start3A_25 = tpu.memref_slice %arg3[%multiple_of3A_23] : memref<320000xi32, #tpu.memory_space<hbm>> -> memref<80xi32, #tpu.memory_space<hbm>>
    tpu.enqueue_dma source(%dma_start3A_25 : memref<80xi32, #tpu.memory_space<hbm>>) target(%arg13 : memref<80xi32, #tpu.memory_space<vmem>>) target_semaphore(%arg33 : memref<!tpu.dma_semaphore, #tpu.memory_space<semaphore_mem>>)
    %add3A_26 = arith.constant 160 : i32
    %add3A_27 = arith.addi %mul3A_2, %add3A_26 : i32
    %multiple_of3A_28 = tpu.assume_multiple %add3A_27, 8 : i32
    %dma_start3A_29 = tpu.memref_slice %arg4[%multiple_of3A_28] : memref<320000xi32, #tpu.memory_space<hbm>> -> memref<80xi32, #tpu.memory_space<hbm>>
    %dma_start3A_30 = tpu.memref_slice %arg4[%multiple_of3A_28] : memref<320000xi32, #tpu.memory_space<hbm>> -> memref<80xi32, #tpu.memory_space<hbm>>
    tpu.enqueue_dma source(%dma_start3A_30 : memref<80xi32, #tpu.memory_space<hbm>>) target(%arg14 : memref<80xi32, #tpu.memory_space<vmem>>) target_semaphore(%arg37 : memref<!tpu.dma_semaphore, #tpu.memory_space<semaphore_mem>>)
    %add3A_31 = arith.constant 240 : i32
    %add3A_32 = arith.addi %mul3A_2, %add3A_31 : i32
    %multiple_of3A_33 = tpu.assume_multiple %add3A_32, 8 : i32
    %dma_start3A_34 = tpu.memref_slice %arg3[%multiple_of3A_33] : memref<320000xi32, #tpu.memory_space<hbm>> -> memref<80xi32, #tpu.memory_space<hbm>>
    %dma_start3A_35 = tpu.memref_slice %arg3[%multiple_of3A_33] : memref<320000xi32, #tpu.memory_space<hbm>> -> memref<80xi32, #tpu.memory_space<hbm>>
    tpu.enqueue_dma source(%dma_start3A_35 : memref<80xi32, #tpu.memory_space<hbm>>) target(%arg15 : memref<80xi32, #tpu.memory_space<vmem>>) target_semaphore(%arg34 : memref<!tpu.dma_semaphore, #tpu.memory_space<semaphore_mem>>)
    %scan3A = arith.constant 0 : i32
    %scan3A_36 = arith.constant 0 : i32
    %scan3A_37 = arith.constant 80 : i32
    %scan3A_38 = arith.addi %scan3A_36, %scan3A_37 : i32
    %scan3A_39 = arith.constant 1 : i32
    scf.for %scan3A_243 = %scan3A_36 to %scan3A_38 step %scan3A_39  : i32 {
      %broadcast_in_dim3A_244 = arith.constant 0.000000e+00 : f32
      %broadcast_in_dim3A_245 = vector.broadcast %broadcast_in_dim3A_244 : f32 to vector<16xf32>
      %swap3A_246 = arith.index_cast %scan3A_243 : i32 to index
      %swap3A_247 = arith.constant 0 : index
      %swap3A_248 = tpu.vector_load %arg20[%swap3A_246, %swap3A_247] {strides = array<i32>} : memref<80x128xf32, #tpu.memory_space<vmem>>, vector<1x16xf32>,
      %swap3A_249 = vector.shape_cast %swap3A_248 : vector<1x16xf32> to vector<16xf32>
      %swap3A_250 = vector.shape_cast %broadcast_in_dim3A_245 : vector<16xf32> to vector<1x16xf32>
      tpu.vector_store %arg20[%swap3A_246, %swap3A_247], %swap3A_250 {strides = array<i32>} : memref<80x128xf32, #tpu.memory_space<vmem>>, vector<1x16xf32>,
      %broadcast_in_dim3A_251 = arith.constant 0.000000e+00 : f32
      %broadcast_in_dim3A_252 = vector.broadcast %broadcast_in_dim3A_251 : f32 to vector<16xf32>
      %swap3A_253 = arith.index_cast %scan3A_243 : i32 to index
      %swap3A_254 = arith.constant 16 : index
      %swap3A_255 = tpu.vector_load %arg20[%swap3A_253, %swap3A_254] {strides = array<i32>} : memref<80x128xf32, #tpu.memory_space<vmem>>, vector<1x16xf32>,
      %swap3A_256 = vector.shape_cast %swap3A_255 : vector<1x16xf32> to vector<16xf32>
      %swap3A_257 = vector.shape_cast %broadcast_in_dim3A_252 : vector<16xf32> to vector<1x16xf32>
      tpu.vector_store %arg20[%swap3A_253, %swap3A_254], %swap3A_257 {strides = array<i32>} : memref<80x128xf32, #tpu.memory_space<vmem>>, vector<1x16xf32>,
      %broadcast_in_dim3A_258 = arith.constant 0.000000e+00 : f32
      %broadcast_in_dim3A_259 = vector.broadcast %broadcast_in_dim3A_258 : f32 to vector<16xf32>
      %swap3A_260 = arith.index_cast %scan3A_243 : i32 to index
      %swap3A_261 = arith.constant 32 : index
      %swap3A_262 = tpu.vector_load %arg20[%swap3A_260, %swap3A_261] {strides = array<i32>} : memref<80x128xf32, #tpu.memory_space<vmem>>, vector<1x16xf32>,
      %swap3A_263 = vector.shape_cast %swap3A_262 : vector<1x16xf32> to vector<16xf32>
      %swap3A_264 = vector.shape_cast %broadcast_in_dim3A_259 : vector<16xf32> to vector<1x16xf32>
      tpu.vector_store %arg20[%swap3A_260, %swap3A_261], %swap3A_264 {strides = array<i32>} : memref<80x128xf32, #tpu.memory_space<vmem>>, vector<1x16xf32>,
      %broadcast_in_dim3A_265 = arith.constant 0.000000e+00 : f32
      %broadcast_in_dim3A_266 = vector.broadcast %broadcast_in_dim3A_265 : f32 to vector<16xf32>
      %swap3A_267 = arith.index_cast %scan3A_243 : i32 to index
      %swap3A_268 = arith.constant 48 : index
      %swap3A_269 = tpu.vector_load %arg20[%swap3A_267, %swap3A_268] {strides = array<i32>} : memref<80x128xf32, #tpu.memory_space<vmem>>, vector<1x16xf32>,
      %swap3A_270 = vector.shape_cast %swap3A_269 : vector<1x16xf32> to vector<16xf32>
      %swap3A_271 = vector.shape_cast %broadcast_in_dim3A_266 : vector<16xf32> to vector<1x16xf32>
      tpu.vector_store %arg20[%swap3A_267, %swap3A_268], %swap3A_271 {strides = array<i32>} : memref<80x128xf32, #tpu.memory_space<vmem>>, vector<1x16xf32>,
      %broadcast_in_dim3A_272 = arith.constant 0.000000e+00 : f32
      %broadcast_in_dim3A_273 = vector.broadcast %broadcast_in_dim3A_272 : f32 to vector<16xf32>
      %swap3A_274 = arith.index_cast %scan3A_243 : i32 to index
      %swap3A_275 = arith.constant 64 : index
      %swap3A_276 = tpu.vector_load %arg20[%swap3A_274, %swap3A_275] {strides = array<i32>} : memref<80x128xf32, #tpu.memory_space<vmem>>, vector<1x16xf32>,
      %swap3A_277 = vector.shape_cast %swap3A_276 : vector<1x16xf32> to vector<16xf32>
      %swap3A_278 = vector.shape_cast %broadcast_in_dim3A_273 : vector<16xf32> to vector<1x16xf32>
      tpu.vector_store %arg20[%swap3A_274, %swap3A_275], %swap3A_278 {strides = array<i32>} : memref<80x128xf32, #tpu.memory_space<vmem>>, vector<1x16xf32>,
      %broadcast_in_dim3A_279 = arith.constant 0.000000e+00 : f32
      %broadcast_in_dim3A_280 = vector.broadcast %broadcast_in_dim3A_279 : f32 to vector<16xf32>
      %swap3A_281 = arith.index_cast %scan3A_243 : i32 to index
      %swap3A_282 = arith.constant 80 : index
      %swap3A_283 = tpu.vector_load %arg20[%swap3A_281, %swap3A_282] {strides = array<i32>} : memref<80x128xf32, #tpu.memory_space<vmem>>, vector<1x16xf32>,
      %swap3A_284 = vector.shape_cast %swap3A_283 : vector<1x16xf32> to vector<16xf32>
      %swap3A_285 = vector.shape_cast %broadcast_in_dim3A_280 : vector<16xf32> to vector<1x16xf32>
      tpu.vector_store %arg20[%swap3A_281, %swap3A_282], %swap3A_285 {strides = array<i32>} : memref<80x128xf32, #tpu.memory_space<vmem>>, vector<1x16xf32>,
      %broadcast_in_dim3A_286 = arith.constant 0.000000e+00 : f32
      %broadcast_in_dim3A_287 = vector.broadcast %broadcast_in_dim3A_286 : f32 to vector<16xf32>
      %swap3A_288 = arith.index_cast %scan3A_243 : i32 to index
      %swap3A_289 = arith.constant 96 : index
      %swap3A_290 = tpu.vector_load %arg20[%swap3A_288, %swap3A_289] {strides = array<i32>} : memref<80x128xf32, #tpu.memory_space<vmem>>, vector<1x16xf32>,
      %swap3A_291 = vector.shape_cast %swap3A_290 : vector<1x16xf32> to vector<16xf32>
      %swap3A_292 = vector.shape_cast %broadcast_in_dim3A_287 : vector<16xf32> to vector<1x16xf32>
      tpu.vector_store %arg20[%swap3A_288, %swap3A_289], %swap3A_292 {strides = array<i32>} : memref<80x128xf32, #tpu.memory_space<vmem>>, vector<1x16xf32>,
      %broadcast_in_dim3A_293 = arith.constant 0.000000e+00 : f32
      %broadcast_in_dim3A_294 = vector.broadcast %broadcast_in_dim3A_293 : f32 to vector<16xf32>
      %swap3A_295 = arith.index_cast %scan3A_243 : i32 to index
      %swap3A_296 = arith.constant 112 : index
      %swap3A_297 = tpu.vector_load %arg20[%swap3A_295, %swap3A_296] {strides = array<i32>} : memref<80x128xf32, #tpu.memory_space<vmem>>, vector<1x16xf32>,
      %swap3A_298 = vector.shape_cast %swap3A_297 : vector<1x16xf32> to vector<16xf32>
      %swap3A_299 = vector.shape_cast %broadcast_in_dim3A_294 : vector<16xf32> to vector<1x16xf32>
      tpu.vector_store %arg20[%swap3A_295, %swap3A_296], %swap3A_299 {strides = array<i32>} : memref<80x128xf32, #tpu.memory_space<vmem>>, vector<1x16xf32>,
    }
    %scan3A_40 = arith.constant 80 : i32
    %mul3A_41 = arith.constant 625 : i32
    %mul3A_42 = arith.muli %arg1, %mul3A_41 : i32
    %add3A_43 = arith.constant 0 : i32
    %add3A_44 = arith.addi %mul3A_42, %add3A_43 : i32
    "tpu.region"() ({
      %run_scoped3A = tpu.sem_alloc : memref<!tpu.dma_semaphore, #tpu.memory_space<semaphore_mem>>
      %dma_start3A_243 = arith.constant 0 : i32
      %dma_start3A_244 = tpu.memref_slice %arg7[%add3A_44, %dma_start3A_243] : memref<10032x128xf32, #tpu.memory_space<vmem_shared>> -> memref<80x128xf32, #tpu.memory_space<vmem_shared>>
      %dma_start3A_245 = arith.constant 0 : i32
      %dma_start3A_246 = tpu.memref_slice %arg7[%add3A_44, %dma_start3A_245] : memref<10032x128xf32, #tpu.memory_space<vmem_shared>> -> memref<80x128xf32, #tpu.memory_space<vmem_shared>>
      tpu.enqueue_dma source(%arg20 : memref<80x128xf32, #tpu.memory_space<vmem>>) target(%dma_start3A_246 : memref<80x128xf32, #tpu.memory_space<vmem_shared>>) target_semaphore(%run_scoped3A : memref<!tpu.dma_semaphore, #tpu.memory_space<semaphore_mem>>)
      %dma_wait3A_247 = arith.constant 0 : i32
      %dma_wait3A_248 = tpu.memref_slice %arg7[%add3A_44, %dma_wait3A_247] : memref<10032x128xf32, #tpu.memory_space<vmem_shared>> -> memref<80x128xf32, #tpu.memory_space<vmem_shared>>
      %dma_wait3A_249 = arith.constant 0 : i32
      %dma_wait3A_250 = tpu.memref_slice %arg7[%add3A_44, %dma_wait3A_249] : memref<10032x128xf32, #tpu.memory_space<vmem_shared>> -> memref<80x128xf32, #tpu.memory_space<vmem_shared>>
      tpu.wait_dma2 semaphore(%run_scoped3A : memref<!tpu.dma_semaphore, #tpu.memory_space<semaphore_mem>>) src(%arg20 : memref<80x128xf32, #tpu.memory_space<vmem>>) dst(%dma_wait3A_250 : memref<80x128xf32, #tpu.memory_space<vmem_shared>>)
      tpu.yield
    }) : () -> ()
    %add3A_45 = arith.constant 80 : i32
    %add3A_46 = arith.addi %mul3A_42, %add3A_45 : i32
    "tpu.region"() ({
      %run_scoped3A = tpu.sem_alloc : memref<!tpu.dma_semaphore, #tpu.memory_space<semaphore_mem>>
      %dma_start3A_243 = arith.constant 0 : i32
      %dma_start3A_244 = tpu.memref_slice %arg7[%add3A_46, %dma_start3A_243] : memref<10032x128xf32, #tpu.memory_space<vmem_shared>> -> memref<80x128xf32, #tpu.memory_space<vmem_shared>>
      %dma_start3A_245 = arith.constant 0 : i32
      %dma_start3A_246 = tpu.memref_slice %arg7[%add3A_46, %dma_start3A_245] : memref<10032x128xf32, #tpu.memory_space<vmem_shared>> -> memref<80x128xf32, #tpu.memory_space<vmem_shared>>
      tpu.enqueue_dma source(%arg20 : memref<80x128xf32, #tpu.memory_space<vmem>>) target(%dma_start3A_246 : memref<80x128xf32, #tpu.memory_space<vmem_shared>>) target_semaphore(%run_scoped3A : memref<!tpu.dma_semaphore, #tpu.memory_space<semaphore_mem>>)
      %dma_wait3A_247 = arith.constant 0 : i32
      %dma_wait3A_248 = tpu.memref_slice %arg7[%add3A_46, %dma_wait3A_247] : memref<10032x128xf32, #tpu.memory_space<vmem_shared>> -> memref<80x128xf32, #tpu.memory_space<vmem_shared>>
      %dma_wait3A_249 = arith.constant 0 : i32
      %dma_wait3A_250 = tpu.memref_slice %arg7[%add3A_46, %dma_wait3A_249] : memref<10032x128xf32, #tpu.memory_space<vmem_shared>> -> memref<80x128xf32, #tpu.memory_space<vmem_shared>>
      tpu.wait_dma2 semaphore(%run_scoped3A : memref<!tpu.dma_semaphore, #tpu.memory_space<semaphore_mem>>) src(%arg20 : memref<80x128xf32, #tpu.memory_space<vmem>>) dst(%dma_wait3A_250 : memref<80x128xf32, #tpu.memory_space<vmem_shared>>)
      tpu.yield
    }) : () -> ()
    %add3A_47 = arith.constant 160 : i32
    %add3A_48 = arith.addi %mul3A_42, %add3A_47 : i32
    "tpu.region"() ({
      %run_scoped3A = tpu.sem_alloc : memref<!tpu.dma_semaphore, #tpu.memory_space<semaphore_mem>>
      %dma_start3A_243 = arith.constant 0 : i32
      %dma_start3A_244 = tpu.memref_slice %arg7[%add3A_48, %dma_start3A_243] : memref<10032x128xf32, #tpu.memory_space<vmem_shared>> -> memref<80x128xf32, #tpu.memory_space<vmem_shared>>
      %dma_start3A_245 = arith.constant 0 : i32
      %dma_start3A_246 = tpu.memref_slice %arg7[%add3A_48, %dma_start3A_245] : memref<10032x128xf32, #tpu.memory_space<vmem_shared>> -> memref<80x128xf32, #tpu.memory_space<vmem_shared>>
      tpu.enqueue_dma source(%arg20 : memref<80x128xf32, #tpu.memory_space<vmem>>) target(%dma_start3A_246 : memref<80x128xf32, #tpu.memory_space<vmem_shared>>) target_semaphore(%run_scoped3A : memref<!tpu.dma_semaphore, #tpu.memory_space<semaphore_mem>>)
      %dma_wait3A_247 = arith.constant 0 : i32
      %dma_wait3A_248 = tpu.memref_slice %arg7[%add3A_48, %dma_wait3A_247] : memref<10032x128xf32, #tpu.memory_space<vmem_shared>> -> memref<80x128xf32, #tpu.memory_space<vmem_shared>>
      %dma_wait3A_249 = arith.constant 0 : i32
      %dma_wait3A_250 = tpu.memref_slice %arg7[%add3A_48, %dma_wait3A_249] : memref<10032x128xf32, #tpu.memory_space<vmem_shared>> -> memref<80x128xf32, #tpu.memory_space<vmem_shared>>
      tpu.wait_dma2 semaphore(%run_scoped3A : memref<!tpu.dma_semaphore, #tpu.memory_space<semaphore_mem>>) src(%arg20 : memref<80x128xf32, #tpu.memory_space<vmem>>) dst(%dma_wait3A_250 : memref<80x128xf32, #tpu.memory_space<vmem_shared>>)
      tpu.yield
    }) : () -> ()
    %add3A_49 = arith.constant 240 : i32
    %add3A_50 = arith.addi %mul3A_42, %add3A_49 : i32
    "tpu.region"() ({
      %run_scoped3A = tpu.sem_alloc : memref<!tpu.dma_semaphore, #tpu.memory_space<semaphore_mem>>
      %dma_start3A_243 = arith.constant 0 : i32
      %dma_start3A_244 = tpu.memref_slice %arg7[%add3A_50, %dma_start3A_243] : memref<10032x128xf32, #tpu.memory_space<vmem_shared>> -> memref<80x128xf32, #tpu.memory_space<vmem_shared>>
      %dma_start3A_245 = arith.constant 0 : i32
      %dma_start3A_246 = tpu.memref_slice %arg7[%add3A_50, %dma_start3A_245] : memref<10032x128xf32, #tpu.memory_space<vmem_shared>> -> memref<80x128xf32, #tpu.memory_space<vmem_shared>>
      tpu.enqueue_dma source(%arg20 : memref<80x128xf32, #tpu.memory_space<vmem>>) target(%dma_start3A_246 : memref<80x128xf32, #tpu.memory_space<vmem_shared>>) target_semaphore(%run_scoped3A : memref<!tpu.dma_semaphore, #tpu.memory_space<semaphore_mem>>)
      %dma_wait3A_247 = arith.constant 0 : i32
      %dma_wait3A_248 = tpu.memref_slice %arg7[%add3A_50, %dma_wait3A_247] : memref<10032x128xf32, #tpu.memory_space<vmem_shared>> -> memref<80x128xf32, #tpu.memory_space<vmem_shared>>
      %dma_wait3A_249 = arith.constant 0 : i32
      %dma_wait3A_250 = tpu.memref_slice %arg7[%add3A_50, %dma_wait3A_249] : memref<10032x128xf32, #tpu.memory_space<vmem_shared>> -> memref<80x128xf32, #tpu.memory_space<vmem_shared>>
      tpu.wait_dma2 semaphore(%run_scoped3A : memref<!tpu.dma_semaphore, #tpu.memory_space<semaphore_mem>>) src(%arg20 : memref<80x128xf32, #tpu.memory_space<vmem>>) dst(%dma_wait3A_250 : memref<80x128xf32, #tpu.memory_space<vmem_shared>>)
      tpu.yield
    }) : () -> ()
    %add3A_51 = arith.constant 320 : i32
    %add3A_52 = arith.addi %mul3A_42, %add3A_51 : i32
    "tpu.region"() ({
      %run_scoped3A = tpu.sem_alloc : memref<!tpu.dma_semaphore, #tpu.memory_space<semaphore_mem>>
      %dma_start3A_243 = arith.constant 0 : i32
      %dma_start3A_244 = tpu.memref_slice %arg7[%add3A_52, %dma_start3A_243] : memref<10032x128xf32, #tpu.memory_space<vmem_shared>> -> memref<80x128xf32, #tpu.memory_space<vmem_shared>>
      %dma_start3A_245 = arith.constant 0 : i32
      %dma_start3A_246 = tpu.memref_slice %arg7[%add3A_52, %dma_start3A_245] : memref<10032x128xf32, #tpu.memory_space<vmem_shared>> -> memref<80x128xf32, #tpu.memory_space<vmem_shared>>
      tpu.enqueue_dma source(%arg20 : memref<80x128xf32, #tpu.memory_space<vmem>>) target(%dma_start3A_246 : memref<80x128xf32, #tpu.memory_space<vmem_shared>>) target_semaphore(%run_scoped3A : memref<!tpu.dma_semaphore, #tpu.memory_space<semaphore_mem>>)
      %dma_wait3A_247 = arith.constant 0 : i32
      %dma_wait3A_248 = tpu.memref_slice %arg7[%add3A_52, %dma_wait3A_247] : memref<10032x128xf32, #tpu.memory_space<vmem_shared>> -> memref<80x128xf32, #tpu.memory_space<vmem_shared>>
      %dma_wait3A_249 = arith.constant 0 : i32
      %dma_wait3A_250 = tpu.memref_slice %arg7[%add3A_52, %dma_wait3A_249] : memref<10032x128xf32, #tpu.memory_space<vmem_shared>> -> memref<80x128xf32, #tpu.memory_space<vmem_shared>>
      tpu.wait_dma2 semaphore(%run_scoped3A : memref<!tpu.dma_semaphore, #tpu.memory_space<semaphore_mem>>) src(%arg20 : memref<80x128xf32, #tpu.memory_space<vmem>>) dst(%dma_wait3A_250 : memref<80x128xf32, #tpu.memory_space<vmem_shared>>)
      tpu.yield
    }) : () -> ()
    %add3A_53 = arith.constant 400 : i32
    %add3A_54 = arith.addi %mul3A_42, %add3A_53 : i32
    "tpu.region"() ({
      %run_scoped3A = tpu.sem_alloc : memref<!tpu.dma_semaphore, #tpu.memory_space<semaphore_mem>>
      %dma_start3A_243 = arith.constant 0 : i32
      %dma_start3A_244 = tpu.memref_slice %arg7[%add3A_54, %dma_start3A_243] : memref<10032x128xf32, #tpu.memory_space<vmem_shared>> -> memref<80x128xf32, #tpu.memory_space<vmem_shared>>
      %dma_start3A_245 = arith.constant 0 : i32
      %dma_start3A_246 = tpu.memref_slice %arg7[%add3A_54, %dma_start3A_245] : memref<10032x128xf32, #tpu.memory_space<vmem_shared>> -> memref<80x128xf32, #tpu.memory_space<vmem_shared>>
      tpu.enqueue_dma source(%arg20 : memref<80x128xf32, #tpu.memory_space<vmem>>) target(%dma_start3A_246 : memref<80x128xf32, #tpu.memory_space<vmem_shared>>) target_semaphore(%run_scoped3A : memref<!tpu.dma_semaphore, #tpu.memory_space<semaphore_mem>>)
      %dma_wait3A_247 = arith.constant 0 : i32
      %dma_wait3A_248 = tpu.memref_slice %arg7[%add3A_54, %dma_wait3A_247] : memref<10032x128xf32, #tpu.memory_space<vmem_shared>> -> memref<80x128xf32, #tpu.memory_space<vmem_shared>>
      %dma_wait3A_249 = arith.constant 0 : i32
      %dma_wait3A_250 = tpu.memref_slice %arg7[%add3A_54, %dma_wait3A_249] : memref<10032x128xf32, #tpu.memory_space<vmem_shared>> -> memref<80x128xf32, #tpu.memory_space<vmem_shared>>
      tpu.wait_dma2 semaphore(%run_scoped3A : memref<!tpu.dma_semaphore, #tpu.memory_space<semaphore_mem>>) src(%arg20 : memref<80x128xf32, #tpu.memory_space<vmem>>) dst(%dma_wait3A_250 : memref<80x128xf32, #tpu.memory_space<vmem_shared>>)
      tpu.yield
    }) : () -> ()
    %add3A_55 = arith.constant 480 : i32
    %add3A_56 = arith.addi %mul3A_42, %add3A_55 : i32
    "tpu.region"() ({
      %run_scoped3A = tpu.sem_alloc : memref<!tpu.dma_semaphore, #tpu.memory_space<semaphore_mem>>
      %dma_start3A_243 = arith.constant 0 : i32
      %dma_start3A_244 = tpu.memref_slice %arg7[%add3A_56, %dma_start3A_243] : memref<10032x128xf32, #tpu.memory_space<vmem_shared>> -> memref<80x128xf32, #tpu.memory_space<vmem_shared>>
      %dma_start3A_245 = arith.constant 0 : i32
      %dma_start3A_246 = tpu.memref_slice %arg7[%add3A_56, %dma_start3A_245] : memref<10032x128xf32, #tpu.memory_space<vmem_shared>> -> memref<80x128xf32, #tpu.memory_space<vmem_shared>>
      tpu.enqueue_dma source(%arg20 : memref<80x128xf32, #tpu.memory_space<vmem>>) target(%dma_start3A_246 : memref<80x128xf32, #tpu.memory_space<vmem_shared>>) target_semaphore(%run_scoped3A : memref<!tpu.dma_semaphore, #tpu.memory_space<semaphore_mem>>)
      %dma_wait3A_247 = arith.constant 0 : i32
      %dma_wait3A_248 = tpu.memref_slice %arg7[%add3A_56, %dma_wait3A_247] : memref<10032x128xf32, #tpu.memory_space<vmem_shared>> -> memref<80x128xf32, #tpu.memory_space<vmem_shared>>
      %dma_wait3A_249 = arith.constant 0 : i32
      %dma_wait3A_250 = tpu.memref_slice %arg7[%add3A_56, %dma_wait3A_249] : memref<10032x128xf32, #tpu.memory_space<vmem_shared>> -> memref<80x128xf32, #tpu.memory_space<vmem_shared>>
      tpu.wait_dma2 semaphore(%run_scoped3A : memref<!tpu.dma_semaphore, #tpu.memory_space<semaphore_mem>>) src(%arg20 : memref<80x128xf32, #tpu.memory_space<vmem>>) dst(%dma_wait3A_250 : memref<80x128xf32, #tpu.memory_space<vmem_shared>>)
      tpu.yield
    }) : () -> ()
    %add3A_57 = arith.constant 560 : i32
    %add3A_58 = arith.addi %mul3A_42, %add3A_57 : i32
    "tpu.region"() ({
      %run_scoped3A = tpu.sem_alloc : memref<!tpu.dma_semaphore, #tpu.memory_space<semaphore_mem>>
      %dma_start3A_243 = arith.constant 0 : i32
      %dma_start3A_244 = arith.constant 0 : i32
      %dma_start3A_245 = tpu.memref_slice %arg20[%dma_start3A_243, %dma_start3A_244] : memref<80x128xf32, #tpu.memory_space<vmem>> -> memref<65x128xf32, #tpu.memory_space<vmem>>
      %dma_start3A_246 = arith.constant 0 : i32
      %dma_start3A_247 = tpu.memref_slice %arg7[%add3A_58, %dma_start3A_246] : memref<10032x128xf32, #tpu.memory_space<vmem_shared>> -> memref<65x128xf32, #tpu.memory_space<vmem_shared>>
      %dma_start3A_248 = arith.constant 0 : i32
      %dma_start3A_249 = tpu.memref_slice %arg7[%add3A_58, %dma_start3A_248] : memref<10032x128xf32, #tpu.memory_space<vmem_shared>> -> memref<65x128xf32, #tpu.memory_space<vmem_shared>>
      %dma_start3A_250 = arith.constant 0 : i32
      %dma_start3A_251 = arith.constant 0 : i32
      %dma_start3A_252 = tpu.memref_slice %arg20[%dma_start3A_250, %dma_start3A_251] : memref<80x128xf32, #tpu.memory_space<vmem>> -> memref<65x128xf32, #tpu.memory_space<vmem>>
      tpu.enqueue_dma source(%dma_start3A_252 : memref<65x128xf32, #tpu.memory_space<vmem>>) target(%dma_start3A_249 : memref<65x128xf32, #tpu.memory_space<vmem_shared>>) target_semaphore(%run_scoped3A : memref<!tpu.dma_semaphore, #tpu.memory_space<semaphore_mem>>)
      %dma_wait3A_253 = arith.constant 0 : i32
      %dma_wait3A_254 = arith.constant 0 : i32
      %dma_wait3A_255 = tpu.memref_slice %arg20[%dma_wait3A_253, %dma_wait3A_254] : memref<80x128xf32, #tpu.memory_space<vmem>> -> memref<65x128xf32, #tpu.memory_space<vmem>>
      %dma_wait3A_256 = arith.constant 0 : i32
      %dma_wait3A_257 = tpu.memref_slice %arg7[%add3A_58, %dma_wait3A_256] : memref<10032x128xf32, #tpu.memory_space<vmem_shared>> -> memref<65x128xf32, #tpu.memory_space<vmem_shared>>
      %dma_wait3A_258 = arith.constant 0 : i32
      %dma_wait3A_259 = tpu.memref_slice %arg7[%add3A_58, %dma_wait3A_258] : memref<10032x128xf32, #tpu.memory_space<vmem_shared>> -> memref<65x128xf32, #tpu.memory_space<vmem_shared>>
      %dma_wait3A_260 = arith.constant 0 : i32
      %dma_wait3A_261 = arith.constant 0 : i32
      %dma_wait3A_262 = tpu.memref_slice %arg20[%dma_wait3A_260, %dma_wait3A_261] : memref<80x128xf32, #tpu.memory_space<vmem>> -> memref<65x128xf32, #tpu.memory_space<vmem>>
      tpu.wait_dma2 semaphore(%run_scoped3A : memref<!tpu.dma_semaphore, #tpu.memory_space<semaphore_mem>>) src(%dma_wait3A_262 : memref<65x128xf32, #tpu.memory_space<vmem>>) dst(%dma_wait3A_259 : memref<65x128xf32, #tpu.memory_space<vmem_shared>>)
      tpu.yield
    }) : () -> ()
    %lt3A = arith.constant 5 : i32
    %lt3A_59 = arith.cmpi slt, %arg1, %lt3A : i32
    %convert_element_type3A = arith.extui %lt3A_59 : i1 to i32
    %cond3A = arith.constant 0 : i32
    %cond3A_60 = arith.cmpi ne, %convert_element_type3A, %cond3A : i32
    scf.if %cond3A_60 {
      %scan3A_243 = arith.constant 0 : i32
      %scan3A_244 = arith.constant 0 : i32
      %scan3A_245 = arith.constant 125 : i32
      %scan3A_246 = arith.addi %scan3A_244, %scan3A_245 : i32
      %scan3A_247 = arith.constant 1 : i32
      scf.for %scan3A_252 = %scan3A_244 to %scan3A_246 step %scan3A_247  : i32 {
        %broadcast_in_dim3A_253 = arith.constant 0.000000e+00 : f32
        %broadcast_in_dim3A_254 = vector.broadcast %broadcast_in_dim3A_253 : f32 to vector<16xf32>
        %mul3A_255 = arith.constant 16 : i32
        %mul3A_256 = arith.muli %scan3A_252, %mul3A_255 : i32
        %swap3A_257 = arith.index_cast %mul3A_256 : i32 to index
        %swap3A_258 = tpu.vector_load %arg22[%swap3A_257] {strides = array<i32>} : memref<2000xf32, #tpu.memory_space<vmem>>, vector<16xf32>,
        %swap3A_259 = vector.shape_cast %swap3A_258 : vector<16xf32> to vector<16xf32>
        %swap3A_260 = vector.shape_cast %broadcast_in_dim3A_254 : vector<16xf32> to vector<16xf32>
        tpu.vector_store %arg22[%swap3A_257], %swap3A_260 {strides = array<i32>} : memref<2000xf32, #tpu.memory_space<vmem>>, vector<16xf32>,
      }
      %scan3A_248 = arith.constant 125 : i32
      %mul3A_249 = arith.constant 2000 : i32
      %mul3A_250 = arith.muli %arg1, %mul3A_249 : i32
      %multiple_of3A_251 = tpu.assume_multiple %mul3A_250, 8 : i32
      "tpu.region"() ({
        %run_scoped3A = tpu.sem_alloc : memref<!tpu.dma_semaphore, #tpu.memory_space<semaphore_mem>>
        %dma_start3A_252 = tpu.memref_slice %arg8[%multiple_of3A_251] : memref<10032xf32, #tpu.memory_space<vmem_shared>> -> memref<2000xf32, #tpu.memory_space<vmem_shared>>
        %dma_start3A_253 = tpu.memref_slice %arg8[%multiple_of3A_251] : memref<10032xf32, #tpu.memory_space<vmem_shared>> -> memref<2000xf32, #tpu.memory_space<vmem_shared>>
        tpu.enqueue_dma source(%arg22 : memref<2000xf32, #tpu.memory_space<vmem>>) target(%dma_start3A_253 : memref<2000xf32, #tpu.memory_space<vmem_shared>>) target_semaphore(%run_scoped3A : memref<!tpu.dma_semaphore, #tpu.memory_space<semaphore_mem>>)
        %dma_wait3A_254 = tpu.memref_slice %arg8[%multiple_of3A_251] : memref<10032xf32, #tpu.memory_space<vmem_shared>> -> memref<2000xf32, #tpu.memory_space<vmem_shared>>
        %dma_wait3A_255 = tpu.memref_slice %arg8[%multiple_of3A_251] : memref<10032xf32, #tpu.memory_space<vmem_shared>> -> memref<2000xf32, #tpu.memory_space<vmem_shared>>
        tpu.wait_dma2 semaphore(%run_scoped3A : memref<!tpu.dma_semaphore, #tpu.memory_space<semaphore_mem>>) src(%arg22 : memref<2000xf32, #tpu.memory_space<vmem>>) dst(%dma_wait3A_255 : memref<2000xf32, #tpu.memory_space<vmem_shared>>)
        tpu.yield
      }) : () -> ()
    } else {
    }
    %broadcast_in_dim3A = arith.constant 1.000000e+00 : f32
    %broadcast_in_dim3A_61 = vector.broadcast %broadcast_in_dim3A : f32 to vector<16xf32>
    %swap3A = arith.constant 0 : index
    %swap3A_62 = tpu.vector_load %arg21[%swap3A] {strides = array<i32>} : memref<80xf32, #tpu.memory_space<vmem>>, vector<16xf32>,
    %swap3A_63 = vector.shape_cast %swap3A_62 : vector<16xf32> to vector<16xf32>
    %swap3A_64 = vector.shape_cast %broadcast_in_dim3A_61 : vector<16xf32> to vector<16xf32>
    tpu.vector_store %arg21[%swap3A], %swap3A_64 {strides = array<i32>} : memref<80xf32, #tpu.memory_space<vmem>>, vector<16xf32>,
    %broadcast_in_dim3A_65 = arith.constant 1.000000e+00 : f32
    %broadcast_in_dim3A_66 = vector.broadcast %broadcast_in_dim3A_65 : f32 to vector<16xf32>
    %swap3A_67 = arith.constant 16 : index
    %swap3A_68 = tpu.vector_load %arg21[%swap3A_67] {strides = array<i32>} : memref<80xf32, #tpu.memory_space<vmem>>, vector<16xf32>,
    %swap3A_69 = vector.shape_cast %swap3A_68 : vector<16xf32> to vector<16xf32>
    %swap3A_70 = vector.shape_cast %broadcast_in_dim3A_66 : vector<16xf32> to vector<16xf32>
    tpu.vector_store %arg21[%swap3A_67], %swap3A_70 {strides = array<i32>} : memref<80xf32, #tpu.memory_space<vmem>>, vector<16xf32>,
    %broadcast_in_dim3A_71 = arith.constant 1.000000e+00 : f32
    %broadcast_in_dim3A_72 = vector.broadcast %broadcast_in_dim3A_71 : f32 to vector<16xf32>
    %swap3A_73 = arith.constant 32 : index
    %swap3A_74 = tpu.vector_load %arg21[%swap3A_73] {strides = array<i32>} : memref<80xf32, #tpu.memory_space<vmem>>, vector<16xf32>,
    %swap3A_75 = vector.shape_cast %swap3A_74 : vector<16xf32> to vector<16xf32>
    %swap3A_76 = vector.shape_cast %broadcast_in_dim3A_72 : vector<16xf32> to vector<16xf32>
    tpu.vector_store %arg21[%swap3A_73], %swap3A_76 {strides = array<i32>} : memref<80xf32, #tpu.memory_space<vmem>>, vector<16xf32>,
    %broadcast_in_dim3A_77 = arith.constant 1.000000e+00 : f32
    %broadcast_in_dim3A_78 = vector.broadcast %broadcast_in_dim3A_77 : f32 to vector<16xf32>
    %swap3A_79 = arith.constant 48 : index
    %swap3A_80 = tpu.vector_load %arg21[%swap3A_79] {strides = array<i32>} : memref<80xf32, #tpu.memory_space<vmem>>, vector<16xf32>,
    %swap3A_81 = vector.shape_cast %swap3A_80 : vector<16xf32> to vector<16xf32>
    %swap3A_82 = vector.shape_cast %broadcast_in_dim3A_78 : vector<16xf32> to vector<16xf32>
    tpu.vector_store %arg21[%swap3A_79], %swap3A_82 {strides = array<i32>} : memref<80xf32, #tpu.memory_space<vmem>>, vector<16xf32>,
    %broadcast_in_dim3A_83 = arith.constant 1.000000e+00 : f32
    %broadcast_in_dim3A_84 = vector.broadcast %broadcast_in_dim3A_83 : f32 to vector<16xf32>
    %swap3A_85 = arith.constant 64 : index
    %swap3A_86 = tpu.vector_load %arg21[%swap3A_85] {strides = array<i32>} : memref<80xf32, #tpu.memory_space<vmem>>, vector<16xf32>,
    %swap3A_87 = vector.shape_cast %swap3A_86 : vector<16xf32> to vector<16xf32>
    %swap3A_88 = vector.shape_cast %broadcast_in_dim3A_84 : vector<16xf32> to vector<16xf32>
    tpu.vector_store %arg21[%swap3A_85], %swap3A_88 {strides = array<i32>} : memref<80xf32, #tpu.memory_space<vmem>>, vector<16xf32>,
    %dma_wait3A = arith.constant 0 : i32
    %dma_wait3A_89 = tpu.memref_slice %arg3[%dma_wait3A] : memref<320000xi32, #tpu.memory_space<hbm>> -> memref<80xi32, #tpu.memory_space<hbm>>
    %dma_wait3A_90 = arith.constant 0 : i32
    %dma_wait3A_91 = tpu.memref_slice %arg3[%dma_wait3A_90] : memref<320000xi32, #tpu.memory_space<hbm>> -> memref<80xi32, #tpu.memory_space<hbm>>
    tpu.wait_dma2 semaphore(%arg31 : memref<!tpu.dma_semaphore, #tpu.memory_space<semaphore_mem>>) src(%dma_wait3A_91 : memref<80xi32, #tpu.memory_space<hbm>>) dst(%arg9 : memref<80xi32, #tpu.memory_space<vmem>>)
    %dma_start3A_92 = arith.constant 0 : i32
    %dma_start3A_93 = arith.constant 0 : i32
    %dma_start3A_94 = tpu.memref_slice %arg2[%dma_start3A_92, %dma_start3A_93] : memref<10000x128xf32, #tpu.memory_space<hbm>> -> memref<10000x128xf32, #tpu.memory_space<hbm>>
    tpu.enqueue_indirect_dma source(%dma_start3A_94 : memref<10000x128xf32, #tpu.memory_space<hbm>>) target(%arg17 : memref<80x128xf32, #tpu.memory_space<vmem>>) offsets(%arg9 : memref<80xi32, #tpu.memory_space<vmem>>) semaphore(%arg23 : memref<!tpu.dma_semaphore, #tpu.memory_space<semaphore_mem>>)
    %dma_wait3A_95 = arith.constant 0 : i32
    %dma_wait3A_96 = tpu.memref_slice %arg3[%dma_wait3A_95] : memref<320000xi32, #tpu.memory_space<hbm>> -> memref<80xi32, #tpu.memory_space<hbm>>
    %dma_wait3A_97 = arith.constant 0 : i32
    %dma_wait3A_98 = tpu.memref_slice %arg3[%dma_wait3A_97] : memref<320000xi32, #tpu.memory_space<hbm>> -> memref<80xi32, #tpu.memory_space<hbm>>
    tpu.wait_dma2 semaphore(%arg32 : memref<!tpu.dma_semaphore, #tpu.memory_space<semaphore_mem>>) src(%dma_wait3A_98 : memref<80xi32, #tpu.memory_space<hbm>>) dst(%arg11 : memref<80xi32, #tpu.memory_space<vmem>>)
    %dma_start3A_99 = arith.constant 0 : i32
    %dma_start3A_100 = arith.constant 0 : i32
    %dma_start3A_101 = tpu.memref_slice %arg2[%dma_start3A_99, %dma_start3A_100] : memref<10000x128xf32, #tpu.memory_space<hbm>> -> memref<10000x128xf32, #tpu.memory_space<hbm>>
    tpu.enqueue_indirect_dma source(%dma_start3A_101 : memref<10000x128xf32, #tpu.memory_space<hbm>>) target(%arg18 : memref<80x128xf32, #tpu.memory_space<vmem>>) offsets(%arg11 : memref<80xi32, #tpu.memory_space<vmem>>) semaphore(%arg24 : memref<!tpu.dma_semaphore, #tpu.memory_space<semaphore_mem>>)
    %dma_wait3A_102 = arith.constant 0 : i32
    %dma_wait3A_103 = tpu.memref_slice %arg3[%dma_wait3A_102] : memref<320000xi32, #tpu.memory_space<hbm>> -> memref<80xi32, #tpu.memory_space<hbm>>
    %dma_wait3A_104 = arith.constant 0 : i32
    %dma_wait3A_105 = tpu.memref_slice %arg3[%dma_wait3A_104] : memref<320000xi32, #tpu.memory_space<hbm>> -> memref<80xi32, #tpu.memory_space<hbm>>
    tpu.wait_dma2 semaphore(%arg33 : memref<!tpu.dma_semaphore, #tpu.memory_space<semaphore_mem>>) src(%dma_wait3A_105 : memref<80xi32, #tpu.memory_space<hbm>>) dst(%arg13 : memref<80xi32, #tpu.memory_space<vmem>>)
    %dma_start3A_106 = arith.constant 0 : i32
    %dma_start3A_107 = arith.constant 0 : i32
    %dma_start3A_108 = tpu.memref_slice %arg2[%dma_start3A_106, %dma_start3A_107] : memref<10000x128xf32, #tpu.memory_space<hbm>> -> memref<10000x128xf32, #tpu.memory_space<hbm>>
    tpu.enqueue_indirect_dma source(%dma_start3A_108 : memref<10000x128xf32, #tpu.memory_space<hbm>>) target(%arg19 : memref<80x128xf32, #tpu.memory_space<vmem>>) offsets(%arg13 : memref<80xi32, #tpu.memory_space<vmem>>) semaphore(%arg25 : memref<!tpu.dma_semaphore, #tpu.memory_space<semaphore_mem>>)
    %barrier3A = arith.constant 0 : index
    tpu.barrier barrier_id(%barrier3A)
    %dma_wait3A_109 = arith.constant 0 : i32
    %dma_wait3A_110 = arith.constant 0 : i32
    %dma_wait3A_111 = tpu.memref_slice %arg2[%dma_wait3A_109, %dma_wait3A_110] : memref<10000x128xf32, #tpu.memory_space<hbm>> -> memref<10000x128xf32, #tpu.memory_space<hbm>>
    tpu.wait_indirect_dma semaphore(%arg23 : memref<!tpu.dma_semaphore, #tpu.memory_space<semaphore_mem>>) src(%dma_wait3A_111 : memref<10000x128xf32, #tpu.memory_space<hbm>>) dst(%arg17 : memref<80x128xf32, #tpu.memory_space<vmem>>)
    %dma_wait3A_112 = arith.constant 0 : i32
    %dma_wait3A_113 = tpu.memref_slice %arg4[%dma_wait3A_112] : memref<320000xi32, #tpu.memory_space<hbm>> -> memref<80xi32, #tpu.memory_space<hbm>>
    %dma_wait3A_114 = arith.constant 0 : i32
    %dma_wait3A_115 = tpu.memref_slice %arg4[%dma_wait3A_114] : memref<320000xi32, #tpu.memory_space<hbm>> -> memref<80xi32, #tpu.memory_space<hbm>>
    tpu.wait_dma2 semaphore(%arg35 : memref<!tpu.dma_semaphore, #tpu.memory_space<semaphore_mem>>) src(%dma_wait3A_115 : memref<80xi32, #tpu.memory_space<hbm>>) dst(%arg10 : memref<80xi32, #tpu.memory_space<vmem>>)
    %dma_start3A_116 = arith.constant 0 : i32
    %dma_start3A_117 = arith.constant 0 : i32
    %dma_start3A_118 = tpu.memref_slice %arg7[%dma_start3A_116, %dma_start3A_117] : memref<10032x128xf32, #tpu.memory_space<vmem_shared>> -> memref<10032x128xf32, #tpu.memory_space<vmem_shared>>
    tpu.enqueue_indirect_dma source(%arg17 : memref<80x128xf32, #tpu.memory_space<vmem>>) target(%dma_start3A_118 : memref<10032x128xf32, #tpu.memory_space<vmem_shared>>) offsets(%arg10 : memref<80xi32, #tpu.memory_space<vmem>>) semaphore(%arg27 : memref<!tpu.dma_semaphore, #tpu.memory_space<semaphore_mem>>) {add = true}
    %dma_start3A_119 = arith.constant 0 : i32
    %dma_start3A_120 = tpu.memref_slice %arg8[%dma_start3A_119] : memref<10032xf32, #tpu.memory_space<vmem_shared>> -> memref<10032xf32, #tpu.memory_space<vmem_shared>>
    tpu.enqueue_indirect_dma source(%arg21 : memref<80xf32, #tpu.memory_space<vmem>>) target(%dma_start3A_120 : memref<10032xf32, #tpu.memory_space<vmem_shared>>) offsets(%arg10 : memref<80xi32, #tpu.memory_space<vmem>>) semaphore(%arg27 : memref<!tpu.dma_semaphore, #tpu.memory_space<semaphore_mem>>) {add = true}
    %add3A_121 = arith.constant 240 : i32
    %add3A_122 = arith.addi %mul3A_2, %add3A_121 : i32
    %multiple_of3A_123 = tpu.assume_multiple %add3A_122, 8 : i32
    %dma_start3A_124 = tpu.memref_slice %arg4[%multiple_of3A_123] : memref<320000xi32, #tpu.memory_space<hbm>> -> memref<80xi32, #tpu.memory_space<hbm>>
    %dma_start3A_125 = tpu.memref_slice %arg4[%multiple_of3A_123] : memref<320000xi32, #tpu.memory_space<hbm>> -> memref<80xi32, #tpu.memory_space<hbm>>
    tpu.enqueue_dma source(%dma_start3A_125 : memref<80xi32, #tpu.memory_space<hbm>>) target(%arg16 : memref<80xi32, #tpu.memory_space<vmem>>) target_semaphore(%arg38 : memref<!tpu.dma_semaphore, #tpu.memory_space<semaphore_mem>>)
    %dma_wait3A_126 = arith.constant 0 : i32
    %dma_wait3A_127 = tpu.memref_slice %arg3[%dma_wait3A_126] : memref<320000xi32, #tpu.memory_space<hbm>> -> memref<80xi32, #tpu.memory_space<hbm>>
    %dma_wait3A_128 = arith.constant 0 : i32
    %dma_wait3A_129 = tpu.memref_slice %arg3[%dma_wait3A_128] : memref<320000xi32, #tpu.memory_space<hbm>> -> memref<80xi32, #tpu.memory_space<hbm>>
    tpu.wait_dma2 semaphore(%arg34 : memref<!tpu.dma_semaphore, #tpu.memory_space<semaphore_mem>>) src(%dma_wait3A_129 : memref<80xi32, #tpu.memory_space<hbm>>) dst(%arg15 : memref<80xi32, #tpu.memory_space<vmem>>)
    %dma_start3A_130 = arith.constant 0 : i32
    %dma_start3A_131 = arith.constant 0 : i32
    %dma_start3A_132 = tpu.memref_slice %arg2[%dma_start3A_130, %dma_start3A_131] : memref<10000x128xf32, #tpu.memory_space<hbm>> -> memref<10000x128xf32, #tpu.memory_space<hbm>>
    tpu.enqueue_indirect_dma source(%dma_start3A_132 : memref<10000x128xf32, #tpu.memory_space<hbm>>) target(%arg20 : memref<80x128xf32, #tpu.memory_space<vmem>>) offsets(%arg15 : memref<80xi32, #tpu.memory_space<vmem>>) semaphore(%arg26 : memref<!tpu.dma_semaphore, #tpu.memory_space<semaphore_mem>>)
    %add3A_133 = arith.constant 320 : i32
    %add3A_134 = arith.addi %mul3A_2, %add3A_133 : i32
    %multiple_of3A_135 = tpu.assume_multiple %add3A_134, 8 : i32
    %dma_start3A_136 = tpu.memref_slice %arg3[%multiple_of3A_135] : memref<320000xi32, #tpu.memory_space<hbm>> -> memref<80xi32, #tpu.memory_space<hbm>>
    %dma_start3A_137 = tpu.memref_slice %arg3[%multiple_of3A_135] : memref<320000xi32, #tpu.memory_space<hbm>> -> memref<80xi32, #tpu.memory_space<hbm>>
    tpu.enqueue_dma source(%dma_start3A_137 : memref<80xi32, #tpu.memory_space<hbm>>) target(%arg9 : memref<80xi32, #tpu.memory_space<vmem>>) target_semaphore(%arg31 : memref<!tpu.dma_semaphore, #tpu.memory_space<semaphore_mem>>)
    %scan3A_138 = arith.constant 0 : i32
    %scan3A_139 = arith.constant 0 : i32
    %scan3A_140 = arith.constant 30 : i32
    %scan3A_141 = arith.addi %scan3A_139, %scan3A_140 : i32
    %scan3A_142 = arith.constant 1 : i32
    scf.for %scan3A_243 = %scan3A_139 to %scan3A_141 step %scan3A_142  : i32 {
      %mul3A_244 = arith.constant 4 : i32
      %mul3A_245 = arith.muli %scan3A_243, %mul3A_244 : i32
      %add3A_246 = arith.constant 1 : i32
      %add3A_247 = arith.addi %mul3A_245, %add3A_246 : i32
      %dma_wait3A_248 = arith.constant 0 : i32
      %dma_wait3A_249 = arith.constant 0 : i32
      %dma_wait3A_250 = tpu.memref_slice %arg2[%dma_wait3A_248, %dma_wait3A_249] : memref<10000x128xf32, #tpu.memory_space<hbm>> -> memref<10000x128xf32, #tpu.memory_space<hbm>>
      tpu.wait_indirect_dma semaphore(%arg24 : memref<!tpu.dma_semaphore, #tpu.memory_space<semaphore_mem>>) src(%dma_wait3A_250 : memref<10000x128xf32, #tpu.memory_space<hbm>>) dst(%arg18 : memref<80x128xf32, #tpu.memory_space<vmem>>)
      %dma_wait3A_251 = arith.constant 0 : i32
      %dma_wait3A_252 = tpu.memref_slice %arg4[%dma_wait3A_251] : memref<320000xi32, #tpu.memory_space<hbm>> -> memref<80xi32, #tpu.memory_space<hbm>>
      %dma_wait3A_253 = arith.constant 0 : i32
      %dma_wait3A_254 = tpu.memref_slice %arg4[%dma_wait3A_253] : memref<320000xi32, #tpu.memory_space<hbm>> -> memref<80xi32, #tpu.memory_space<hbm>>
      tpu.wait_dma2 semaphore(%arg36 : memref<!tpu.dma_semaphore, #tpu.memory_space<semaphore_mem>>) src(%dma_wait3A_254 : memref<80xi32, #tpu.memory_space<hbm>>) dst(%arg12 : memref<80xi32, #tpu.memory_space<vmem>>)
      %dma_start3A_255 = arith.constant 0 : i32
      %dma_start3A_256 = arith.constant 0 : i32
      %dma_start3A_257 = tpu.memref_slice %arg7[%dma_start3A_255, %dma_start3A_256] : memref<10032x128xf32, #tpu.memory_space<vmem_shared>> -> memref<10032x128xf32, #tpu.memory_space<vmem_shared>>
      tpu.enqueue_indirect_dma source(%arg18 : memref<80x128xf32, #tpu.memory_space<vmem>>) target(%dma_start3A_257 : memref<10032x128xf32, #tpu.memory_space<vmem_shared>>) offsets(%arg12 : memref<80xi32, #tpu.memory_space<vmem>>) semaphore(%arg28 : memref<!tpu.dma_semaphore, #tpu.memory_space<semaphore_mem>>) {add = true}
      %dma_start3A_258 = arith.constant 0 : i32
      %dma_start3A_259 = tpu.memref_slice %arg8[%dma_start3A_258] : memref<10032xf32, #tpu.memory_space<vmem_shared>> -> memref<10032xf32, #tpu.memory_space<vmem_shared>>
      tpu.enqueue_indirect_dma source(%arg21 : memref<80xf32, #tpu.memory_space<vmem>>) target(%dma_start3A_259 : memref<10032xf32, #tpu.memory_space<vmem_shared>>) offsets(%arg12 : memref<80xi32, #tpu.memory_space<vmem>>) semaphore(%arg28 : memref<!tpu.dma_semaphore, #tpu.memory_space<semaphore_mem>>) {add = true}
      %dma_wait3A_260 = arith.constant 0 : i32
      %dma_wait3A_261 = arith.constant 0 : i32
      %dma_wait3A_262 = tpu.memref_slice %arg7[%dma_wait3A_260, %dma_wait3A_261] : memref<10032x128xf32, #tpu.memory_space<vmem_shared>> -> memref<10032x128xf32, #tpu.memory_space<vmem_shared>>
      tpu.wait_indirect_dma semaphore(%arg27 : memref<!tpu.dma_semaphore, #tpu.memory_space<semaphore_mem>>) src(%arg17 : memref<80x128xf32, #tpu.memory_space<vmem>>) dst(%dma_wait3A_262 : memref<10032x128xf32, #tpu.memory_space<vmem_shared>>)
      %dma_wait3A_263 = arith.constant 0 : i32
      %dma_wait3A_264 = tpu.memref_slice %arg8[%dma_wait3A_263] : memref<10032xf32, #tpu.memory_space<vmem_shared>> -> memref<10032xf32, #tpu.memory_space<vmem_shared>>
      tpu.wait_indirect_dma semaphore(%arg27 : memref<!tpu.dma_semaphore, #tpu.memory_space<semaphore_mem>>) src(%arg21 : memref<80xf32, #tpu.memory_space<vmem>>) dst(%dma_wait3A_264 : memref<10032xf32, #tpu.memory_space<vmem_shared>>)
      %add3A_265 = arith.constant 3 : i32
      %add3A_266 = arith.addi %add3A_247, %add3A_265 : i32
      %mul3A_267 = arith.constant 80 : i32
      %mul3A_268 = arith.muli %add3A_266, %mul3A_267 : i32
      %add3A_269 = arith.addi %mul3A_2, %mul3A_268 : i32
      %multiple_of3A_270 = tpu.assume_multiple %add3A_269, 8 : i32
      %dma_start3A_271 = tpu.memref_slice %arg4[%multiple_of3A_270] : memref<320000xi32, #tpu.memory_space<hbm>> -> memref<80xi32, #tpu.memory_space<hbm>>
      %dma_start3A_272 = tpu.memref_slice %arg4[%multiple_of3A_270] : memref<320000xi32, #tpu.memory_space<hbm>> -> memref<80xi32, #tpu.memory_space<hbm>>
      tpu.enqueue_dma source(%dma_start3A_272 : memref<80xi32, #tpu.memory_space<hbm>>) target(%arg10 : memref<80xi32, #tpu.memory_space<vmem>>) target_semaphore(%arg35 : memref<!tpu.dma_semaphore, #tpu.memory_space<semaphore_mem>>)
      %dma_wait3A_273 = arith.constant 0 : i32
      %dma_wait3A_274 = tpu.memref_slice %arg3[%dma_wait3A_273] : memref<320000xi32, #tpu.memory_space<hbm>> -> memref<80xi32, #tpu.memory_space<hbm>>
      %dma_wait3A_275 = arith.constant 0 : i32
      %dma_wait3A_276 = tpu.memref_slice %arg3[%dma_wait3A_275] : memref<320000xi32, #tpu.memory_space<hbm>> -> memref<80xi32, #tpu.memory_space<hbm>>
      tpu.wait_dma2 semaphore(%arg31 : memref<!tpu.dma_semaphore, #tpu.memory_space<semaphore_mem>>) src(%dma_wait3A_276 : memref<80xi32, #tpu.memory_space<hbm>>) dst(%arg9 : memref<80xi32, #tpu.memory_space<vmem>>)
      %dma_start3A_277 = arith.constant 0 : i32
      %dma_start3A_278 = arith.constant 0 : i32
      %dma_start3A_279 = tpu.memref_slice %arg2[%dma_start3A_277, %dma_start3A_278] : memref<10000x128xf32, #tpu.memory_space<hbm>> -> memref<10000x128xf32, #tpu.memory_space<hbm>>
      tpu.enqueue_indirect_dma source(%dma_start3A_279 : memref<10000x128xf32, #tpu.memory_space<hbm>>) target(%arg17 : memref<80x128xf32, #tpu.memory_space<vmem>>) offsets(%arg9 : memref<80xi32, #tpu.memory_space<vmem>>) semaphore(%arg23 : memref<!tpu.dma_semaphore, #tpu.memory_space<semaphore_mem>>)
      %add3A_280 = arith.constant 4 : i32
      %add3A_281 = arith.addi %add3A_247, %add3A_280 : i32
      %mul3A_282 = arith.constant 80 : i32
      %mul3A_283 = arith.muli %add3A_281, %mul3A_282 : i32
      %add3A_284 = arith.addi %mul3A_2, %mul3A_283 : i32
      %multiple_of3A_285 = tpu.assume_multiple %add3A_284, 8 : i32
      %dma_start3A_286 = tpu.memref_slice %arg3[%multiple_of3A_285] : memref<320000xi32, #tpu.memory_space<hbm>> -> memref<80xi32, #tpu.memory_space<hbm>>
      %dma_start3A_287 = tpu.memref_slice %arg3[%multiple_of3A_285] : memref<320000xi32, #tpu.memory_space<hbm>> -> memref<80xi32, #tpu.memory_space<hbm>>
      tpu.enqueue_dma source(%dma_start3A_287 : memref<80xi32, #tpu.memory_space<hbm>>) target(%arg11 : memref<80xi32, #tpu.memory_space<vmem>>) target_semaphore(%arg32 : memref<!tpu.dma_semaphore, #tpu.memory_space<semaphore_mem>>)
      %add3A_288 = arith.constant 2 : i32
      %add3A_289 = arith.addi %mul3A_245, %add3A_288 : i32
      %dma_wait3A_290 = arith.constant 0 : i32
      %dma_wait3A_291 = arith.constant 0 : i32
      %dma_wait3A_292 = tpu.memref_slice %arg2[%dma_wait3A_290, %dma_wait3A_291] : memref<10000x128xf32, #tpu.memory_space<hbm>> -> memref<10000x128xf32, #tpu.memory_space<hbm>>
      tpu.wait_indirect_dma semaphore(%arg25 : memref<!tpu.dma_semaphore, #tpu.memory_space<semaphore_mem>>) src(%dma_wait3A_292 : memref<10000x128xf32, #tpu.memory_space<hbm>>) dst(%arg19 : memref<80x128xf32, #tpu.memory_space<vmem>>)
      %dma_wait3A_293 = arith.constant 0 : i32
      %dma_wait3A_294 = tpu.memref_slice %arg4[%dma_wait3A_293] : memref<320000xi32, #tpu.memory_space<hbm>> -> memref<80xi32, #tpu.memory_space<hbm>>
      %dma_wait3A_295 = arith.constant 0 : i32
      %dma_wait3A_296 = tpu.memref_slice %arg4[%dma_wait3A_295] : memref<320000xi32, #tpu.memory_space<hbm>> -> memref<80xi32, #tpu.memory_space<hbm>>
      tpu.wait_dma2 semaphore(%arg37 : memref<!tpu.dma_semaphore, #tpu.memory_space<semaphore_mem>>) src(%dma_wait3A_296 : memref<80xi32, #tpu.memory_space<hbm>>) dst(%arg14 : memref<80xi32, #tpu.memory_space<vmem>>)
      %dma_start3A_297 = arith.constant 0 : i32
      %dma_start3A_298 = arith.constant 0 : i32
      %dma_start3A_299 = tpu.memref_slice %arg7[%dma_start3A_297, %dma_start3A_298] : memref<10032x128xf32, #tpu.memory_space<vmem_shared>> -> memref<10032x128xf32, #tpu.memory_space<vmem_shared>>
      tpu.enqueue_indirect_dma source(%arg19 : memref<80x128xf32, #tpu.memory_space<vmem>>) target(%dma_start3A_299 : memref<10032x128xf32, #tpu.memory_space<vmem_shared>>) offsets(%arg14 : memref<80xi32, #tpu.memory_space<vmem>>) semaphore(%arg29 : memref<!tpu.dma_semaphore, #tpu.memory_space<semaphore_mem>>) {add = true}
      %dma_start3A_300 = arith.constant 0 : i32
      %dma_start3A_301 = tpu.memref_slice %arg8[%dma_start3A_300] : memref<10032xf32, #tpu.memory_space<vmem_shared>> -> memref<10032xf32, #tpu.memory_space<vmem_shared>>
      tpu.enqueue_indirect_dma source(%arg21 : memref<80xf32, #tpu.memory_space<vmem>>) target(%dma_start3A_301 : memref<10032xf32, #tpu.memory_space<vmem_shared>>) offsets(%arg14 : memref<80xi32, #tpu.memory_space<vmem>>) semaphore(%arg29 : memref<!tpu.dma_semaphore, #tpu.memory_space<semaphore_mem>>) {add = true}
      %dma_wait3A_302 = arith.constant 0 : i32
      %dma_wait3A_303 = arith.constant 0 : i32
      %dma_wait3A_304 = tpu.memref_slice %arg7[%dma_wait3A_302, %dma_wait3A_303] : memref<10032x128xf32, #tpu.memory_space<vmem_shared>> -> memref<10032x128xf32, #tpu.memory_space<vmem_shared>>
      tpu.wait_indirect_dma semaphore(%arg28 : memref<!tpu.dma_semaphore, #tpu.memory_space<semaphore_mem>>) src(%arg18 : memref<80x128xf32, #tpu.memory_space<vmem>>) dst(%dma_wait3A_304 : memref<10032x128xf32, #tpu.memory_space<vmem_shared>>)
      %dma_wait3A_305 = arith.constant 0 : i32
      %dma_wait3A_306 = tpu.memref_slice %arg8[%dma_wait3A_305] : memref<10032xf32, #tpu.memory_space<vmem_shared>> -> memref<10032xf32, #tpu.memory_space<vmem_shared>>
      tpu.wait_indirect_dma semaphore(%arg28 : memref<!tpu.dma_semaphore, #tpu.memory_space<semaphore_mem>>) src(%arg21 : memref<80xf32, #tpu.memory_space<vmem>>) dst(%dma_wait3A_306 : memref<10032xf32, #tpu.memory_space<vmem_shared>>)
      %add3A_307 = arith.constant 3 : i32
      %add3A_308 = arith.addi %add3A_289, %add3A_307 : i32
      %mul3A_309 = arith.constant 80 : i32
      %mul3A_310 = arith.muli %add3A_308, %mul3A_309 : i32
      %add3A_311 = arith.addi %mul3A_2, %mul3A_310 : i32
      %multiple_of3A_312 = tpu.assume_multiple %add3A_311, 8 : i32
      %dma_start3A_313 = tpu.memref_slice %arg4[%multiple_of3A_312] : memref<320000xi32, #tpu.memory_space<hbm>> -> memref<80xi32, #tpu.memory_space<hbm>>
      %dma_start3A_314 = tpu.memref_slice %arg4[%multiple_of3A_312] : memref<320000xi32, #tpu.memory_space<hbm>> -> memref<80xi32, #tpu.memory_space<hbm>>
      tpu.enqueue_dma source(%dma_start3A_314 : memref<80xi32, #tpu.memory_space<hbm>>) target(%arg12 : memref<80xi32, #tpu.memory_space<vmem>>) target_semaphore(%arg36 : memref<!tpu.dma_semaphore, #tpu.memory_space<semaphore_mem>>)
      %dma_wait3A_315 = arith.constant 0 : i32
      %dma_wait3A_316 = tpu.memref_slice %arg3[%dma_wait3A_315] : memref<320000xi32, #tpu.memory_space<hbm>> -> memref<80xi32, #tpu.memory_space<hbm>>
      %dma_wait3A_317 = arith.constant 0 : i32
      %dma_wait3A_318 = tpu.memref_slice %arg3[%dma_wait3A_317] : memref<320000xi32, #tpu.memory_space<hbm>> -> memref<80xi32, #tpu.memory_space<hbm>>
      tpu.wait_dma2 semaphore(%arg32 : memref<!tpu.dma_semaphore, #tpu.memory_space<semaphore_mem>>) src(%dma_wait3A_318 : memref<80xi32, #tpu.memory_space<hbm>>) dst(%arg11 : memref<80xi32, #tpu.memory_space<vmem>>)
      %dma_start3A_319 = arith.constant 0 : i32
      %dma_start3A_320 = arith.constant 0 : i32
      %dma_start3A_321 = tpu.memref_slice %arg2[%dma_start3A_319, %dma_start3A_320] : memref<10000x128xf32, #tpu.memory_space<hbm>> -> memref<10000x128xf32, #tpu.memory_space<hbm>>
      tpu.enqueue_indirect_dma source(%dma_start3A_321 : memref<10000x128xf32, #tpu.memory_space<hbm>>) target(%arg18 : memref<80x128xf32, #tpu.memory_space<vmem>>) offsets(%arg11 : memref<80xi32, #tpu.memory_space<vmem>>) semaphore(%arg24 : memref<!tpu.dma_semaphore, #tpu.memory_space<semaphore_mem>>)
      %add3A_322 = arith.constant 4 : i32
      %add3A_323 = arith.addi %add3A_289, %add3A_322 : i32
      %mul3A_324 = arith.constant 80 : i32
      %mul3A_325 = arith.muli %add3A_323, %mul3A_324 : i32
      %add3A_326 = arith.addi %mul3A_2, %mul3A_325 : i32
      %multiple_of3A_327 = tpu.assume_multiple %add3A_326, 8 : i32
      %dma_start3A_328 = tpu.memref_slice %arg3[%multiple_of3A_327] : memref<320000xi32, #tpu.memory_space<hbm>> -> memref<80xi32, #tpu.memory_space<hbm>>
      %dma_start3A_329 = tpu.memref_slice %arg3[%multiple_of3A_327] : memref<320000xi32, #tpu.memory_space<hbm>> -> memref<80xi32, #tpu.memory_space<hbm>>
      tpu.enqueue_dma source(%dma_start3A_329 : memref<80xi32, #tpu.memory_space<hbm>>) target(%arg13 : memref<80xi32, #tpu.memory_space<vmem>>) target_semaphore(%arg33 : memref<!tpu.dma_semaphore, #tpu.memory_space<semaphore_mem>>)
      %add3A_330 = arith.constant 3 : i32
      %add3A_331 = arith.addi %mul3A_245, %add3A_330 : i32
      %dma_wait3A_332 = arith.constant 0 : i32
      %dma_wait3A_333 = arith.constant 0 : i32
      %dma_wait3A_334 = tpu.memref_slice %arg2[%dma_wait3A_332, %dma_wait3A_333] : memref<10000x128xf32, #tpu.memory_space<hbm>> -> memref<10000x128xf32, #tpu.memory_space<hbm>>
      tpu.wait_indirect_dma semaphore(%arg26 : memref<!tpu.dma_semaphore, #tpu.memory_space<semaphore_mem>>) src(%dma_wait3A_334 : memref<10000x128xf32, #tpu.memory_space<hbm>>) dst(%arg20 : memref<80x128xf32, #tpu.memory_space<vmem>>)
      %dma_wait3A_335 = arith.constant 0 : i32
      %dma_wait3A_336 = tpu.memref_slice %arg4[%dma_wait3A_335] : memref<320000xi32, #tpu.memory_space<hbm>> -> memref<80xi32, #tpu.memory_space<hbm>>
      %dma_wait3A_337 = arith.constant 0 : i32
      %dma_wait3A_338 = tpu.memref_slice %arg4[%dma_wait3A_337] : memref<320000xi32, #tpu.memory_space<hbm>> -> memref<80xi32, #tpu.memory_space<hbm>>
      tpu.wait_dma2 semaphore(%arg38 : memref<!tpu.dma_semaphore, #tpu.memory_space<semaphore_mem>>) src(%dma_wait3A_338 : memref<80xi32, #tpu.memory_space<hbm>>) dst(%arg16 : memref<80xi32, #tpu.memory_space<vmem>>)
      %dma_start3A_339 = arith.constant 0 : i32
      %dma_start3A_340 = arith.constant 0 : i32
      %dma_start3A_341 = tpu.memref_slice %arg7[%dma_start3A_339, %dma_start3A_340] : memref<10032x128xf32, #tpu.memory_space<vmem_shared>> -> memref<10032x128xf32, #tpu.memory_space<vmem_shared>>
      tpu.enqueue_indirect_dma source(%arg20 : memref<80x128xf32, #tpu.memory_space<vmem>>) target(%dma_start3A_341 : memref<10032x128xf32, #tpu.memory_space<vmem_shared>>) offsets(%arg16 : memref<80xi32, #tpu.memory_space<vmem>>) semaphore(%arg30 : memref<!tpu.dma_semaphore, #tpu.memory_space<semaphore_mem>>) {add = true}
      %dma_start3A_342 = arith.constant 0 : i32
      %dma_start3A_343 = tpu.memref_slice %arg8[%dma_start3A_342] : memref<10032xf32, #tpu.memory_space<vmem_shared>> -> memref<10032xf32, #tpu.memory_space<vmem_shared>>
      tpu.enqueue_indirect_dma source(%arg21 : memref<80xf32, #tpu.memory_space<vmem>>) target(%dma_start3A_343 : memref<10032xf32, #tpu.memory_space<vmem_shared>>) offsets(%arg16 : memref<80xi32, #tpu.memory_space<vmem>>) semaphore(%arg30 : memref<!tpu.dma_semaphore, #tpu.memory_space<semaphore_mem>>) {add = true}
      %dma_wait3A_344 = arith.constant 0 : i32
      %dma_wait3A_345 = arith.constant 0 : i32
      %dma_wait3A_346 = tpu.memref_slice %arg7[%dma_wait3A_344, %dma_wait3A_345] : memref<10032x128xf32, #tpu.memory_space<vmem_shared>> -> memref<10032x128xf32, #tpu.memory_space<vmem_shared>>
      tpu.wait_indirect_dma semaphore(%arg29 : memref<!tpu.dma_semaphore, #tpu.memory_space<semaphore_mem>>) src(%arg19 : memref<80x128xf32, #tpu.memory_space<vmem>>) dst(%dma_wait3A_346 : memref<10032x128xf32, #tpu.memory_space<vmem_shared>>)
      %dma_wait3A_347 = arith.constant 0 : i32
      %dma_wait3A_348 = tpu.memref_slice %arg8[%dma_wait3A_347] : memref<10032xf32, #tpu.memory_space<vmem_shared>> -> memref<10032xf32, #tpu.memory_space<vmem_shared>>
      tpu.wait_indirect_dma semaphore(%arg29 : memref<!tpu.dma_semaphore, #tpu.memory_space<semaphore_mem>>) src(%arg21 : memref<80xf32, #tpu.memory_space<vmem>>) dst(%dma_wait3A_348 : memref<10032xf32, #tpu.memory_space<vmem_shared>>)
      %add3A_349 = arith.constant 3 : i32
      %add3A_350 = arith.addi %add3A_331, %add3A_349 : i32
      %mul3A_351 = arith.constant 80 : i32
      %mul3A_352 = arith.muli %add3A_350, %mul3A_351 : i32
      %add3A_353 = arith.addi %mul3A_2, %mul3A_352 : i32
      %multiple_of3A_354 = tpu.assume_multiple %add3A_353, 8 : i32
      %dma_start3A_355 = tpu.memref_slice %arg4[%multiple_of3A_354] : memref<320000xi32, #tpu.memory_space<hbm>> -> memref<80xi32, #tpu.memory_space<hbm>>
      %dma_start3A_356 = tpu.memref_slice %arg4[%multiple_of3A_354] : memref<320000xi32, #tpu.memory_space<hbm>> -> memref<80xi32, #tpu.memory_space<hbm>>
      tpu.enqueue_dma source(%dma_start3A_356 : memref<80xi32, #tpu.memory_space<hbm>>) target(%arg14 : memref<80xi32, #tpu.memory_space<vmem>>) target_semaphore(%arg37 : memref<!tpu.dma_semaphore, #tpu.memory_space<semaphore_mem>>)
      %dma_wait3A_357 = arith.constant 0 : i32
      %dma_wait3A_358 = tpu.memref_slice %arg3[%dma_wait3A_357] : memref<320000xi32, #tpu.memory_space<hbm>> -> memref<80xi32, #tpu.memory_space<hbm>>
      %dma_wait3A_359 = arith.constant 0 : i32
      %dma_wait3A_360 = tpu.memref_slice %arg3[%dma_wait3A_359] : memref<320000xi32, #tpu.memory_space<hbm>> -> memref<80xi32, #tpu.memory_space<hbm>>
      tpu.wait_dma2 semaphore(%arg33 : memref<!tpu.dma_semaphore, #tpu.memory_space<semaphore_mem>>) src(%dma_wait3A_360 : memref<80xi32, #tpu.memory_space<hbm>>) dst(%arg13 : memref<80xi32, #tpu.memory_space<vmem>>)
      %dma_start3A_361 = arith.constant 0 : i32
      %dma_start3A_362 = arith.constant 0 : i32
      %dma_start3A_363 = tpu.memref_slice %arg2[%dma_start3A_361, %dma_start3A_362] : memref<10000x128xf32, #tpu.memory_space<hbm>> -> memref<10000x128xf32, #tpu.memory_space<hbm>>
      tpu.enqueue_indirect_dma source(%dma_start3A_363 : memref<10000x128xf32, #tpu.memory_space<hbm>>) target(%arg19 : memref<80x128xf32, #tpu.memory_space<vmem>>) offsets(%arg13 : memref<80xi32, #tpu.memory_space<vmem>>) semaphore(%arg25 : memref<!tpu.dma_semaphore, #tpu.memory_space<semaphore_mem>>)
      %add3A_364 = arith.constant 4 : i32
      %add3A_365 = arith.addi %add3A_331, %add3A_364 : i32
      %mul3A_366 = arith.constant 80 : i32
      %mul3A_367 = arith.muli %add3A_365, %mul3A_366 : i32
      %add3A_368 = arith.addi %mul3A_2, %mul3A_367 : i32
      %multiple_of3A_369 = tpu.assume_multiple %add3A_368, 8 : i32
      %dma_start3A_370 = tpu.memref_slice %arg3[%multiple_of3A_369] : memref<320000xi32, #tpu.memory_space<hbm>> -> memref<80xi32, #tpu.memory_space<hbm>>
      %dma_start3A_371 = tpu.memref_slice %arg3[%multiple_of3A_369] : memref<320000xi32, #tpu.memory_space<hbm>> -> memref<80xi32, #tpu.memory_space<hbm>>
      tpu.enqueue_dma source(%dma_start3A_371 : memref<80xi32, #tpu.memory_space<hbm>>) target(%arg15 : memref<80xi32, #tpu.memory_space<vmem>>) target_semaphore(%arg34 : memref<!tpu.dma_semaphore, #tpu.memory_space<semaphore_mem>>)
      %add3A_372 = arith.constant 4 : i32
      %add3A_373 = arith.addi %mul3A_245, %add3A_372 : i32
      %dma_wait3A_374 = arith.constant 0 : i32
      %dma_wait3A_375 = arith.constant 0 : i32
      %dma_wait3A_376 = tpu.memref_slice %arg2[%dma_wait3A_374, %dma_wait3A_375] : memref<10000x128xf32, #tpu.memory_space<hbm>> -> memref<10000x128xf32, #tpu.memory_space<hbm>>
      tpu.wait_indirect_dma semaphore(%arg23 : memref<!tpu.dma_semaphore, #tpu.memory_space<semaphore_mem>>) src(%dma_wait3A_376 : memref<10000x128xf32, #tpu.memory_space<hbm>>) dst(%arg17 : memref<80x128xf32, #tpu.memory_space<vmem>>)
      %dma_wait3A_377 = arith.constant 0 : i32
      %dma_wait3A_378 = tpu.memref_slice %arg4[%dma_wait3A_377] : memref<320000xi32, #tpu.memory_space<hbm>> -> memref<80xi32, #tpu.memory_space<hbm>>
      %dma_wait3A_379 = arith.constant 0 : i32
      %dma_wait3A_380 = tpu.memref_slice %arg4[%dma_wait3A_379] : memref<320000xi32, #tpu.memory_space<hbm>> -> memref<80xi32, #tpu.memory_space<hbm>>
      tpu.wait_dma2 semaphore(%arg35 : memref<!tpu.dma_semaphore, #tpu.memory_space<semaphore_mem>>) src(%dma_wait3A_380 : memref<80xi32, #tpu.memory_space<hbm>>) dst(%arg10 : memref<80xi32, #tpu.memory_space<vmem>>)
      %dma_start3A_381 = arith.constant 0 : i32
      %dma_start3A_382 = arith.constant 0 : i32
      %dma_start3A_383 = tpu.memref_slice %arg7[%dma_start3A_381, %dma_start3A_382] : memref<10032x128xf32, #tpu.memory_space<vmem_shared>> -> memref<10032x128xf32, #tpu.memory_space<vmem_shared>>
      tpu.enqueue_indirect_dma source(%arg17 : memref<80x128xf32, #tpu.memory_space<vmem>>) target(%dma_start3A_383 : memref<10032x128xf32, #tpu.memory_space<vmem_shared>>) offsets(%arg10 : memref<80xi32, #tpu.memory_space<vmem>>) semaphore(%arg27 : memref<!tpu.dma_semaphore, #tpu.memory_space<semaphore_mem>>) {add = true}
      %dma_start3A_384 = arith.constant 0 : i32
      %dma_start3A_385 = tpu.memref_slice %arg8[%dma_start3A_384] : memref<10032xf32, #tpu.memory_space<vmem_shared>> -> memref<10032xf32, #tpu.memory_space<vmem_shared>>
      tpu.enqueue_indirect_dma source(%arg21 : memref<80xf32, #tpu.memory_space<vmem>>) target(%dma_start3A_385 : memref<10032xf32, #tpu.memory_space<vmem_shared>>) offsets(%arg10 : memref<80xi32, #tpu.memory_space<vmem>>) semaphore(%arg27 : memref<!tpu.dma_semaphore, #tpu.memory_space<semaphore_mem>>) {add = true}
      %dma_wait3A_386 = arith.constant 0 : i32
      %dma_wait3A_387 = arith.constant 0 : i32
      %dma_wait3A_388 = tpu.memref_slice %arg7[%dma_wait3A_386, %dma_wait3A_387] : memref<10032x128xf32, #tpu.memory_space<vmem_shared>> -> memref<10032x128xf32, #tpu.memory_space<vmem_shared>>
      tpu.wait_indirect_dma semaphore(%arg30 : memref<!tpu.dma_semaphore, #tpu.memory_space<semaphore_mem>>) src(%arg20 : memref<80x128xf32, #tpu.memory_space<vmem>>) dst(%dma_wait3A_388 : memref<10032x128xf32, #tpu.memory_space<vmem_shared>>)
      %dma_wait3A_389 = arith.constant 0 : i32
      %dma_wait3A_390 = tpu.memref_slice %arg8[%dma_wait3A_389] : memref<10032xf32, #tpu.memory_space<vmem_shared>> -> memref<10032xf32, #tpu.memory_space<vmem_shared>>
      tpu.wait_indirect_dma semaphore(%arg30 : memref<!tpu.dma_semaphore, #tpu.memory_space<semaphore_mem>>) src(%arg21 : memref<80xf32, #tpu.memory_space<vmem>>) dst(%dma_wait3A_390 : memref<10032xf32, #tpu.memory_space<vmem_shared>>)
      %add3A_391 = arith.constant 3 : i32
      %add3A_392 = arith.addi %add3A_373, %add3A_391 : i32
      %mul3A_393 = arith.constant 80 : i32
      %mul3A_394 = arith.muli %add3A_392, %mul3A_393 : i32
      %add3A_395 = arith.addi %mul3A_2, %mul3A_394 : i32
      %multiple_of3A_396 = tpu.assume_multiple %add3A_395, 8 : i32
      %dma_start3A_397 = tpu.memref_slice %arg4[%multiple_of3A_396] : memref<320000xi32, #tpu.memory_space<hbm>> -> memref<80xi32, #tpu.memory_space<hbm>>
      %dma_start3A_398 = tpu.memref_slice %arg4[%multiple_of3A_396] : memref<320000xi32, #tpu.memory_space<hbm>> -> memref<80xi32, #tpu.memory_space<hbm>>
      tpu.enqueue_dma source(%dma_start3A_398 : memref<80xi32, #tpu.memory_space<hbm>>) target(%arg16 : memref<80xi32, #tpu.memory_space<vmem>>) target_semaphore(%arg38 : memref<!tpu.dma_semaphore, #tpu.memory_space<semaphore_mem>>)
      %dma_wait3A_399 = arith.constant 0 : i32
      %dma_wait3A_400 = tpu.memref_slice %arg3[%dma_wait3A_399] : memref<320000xi32, #tpu.memory_space<hbm>> -> memref<80xi32, #tpu.memory_space<hbm>>
      %dma_wait3A_401 = arith.constant 0 : i32
      %dma_wait3A_402 = tpu.memref_slice %arg3[%dma_wait3A_401] : memref<320000xi32, #tpu.memory_space<hbm>> -> memref<80xi32, #tpu.memory_space<hbm>>
      tpu.wait_dma2 semaphore(%arg34 : memref<!tpu.dma_semaphore, #tpu.memory_space<semaphore_mem>>) src(%dma_wait3A_402 : memref<80xi32, #tpu.memory_space<hbm>>) dst(%arg15 : memref<80xi32, #tpu.memory_space<vmem>>)
      %dma_start3A_403 = arith.constant 0 : i32
      %dma_start3A_404 = arith.constant 0 : i32
      %dma_start3A_405 = tpu.memref_slice %arg2[%dma_start3A_403, %dma_start3A_404] : memref<10000x128xf32, #tpu.memory_space<hbm>> -> memref<10000x128xf32, #tpu.memory_space<hbm>>
      tpu.enqueue_indirect_dma source(%dma_start3A_405 : memref<10000x128xf32, #tpu.memory_space<hbm>>) target(%arg20 : memref<80x128xf32, #tpu.memory_space<vmem>>) offsets(%arg15 : memref<80xi32, #tpu.memory_space<vmem>>) semaphore(%arg26 : memref<!tpu.dma_semaphore, #tpu.memory_space<semaphore_mem>>)
      %add3A_406 = arith.constant 4 : i32
      %add3A_407 = arith.addi %add3A_373, %add3A_406 : i32
      %mul3A_408 = arith.constant 80 : i32
      %mul3A_409 = arith.muli %add3A_407, %mul3A_408 : i32
      %add3A_410 = arith.addi %mul3A_2, %mul3A_409 : i32
      %multiple_of3A_411 = tpu.assume_multiple %add3A_410, 8 : i32
      %dma_start3A_412 = tpu.memref_slice %arg3[%multiple_of3A_411] : memref<320000xi32, #tpu.memory_space<hbm>> -> memref<80xi32, #tpu.memory_space<hbm>>
      %dma_start3A_413 = tpu.memref_slice %arg3[%multiple_of3A_411] : memref<320000xi32, #tpu.memory_space<hbm>> -> memref<80xi32, #tpu.memory_space<hbm>>
      tpu.enqueue_dma source(%dma_start3A_413 : memref<80xi32, #tpu.memory_space<hbm>>) target(%arg9 : memref<80xi32, #tpu.memory_space<vmem>>) target_semaphore(%arg31 : memref<!tpu.dma_semaphore, #tpu.memory_space<semaphore_mem>>)
    }
    %scan3A_143 = arith.constant 30 : i32
    %dma_wait3A_144 = arith.constant 0 : i32
    %dma_wait3A_145 = arith.constant 0 : i32
    %dma_wait3A_146 = tpu.memref_slice %arg2[%dma_wait3A_144, %dma_wait3A_145] : memref<10000x128xf32, #tpu.memory_space<hbm>> -> memref<10000x128xf32, #tpu.memory_space<hbm>>
    tpu.wait_indirect_dma semaphore(%arg24 : memref<!tpu.dma_semaphore, #tpu.memory_space<semaphore_mem>>) src(%dma_wait3A_146 : memref<10000x128xf32, #tpu.memory_space<hbm>>) dst(%arg18 : memref<80x128xf32, #tpu.memory_space<vmem>>)
    %dma_wait3A_147 = arith.constant 0 : i32
    %dma_wait3A_148 = tpu.memref_slice %arg4[%dma_wait3A_147] : memref<320000xi32, #tpu.memory_space<hbm>> -> memref<80xi32, #tpu.memory_space<hbm>>
    %dma_wait3A_149 = arith.constant 0 : i32
    %dma_wait3A_150 = tpu.memref_slice %arg4[%dma_wait3A_149] : memref<320000xi32, #tpu.memory_space<hbm>> -> memref<80xi32, #tpu.memory_space<hbm>>
    tpu.wait_dma2 semaphore(%arg36 : memref<!tpu.dma_semaphore, #tpu.memory_space<semaphore_mem>>) src(%dma_wait3A_150 : memref<80xi32, #tpu.memory_space<hbm>>) dst(%arg12 : memref<80xi32, #tpu.memory_space<vmem>>)
    %dma_start3A_151 = arith.constant 0 : i32
    %dma_start3A_152 = arith.constant 0 : i32
    %dma_start3A_153 = tpu.memref_slice %arg7[%dma_start3A_151, %dma_start3A_152] : memref<10032x128xf32, #tpu.memory_space<vmem_shared>> -> memref<10032x128xf32, #tpu.memory_space<vmem_shared>>
    tpu.enqueue_indirect_dma source(%arg18 : memref<80x128xf32, #tpu.memory_space<vmem>>) target(%dma_start3A_153 : memref<10032x128xf32, #tpu.memory_space<vmem_shared>>) offsets(%arg12 : memref<80xi32, #tpu.memory_space<vmem>>) semaphore(%arg28 : memref<!tpu.dma_semaphore, #tpu.memory_space<semaphore_mem>>) {add = true}
    %dma_start3A_154 = arith.constant 0 : i32
    %dma_start3A_155 = tpu.memref_slice %arg8[%dma_start3A_154] : memref<10032xf32, #tpu.memory_space<vmem_shared>> -> memref<10032xf32, #tpu.memory_space<vmem_shared>>
    tpu.enqueue_indirect_dma source(%arg21 : memref<80xf32, #tpu.memory_space<vmem>>) target(%dma_start3A_155 : memref<10032xf32, #tpu.memory_space<vmem_shared>>) offsets(%arg12 : memref<80xi32, #tpu.memory_space<vmem>>) semaphore(%arg28 : memref<!tpu.dma_semaphore, #tpu.memory_space<semaphore_mem>>) {add = true}
    %dma_wait3A_156 = arith.constant 0 : i32
    %dma_wait3A_157 = arith.constant 0 : i32
    %dma_wait3A_158 = tpu.memref_slice %arg7[%dma_wait3A_156, %dma_wait3A_157] : memref<10032x128xf32, #tpu.memory_space<vmem_shared>> -> memref<10032x128xf32, #tpu.memory_space<vmem_shared>>
    tpu.wait_indirect_dma semaphore(%arg27 : memref<!tpu.dma_semaphore, #tpu.memory_space<semaphore_mem>>) src(%arg17 : memref<80x128xf32, #tpu.memory_space<vmem>>) dst(%dma_wait3A_158 : memref<10032x128xf32, #tpu.memory_space<vmem_shared>>)
    %dma_wait3A_159 = arith.constant 0 : i32
    %dma_wait3A_160 = tpu.memref_slice %arg8[%dma_wait3A_159] : memref<10032xf32, #tpu.memory_space<vmem_shared>> -> memref<10032xf32, #tpu.memory_space<vmem_shared>>
    tpu.wait_indirect_dma semaphore(%arg27 : memref<!tpu.dma_semaphore, #tpu.memory_space<semaphore_mem>>) src(%arg21 : memref<80xf32, #tpu.memory_space<vmem>>) dst(%dma_wait3A_160 : memref<10032xf32, #tpu.memory_space<vmem_shared>>)
    %add3A_161 = arith.constant 9920 : i32
    %add3A_162 = arith.addi %mul3A_2, %add3A_161 : i32
    %multiple_of3A_163 = tpu.assume_multiple %add3A_162, 8 : i32
    %dma_start3A_164 = tpu.memref_slice %arg4[%multiple_of3A_163] : memref<320000xi32, #tpu.memory_space<hbm>> -> memref<80xi32, #tpu.memory_space<hbm>>
    %dma_start3A_165 = tpu.memref_slice %arg4[%multiple_of3A_163] : memref<320000xi32, #tpu.memory_space<hbm>> -> memref<80xi32, #tpu.memory_space<hbm>>
    tpu.enqueue_dma source(%dma_start3A_165 : memref<80xi32, #tpu.memory_space<hbm>>) target(%arg10 : memref<80xi32, #tpu.memory_space<vmem>>) target_semaphore(%arg35 : memref<!tpu.dma_semaphore, #tpu.memory_space<semaphore_mem>>)
    %dma_wait3A_166 = arith.constant 0 : i32
    %dma_wait3A_167 = tpu.memref_slice %arg3[%dma_wait3A_166] : memref<320000xi32, #tpu.memory_space<hbm>> -> memref<80xi32, #tpu.memory_space<hbm>>
    %dma_wait3A_168 = arith.constant 0 : i32
    %dma_wait3A_169 = tpu.memref_slice %arg3[%dma_wait3A_168] : memref<320000xi32, #tpu.memory_space<hbm>> -> memref<80xi32, #tpu.memory_space<hbm>>
    tpu.wait_dma2 semaphore(%arg31 : memref<!tpu.dma_semaphore, #tpu.memory_space<semaphore_mem>>) src(%dma_wait3A_169 : memref<80xi32, #tpu.memory_space<hbm>>) dst(%arg9 : memref<80xi32, #tpu.memory_space<vmem>>)
    %dma_start3A_170 = arith.constant 0 : i32
    %dma_start3A_171 = arith.constant 0 : i32
    %dma_start3A_172 = tpu.memref_slice %arg2[%dma_start3A_170, %dma_start3A_171] : memref<10000x128xf32, #tpu.memory_space<hbm>> -> memref<10000x128xf32, #tpu.memory_space<hbm>>
    tpu.enqueue_indirect_dma source(%dma_start3A_172 : memref<10000x128xf32, #tpu.memory_space<hbm>>) target(%arg17 : memref<80x128xf32, #tpu.memory_space<vmem>>) offsets(%arg9 : memref<80xi32, #tpu.memory_space<vmem>>) semaphore(%arg23 : memref<!tpu.dma_semaphore, #tpu.memory_space<semaphore_mem>>)
    %dma_wait3A_173 = arith.constant 0 : i32
    %dma_wait3A_174 = arith.constant 0 : i32
    %dma_wait3A_175 = tpu.memref_slice %arg2[%dma_wait3A_173, %dma_wait3A_174] : memref<10000x128xf32, #tpu.memory_space<hbm>> -> memref<10000x128xf32, #tpu.memory_space<hbm>>
    tpu.wait_indirect_dma semaphore(%arg25 : memref<!tpu.dma_semaphore, #tpu.memory_space<semaphore_mem>>) src(%dma_wait3A_175 : memref<10000x128xf32, #tpu.memory_space<hbm>>) dst(%arg19 : memref<80x128xf32, #tpu.memory_space<vmem>>)
    %dma_wait3A_176 = arith.constant 0 : i32
    %dma_wait3A_177 = tpu.memref_slice %arg4[%dma_wait3A_176] : memref<320000xi32, #tpu.memory_space<hbm>> -> memref<80xi32, #tpu.memory_space<hbm>>
    %dma_wait3A_178 = arith.constant 0 : i32
    %dma_wait3A_179 = tpu.memref_slice %arg4[%dma_wait3A_178] : memref<320000xi32, #tpu.memory_space<hbm>> -> memref<80xi32, #tpu.memory_space<hbm>>
    tpu.wait_dma2 semaphore(%arg37 : memref<!tpu.dma_semaphore, #tpu.memory_space<semaphore_mem>>) src(%dma_wait3A_179 : memref<80xi32, #tpu.memory_space<hbm>>) dst(%arg14 : memref<80xi32, #tpu.memory_space<vmem>>)
    %dma_start3A_180 = arith.constant 0 : i32
    %dma_start3A_181 = arith.constant 0 : i32
    %dma_start3A_182 = tpu.memref_slice %arg7[%dma_start3A_180, %dma_start3A_181] : memref<10032x128xf32, #tpu.memory_space<vmem_shared>> -> memref<10032x128xf32, #tpu.memory_space<vmem_shared>>
    tpu.enqueue_indirect_dma source(%arg19 : memref<80x128xf32, #tpu.memory_space<vmem>>) target(%dma_start3A_182 : memref<10032x128xf32, #tpu.memory_space<vmem_shared>>) offsets(%arg14 : memref<80xi32, #tpu.memory_space<vmem>>) semaphore(%arg29 : memref<!tpu.dma_semaphore, #tpu.memory_space<semaphore_mem>>) {add = true}
    %dma_start3A_183 = arith.constant 0 : i32
    %dma_start3A_184 = tpu.memref_slice %arg8[%dma_start3A_183] : memref<10032xf32, #tpu.memory_space<vmem_shared>> -> memref<10032xf32, #tpu.memory_space<vmem_shared>>
    tpu.enqueue_indirect_dma source(%arg21 : memref<80xf32, #tpu.memory_space<vmem>>) target(%dma_start3A_184 : memref<10032xf32, #tpu.memory_space<vmem_shared>>) offsets(%arg14 : memref<80xi32, #tpu.memory_space<vmem>>) semaphore(%arg29 : memref<!tpu.dma_semaphore, #tpu.memory_space<semaphore_mem>>) {add = true}
    %dma_wait3A_185 = arith.constant 0 : i32
    %dma_wait3A_186 = arith.constant 0 : i32
    %dma_wait3A_187 = tpu.memref_slice %arg7[%dma_wait3A_185, %dma_wait3A_186] : memref<10032x128xf32, #tpu.memory_space<vmem_shared>> -> memref<10032x128xf32, #tpu.memory_space<vmem_shared>>
    tpu.wait_indirect_dma semaphore(%arg28 : memref<!tpu.dma_semaphore, #tpu.memory_space<semaphore_mem>>) src(%arg18 : memref<80x128xf32, #tpu.memory_space<vmem>>) dst(%dma_wait3A_187 : memref<10032x128xf32, #tpu.memory_space<vmem_shared>>)
    %dma_wait3A_188 = arith.constant 0 : i32
    %dma_wait3A_189 = tpu.memref_slice %arg8[%dma_wait3A_188] : memref<10032xf32, #tpu.memory_space<vmem_shared>> -> memref<10032xf32, #tpu.memory_space<vmem_shared>>
    tpu.wait_indirect_dma semaphore(%arg28 : memref<!tpu.dma_semaphore, #tpu.memory_space<semaphore_mem>>) src(%arg21 : memref<80xf32, #tpu.memory_space<vmem>>) dst(%dma_wait3A_189 : memref<10032xf32, #tpu.memory_space<vmem_shared>>)
    %dma_wait3A_190 = arith.constant 0 : i32
    %dma_wait3A_191 = arith.constant 0 : i32
    %dma_wait3A_192 = tpu.memref_slice %arg2[%dma_wait3A_190, %dma_wait3A_191] : memref<10000x128xf32, #tpu.memory_space<hbm>> -> memref<10000x128xf32, #tpu.memory_space<hbm>>
    tpu.wait_indirect_dma semaphore(%arg26 : memref<!tpu.dma_semaphore, #tpu.memory_space<semaphore_mem>>) src(%dma_wait3A_192 : memref<10000x128xf32, #tpu.memory_space<hbm>>) dst(%arg20 : memref<80x128xf32, #tpu.memory_space<vmem>>)
    %dma_wait3A_193 = arith.constant 0 : i32
    %dma_wait3A_194 = tpu.memref_slice %arg4[%dma_wait3A_193] : memref<320000xi32, #tpu.memory_space<hbm>> -> memref<80xi32, #tpu.memory_space<hbm>>
    %dma_wait3A_195 = arith.constant 0 : i32
    %dma_wait3A_196 = tpu.memref_slice %arg4[%dma_wait3A_195] : memref<320000xi32, #tpu.memory_space<hbm>> -> memref<80xi32, #tpu.memory_space<hbm>>
    tpu.wait_dma2 semaphore(%arg38 : memref<!tpu.dma_semaphore, #tpu.memory_space<semaphore_mem>>) src(%dma_wait3A_196 : memref<80xi32, #tpu.memory_space<hbm>>) dst(%arg16 : memref<80xi32, #tpu.memory_space<vmem>>)
    %dma_start3A_197 = arith.constant 0 : i32
    %dma_start3A_198 = arith.constant 0 : i32
    %dma_start3A_199 = tpu.memref_slice %arg7[%dma_start3A_197, %dma_start3A_198] : memref<10032x128xf32, #tpu.memory_space<vmem_shared>> -> memref<10032x128xf32, #tpu.memory_space<vmem_shared>>
    tpu.enqueue_indirect_dma source(%arg20 : memref<80x128xf32, #tpu.memory_space<vmem>>) target(%dma_start3A_199 : memref<10032x128xf32, #tpu.memory_space<vmem_shared>>) offsets(%arg16 : memref<80xi32, #tpu.memory_space<vmem>>) semaphore(%arg30 : memref<!tpu.dma_semaphore, #tpu.memory_space<semaphore_mem>>) {add = true}
    %dma_start3A_200 = arith.constant 0 : i32
    %dma_start3A_201 = tpu.memref_slice %arg8[%dma_start3A_200] : memref<10032xf32, #tpu.memory_space<vmem_shared>> -> memref<10032xf32, #tpu.memory_space<vmem_shared>>
    tpu.enqueue_indirect_dma source(%arg21 : memref<80xf32, #tpu.memory_space<vmem>>) target(%dma_start3A_201 : memref<10032xf32, #tpu.memory_space<vmem_shared>>) offsets(%arg16 : memref<80xi32, #tpu.memory_space<vmem>>) semaphore(%arg30 : memref<!tpu.dma_semaphore, #tpu.memory_space<semaphore_mem>>) {add = true}
    %dma_wait3A_202 = arith.constant 0 : i32
    %dma_wait3A_203 = arith.constant 0 : i32
    %dma_wait3A_204 = tpu.memref_slice %arg7[%dma_wait3A_202, %dma_wait3A_203] : memref<10032x128xf32, #tpu.memory_space<vmem_shared>> -> memref<10032x128xf32, #tpu.memory_space<vmem_shared>>
    tpu.wait_indirect_dma semaphore(%arg29 : memref<!tpu.dma_semaphore, #tpu.memory_space<semaphore_mem>>) src(%arg19 : memref<80x128xf32, #tpu.memory_space<vmem>>) dst(%dma_wait3A_204 : memref<10032x128xf32, #tpu.memory_space<vmem_shared>>)
    %dma_wait3A_205 = arith.constant 0 : i32
    %dma_wait3A_206 = tpu.memref_slice %arg8[%dma_wait3A_205] : memref<10032xf32, #tpu.memory_space<vmem_shared>> -> memref<10032xf32, #tpu.memory_space<vmem_shared>>
    tpu.wait_indirect_dma semaphore(%arg29 : memref<!tpu.dma_semaphore, #tpu.memory_space<semaphore_mem>>) src(%arg21 : memref<80xf32, #tpu.memory_space<vmem>>) dst(%dma_wait3A_206 : memref<10032xf32, #tpu.memory_space<vmem_shared>>)
    %dma_wait3A_207 = arith.constant 0 : i32
    %dma_wait3A_208 = arith.constant 0 : i32
    %dma_wait3A_209 = tpu.memref_slice %arg2[%dma_wait3A_207, %dma_wait3A_208] : memref<10000x128xf32, #tpu.memory_space<hbm>> -> memref<10000x128xf32, #tpu.memory_space<hbm>>
    tpu.wait_indirect_dma semaphore(%arg23 : memref<!tpu.dma_semaphore, #tpu.memory_space<semaphore_mem>>) src(%dma_wait3A_209 : memref<10000x128xf32, #tpu.memory_space<hbm>>) dst(%arg17 : memref<80x128xf32, #tpu.memory_space<vmem>>)
    %dma_wait3A_210 = arith.constant 0 : i32
    %dma_wait3A_211 = tpu.memref_slice %arg4[%dma_wait3A_210] : memref<320000xi32, #tpu.memory_space<hbm>> -> memref<80xi32, #tpu.memory_space<hbm>>
    %dma_wait3A_212 = arith.constant 0 : i32
    %dma_wait3A_213 = tpu.memref_slice %arg4[%dma_wait3A_212] : memref<320000xi32, #tpu.memory_space<hbm>> -> memref<80xi32, #tpu.memory_space<hbm>>
    tpu.wait_dma2 semaphore(%arg35 : memref<!tpu.dma_semaphore, #tpu.memory_space<semaphore_mem>>) src(%dma_wait3A_213 : memref<80xi32, #tpu.memory_space<hbm>>) dst(%arg10 : memref<80xi32, #tpu.memory_space<vmem>>)
    %dma_start3A_214 = arith.constant 0 : i32
    %dma_start3A_215 = arith.constant 0 : i32
    %dma_start3A_216 = tpu.memref_slice %arg7[%dma_start3A_214, %dma_start3A_215] : memref<10032x128xf32, #tpu.memory_space<vmem_shared>> -> memref<10032x128xf32, #tpu.memory_space<vmem_shared>>
    tpu.enqueue_indirect_dma source(%arg17 : memref<80x128xf32, #tpu.memory_space<vmem>>) target(%dma_start3A_216 : memref<10032x128xf32, #tpu.memory_space<vmem_shared>>) offsets(%arg10 : memref<80xi32, #tpu.memory_space<vmem>>) semaphore(%arg27 : memref<!tpu.dma_semaphore, #tpu.memory_space<semaphore_mem>>) {add = true}
    %dma_start3A_217 = arith.constant 0 : i32
    %dma_start3A_218 = tpu.memref_slice %arg8[%dma_start3A_217] : memref<10032xf32, #tpu.memory_space<vmem_shared>> -> memref<10032xf32, #tpu.memory_space<vmem_shared>>
    tpu.enqueue_indirect_dma source(%arg21 : memref<80xf32, #tpu.memory_space<vmem>>) target(%dma_start3A_218 : memref<10032xf32, #tpu.memory_space<vmem_shared>>) offsets(%arg10 : memref<80xi32, #tpu.memory_space<vmem>>) semaphore(%arg27 : memref<!tpu.dma_semaphore, #tpu.memory_space<semaphore_mem>>) {add = true}
    %dma_wait3A_219 = arith.constant 0 : i32
    %dma_wait3A_220 = arith.constant 0 : i32
    %dma_wait3A_221 = tpu.memref_slice %arg7[%dma_wait3A_219, %dma_wait3A_220] : memref<10032x128xf32, #tpu.memory_space<vmem_shared>> -> memref<10032x128xf32, #tpu.memory_space<vmem_shared>>
    tpu.wait_indirect_dma semaphore(%arg30 : memref<!tpu.dma_semaphore, #tpu.memory_space<semaphore_mem>>) src(%arg20 : memref<80x128xf32, #tpu.memory_space<vmem>>) dst(%dma_wait3A_221 : memref<10032x128xf32, #tpu.memory_space<vmem_shared>>)
    %dma_wait3A_222 = arith.constant 0 : i32
    %dma_wait3A_223 = tpu.memref_slice %arg8[%dma_wait3A_222] : memref<10032xf32, #tpu.memory_space<vmem_shared>> -> memref<10032xf32, #tpu.memory_space<vmem_shared>>
    tpu.wait_indirect_dma semaphore(%arg30 : memref<!tpu.dma_semaphore, #tpu.memory_space<semaphore_mem>>) src(%arg21 : memref<80xf32, #tpu.memory_space<vmem>>) dst(%dma_wait3A_223 : memref<10032xf32, #tpu.memory_space<vmem_shared>>)
    %dma_wait3A_224 = arith.constant 0 : i32
    %dma_wait3A_225 = arith.constant 0 : i32
    %dma_wait3A_226 = tpu.memref_slice %arg7[%dma_wait3A_224, %dma_wait3A_225] : memref<10032x128xf32, #tpu.memory_space<vmem_shared>> -> memref<10032x128xf32, #tpu.memory_space<vmem_shared>>
    tpu.wait_indirect_dma semaphore(%arg27 : memref<!tpu.dma_semaphore, #tpu.memory_space<semaphore_mem>>) src(%arg17 : memref<80x128xf32, #tpu.memory_space<vmem>>) dst(%dma_wait3A_226 : memref<10032x128xf32, #tpu.memory_space<vmem_shared>>)
    %dma_wait3A_227 = arith.constant 0 : i32
    %dma_wait3A_228 = tpu.memref_slice %arg8[%dma_wait3A_227] : memref<10032xf32, #tpu.memory_space<vmem_shared>> -> memref<10032xf32, #tpu.memory_space<vmem_shared>>
    tpu.wait_indirect_dma semaphore(%arg27 : memref<!tpu.dma_semaphore, #tpu.memory_space<semaphore_mem>>) src(%arg21 : memref<80xf32, #tpu.memory_space<vmem>>) dst(%dma_wait3A_228 : memref<10032xf32, #tpu.memory_space<vmem_shared>>)
    %barrier3A_229 = arith.constant 0 : index
    tpu.barrier barrier_id(%barrier3A_229)
    %mul3A_230 = arith.constant 1000 : i32
    %mul3A_231 = arith.muli %arg1, %mul3A_230 : i32
    %multiple_of3A_232 = tpu.assume_multiple %mul3A_231, 8 : i32
    %lt3A_233 = arith.constant 10 : i32
    %lt3A_234 = arith.cmpi slt, %arg1, %lt3A_233 : i32
    %convert_element_type3A_235 = arith.extui %lt3A_234 : i1 to i32
    %cond3A_236 = arith.constant 0 : i32
    %cond3A_237 = arith.cmpi ne, %convert_element_type3A_235, %cond3A_236 : i32
    scf.if %cond3A_237 {
      "tpu.region"() ({
        %run_scoped3A = tpu.sem_alloc : memref<!tpu.dma_semaphore, #tpu.memory_space<semaphore_mem>>
        %dma_start3A_243 = arith.constant 0 : i32
        %dma_start3A_244 = tpu.memref_slice %arg5[%arg0, %multiple_of3A_232, %dma_start3A_243] : memref<2x10000x128xf32, #tpu.memory_space<hbm>> -> memref<1x1000x128xf32, #tpu.memory_space<hbm>>
        %dma_start3A_245 = tpu.memref_squeeze %dma_start3A_244 : memref<1x1000x128xf32, #tpu.memory_space<hbm>> -> memref<1000x128xf32, #tpu.memory_space<hbm>>
        %dma_start3A_246 = arith.constant 0 : i32
        %dma_start3A_247 = tpu.memref_slice %arg7[%multiple_of3A_232, %dma_start3A_246] : memref<10032x128xf32, #tpu.memory_space<vmem_shared>> -> memref<1000x128xf32, #tpu.memory_space<vmem_shared>>
        tpu.enqueue_dma source(%dma_start3A_247 : memref<1000x128xf32, #tpu.memory_space<vmem_shared>>) target(%dma_start3A_245 : memref<1000x128xf32, #tpu.memory_space<hbm>>) target_semaphore(%run_scoped3A : memref<!tpu.dma_semaphore, #tpu.memory_space<semaphore_mem>>)
        %dma_wait3A_248 = arith.constant 0 : i32
        %dma_wait3A_249 = tpu.memref_slice %arg5[%arg0, %multiple_of3A_232, %dma_wait3A_248] : memref<2x10000x128xf32, #tpu.memory_space<hbm>> -> memref<1x1000x128xf32, #tpu.memory_space<hbm>>
        %dma_wait3A_250 = tpu.memref_squeeze %dma_wait3A_249 : memref<1x1000x128xf32, #tpu.memory_space<hbm>> -> memref<1000x128xf32, #tpu.memory_space<hbm>>
        %dma_wait3A_251 = arith.constant 0 : i32
        %dma_wait3A_252 = tpu.memref_slice %arg7[%multiple_of3A_232, %dma_wait3A_251] : memref<10032x128xf32, #tpu.memory_space<vmem_shared>> -> memref<1000x128xf32, #tpu.memory_space<vmem_shared>>
        tpu.wait_dma2 semaphore(%run_scoped3A : memref<!tpu.dma_semaphore, #tpu.memory_space<semaphore_mem>>) src(%dma_wait3A_252 : memref<1000x128xf32, #tpu.memory_space<vmem_shared>>) dst(%dma_wait3A_250 : memref<1000x128xf32, #tpu.memory_space<hbm>>)
        tpu.yield
      }) : () -> ()
    } else {
    }
    %lt3A_238 = arith.constant 5 : i32
    %lt3A_239 = arith.cmpi slt, %arg1, %lt3A_238 : i32
    %convert_element_type3A_240 = arith.extui %lt3A_239 : i1 to i32
    %cond3A_241 = arith.constant 0 : i32
    %cond3A_242 = arith.cmpi ne, %convert_element_type3A_240, %cond3A_241 : i32
    scf.if %cond3A_242 {
      %mul3A_243 = arith.constant 2000 : i32
      %mul3A_244 = arith.muli %arg1, %mul3A_243 : i32
      %multiple_of3A_245 = tpu.assume_multiple %mul3A_244, 8 : i32
      %mul3A_246 = arith.constant 10000 : i32
      %mul3A_247 = arith.muli %arg0, %mul3A_246 : i32
      %mul3A_248 = arith.constant 2000 : i32
      %mul3A_249 = arith.muli %arg1, %mul3A_248 : i32
      %add3A_250 = arith.addi %mul3A_247, %mul3A_249 : i32
      %multiple_of3A_251 = tpu.assume_multiple %add3A_250, 8 : i32
      "tpu.region"() ({
        %run_scoped3A = tpu.sem_alloc : memref<!tpu.dma_semaphore, #tpu.memory_space<semaphore_mem>>
        %dma_start3A_252 = tpu.memref_slice %arg8[%multiple_of3A_245] : memref<10032xf32, #tpu.memory_space<vmem_shared>> -> memref<2000xf32, #tpu.memory_space<vmem_shared>>
        %dma_start3A_253 = tpu.memref_slice %arg8[%multiple_of3A_245] : memref<10032xf32, #tpu.memory_space<vmem_shared>> -> memref<2000xf32, #tpu.memory_space<vmem_shared>>
        tpu.enqueue_dma source(%dma_start3A_253 : memref<2000xf32, #tpu.memory_space<vmem_shared>>) target(%arg22 : memref<2000xf32, #tpu.memory_space<vmem>>) target_semaphore(%run_scoped3A : memref<!tpu.dma_semaphore, #tpu.memory_space<semaphore_mem>>)
        %dma_wait3A_254 = tpu.memref_slice %arg8[%multiple_of3A_245] : memref<10032xf32, #tpu.memory_space<vmem_shared>> -> memref<2000xf32, #tpu.memory_space<vmem_shared>>
        %dma_wait3A_255 = tpu.memref_slice %arg8[%multiple_of3A_245] : memref<10032xf32, #tpu.memory_space<vmem_shared>> -> memref<2000xf32, #tpu.memory_space<vmem_shared>>
        tpu.wait_dma2 semaphore(%run_scoped3A : memref<!tpu.dma_semaphore, #tpu.memory_space<semaphore_mem>>) src(%dma_wait3A_255 : memref<2000xf32, #tpu.memory_space<vmem_shared>>) dst(%arg22 : memref<2000xf32, #tpu.memory_space<vmem>>)
        tpu.yield
      }) : () -> ()
      "tpu.region"() ({
        %run_scoped3A = tpu.sem_alloc : memref<!tpu.dma_semaphore, #tpu.memory_space<semaphore_mem>>
        %dma_start3A_252 = tpu.memref_slice %arg6[%multiple_of3A_251] : memref<20000xf32, #tpu.memory_space<hbm>> -> memref<2000xf32, #tpu.memory_space<hbm>>
        %dma_start3A_253 = tpu.memref_slice %arg6[%multiple_of3A_251] : memref<20000xf32, #tpu.memory_space<hbm>> -> memref<2000xf32, #tpu.memory_space<hbm>>
        tpu.enqueue_dma source(%arg22 : memref<2000xf32, #tpu.memory_space<vmem>>) target(%dma_start3A_253 : memref<2000xf32, #tpu.memory_space<hbm>>) target_semaphore(%run_scoped3A : memref<!tpu.dma_semaphore, #tpu.memory_space<semaphore_mem>>)
        %dma_wait3A_254 = tpu.memref_slice %arg6[%multiple_of3A_251] : memref<20000xf32, #tpu.memory_space<hbm>> -> memref<2000xf32, #tpu.memory_space<hbm>>
        %dma_wait3A_255 = tpu.memref_slice %arg6[%multiple_of3A_251] : memref<20000xf32, #tpu.memory_space<hbm>> -> memref<2000xf32, #tpu.memory_space<hbm>>
        tpu.wait_dma2 semaphore(%run_scoped3A : memref<!tpu.dma_semaphore, #tpu.memory_space<semaphore_mem>>) src(%arg22 : memref<2000xf32, #tpu.memory_space<vmem>>) dst(%dma_wait3A_255 : memref<2000xf32, #tpu.memory_space<hbm>>)
        tpu.yield
      }) : () -> ()
    } else {
    }
    return
  }
}

#map = affine_map<(d0, d1) -> (0, 0)>
#map1 = affine_map<(d0, d1) -> (0)>
#map2 = affine_map<(d0, d1) -> (0, 0, 0)>
module attributes {stable_mosaic.version = 14 : i64} {
  func.func @_sc_body(%arg0: i32, %arg1: i32, %arg2: memref<10000x128xf32, #tpu.memory_space<hbm>>, %arg3: memref<320000xi32, #tpu.memory_space<hbm>>, %arg4: memref<320000xi32, #tpu.memory_space<hbm>>, %arg5: memref<2x10000x128xf32, #tpu.memory_space<hbm>>, %arg6: memref<10032x128xf32, #tpu.memory_space<vmem_shared>>, %arg7: memref<80xi32, #tpu.memory_space<vmem>>, %arg8: memref<80xi32, #tpu.memory_space<vmem>>, %arg9: memref<80xi32, #tpu.memory_space<vmem>>, %arg10: memref<80xi32, #tpu.memory_space<vmem>>, %arg11: memref<80xi32, #tpu.memory_space<vmem>>, %arg12: memref<80xi32, #tpu.memory_space<vmem>>, %arg13: memref<80xi32, #tpu.memory_space<vmem>>, %arg14: memref<80xi32, #tpu.memory_space<vmem>>, %arg15: memref<80x128xf32, #tpu.memory_space<vmem>>, %arg16: memref<80x128xf32, #tpu.memory_space<vmem>>, %arg17: memref<80x128xf32, #tpu.memory_space<vmem>>, %arg18: memref<80x128xf32, #tpu.memory_space<vmem>>, %arg19: memref<!tpu.dma_semaphore, #tpu.memory_space<semaphore_mem>>, %arg20: memref<!tpu.dma_semaphore, #tpu.memory_space<semaphore_mem>>, %arg21: memref<!tpu.dma_semaphore, #tpu.memory_space<semaphore_mem>>, %arg22: memref<!tpu.dma_semaphore, #tpu.memory_space<semaphore_mem>>, %arg23: memref<!tpu.dma_semaphore, #tpu.memory_space<semaphore_mem>>, %arg24: memref<!tpu.dma_semaphore, #tpu.memory_space<semaphore_mem>>, %arg25: memref<!tpu.dma_semaphore, #tpu.memory_space<semaphore_mem>>, %arg26: memref<!tpu.dma_semaphore, #tpu.memory_space<semaphore_mem>>, %arg27: memref<!tpu.dma_semaphore, #tpu.memory_space<semaphore_mem>>, %arg28: memref<!tpu.dma_semaphore, #tpu.memory_space<semaphore_mem>>, %arg29: memref<!tpu.dma_semaphore, #tpu.memory_space<semaphore_mem>>, %arg30: memref<!tpu.dma_semaphore, #tpu.memory_space<semaphore_mem>>, %arg31: memref<!tpu.dma_semaphore, #tpu.memory_space<semaphore_mem>>, %arg32: memref<!tpu.dma_semaphore, #tpu.memory_space<semaphore_mem>>, %arg33: memref<!tpu.dma_semaphore, #tpu.memory_space<semaphore_mem>>, %arg34: memref<!tpu.dma_semaphore, #tpu.memory_space<semaphore_mem>>) attributes {dimension_semantics = [#tpu.dimension_semantics<core_parallel>, #tpu.dimension_semantics<subcore_parallel>], iteration_bounds = array<i64: 2, 16>, scalar_prefetch = 0 : i64, scratch_operands = 29 : i64, tpu.core_type = #tpu.core_type<sc_vector_subcore>, window_params = [{transform_indices = #map}, {transform_indices = #map1}, {transform_indices = #map1}, {transform_indices = #map2}]} {
    %mul3A = arith.constant 16 : i32
    %mul3A_0 = arith.muli %arg0, %mul3A : i32
    %add3A = arith.addi %mul3A_0, %arg1 : i32
    %mul3A_1 = arith.constant 10000 : i32
    %mul3A_2 = arith.muli %add3A, %mul3A_1 : i32
    %add3A_3 = arith.constant 0 : i32
    %add3A_4 = arith.addi %mul3A_2, %add3A_3 : i32
    %multiple_of3A = tpu.assume_multiple %add3A_4, 8 : i32
    %dma_start3A = tpu.memref_slice %arg3[%multiple_of3A] : memref<320000xi32, #tpu.memory_space<hbm>> -> memref<80xi32, #tpu.memory_space<hbm>>
    %dma_start3A_5 = tpu.memref_slice %arg3[%multiple_of3A] : memref<320000xi32, #tpu.memory_space<hbm>> -> memref<80xi32, #tpu.memory_space<hbm>>
    tpu.enqueue_dma source(%dma_start3A_5 : memref<80xi32, #tpu.memory_space<hbm>>) target(%arg7 : memref<80xi32, #tpu.memory_space<vmem>>) target_semaphore(%arg27 : memref<!tpu.dma_semaphore, #tpu.memory_space<semaphore_mem>>)
    %add3A_6 = arith.constant 0 : i32
    %add3A_7 = arith.addi %mul3A_2, %add3A_6 : i32
    %multiple_of3A_8 = tpu.assume_multiple %add3A_7, 8 : i32
    %dma_start3A_9 = tpu.memref_slice %arg4[%multiple_of3A_8] : memref<320000xi32, #tpu.memory_space<hbm>> -> memref<80xi32, #tpu.memory_space<hbm>>
    %dma_start3A_10 = tpu.memref_slice %arg4[%multiple_of3A_8] : memref<320000xi32, #tpu.memory_space<hbm>> -> memref<80xi32, #tpu.memory_space<hbm>>
    tpu.enqueue_dma source(%dma_start3A_10 : memref<80xi32, #tpu.memory_space<hbm>>) target(%arg8 : memref<80xi32, #tpu.memory_space<vmem>>) target_semaphore(%arg31 : memref<!tpu.dma_semaphore, #tpu.memory_space<semaphore_mem>>)
    %add3A_11 = arith.constant 80 : i32
    %add3A_12 = arith.addi %mul3A_2, %add3A_11 : i32
    %multiple_of3A_13 = tpu.assume_multiple %add3A_12, 8 : i32
    %dma_start3A_14 = tpu.memref_slice %arg3[%multiple_of3A_13] : memref<320000xi32, #tpu.memory_space<hbm>> -> memref<80xi32, #tpu.memory_space<hbm>>
    %dma_start3A_15 = tpu.memref_slice %arg3[%multiple_of3A_13] : memref<320000xi32, #tpu.memory_space<hbm>> -> memref<80xi32, #tpu.memory_space<hbm>>
    tpu.enqueue_dma source(%dma_start3A_15 : memref<80xi32, #tpu.memory_space<hbm>>) target(%arg9 : memref<80xi32, #tpu.memory_space<vmem>>) target_semaphore(%arg28 : memref<!tpu.dma_semaphore, #tpu.memory_space<semaphore_mem>>)
    %add3A_16 = arith.constant 80 : i32
    %add3A_17 = arith.addi %mul3A_2, %add3A_16 : i32
    %multiple_of3A_18 = tpu.assume_multiple %add3A_17, 8 : i32
    %dma_start3A_19 = tpu.memref_slice %arg4[%multiple_of3A_18] : memref<320000xi32, #tpu.memory_space<hbm>> -> memref<80xi32, #tpu.memory_space<hbm>>
    %dma_start3A_20 = tpu.memref_slice %arg4[%multiple_of3A_18] : memref<320000xi32, #tpu.memory_space<hbm>> -> memref<80xi32, #tpu.memory_space<hbm>>
    tpu.enqueue_dma source(%dma_start3A_20 : memref<80xi32, #tpu.memory_space<hbm>>) target(%arg10 : memref<80xi32, #tpu.memory_space<vmem>>) target_semaphore(%arg32 : memref<!tpu.dma_semaphore, #tpu.memory_space<semaphore_mem>>)
    %add3A_21 = arith.constant 160 : i32
    %add3A_22 = arith.addi %mul3A_2, %add3A_21 : i32
    %multiple_of3A_23 = tpu.assume_multiple %add3A_22, 8 : i32
    %dma_start3A_24 = tpu.memref_slice %arg3[%multiple_of3A_23] : memref<320000xi32, #tpu.memory_space<hbm>> -> memref<80xi32, #tpu.memory_space<hbm>>
    %dma_start3A_25 = tpu.memref_slice %arg3[%multiple_of3A_23] : memref<320000xi32, #tpu.memory_space<hbm>> -> memref<80xi32, #tpu.memory_space<hbm>>
    tpu.enqueue_dma source(%dma_start3A_25 : memref<80xi32, #tpu.memory_space<hbm>>) target(%arg11 : memref<80xi32, #tpu.memory_space<vmem>>) target_semaphore(%arg29 : memref<!tpu.dma_semaphore, #tpu.memory_space<semaphore_mem>>)
    %add3A_26 = arith.constant 160 : i32
    %add3A_27 = arith.addi %mul3A_2, %add3A_26 : i32
    %multiple_of3A_28 = tpu.assume_multiple %add3A_27, 8 : i32
    %dma_start3A_29 = tpu.memref_slice %arg4[%multiple_of3A_28] : memref<320000xi32, #tpu.memory_space<hbm>> -> memref<80xi32, #tpu.memory_space<hbm>>
    %dma_start3A_30 = tpu.memref_slice %arg4[%multiple_of3A_28] : memref<320000xi32, #tpu.memory_space<hbm>> -> memref<80xi32, #tpu.memory_space<hbm>>
    tpu.enqueue_dma source(%dma_start3A_30 : memref<80xi32, #tpu.memory_space<hbm>>) target(%arg12 : memref<80xi32, #tpu.memory_space<vmem>>) target_semaphore(%arg33 : memref<!tpu.dma_semaphore, #tpu.memory_space<semaphore_mem>>)
    %add3A_31 = arith.constant 240 : i32
    %add3A_32 = arith.addi %mul3A_2, %add3A_31 : i32
    %multiple_of3A_33 = tpu.assume_multiple %add3A_32, 8 : i32
    %dma_start3A_34 = tpu.memref_slice %arg3[%multiple_of3A_33] : memref<320000xi32, #tpu.memory_space<hbm>> -> memref<80xi32, #tpu.memory_space<hbm>>
    %dma_start3A_35 = tpu.memref_slice %arg3[%multiple_of3A_33] : memref<320000xi32, #tpu.memory_space<hbm>> -> memref<80xi32, #tpu.memory_space<hbm>>
    tpu.enqueue_dma source(%dma_start3A_35 : memref<80xi32, #tpu.memory_space<hbm>>) target(%arg13 : memref<80xi32, #tpu.memory_space<vmem>>) target_semaphore(%arg30 : memref<!tpu.dma_semaphore, #tpu.memory_space<semaphore_mem>>)
    %scan3A = arith.constant 0 : i32
    %scan3A_36 = arith.constant 0 : i32
    %scan3A_37 = arith.constant 80 : i32
    %scan3A_38 = arith.addi %scan3A_36, %scan3A_37 : i32
    %scan3A_39 = arith.constant 1 : i32
    scf.for %scan3A_185 = %scan3A_36 to %scan3A_38 step %scan3A_39  : i32 {
      %broadcast_in_dim3A = arith.constant 0.000000e+00 : f32
      %broadcast_in_dim3A_186 = vector.broadcast %broadcast_in_dim3A : f32 to vector<16xf32>
      %swap3A = arith.index_cast %scan3A_185 : i32 to index
      %swap3A_187 = arith.constant 0 : index
      %swap3A_188 = tpu.vector_load %arg18[%swap3A, %swap3A_187] {strides = array<i32>} : memref<80x128xf32, #tpu.memory_space<vmem>>, vector<1x16xf32>,
      %swap3A_189 = vector.shape_cast %swap3A_188 : vector<1x16xf32> to vector<16xf32>
      %swap3A_190 = vector.shape_cast %broadcast_in_dim3A_186 : vector<16xf32> to vector<1x16xf32>
      tpu.vector_store %arg18[%swap3A, %swap3A_187], %swap3A_190 {strides = array<i32>} : memref<80x128xf32, #tpu.memory_space<vmem>>, vector<1x16xf32>,
      %broadcast_in_dim3A_191 = arith.constant 0.000000e+00 : f32
      %broadcast_in_dim3A_192 = vector.broadcast %broadcast_in_dim3A_191 : f32 to vector<16xf32>
      %swap3A_193 = arith.index_cast %scan3A_185 : i32 to index
      %swap3A_194 = arith.constant 16 : index
      %swap3A_195 = tpu.vector_load %arg18[%swap3A_193, %swap3A_194] {strides = array<i32>} : memref<80x128xf32, #tpu.memory_space<vmem>>, vector<1x16xf32>,
      %swap3A_196 = vector.shape_cast %swap3A_195 : vector<1x16xf32> to vector<16xf32>
      %swap3A_197 = vector.shape_cast %broadcast_in_dim3A_192 : vector<16xf32> to vector<1x16xf32>
      tpu.vector_store %arg18[%swap3A_193, %swap3A_194], %swap3A_197 {strides = array<i32>} : memref<80x128xf32, #tpu.memory_space<vmem>>, vector<1x16xf32>,
      %broadcast_in_dim3A_198 = arith.constant 0.000000e+00 : f32
      %broadcast_in_dim3A_199 = vector.broadcast %broadcast_in_dim3A_198 : f32 to vector<16xf32>
      %swap3A_200 = arith.index_cast %scan3A_185 : i32 to index
      %swap3A_201 = arith.constant 32 : index
      %swap3A_202 = tpu.vector_load %arg18[%swap3A_200, %swap3A_201] {strides = array<i32>} : memref<80x128xf32, #tpu.memory_space<vmem>>, vector<1x16xf32>,
      %swap3A_203 = vector.shape_cast %swap3A_202 : vector<1x16xf32> to vector<16xf32>
      %swap3A_204 = vector.shape_cast %broadcast_in_dim3A_199 : vector<16xf32> to vector<1x16xf32>
      tpu.vector_store %arg18[%swap3A_200, %swap3A_201], %swap3A_204 {strides = array<i32>} : memref<80x128xf32, #tpu.memory_space<vmem>>, vector<1x16xf32>,
      %broadcast_in_dim3A_205 = arith.constant 0.000000e+00 : f32
      %broadcast_in_dim3A_206 = vector.broadcast %broadcast_in_dim3A_205 : f32 to vector<16xf32>
      %swap3A_207 = arith.index_cast %scan3A_185 : i32 to index
      %swap3A_208 = arith.constant 48 : index
      %swap3A_209 = tpu.vector_load %arg18[%swap3A_207, %swap3A_208] {strides = array<i32>} : memref<80x128xf32, #tpu.memory_space<vmem>>, vector<1x16xf32>,
      %swap3A_210 = vector.shape_cast %swap3A_209 : vector<1x16xf32> to vector<16xf32>
      %swap3A_211 = vector.shape_cast %broadcast_in_dim3A_206 : vector<16xf32> to vector<1x16xf32>
      tpu.vector_store %arg18[%swap3A_207, %swap3A_208], %swap3A_211 {strides = array<i32>} : memref<80x128xf32, #tpu.memory_space<vmem>>, vector<1x16xf32>,
      %broadcast_in_dim3A_212 = arith.constant 0.000000e+00 : f32
      %broadcast_in_dim3A_213 = vector.broadcast %broadcast_in_dim3A_212 : f32 to vector<16xf32>
      %swap3A_214 = arith.index_cast %scan3A_185 : i32 to index
      %swap3A_215 = arith.constant 64 : index
      %swap3A_216 = tpu.vector_load %arg18[%swap3A_214, %swap3A_215] {strides = array<i32>} : memref<80x128xf32, #tpu.memory_space<vmem>>, vector<1x16xf32>,
      %swap3A_217 = vector.shape_cast %swap3A_216 : vector<1x16xf32> to vector<16xf32>
      %swap3A_218 = vector.shape_cast %broadcast_in_dim3A_213 : vector<16xf32> to vector<1x16xf32>
      tpu.vector_store %arg18[%swap3A_214, %swap3A_215], %swap3A_218 {strides = array<i32>} : memref<80x128xf32, #tpu.memory_space<vmem>>, vector<1x16xf32>,
      %broadcast_in_dim3A_219 = arith.constant 0.000000e+00 : f32
      %broadcast_in_dim3A_220 = vector.broadcast %broadcast_in_dim3A_219 : f32 to vector<16xf32>
      %swap3A_221 = arith.index_cast %scan3A_185 : i32 to index
      %swap3A_222 = arith.constant 80 : index
      %swap3A_223 = tpu.vector_load %arg18[%swap3A_221, %swap3A_222] {strides = array<i32>} : memref<80x128xf32, #tpu.memory_space<vmem>>, vector<1x16xf32>,
      %swap3A_224 = vector.shape_cast %swap3A_223 : vector<1x16xf32> to vector<16xf32>
      %swap3A_225 = vector.shape_cast %broadcast_in_dim3A_220 : vector<16xf32> to vector<1x16xf32>
      tpu.vector_store %arg18[%swap3A_221, %swap3A_222], %swap3A_225 {strides = array<i32>} : memref<80x128xf32, #tpu.memory_space<vmem>>, vector<1x16xf32>,
      %broadcast_in_dim3A_226 = arith.constant 0.000000e+00 : f32
      %broadcast_in_dim3A_227 = vector.broadcast %broadcast_in_dim3A_226 : f32 to vector<16xf32>
      %swap3A_228 = arith.index_cast %scan3A_185 : i32 to index
      %swap3A_229 = arith.constant 96 : index
      %swap3A_230 = tpu.vector_load %arg18[%swap3A_228, %swap3A_229] {strides = array<i32>} : memref<80x128xf32, #tpu.memory_space<vmem>>, vector<1x16xf32>,
      %swap3A_231 = vector.shape_cast %swap3A_230 : vector<1x16xf32> to vector<16xf32>
      %swap3A_232 = vector.shape_cast %broadcast_in_dim3A_227 : vector<16xf32> to vector<1x16xf32>
      tpu.vector_store %arg18[%swap3A_228, %swap3A_229], %swap3A_232 {strides = array<i32>} : memref<80x128xf32, #tpu.memory_space<vmem>>, vector<1x16xf32>,
      %broadcast_in_dim3A_233 = arith.constant 0.000000e+00 : f32
      %broadcast_in_dim3A_234 = vector.broadcast %broadcast_in_dim3A_233 : f32 to vector<16xf32>
      %swap3A_235 = arith.index_cast %scan3A_185 : i32 to index
      %swap3A_236 = arith.constant 112 : index
      %swap3A_237 = tpu.vector_load %arg18[%swap3A_235, %swap3A_236] {strides = array<i32>} : memref<80x128xf32, #tpu.memory_space<vmem>>, vector<1x16xf32>,
      %swap3A_238 = vector.shape_cast %swap3A_237 : vector<1x16xf32> to vector<16xf32>
      %swap3A_239 = vector.shape_cast %broadcast_in_dim3A_234 : vector<16xf32> to vector<1x16xf32>
      tpu.vector_store %arg18[%swap3A_235, %swap3A_236], %swap3A_239 {strides = array<i32>} : memref<80x128xf32, #tpu.memory_space<vmem>>, vector<1x16xf32>,
    }
    %scan3A_40 = arith.constant 80 : i32
    %mul3A_41 = arith.constant 625 : i32
    %mul3A_42 = arith.muli %arg1, %mul3A_41 : i32
    %add3A_43 = arith.constant 0 : i32
    %add3A_44 = arith.addi %mul3A_42, %add3A_43 : i32
    "tpu.region"() ({
      %run_scoped3A = tpu.sem_alloc : memref<!tpu.dma_semaphore, #tpu.memory_space<semaphore_mem>>
      %dma_start3A_185 = arith.constant 0 : i32
      %dma_start3A_186 = tpu.memref_slice %arg6[%add3A_44, %dma_start3A_185] : memref<10032x128xf32, #tpu.memory_space<vmem_shared>> -> memref<80x128xf32, #tpu.memory_space<vmem_shared>>
      %dma_start3A_187 = arith.constant 0 : i32
      %dma_start3A_188 = tpu.memref_slice %arg6[%add3A_44, %dma_start3A_187] : memref<10032x128xf32, #tpu.memory_space<vmem_shared>> -> memref<80x128xf32, #tpu.memory_space<vmem_shared>>
      tpu.enqueue_dma source(%arg18 : memref<80x128xf32, #tpu.memory_space<vmem>>) target(%dma_start3A_188 : memref<80x128xf32, #tpu.memory_space<vmem_shared>>) target_semaphore(%run_scoped3A : memref<!tpu.dma_semaphore, #tpu.memory_space<semaphore_mem>>)
      %dma_wait3A_189 = arith.constant 0 : i32
      %dma_wait3A_190 = tpu.memref_slice %arg6[%add3A_44, %dma_wait3A_189] : memref<10032x128xf32, #tpu.memory_space<vmem_shared>> -> memref<80x128xf32, #tpu.memory_space<vmem_shared>>
      %dma_wait3A_191 = arith.constant 0 : i32
      %dma_wait3A_192 = tpu.memref_slice %arg6[%add3A_44, %dma_wait3A_191] : memref<10032x128xf32, #tpu.memory_space<vmem_shared>> -> memref<80x128xf32, #tpu.memory_space<vmem_shared>>
      tpu.wait_dma2 semaphore(%run_scoped3A : memref<!tpu.dma_semaphore, #tpu.memory_space<semaphore_mem>>) src(%arg18 : memref<80x128xf32, #tpu.memory_space<vmem>>) dst(%dma_wait3A_192 : memref<80x128xf32, #tpu.memory_space<vmem_shared>>)
      tpu.yield
    }) : () -> ()
    %add3A_45 = arith.constant 80 : i32
    %add3A_46 = arith.addi %mul3A_42, %add3A_45 : i32
    "tpu.region"() ({
      %run_scoped3A = tpu.sem_alloc : memref<!tpu.dma_semaphore, #tpu.memory_space<semaphore_mem>>
      %dma_start3A_185 = arith.constant 0 : i32
      %dma_start3A_186 = tpu.memref_slice %arg6[%add3A_46, %dma_start3A_185] : memref<10032x128xf32, #tpu.memory_space<vmem_shared>> -> memref<80x128xf32, #tpu.memory_space<vmem_shared>>
      %dma_start3A_187 = arith.constant 0 : i32
      %dma_start3A_188 = tpu.memref_slice %arg6[%add3A_46, %dma_start3A_187] : memref<10032x128xf32, #tpu.memory_space<vmem_shared>> -> memref<80x128xf32, #tpu.memory_space<vmem_shared>>
      tpu.enqueue_dma source(%arg18 : memref<80x128xf32, #tpu.memory_space<vmem>>) target(%dma_start3A_188 : memref<80x128xf32, #tpu.memory_space<vmem_shared>>) target_semaphore(%run_scoped3A : memref<!tpu.dma_semaphore, #tpu.memory_space<semaphore_mem>>)
      %dma_wait3A_189 = arith.constant 0 : i32
      %dma_wait3A_190 = tpu.memref_slice %arg6[%add3A_46, %dma_wait3A_189] : memref<10032x128xf32, #tpu.memory_space<vmem_shared>> -> memref<80x128xf32, #tpu.memory_space<vmem_shared>>
      %dma_wait3A_191 = arith.constant 0 : i32
      %dma_wait3A_192 = tpu.memref_slice %arg6[%add3A_46, %dma_wait3A_191] : memref<10032x128xf32, #tpu.memory_space<vmem_shared>> -> memref<80x128xf32, #tpu.memory_space<vmem_shared>>
      tpu.wait_dma2 semaphore(%run_scoped3A : memref<!tpu.dma_semaphore, #tpu.memory_space<semaphore_mem>>) src(%arg18 : memref<80x128xf32, #tpu.memory_space<vmem>>) dst(%dma_wait3A_192 : memref<80x128xf32, #tpu.memory_space<vmem_shared>>)
      tpu.yield
    }) : () -> ()
    %add3A_47 = arith.constant 160 : i32
    %add3A_48 = arith.addi %mul3A_42, %add3A_47 : i32
    "tpu.region"() ({
      %run_scoped3A = tpu.sem_alloc : memref<!tpu.dma_semaphore, #tpu.memory_space<semaphore_mem>>
      %dma_start3A_185 = arith.constant 0 : i32
      %dma_start3A_186 = tpu.memref_slice %arg6[%add3A_48, %dma_start3A_185] : memref<10032x128xf32, #tpu.memory_space<vmem_shared>> -> memref<80x128xf32, #tpu.memory_space<vmem_shared>>
      %dma_start3A_187 = arith.constant 0 : i32
      %dma_start3A_188 = tpu.memref_slice %arg6[%add3A_48, %dma_start3A_187] : memref<10032x128xf32, #tpu.memory_space<vmem_shared>> -> memref<80x128xf32, #tpu.memory_space<vmem_shared>>
      tpu.enqueue_dma source(%arg18 : memref<80x128xf32, #tpu.memory_space<vmem>>) target(%dma_start3A_188 : memref<80x128xf32, #tpu.memory_space<vmem_shared>>) target_semaphore(%run_scoped3A : memref<!tpu.dma_semaphore, #tpu.memory_space<semaphore_mem>>)
      %dma_wait3A_189 = arith.constant 0 : i32
      %dma_wait3A_190 = tpu.memref_slice %arg6[%add3A_48, %dma_wait3A_189] : memref<10032x128xf32, #tpu.memory_space<vmem_shared>> -> memref<80x128xf32, #tpu.memory_space<vmem_shared>>
      %dma_wait3A_191 = arith.constant 0 : i32
      %dma_wait3A_192 = tpu.memref_slice %arg6[%add3A_48, %dma_wait3A_191] : memref<10032x128xf32, #tpu.memory_space<vmem_shared>> -> memref<80x128xf32, #tpu.memory_space<vmem_shared>>
      tpu.wait_dma2 semaphore(%run_scoped3A : memref<!tpu.dma_semaphore, #tpu.memory_space<semaphore_mem>>) src(%arg18 : memref<80x128xf32, #tpu.memory_space<vmem>>) dst(%dma_wait3A_192 : memref<80x128xf32, #tpu.memory_space<vmem_shared>>)
      tpu.yield
    }) : () -> ()
    %add3A_49 = arith.constant 240 : i32
    %add3A_50 = arith.addi %mul3A_42, %add3A_49 : i32
    "tpu.region"() ({
      %run_scoped3A = tpu.sem_alloc : memref<!tpu.dma_semaphore, #tpu.memory_space<semaphore_mem>>
      %dma_start3A_185 = arith.constant 0 : i32
      %dma_start3A_186 = tpu.memref_slice %arg6[%add3A_50, %dma_start3A_185] : memref<10032x128xf32, #tpu.memory_space<vmem_shared>> -> memref<80x128xf32, #tpu.memory_space<vmem_shared>>
      %dma_start3A_187 = arith.constant 0 : i32
      %dma_start3A_188 = tpu.memref_slice %arg6[%add3A_50, %dma_start3A_187] : memref<10032x128xf32, #tpu.memory_space<vmem_shared>> -> memref<80x128xf32, #tpu.memory_space<vmem_shared>>
      tpu.enqueue_dma source(%arg18 : memref<80x128xf32, #tpu.memory_space<vmem>>) target(%dma_start3A_188 : memref<80x128xf32, #tpu.memory_space<vmem_shared>>) target_semaphore(%run_scoped3A : memref<!tpu.dma_semaphore, #tpu.memory_space<semaphore_mem>>)
      %dma_wait3A_189 = arith.constant 0 : i32
      %dma_wait3A_190 = tpu.memref_slice %arg6[%add3A_50, %dma_wait3A_189] : memref<10032x128xf32, #tpu.memory_space<vmem_shared>> -> memref<80x128xf32, #tpu.memory_space<vmem_shared>>
      %dma_wait3A_191 = arith.constant 0 : i32
      %dma_wait3A_192 = tpu.memref_slice %arg6[%add3A_50, %dma_wait3A_191] : memref<10032x128xf32, #tpu.memory_space<vmem_shared>> -> memref<80x128xf32, #tpu.memory_space<vmem_shared>>
      tpu.wait_dma2 semaphore(%run_scoped3A : memref<!tpu.dma_semaphore, #tpu.memory_space<semaphore_mem>>) src(%arg18 : memref<80x128xf32, #tpu.memory_space<vmem>>) dst(%dma_wait3A_192 : memref<80x128xf32, #tpu.memory_space<vmem_shared>>)
      tpu.yield
    }) : () -> ()
    %add3A_51 = arith.constant 320 : i32
    %add3A_52 = arith.addi %mul3A_42, %add3A_51 : i32
    "tpu.region"() ({
      %run_scoped3A = tpu.sem_alloc : memref<!tpu.dma_semaphore, #tpu.memory_space<semaphore_mem>>
      %dma_start3A_185 = arith.constant 0 : i32
      %dma_start3A_186 = tpu.memref_slice %arg6[%add3A_52, %dma_start3A_185] : memref<10032x128xf32, #tpu.memory_space<vmem_shared>> -> memref<80x128xf32, #tpu.memory_space<vmem_shared>>
      %dma_start3A_187 = arith.constant 0 : i32
      %dma_start3A_188 = tpu.memref_slice %arg6[%add3A_52, %dma_start3A_187] : memref<10032x128xf32, #tpu.memory_space<vmem_shared>> -> memref<80x128xf32, #tpu.memory_space<vmem_shared>>
      tpu.enqueue_dma source(%arg18 : memref<80x128xf32, #tpu.memory_space<vmem>>) target(%dma_start3A_188 : memref<80x128xf32, #tpu.memory_space<vmem_shared>>) target_semaphore(%run_scoped3A : memref<!tpu.dma_semaphore, #tpu.memory_space<semaphore_mem>>)
      %dma_wait3A_189 = arith.constant 0 : i32
      %dma_wait3A_190 = tpu.memref_slice %arg6[%add3A_52, %dma_wait3A_189] : memref<10032x128xf32, #tpu.memory_space<vmem_shared>> -> memref<80x128xf32, #tpu.memory_space<vmem_shared>>
      %dma_wait3A_191 = arith.constant 0 : i32
      %dma_wait3A_192 = tpu.memref_slice %arg6[%add3A_52, %dma_wait3A_191] : memref<10032x128xf32, #tpu.memory_space<vmem_shared>> -> memref<80x128xf32, #tpu.memory_space<vmem_shared>>
      tpu.wait_dma2 semaphore(%run_scoped3A : memref<!tpu.dma_semaphore, #tpu.memory_space<semaphore_mem>>) src(%arg18 : memref<80x128xf32, #tpu.memory_space<vmem>>) dst(%dma_wait3A_192 : memref<80x128xf32, #tpu.memory_space<vmem_shared>>)
      tpu.yield
    }) : () -> ()
    %add3A_53 = arith.constant 400 : i32
    %add3A_54 = arith.addi %mul3A_42, %add3A_53 : i32
    "tpu.region"() ({
      %run_scoped3A = tpu.sem_alloc : memref<!tpu.dma_semaphore, #tpu.memory_space<semaphore_mem>>
      %dma_start3A_185 = arith.constant 0 : i32
      %dma_start3A_186 = tpu.memref_slice %arg6[%add3A_54, %dma_start3A_185] : memref<10032x128xf32, #tpu.memory_space<vmem_shared>> -> memref<80x128xf32, #tpu.memory_space<vmem_shared>>
      %dma_start3A_187 = arith.constant 0 : i32
      %dma_start3A_188 = tpu.memref_slice %arg6[%add3A_54, %dma_start3A_187] : memref<10032x128xf32, #tpu.memory_space<vmem_shared>> -> memref<80x128xf32, #tpu.memory_space<vmem_shared>>
      tpu.enqueue_dma source(%arg18 : memref<80x128xf32, #tpu.memory_space<vmem>>) target(%dma_start3A_188 : memref<80x128xf32, #tpu.memory_space<vmem_shared>>) target_semaphore(%run_scoped3A : memref<!tpu.dma_semaphore, #tpu.memory_space<semaphore_mem>>)
      %dma_wait3A_189 = arith.constant 0 : i32
      %dma_wait3A_190 = tpu.memref_slice %arg6[%add3A_54, %dma_wait3A_189] : memref<10032x128xf32, #tpu.memory_space<vmem_shared>> -> memref<80x128xf32, #tpu.memory_space<vmem_shared>>
      %dma_wait3A_191 = arith.constant 0 : i32
      %dma_wait3A_192 = tpu.memref_slice %arg6[%add3A_54, %dma_wait3A_191] : memref<10032x128xf32, #tpu.memory_space<vmem_shared>> -> memref<80x128xf32, #tpu.memory_space<vmem_shared>>
      tpu.wait_dma2 semaphore(%run_scoped3A : memref<!tpu.dma_semaphore, #tpu.memory_space<semaphore_mem>>) src(%arg18 : memref<80x128xf32, #tpu.memory_space<vmem>>) dst(%dma_wait3A_192 : memref<80x128xf32, #tpu.memory_space<vmem_shared>>)
      tpu.yield
    }) : () -> ()
    %add3A_55 = arith.constant 480 : i32
    %add3A_56 = arith.addi %mul3A_42, %add3A_55 : i32
    "tpu.region"() ({
      %run_scoped3A = tpu.sem_alloc : memref<!tpu.dma_semaphore, #tpu.memory_space<semaphore_mem>>
      %dma_start3A_185 = arith.constant 0 : i32
      %dma_start3A_186 = tpu.memref_slice %arg6[%add3A_56, %dma_start3A_185] : memref<10032x128xf32, #tpu.memory_space<vmem_shared>> -> memref<80x128xf32, #tpu.memory_space<vmem_shared>>
      %dma_start3A_187 = arith.constant 0 : i32
      %dma_start3A_188 = tpu.memref_slice %arg6[%add3A_56, %dma_start3A_187] : memref<10032x128xf32, #tpu.memory_space<vmem_shared>> -> memref<80x128xf32, #tpu.memory_space<vmem_shared>>
      tpu.enqueue_dma source(%arg18 : memref<80x128xf32, #tpu.memory_space<vmem>>) target(%dma_start3A_188 : memref<80x128xf32, #tpu.memory_space<vmem_shared>>) target_semaphore(%run_scoped3A : memref<!tpu.dma_semaphore, #tpu.memory_space<semaphore_mem>>)
      %dma_wait3A_189 = arith.constant 0 : i32
      %dma_wait3A_190 = tpu.memref_slice %arg6[%add3A_56, %dma_wait3A_189] : memref<10032x128xf32, #tpu.memory_space<vmem_shared>> -> memref<80x128xf32, #tpu.memory_space<vmem_shared>>
      %dma_wait3A_191 = arith.constant 0 : i32
      %dma_wait3A_192 = tpu.memref_slice %arg6[%add3A_56, %dma_wait3A_191] : memref<10032x128xf32, #tpu.memory_space<vmem_shared>> -> memref<80x128xf32, #tpu.memory_space<vmem_shared>>
      tpu.wait_dma2 semaphore(%run_scoped3A : memref<!tpu.dma_semaphore, #tpu.memory_space<semaphore_mem>>) src(%arg18 : memref<80x128xf32, #tpu.memory_space<vmem>>) dst(%dma_wait3A_192 : memref<80x128xf32, #tpu.memory_space<vmem_shared>>)
      tpu.yield
    }) : () -> ()
    %add3A_57 = arith.constant 560 : i32
    %add3A_58 = arith.addi %mul3A_42, %add3A_57 : i32
    "tpu.region"() ({
      %run_scoped3A = tpu.sem_alloc : memref<!tpu.dma_semaphore, #tpu.memory_space<semaphore_mem>>
      %dma_start3A_185 = arith.constant 0 : i32
      %dma_start3A_186 = arith.constant 0 : i32
      %dma_start3A_187 = tpu.memref_slice %arg18[%dma_start3A_185, %dma_start3A_186] : memref<80x128xf32, #tpu.memory_space<vmem>> -> memref<65x128xf32, #tpu.memory_space<vmem>>
      %dma_start3A_188 = arith.constant 0 : i32
      %dma_start3A_189 = tpu.memref_slice %arg6[%add3A_58, %dma_start3A_188] : memref<10032x128xf32, #tpu.memory_space<vmem_shared>> -> memref<65x128xf32, #tpu.memory_space<vmem_shared>>
      %dma_start3A_190 = arith.constant 0 : i32
      %dma_start3A_191 = tpu.memref_slice %arg6[%add3A_58, %dma_start3A_190] : memref<10032x128xf32, #tpu.memory_space<vmem_shared>> -> memref<65x128xf32, #tpu.memory_space<vmem_shared>>
      %dma_start3A_192 = arith.constant 0 : i32
      %dma_start3A_193 = arith.constant 0 : i32
      %dma_start3A_194 = tpu.memref_slice %arg18[%dma_start3A_192, %dma_start3A_193] : memref<80x128xf32, #tpu.memory_space<vmem>> -> memref<65x128xf32, #tpu.memory_space<vmem>>
      tpu.enqueue_dma source(%dma_start3A_194 : memref<65x128xf32, #tpu.memory_space<vmem>>) target(%dma_start3A_191 : memref<65x128xf32, #tpu.memory_space<vmem_shared>>) target_semaphore(%run_scoped3A : memref<!tpu.dma_semaphore, #tpu.memory_space<semaphore_mem>>)
      %dma_wait3A_195 = arith.constant 0 : i32
      %dma_wait3A_196 = arith.constant 0 : i32
      %dma_wait3A_197 = tpu.memref_slice %arg18[%dma_wait3A_195, %dma_wait3A_196] : memref<80x128xf32, #tpu.memory_space<vmem>> -> memref<65x128xf32, #tpu.memory_space<vmem>>
      %dma_wait3A_198 = arith.constant 0 : i32
      %dma_wait3A_199 = tpu.memref_slice %arg6[%add3A_58, %dma_wait3A_198] : memref<10032x128xf32, #tpu.memory_space<vmem_shared>> -> memref<65x128xf32, #tpu.memory_space<vmem_shared>>
      %dma_wait3A_200 = arith.constant 0 : i32
      %dma_wait3A_201 = tpu.memref_slice %arg6[%add3A_58, %dma_wait3A_200] : memref<10032x128xf32, #tpu.memory_space<vmem_shared>> -> memref<65x128xf32, #tpu.memory_space<vmem_shared>>
      %dma_wait3A_202 = arith.constant 0 : i32
      %dma_wait3A_203 = arith.constant 0 : i32
      %dma_wait3A_204 = tpu.memref_slice %arg18[%dma_wait3A_202, %dma_wait3A_203] : memref<80x128xf32, #tpu.memory_space<vmem>> -> memref<65x128xf32, #tpu.memory_space<vmem>>
      tpu.wait_dma2 semaphore(%run_scoped3A : memref<!tpu.dma_semaphore, #tpu.memory_space<semaphore_mem>>) src(%dma_wait3A_204 : memref<65x128xf32, #tpu.memory_space<vmem>>) dst(%dma_wait3A_201 : memref<65x128xf32, #tpu.memory_space<vmem_shared>>)
      tpu.yield
    }) : () -> ()
    %dma_wait3A = arith.constant 0 : i32
    %dma_wait3A_59 = tpu.memref_slice %arg3[%dma_wait3A] : memref<320000xi32, #tpu.memory_space<hbm>> -> memref<80xi32, #tpu.memory_space<hbm>>
    %dma_wait3A_60 = arith.constant 0 : i32
    %dma_wait3A_61 = tpu.memref_slice %arg3[%dma_wait3A_60] : memref<320000xi32, #tpu.memory_space<hbm>> -> memref<80xi32, #tpu.memory_space<hbm>>
    tpu.wait_dma2 semaphore(%arg27 : memref<!tpu.dma_semaphore, #tpu.memory_space<semaphore_mem>>) src(%dma_wait3A_61 : memref<80xi32, #tpu.memory_space<hbm>>) dst(%arg7 : memref<80xi32, #tpu.memory_space<vmem>>)
    %dma_start3A_62 = arith.constant 0 : i32
    %dma_start3A_63 = arith.constant 0 : i32
    %dma_start3A_64 = tpu.memref_slice %arg2[%dma_start3A_62, %dma_start3A_63] : memref<10000x128xf32, #tpu.memory_space<hbm>> -> memref<10000x128xf32, #tpu.memory_space<hbm>>
    tpu.enqueue_indirect_dma source(%dma_start3A_64 : memref<10000x128xf32, #tpu.memory_space<hbm>>) target(%arg15 : memref<80x128xf32, #tpu.memory_space<vmem>>) offsets(%arg7 : memref<80xi32, #tpu.memory_space<vmem>>) semaphore(%arg19 : memref<!tpu.dma_semaphore, #tpu.memory_space<semaphore_mem>>)
    %dma_wait3A_65 = arith.constant 0 : i32
    %dma_wait3A_66 = tpu.memref_slice %arg3[%dma_wait3A_65] : memref<320000xi32, #tpu.memory_space<hbm>> -> memref<80xi32, #tpu.memory_space<hbm>>
    %dma_wait3A_67 = arith.constant 0 : i32
    %dma_wait3A_68 = tpu.memref_slice %arg3[%dma_wait3A_67] : memref<320000xi32, #tpu.memory_space<hbm>> -> memref<80xi32, #tpu.memory_space<hbm>>
    tpu.wait_dma2 semaphore(%arg28 : memref<!tpu.dma_semaphore, #tpu.memory_space<semaphore_mem>>) src(%dma_wait3A_68 : memref<80xi32, #tpu.memory_space<hbm>>) dst(%arg9 : memref<80xi32, #tpu.memory_space<vmem>>)
    %dma_start3A_69 = arith.constant 0 : i32
    %dma_start3A_70 = arith.constant 0 : i32
    %dma_start3A_71 = tpu.memref_slice %arg2[%dma_start3A_69, %dma_start3A_70] : memref<10000x128xf32, #tpu.memory_space<hbm>> -> memref<10000x128xf32, #tpu.memory_space<hbm>>
    tpu.enqueue_indirect_dma source(%dma_start3A_71 : memref<10000x128xf32, #tpu.memory_space<hbm>>) target(%arg16 : memref<80x128xf32, #tpu.memory_space<vmem>>) offsets(%arg9 : memref<80xi32, #tpu.memory_space<vmem>>) semaphore(%arg20 : memref<!tpu.dma_semaphore, #tpu.memory_space<semaphore_mem>>)
    %dma_wait3A_72 = arith.constant 0 : i32
    %dma_wait3A_73 = tpu.memref_slice %arg3[%dma_wait3A_72] : memref<320000xi32, #tpu.memory_space<hbm>> -> memref<80xi32, #tpu.memory_space<hbm>>
    %dma_wait3A_74 = arith.constant 0 : i32
    %dma_wait3A_75 = tpu.memref_slice %arg3[%dma_wait3A_74] : memref<320000xi32, #tpu.memory_space<hbm>> -> memref<80xi32, #tpu.memory_space<hbm>>
    tpu.wait_dma2 semaphore(%arg29 : memref<!tpu.dma_semaphore, #tpu.memory_space<semaphore_mem>>) src(%dma_wait3A_75 : memref<80xi32, #tpu.memory_space<hbm>>) dst(%arg11 : memref<80xi32, #tpu.memory_space<vmem>>)
    %dma_start3A_76 = arith.constant 0 : i32
    %dma_start3A_77 = arith.constant 0 : i32
    %dma_start3A_78 = tpu.memref_slice %arg2[%dma_start3A_76, %dma_start3A_77] : memref<10000x128xf32, #tpu.memory_space<hbm>> -> memref<10000x128xf32, #tpu.memory_space<hbm>>
    tpu.enqueue_indirect_dma source(%dma_start3A_78 : memref<10000x128xf32, #tpu.memory_space<hbm>>) target(%arg17 : memref<80x128xf32, #tpu.memory_space<vmem>>) offsets(%arg11 : memref<80xi32, #tpu.memory_space<vmem>>) semaphore(%arg21 : memref<!tpu.dma_semaphore, #tpu.memory_space<semaphore_mem>>)
    %barrier3A = arith.constant 0 : index
    tpu.barrier barrier_id(%barrier3A)
    %dma_wait3A_79 = arith.constant 0 : i32
    %dma_wait3A_80 = arith.constant 0 : i32
    %dma_wait3A_81 = tpu.memref_slice %arg2[%dma_wait3A_79, %dma_wait3A_80] : memref<10000x128xf32, #tpu.memory_space<hbm>> -> memref<10000x128xf32, #tpu.memory_space<hbm>>
    tpu.wait_indirect_dma semaphore(%arg19 : memref<!tpu.dma_semaphore, #tpu.memory_space<semaphore_mem>>) src(%dma_wait3A_81 : memref<10000x128xf32, #tpu.memory_space<hbm>>) dst(%arg15 : memref<80x128xf32, #tpu.memory_space<vmem>>)
    %dma_wait3A_82 = arith.constant 0 : i32
    %dma_wait3A_83 = tpu.memref_slice %arg4[%dma_wait3A_82] : memref<320000xi32, #tpu.memory_space<hbm>> -> memref<80xi32, #tpu.memory_space<hbm>>
    %dma_wait3A_84 = arith.constant 0 : i32
    %dma_wait3A_85 = tpu.memref_slice %arg4[%dma_wait3A_84] : memref<320000xi32, #tpu.memory_space<hbm>> -> memref<80xi32, #tpu.memory_space<hbm>>
    tpu.wait_dma2 semaphore(%arg31 : memref<!tpu.dma_semaphore, #tpu.memory_space<semaphore_mem>>) src(%dma_wait3A_85 : memref<80xi32, #tpu.memory_space<hbm>>) dst(%arg8 : memref<80xi32, #tpu.memory_space<vmem>>)
    %dma_start3A_86 = arith.constant 0 : i32
    %dma_start3A_87 = arith.constant 0 : i32
    %dma_start3A_88 = tpu.memref_slice %arg6[%dma_start3A_86, %dma_start3A_87] : memref<10032x128xf32, #tpu.memory_space<vmem_shared>> -> memref<10032x128xf32, #tpu.memory_space<vmem_shared>>
    tpu.enqueue_indirect_dma source(%arg15 : memref<80x128xf32, #tpu.memory_space<vmem>>) target(%dma_start3A_88 : memref<10032x128xf32, #tpu.memory_space<vmem_shared>>) offsets(%arg8 : memref<80xi32, #tpu.memory_space<vmem>>) semaphore(%arg23 : memref<!tpu.dma_semaphore, #tpu.memory_space<semaphore_mem>>) {add = true}
    %add3A_89 = arith.constant 240 : i32
    %add3A_90 = arith.addi %mul3A_2, %add3A_89 : i32
    %multiple_of3A_91 = tpu.assume_multiple %add3A_90, 8 : i32
    %dma_start3A_92 = tpu.memref_slice %arg4[%multiple_of3A_91] : memref<320000xi32, #tpu.memory_space<hbm>> -> memref<80xi32, #tpu.memory_space<hbm>>
    %dma_start3A_93 = tpu.memref_slice %arg4[%multiple_of3A_91] : memref<320000xi32, #tpu.memory_space<hbm>> -> memref<80xi32, #tpu.memory_space<hbm>>
    tpu.enqueue_dma source(%dma_start3A_93 : memref<80xi32, #tpu.memory_space<hbm>>) target(%arg14 : memref<80xi32, #tpu.memory_space<vmem>>) target_semaphore(%arg34 : memref<!tpu.dma_semaphore, #tpu.memory_space<semaphore_mem>>)
    %dma_wait3A_94 = arith.constant 0 : i32
    %dma_wait3A_95 = tpu.memref_slice %arg3[%dma_wait3A_94] : memref<320000xi32, #tpu.memory_space<hbm>> -> memref<80xi32, #tpu.memory_space<hbm>>
    %dma_wait3A_96 = arith.constant 0 : i32
    %dma_wait3A_97 = tpu.memref_slice %arg3[%dma_wait3A_96] : memref<320000xi32, #tpu.memory_space<hbm>> -> memref<80xi32, #tpu.memory_space<hbm>>
    tpu.wait_dma2 semaphore(%arg30 : memref<!tpu.dma_semaphore, #tpu.memory_space<semaphore_mem>>) src(%dma_wait3A_97 : memref<80xi32, #tpu.memory_space<hbm>>) dst(%arg13 : memref<80xi32, #tpu.memory_space<vmem>>)
    %dma_start3A_98 = arith.constant 0 : i32
    %dma_start3A_99 = arith.constant 0 : i32
    %dma_start3A_100 = tpu.memref_slice %arg2[%dma_start3A_98, %dma_start3A_99] : memref<10000x128xf32, #tpu.memory_space<hbm>> -> memref<10000x128xf32, #tpu.memory_space<hbm>>
    tpu.enqueue_indirect_dma source(%dma_start3A_100 : memref<10000x128xf32, #tpu.memory_space<hbm>>) target(%arg18 : memref<80x128xf32, #tpu.memory_space<vmem>>) offsets(%arg13 : memref<80xi32, #tpu.memory_space<vmem>>) semaphore(%arg22 : memref<!tpu.dma_semaphore, #tpu.memory_space<semaphore_mem>>)
    %add3A_101 = arith.constant 320 : i32
    %add3A_102 = arith.addi %mul3A_2, %add3A_101 : i32
    %multiple_of3A_103 = tpu.assume_multiple %add3A_102, 8 : i32
    %dma_start3A_104 = tpu.memref_slice %arg3[%multiple_of3A_103] : memref<320000xi32, #tpu.memory_space<hbm>> -> memref<80xi32, #tpu.memory_space<hbm>>
    %dma_start3A_105 = tpu.memref_slice %arg3[%multiple_of3A_103] : memref<320000xi32, #tpu.memory_space<hbm>> -> memref<80xi32, #tpu.memory_space<hbm>>
    tpu.enqueue_dma source(%dma_start3A_105 : memref<80xi32, #tpu.memory_space<hbm>>) target(%arg7 : memref<80xi32, #tpu.memory_space<vmem>>) target_semaphore(%arg27 : memref<!tpu.dma_semaphore, #tpu.memory_space<semaphore_mem>>)
    %scan3A_106 = arith.constant 0 : i32
    %scan3A_107 = arith.constant 0 : i32
    %scan3A_108 = arith.constant 30 : i32
    %scan3A_109 = arith.addi %scan3A_107, %scan3A_108 : i32
    %scan3A_110 = arith.constant 1 : i32
    scf.for %scan3A_185 = %scan3A_107 to %scan3A_109 step %scan3A_110  : i32 {
      %mul3A_186 = arith.constant 4 : i32
      %mul3A_187 = arith.muli %scan3A_185, %mul3A_186 : i32
      %add3A_188 = arith.constant 1 : i32
      %add3A_189 = arith.addi %mul3A_187, %add3A_188 : i32
      %dma_wait3A_190 = arith.constant 0 : i32
      %dma_wait3A_191 = arith.constant 0 : i32
      %dma_wait3A_192 = tpu.memref_slice %arg2[%dma_wait3A_190, %dma_wait3A_191] : memref<10000x128xf32, #tpu.memory_space<hbm>> -> memref<10000x128xf32, #tpu.memory_space<hbm>>
      tpu.wait_indirect_dma semaphore(%arg20 : memref<!tpu.dma_semaphore, #tpu.memory_space<semaphore_mem>>) src(%dma_wait3A_192 : memref<10000x128xf32, #tpu.memory_space<hbm>>) dst(%arg16 : memref<80x128xf32, #tpu.memory_space<vmem>>)
      %dma_wait3A_193 = arith.constant 0 : i32
      %dma_wait3A_194 = tpu.memref_slice %arg4[%dma_wait3A_193] : memref<320000xi32, #tpu.memory_space<hbm>> -> memref<80xi32, #tpu.memory_space<hbm>>
      %dma_wait3A_195 = arith.constant 0 : i32
      %dma_wait3A_196 = tpu.memref_slice %arg4[%dma_wait3A_195] : memref<320000xi32, #tpu.memory_space<hbm>> -> memref<80xi32, #tpu.memory_space<hbm>>
      tpu.wait_dma2 semaphore(%arg32 : memref<!tpu.dma_semaphore, #tpu.memory_space<semaphore_mem>>) src(%dma_wait3A_196 : memref<80xi32, #tpu.memory_space<hbm>>) dst(%arg10 : memref<80xi32, #tpu.memory_space<vmem>>)
      %dma_start3A_197 = arith.constant 0 : i32
      %dma_start3A_198 = arith.constant 0 : i32
      %dma_start3A_199 = tpu.memref_slice %arg6[%dma_start3A_197, %dma_start3A_198] : memref<10032x128xf32, #tpu.memory_space<vmem_shared>> -> memref<10032x128xf32, #tpu.memory_space<vmem_shared>>
      tpu.enqueue_indirect_dma source(%arg16 : memref<80x128xf32, #tpu.memory_space<vmem>>) target(%dma_start3A_199 : memref<10032x128xf32, #tpu.memory_space<vmem_shared>>) offsets(%arg10 : memref<80xi32, #tpu.memory_space<vmem>>) semaphore(%arg24 : memref<!tpu.dma_semaphore, #tpu.memory_space<semaphore_mem>>) {add = true}
      %dma_wait3A_200 = arith.constant 0 : i32
      %dma_wait3A_201 = arith.constant 0 : i32
      %dma_wait3A_202 = tpu.memref_slice %arg6[%dma_wait3A_200, %dma_wait3A_201] : memref<10032x128xf32, #tpu.memory_space<vmem_shared>> -> memref<10032x128xf32, #tpu.memory_space<vmem_shared>>
      tpu.wait_indirect_dma semaphore(%arg23 : memref<!tpu.dma_semaphore, #tpu.memory_space<semaphore_mem>>) src(%arg15 : memref<80x128xf32, #tpu.memory_space<vmem>>) dst(%dma_wait3A_202 : memref<10032x128xf32, #tpu.memory_space<vmem_shared>>)
      %add3A_203 = arith.constant 3 : i32
      %add3A_204 = arith.addi %add3A_189, %add3A_203 : i32
      %mul3A_205 = arith.constant 80 : i32
      %mul3A_206 = arith.muli %add3A_204, %mul3A_205 : i32
      %add3A_207 = arith.addi %mul3A_2, %mul3A_206 : i32
      %multiple_of3A_208 = tpu.assume_multiple %add3A_207, 8 : i32
      %dma_start3A_209 = tpu.memref_slice %arg4[%multiple_of3A_208] : memref<320000xi32, #tpu.memory_space<hbm>> -> memref<80xi32, #tpu.memory_space<hbm>>
      %dma_start3A_210 = tpu.memref_slice %arg4[%multiple_of3A_208] : memref<320000xi32, #tpu.memory_space<hbm>> -> memref<80xi32, #tpu.memory_space<hbm>>
      tpu.enqueue_dma source(%dma_start3A_210 : memref<80xi32, #tpu.memory_space<hbm>>) target(%arg8 : memref<80xi32, #tpu.memory_space<vmem>>) target_semaphore(%arg31 : memref<!tpu.dma_semaphore, #tpu.memory_space<semaphore_mem>>)
      %dma_wait3A_211 = arith.constant 0 : i32
      %dma_wait3A_212 = tpu.memref_slice %arg3[%dma_wait3A_211] : memref<320000xi32, #tpu.memory_space<hbm>> -> memref<80xi32, #tpu.memory_space<hbm>>
      %dma_wait3A_213 = arith.constant 0 : i32
      %dma_wait3A_214 = tpu.memref_slice %arg3[%dma_wait3A_213] : memref<320000xi32, #tpu.memory_space<hbm>> -> memref<80xi32, #tpu.memory_space<hbm>>
      tpu.wait_dma2 semaphore(%arg27 : memref<!tpu.dma_semaphore, #tpu.memory_space<semaphore_mem>>) src(%dma_wait3A_214 : memref<80xi32, #tpu.memory_space<hbm>>) dst(%arg7 : memref<80xi32, #tpu.memory_space<vmem>>)
      %dma_start3A_215 = arith.constant 0 : i32
      %dma_start3A_216 = arith.constant 0 : i32
      %dma_start3A_217 = tpu.memref_slice %arg2[%dma_start3A_215, %dma_start3A_216] : memref<10000x128xf32, #tpu.memory_space<hbm>> -> memref<10000x128xf32, #tpu.memory_space<hbm>>
      tpu.enqueue_indirect_dma source(%dma_start3A_217 : memref<10000x128xf32, #tpu.memory_space<hbm>>) target(%arg15 : memref<80x128xf32, #tpu.memory_space<vmem>>) offsets(%arg7 : memref<80xi32, #tpu.memory_space<vmem>>) semaphore(%arg19 : memref<!tpu.dma_semaphore, #tpu.memory_space<semaphore_mem>>)
      %add3A_218 = arith.constant 4 : i32
      %add3A_219 = arith.addi %add3A_189, %add3A_218 : i32
      %mul3A_220 = arith.constant 80 : i32
      %mul3A_221 = arith.muli %add3A_219, %mul3A_220 : i32
      %add3A_222 = arith.addi %mul3A_2, %mul3A_221 : i32
      %multiple_of3A_223 = tpu.assume_multiple %add3A_222, 8 : i32
      %dma_start3A_224 = tpu.memref_slice %arg3[%multiple_of3A_223] : memref<320000xi32, #tpu.memory_space<hbm>> -> memref<80xi32, #tpu.memory_space<hbm>>
      %dma_start3A_225 = tpu.memref_slice %arg3[%multiple_of3A_223] : memref<320000xi32, #tpu.memory_space<hbm>> -> memref<80xi32, #tpu.memory_space<hbm>>
      tpu.enqueue_dma source(%dma_start3A_225 : memref<80xi32, #tpu.memory_space<hbm>>) target(%arg9 : memref<80xi32, #tpu.memory_space<vmem>>) target_semaphore(%arg28 : memref<!tpu.dma_semaphore, #tpu.memory_space<semaphore_mem>>)
      %add3A_226 = arith.constant 2 : i32
      %add3A_227 = arith.addi %mul3A_187, %add3A_226 : i32
      %dma_wait3A_228 = arith.constant 0 : i32
      %dma_wait3A_229 = arith.constant 0 : i32
      %dma_wait3A_230 = tpu.memref_slice %arg2[%dma_wait3A_228, %dma_wait3A_229] : memref<10000x128xf32, #tpu.memory_space<hbm>> -> memref<10000x128xf32, #tpu.memory_space<hbm>>
      tpu.wait_indirect_dma semaphore(%arg21 : memref<!tpu.dma_semaphore, #tpu.memory_space<semaphore_mem>>) src(%dma_wait3A_230 : memref<10000x128xf32, #tpu.memory_space<hbm>>) dst(%arg17 : memref<80x128xf32, #tpu.memory_space<vmem>>)
      %dma_wait3A_231 = arith.constant 0 : i32
      %dma_wait3A_232 = tpu.memref_slice %arg4[%dma_wait3A_231] : memref<320000xi32, #tpu.memory_space<hbm>> -> memref<80xi32, #tpu.memory_space<hbm>>
      %dma_wait3A_233 = arith.constant 0 : i32
      %dma_wait3A_234 = tpu.memref_slice %arg4[%dma_wait3A_233] : memref<320000xi32, #tpu.memory_space<hbm>> -> memref<80xi32, #tpu.memory_space<hbm>>
      tpu.wait_dma2 semaphore(%arg33 : memref<!tpu.dma_semaphore, #tpu.memory_space<semaphore_mem>>) src(%dma_wait3A_234 : memref<80xi32, #tpu.memory_space<hbm>>) dst(%arg12 : memref<80xi32, #tpu.memory_space<vmem>>)
      %dma_start3A_235 = arith.constant 0 : i32
      %dma_start3A_236 = arith.constant 0 : i32
      %dma_start3A_237 = tpu.memref_slice %arg6[%dma_start3A_235, %dma_start3A_236] : memref<10032x128xf32, #tpu.memory_space<vmem_shared>> -> memref<10032x128xf32, #tpu.memory_space<vmem_shared>>
      tpu.enqueue_indirect_dma source(%arg17 : memref<80x128xf32, #tpu.memory_space<vmem>>) target(%dma_start3A_237 : memref<10032x128xf32, #tpu.memory_space<vmem_shared>>) offsets(%arg12 : memref<80xi32, #tpu.memory_space<vmem>>) semaphore(%arg25 : memref<!tpu.dma_semaphore, #tpu.memory_space<semaphore_mem>>) {add = true}
      %dma_wait3A_238 = arith.constant 0 : i32
      %dma_wait3A_239 = arith.constant 0 : i32
      %dma_wait3A_240 = tpu.memref_slice %arg6[%dma_wait3A_238, %dma_wait3A_239] : memref<10032x128xf32, #tpu.memory_space<vmem_shared>> -> memref<10032x128xf32, #tpu.memory_space<vmem_shared>>
      tpu.wait_indirect_dma semaphore(%arg24 : memref<!tpu.dma_semaphore, #tpu.memory_space<semaphore_mem>>) src(%arg16 : memref<80x128xf32, #tpu.memory_space<vmem>>) dst(%dma_wait3A_240 : memref<10032x128xf32, #tpu.memory_space<vmem_shared>>)
      %add3A_241 = arith.constant 3 : i32
      %add3A_242 = arith.addi %add3A_227, %add3A_241 : i32
      %mul3A_243 = arith.constant 80 : i32
      %mul3A_244 = arith.muli %add3A_242, %mul3A_243 : i32
      %add3A_245 = arith.addi %mul3A_2, %mul3A_244 : i32
      %multiple_of3A_246 = tpu.assume_multiple %add3A_245, 8 : i32
      %dma_start3A_247 = tpu.memref_slice %arg4[%multiple_of3A_246] : memref<320000xi32, #tpu.memory_space<hbm>> -> memref<80xi32, #tpu.memory_space<hbm>>
      %dma_start3A_248 = tpu.memref_slice %arg4[%multiple_of3A_246] : memref<320000xi32, #tpu.memory_space<hbm>> -> memref<80xi32, #tpu.memory_space<hbm>>
      tpu.enqueue_dma source(%dma_start3A_248 : memref<80xi32, #tpu.memory_space<hbm>>) target(%arg10 : memref<80xi32, #tpu.memory_space<vmem>>) target_semaphore(%arg32 : memref<!tpu.dma_semaphore, #tpu.memory_space<semaphore_mem>>)
      %dma_wait3A_249 = arith.constant 0 : i32
      %dma_wait3A_250 = tpu.memref_slice %arg3[%dma_wait3A_249] : memref<320000xi32, #tpu.memory_space<hbm>> -> memref<80xi32, #tpu.memory_space<hbm>>
      %dma_wait3A_251 = arith.constant 0 : i32
      %dma_wait3A_252 = tpu.memref_slice %arg3[%dma_wait3A_251] : memref<320000xi32, #tpu.memory_space<hbm>> -> memref<80xi32, #tpu.memory_space<hbm>>
      tpu.wait_dma2 semaphore(%arg28 : memref<!tpu.dma_semaphore, #tpu.memory_space<semaphore_mem>>) src(%dma_wait3A_252 : memref<80xi32, #tpu.memory_space<hbm>>) dst(%arg9 : memref<80xi32, #tpu.memory_space<vmem>>)
      %dma_start3A_253 = arith.constant 0 : i32
      %dma_start3A_254 = arith.constant 0 : i32
      %dma_start3A_255 = tpu.memref_slice %arg2[%dma_start3A_253, %dma_start3A_254] : memref<10000x128xf32, #tpu.memory_space<hbm>> -> memref<10000x128xf32, #tpu.memory_space<hbm>>
      tpu.enqueue_indirect_dma source(%dma_start3A_255 : memref<10000x128xf32, #tpu.memory_space<hbm>>) target(%arg16 : memref<80x128xf32, #tpu.memory_space<vmem>>) offsets(%arg9 : memref<80xi32, #tpu.memory_space<vmem>>) semaphore(%arg20 : memref<!tpu.dma_semaphore, #tpu.memory_space<semaphore_mem>>)
      %add3A_256 = arith.constant 4 : i32
      %add3A_257 = arith.addi %add3A_227, %add3A_256 : i32
      %mul3A_258 = arith.constant 80 : i32
      %mul3A_259 = arith.muli %add3A_257, %mul3A_258 : i32
      %add3A_260 = arith.addi %mul3A_2, %mul3A_259 : i32
      %multiple_of3A_261 = tpu.assume_multiple %add3A_260, 8 : i32
      %dma_start3A_262 = tpu.memref_slice %arg3[%multiple_of3A_261] : memref<320000xi32, #tpu.memory_space<hbm>> -> memref<80xi32, #tpu.memory_space<hbm>>
      %dma_start3A_263 = tpu.memref_slice %arg3[%multiple_of3A_261] : memref<320000xi32, #tpu.memory_space<hbm>> -> memref<80xi32, #tpu.memory_space<hbm>>
      tpu.enqueue_dma source(%dma_start3A_263 : memref<80xi32, #tpu.memory_space<hbm>>) target(%arg11 : memref<80xi32, #tpu.memory_space<vmem>>) target_semaphore(%arg29 : memref<!tpu.dma_semaphore, #tpu.memory_space<semaphore_mem>>)
      %add3A_264 = arith.constant 3 : i32
      %add3A_265 = arith.addi %mul3A_187, %add3A_264 : i32
      %dma_wait3A_266 = arith.constant 0 : i32
      %dma_wait3A_267 = arith.constant 0 : i32
      %dma_wait3A_268 = tpu.memref_slice %arg2[%dma_wait3A_266, %dma_wait3A_267] : memref<10000x128xf32, #tpu.memory_space<hbm>> -> memref<10000x128xf32, #tpu.memory_space<hbm>>
      tpu.wait_indirect_dma semaphore(%arg22 : memref<!tpu.dma_semaphore, #tpu.memory_space<semaphore_mem>>) src(%dma_wait3A_268 : memref<10000x128xf32, #tpu.memory_space<hbm>>) dst(%arg18 : memref<80x128xf32, #tpu.memory_space<vmem>>)
      %dma_wait3A_269 = arith.constant 0 : i32
      %dma_wait3A_270 = tpu.memref_slice %arg4[%dma_wait3A_269] : memref<320000xi32, #tpu.memory_space<hbm>> -> memref<80xi32, #tpu.memory_space<hbm>>
      %dma_wait3A_271 = arith.constant 0 : i32
      %dma_wait3A_272 = tpu.memref_slice %arg4[%dma_wait3A_271] : memref<320000xi32, #tpu.memory_space<hbm>> -> memref<80xi32, #tpu.memory_space<hbm>>
      tpu.wait_dma2 semaphore(%arg34 : memref<!tpu.dma_semaphore, #tpu.memory_space<semaphore_mem>>) src(%dma_wait3A_272 : memref<80xi32, #tpu.memory_space<hbm>>) dst(%arg14 : memref<80xi32, #tpu.memory_space<vmem>>)
      %dma_start3A_273 = arith.constant 0 : i32
      %dma_start3A_274 = arith.constant 0 : i32
      %dma_start3A_275 = tpu.memref_slice %arg6[%dma_start3A_273, %dma_start3A_274] : memref<10032x128xf32, #tpu.memory_space<vmem_shared>> -> memref<10032x128xf32, #tpu.memory_space<vmem_shared>>
      tpu.enqueue_indirect_dma source(%arg18 : memref<80x128xf32, #tpu.memory_space<vmem>>) target(%dma_start3A_275 : memref<10032x128xf32, #tpu.memory_space<vmem_shared>>) offsets(%arg14 : memref<80xi32, #tpu.memory_space<vmem>>) semaphore(%arg26 : memref<!tpu.dma_semaphore, #tpu.memory_space<semaphore_mem>>) {add = true}
      %dma_wait3A_276 = arith.constant 0 : i32
      %dma_wait3A_277 = arith.constant 0 : i32
      %dma_wait3A_278 = tpu.memref_slice %arg6[%dma_wait3A_276, %dma_wait3A_277] : memref<10032x128xf32, #tpu.memory_space<vmem_shared>> -> memref<10032x128xf32, #tpu.memory_space<vmem_shared>>
      tpu.wait_indirect_dma semaphore(%arg25 : memref<!tpu.dma_semaphore, #tpu.memory_space<semaphore_mem>>) src(%arg17 : memref<80x128xf32, #tpu.memory_space<vmem>>) dst(%dma_wait3A_278 : memref<10032x128xf32, #tpu.memory_space<vmem_shared>>)
      %add3A_279 = arith.constant 3 : i32
      %add3A_280 = arith.addi %add3A_265, %add3A_279 : i32
      %mul3A_281 = arith.constant 80 : i32
      %mul3A_282 = arith.muli %add3A_280, %mul3A_281 : i32
      %add3A_283 = arith.addi %mul3A_2, %mul3A_282 : i32
      %multiple_of3A_284 = tpu.assume_multiple %add3A_283, 8 : i32
      %dma_start3A_285 = tpu.memref_slice %arg4[%multiple_of3A_284] : memref<320000xi32, #tpu.memory_space<hbm>> -> memref<80xi32, #tpu.memory_space<hbm>>
      %dma_start3A_286 = tpu.memref_slice %arg4[%multiple_of3A_284] : memref<320000xi32, #tpu.memory_space<hbm>> -> memref<80xi32, #tpu.memory_space<hbm>>
      tpu.enqueue_dma source(%dma_start3A_286 : memref<80xi32, #tpu.memory_space<hbm>>) target(%arg12 : memref<80xi32, #tpu.memory_space<vmem>>) target_semaphore(%arg33 : memref<!tpu.dma_semaphore, #tpu.memory_space<semaphore_mem>>)
      %dma_wait3A_287 = arith.constant 0 : i32
      %dma_wait3A_288 = tpu.memref_slice %arg3[%dma_wait3A_287] : memref<320000xi32, #tpu.memory_space<hbm>> -> memref<80xi32, #tpu.memory_space<hbm>>
      %dma_wait3A_289 = arith.constant 0 : i32
      %dma_wait3A_290 = tpu.memref_slice %arg3[%dma_wait3A_289] : memref<320000xi32, #tpu.memory_space<hbm>> -> memref<80xi32, #tpu.memory_space<hbm>>
      tpu.wait_dma2 semaphore(%arg29 : memref<!tpu.dma_semaphore, #tpu.memory_space<semaphore_mem>>) src(%dma_wait3A_290 : memref<80xi32, #tpu.memory_space<hbm>>) dst(%arg11 : memref<80xi32, #tpu.memory_space<vmem>>)
      %dma_start3A_291 = arith.constant 0 : i32
      %dma_start3A_292 = arith.constant 0 : i32
      %dma_start3A_293 = tpu.memref_slice %arg2[%dma_start3A_291, %dma_start3A_292] : memref<10000x128xf32, #tpu.memory_space<hbm>> -> memref<10000x128xf32, #tpu.memory_space<hbm>>
      tpu.enqueue_indirect_dma source(%dma_start3A_293 : memref<10000x128xf32, #tpu.memory_space<hbm>>) target(%arg17 : memref<80x128xf32, #tpu.memory_space<vmem>>) offsets(%arg11 : memref<80xi32, #tpu.memory_space<vmem>>) semaphore(%arg21 : memref<!tpu.dma_semaphore, #tpu.memory_space<semaphore_mem>>)
      %add3A_294 = arith.constant 4 : i32
      %add3A_295 = arith.addi %add3A_265, %add3A_294 : i32
      %mul3A_296 = arith.constant 80 : i32
      %mul3A_297 = arith.muli %add3A_295, %mul3A_296 : i32
      %add3A_298 = arith.addi %mul3A_2, %mul3A_297 : i32
      %multiple_of3A_299 = tpu.assume_multiple %add3A_298, 8 : i32
      %dma_start3A_300 = tpu.memref_slice %arg3[%multiple_of3A_299] : memref<320000xi32, #tpu.memory_space<hbm>> -> memref<80xi32, #tpu.memory_space<hbm>>
      %dma_start3A_301 = tpu.memref_slice %arg3[%multiple_of3A_299] : memref<320000xi32, #tpu.memory_space<hbm>> -> memref<80xi32, #tpu.memory_space<hbm>>
      tpu.enqueue_dma source(%dma_start3A_301 : memref<80xi32, #tpu.memory_space<hbm>>) target(%arg13 : memref<80xi32, #tpu.memory_space<vmem>>) target_semaphore(%arg30 : memref<!tpu.dma_semaphore, #tpu.memory_space<semaphore_mem>>)
      %add3A_302 = arith.constant 4 : i32
      %add3A_303 = arith.addi %mul3A_187, %add3A_302 : i32
      %dma_wait3A_304 = arith.constant 0 : i32
      %dma_wait3A_305 = arith.constant 0 : i32
      %dma_wait3A_306 = tpu.memref_slice %arg2[%dma_wait3A_304, %dma_wait3A_305] : memref<10000x128xf32, #tpu.memory_space<hbm>> -> memref<10000x128xf32, #tpu.memory_space<hbm>>
      tpu.wait_indirect_dma semaphore(%arg19 : memref<!tpu.dma_semaphore, #tpu.memory_space<semaphore_mem>>) src(%dma_wait3A_306 : memref<10000x128xf32, #tpu.memory_space<hbm>>) dst(%arg15 : memref<80x128xf32, #tpu.memory_space<vmem>>)
      %dma_wait3A_307 = arith.constant 0 : i32
      %dma_wait3A_308 = tpu.memref_slice %arg4[%dma_wait3A_307] : memref<320000xi32, #tpu.memory_space<hbm>> -> memref<80xi32, #tpu.memory_space<hbm>>
      %dma_wait3A_309 = arith.constant 0 : i32
      %dma_wait3A_310 = tpu.memref_slice %arg4[%dma_wait3A_309] : memref<320000xi32, #tpu.memory_space<hbm>> -> memref<80xi32, #tpu.memory_space<hbm>>
      tpu.wait_dma2 semaphore(%arg31 : memref<!tpu.dma_semaphore, #tpu.memory_space<semaphore_mem>>) src(%dma_wait3A_310 : memref<80xi32, #tpu.memory_space<hbm>>) dst(%arg8 : memref<80xi32, #tpu.memory_space<vmem>>)
      %dma_start3A_311 = arith.constant 0 : i32
      %dma_start3A_312 = arith.constant 0 : i32
      %dma_start3A_313 = tpu.memref_slice %arg6[%dma_start3A_311, %dma_start3A_312] : memref<10032x128xf32, #tpu.memory_space<vmem_shared>> -> memref<10032x128xf32, #tpu.memory_space<vmem_shared>>
      tpu.enqueue_indirect_dma source(%arg15 : memref<80x128xf32, #tpu.memory_space<vmem>>) target(%dma_start3A_313 : memref<10032x128xf32, #tpu.memory_space<vmem_shared>>) offsets(%arg8 : memref<80xi32, #tpu.memory_space<vmem>>) semaphore(%arg23 : memref<!tpu.dma_semaphore, #tpu.memory_space<semaphore_mem>>) {add = true}
      %dma_wait3A_314 = arith.constant 0 : i32
      %dma_wait3A_315 = arith.constant 0 : i32
      %dma_wait3A_316 = tpu.memref_slice %arg6[%dma_wait3A_314, %dma_wait3A_315] : memref<10032x128xf32, #tpu.memory_space<vmem_shared>> -> memref<10032x128xf32, #tpu.memory_space<vmem_shared>>
      tpu.wait_indirect_dma semaphore(%arg26 : memref<!tpu.dma_semaphore, #tpu.memory_space<semaphore_mem>>) src(%arg18 : memref<80x128xf32, #tpu.memory_space<vmem>>) dst(%dma_wait3A_316 : memref<10032x128xf32, #tpu.memory_space<vmem_shared>>)
      %add3A_317 = arith.constant 3 : i32
      %add3A_318 = arith.addi %add3A_303, %add3A_317 : i32
      %mul3A_319 = arith.constant 80 : i32
      %mul3A_320 = arith.muli %add3A_318, %mul3A_319 : i32
      %add3A_321 = arith.addi %mul3A_2, %mul3A_320 : i32
      %multiple_of3A_322 = tpu.assume_multiple %add3A_321, 8 : i32
      %dma_start3A_323 = tpu.memref_slice %arg4[%multiple_of3A_322] : memref<320000xi32, #tpu.memory_space<hbm>> -> memref<80xi32, #tpu.memory_space<hbm>>
      %dma_start3A_324 = tpu.memref_slice %arg4[%multiple_of3A_322] : memref<320000xi32, #tpu.memory_space<hbm>> -> memref<80xi32, #tpu.memory_space<hbm>>
      tpu.enqueue_dma source(%dma_start3A_324 : memref<80xi32, #tpu.memory_space<hbm>>) target(%arg14 : memref<80xi32, #tpu.memory_space<vmem>>) target_semaphore(%arg34 : memref<!tpu.dma_semaphore, #tpu.memory_space<semaphore_mem>>)
      %dma_wait3A_325 = arith.constant 0 : i32
      %dma_wait3A_326 = tpu.memref_slice %arg3[%dma_wait3A_325] : memref<320000xi32, #tpu.memory_space<hbm>> -> memref<80xi32, #tpu.memory_space<hbm>>
      %dma_wait3A_327 = arith.constant 0 : i32
      %dma_wait3A_328 = tpu.memref_slice %arg3[%dma_wait3A_327] : memref<320000xi32, #tpu.memory_space<hbm>> -> memref<80xi32, #tpu.memory_space<hbm>>
      tpu.wait_dma2 semaphore(%arg30 : memref<!tpu.dma_semaphore, #tpu.memory_space<semaphore_mem>>) src(%dma_wait3A_328 : memref<80xi32, #tpu.memory_space<hbm>>) dst(%arg13 : memref<80xi32, #tpu.memory_space<vmem>>)
      %dma_start3A_329 = arith.constant 0 : i32
      %dma_start3A_330 = arith.constant 0 : i32
      %dma_start3A_331 = tpu.memref_slice %arg2[%dma_start3A_329, %dma_start3A_330] : memref<10000x128xf32, #tpu.memory_space<hbm>> -> memref<10000x128xf32, #tpu.memory_space<hbm>>
      tpu.enqueue_indirect_dma source(%dma_start3A_331 : memref<10000x128xf32, #tpu.memory_space<hbm>>) target(%arg18 : memref<80x128xf32, #tpu.memory_space<vmem>>) offsets(%arg13 : memref<80xi32, #tpu.memory_space<vmem>>) semaphore(%arg22 : memref<!tpu.dma_semaphore, #tpu.memory_space<semaphore_mem>>)
      %add3A_332 = arith.constant 4 : i32
      %add3A_333 = arith.addi %add3A_303, %add3A_332 : i32
      %mul3A_334 = arith.constant 80 : i32
      %mul3A_335 = arith.muli %add3A_333, %mul3A_334 : i32
      %add3A_336 = arith.addi %mul3A_2, %mul3A_335 : i32
      %multiple_of3A_337 = tpu.assume_multiple %add3A_336, 8 : i32
      %dma_start3A_338 = tpu.memref_slice %arg3[%multiple_of3A_337] : memref<320000xi32, #tpu.memory_space<hbm>> -> memref<80xi32, #tpu.memory_space<hbm>>
      %dma_start3A_339 = tpu.memref_slice %arg3[%multiple_of3A_337] : memref<320000xi32, #tpu.memory_space<hbm>> -> memref<80xi32, #tpu.memory_space<hbm>>
      tpu.enqueue_dma source(%dma_start3A_339 : memref<80xi32, #tpu.memory_space<hbm>>) target(%arg7 : memref<80xi32, #tpu.memory_space<vmem>>) target_semaphore(%arg27 : memref<!tpu.dma_semaphore, #tpu.memory_space<semaphore_mem>>)
    }
    %scan3A_111 = arith.constant 30 : i32
    %dma_wait3A_112 = arith.constant 0 : i32
    %dma_wait3A_113 = arith.constant 0 : i32
    %dma_wait3A_114 = tpu.memref_slice %arg2[%dma_wait3A_112, %dma_wait3A_113] : memref<10000x128xf32, #tpu.memory_space<hbm>> -> memref<10000x128xf32, #tpu.memory_space<hbm>>
    tpu.wait_indirect_dma semaphore(%arg20 : memref<!tpu.dma_semaphore, #tpu.memory_space<semaphore_mem>>) src(%dma_wait3A_114 : memref<10000x128xf32, #tpu.memory_space<hbm>>) dst(%arg16 : memref<80x128xf32, #tpu.memory_space<vmem>>)
    %dma_wait3A_115 = arith.constant 0 : i32
    %dma_wait3A_116 = tpu.memref_slice %arg4[%dma_wait3A_115] : memref<320000xi32, #tpu.memory_space<hbm>> -> memref<80xi32, #tpu.memory_space<hbm>>
    %dma_wait3A_117 = arith.constant 0 : i32
    %dma_wait3A_118 = tpu.memref_slice %arg4[%dma_wait3A_117] : memref<320000xi32, #tpu.memory_space<hbm>> -> memref<80xi32, #tpu.memory_space<hbm>>
    tpu.wait_dma2 semaphore(%arg32 : memref<!tpu.dma_semaphore, #tpu.memory_space<semaphore_mem>>) src(%dma_wait3A_118 : memref<80xi32, #tpu.memory_space<hbm>>) dst(%arg10 : memref<80xi32, #tpu.memory_space<vmem>>)
    %dma_start3A_119 = arith.constant 0 : i32
    %dma_start3A_120 = arith.constant 0 : i32
    %dma_start3A_121 = tpu.memref_slice %arg6[%dma_start3A_119, %dma_start3A_120] : memref<10032x128xf32, #tpu.memory_space<vmem_shared>> -> memref<10032x128xf32, #tpu.memory_space<vmem_shared>>
    tpu.enqueue_indirect_dma source(%arg16 : memref<80x128xf32, #tpu.memory_space<vmem>>) target(%dma_start3A_121 : memref<10032x128xf32, #tpu.memory_space<vmem_shared>>) offsets(%arg10 : memref<80xi32, #tpu.memory_space<vmem>>) semaphore(%arg24 : memref<!tpu.dma_semaphore, #tpu.memory_space<semaphore_mem>>) {add = true}
    %dma_wait3A_122 = arith.constant 0 : i32
    %dma_wait3A_123 = arith.constant 0 : i32
    %dma_wait3A_124 = tpu.memref_slice %arg6[%dma_wait3A_122, %dma_wait3A_123] : memref<10032x128xf32, #tpu.memory_space<vmem_shared>> -> memref<10032x128xf32, #tpu.memory_space<vmem_shared>>
    tpu.wait_indirect_dma semaphore(%arg23 : memref<!tpu.dma_semaphore, #tpu.memory_space<semaphore_mem>>) src(%arg15 : memref<80x128xf32, #tpu.memory_space<vmem>>) dst(%dma_wait3A_124 : memref<10032x128xf32, #tpu.memory_space<vmem_shared>>)
    %add3A_125 = arith.constant 9920 : i32
    %add3A_126 = arith.addi %mul3A_2, %add3A_125 : i32
    %multiple_of3A_127 = tpu.assume_multiple %add3A_126, 8 : i32
    %dma_start3A_128 = tpu.memref_slice %arg4[%multiple_of3A_127] : memref<320000xi32, #tpu.memory_space<hbm>> -> memref<80xi32, #tpu.memory_space<hbm>>
    %dma_start3A_129 = tpu.memref_slice %arg4[%multiple_of3A_127] : memref<320000xi32, #tpu.memory_space<hbm>> -> memref<80xi32, #tpu.memory_space<hbm>>
    tpu.enqueue_dma source(%dma_start3A_129 : memref<80xi32, #tpu.memory_space<hbm>>) target(%arg8 : memref<80xi32, #tpu.memory_space<vmem>>) target_semaphore(%arg31 : memref<!tpu.dma_semaphore, #tpu.memory_space<semaphore_mem>>)
    %dma_wait3A_130 = arith.constant 0 : i32
    %dma_wait3A_131 = tpu.memref_slice %arg3[%dma_wait3A_130] : memref<320000xi32, #tpu.memory_space<hbm>> -> memref<80xi32, #tpu.memory_space<hbm>>
    %dma_wait3A_132 = arith.constant 0 : i32
    %dma_wait3A_133 = tpu.memref_slice %arg3[%dma_wait3A_132] : memref<320000xi32, #tpu.memory_space<hbm>> -> memref<80xi32, #tpu.memory_space<hbm>>
    tpu.wait_dma2 semaphore(%arg27 : memref<!tpu.dma_semaphore, #tpu.memory_space<semaphore_mem>>) src(%dma_wait3A_133 : memref<80xi32, #tpu.memory_space<hbm>>) dst(%arg7 : memref<80xi32, #tpu.memory_space<vmem>>)
    %dma_start3A_134 = arith.constant 0 : i32
    %dma_start3A_135 = arith.constant 0 : i32
    %dma_start3A_136 = tpu.memref_slice %arg2[%dma_start3A_134, %dma_start3A_135] : memref<10000x128xf32, #tpu.memory_space<hbm>> -> memref<10000x128xf32, #tpu.memory_space<hbm>>
    tpu.enqueue_indirect_dma source(%dma_start3A_136 : memref<10000x128xf32, #tpu.memory_space<hbm>>) target(%arg15 : memref<80x128xf32, #tpu.memory_space<vmem>>) offsets(%arg7 : memref<80xi32, #tpu.memory_space<vmem>>) semaphore(%arg19 : memref<!tpu.dma_semaphore, #tpu.memory_space<semaphore_mem>>)
    %dma_wait3A_137 = arith.constant 0 : i32
    %dma_wait3A_138 = arith.constant 0 : i32
    %dma_wait3A_139 = tpu.memref_slice %arg2[%dma_wait3A_137, %dma_wait3A_138] : memref<10000x128xf32, #tpu.memory_space<hbm>> -> memref<10000x128xf32, #tpu.memory_space<hbm>>
    tpu.wait_indirect_dma semaphore(%arg21 : memref<!tpu.dma_semaphore, #tpu.memory_space<semaphore_mem>>) src(%dma_wait3A_139 : memref<10000x128xf32, #tpu.memory_space<hbm>>) dst(%arg17 : memref<80x128xf32, #tpu.memory_space<vmem>>)
    %dma_wait3A_140 = arith.constant 0 : i32
    %dma_wait3A_141 = tpu.memref_slice %arg4[%dma_wait3A_140] : memref<320000xi32, #tpu.memory_space<hbm>> -> memref<80xi32, #tpu.memory_space<hbm>>
    %dma_wait3A_142 = arith.constant 0 : i32
    %dma_wait3A_143 = tpu.memref_slice %arg4[%dma_wait3A_142] : memref<320000xi32, #tpu.memory_space<hbm>> -> memref<80xi32, #tpu.memory_space<hbm>>
    tpu.wait_dma2 semaphore(%arg33 : memref<!tpu.dma_semaphore, #tpu.memory_space<semaphore_mem>>) src(%dma_wait3A_143 : memref<80xi32, #tpu.memory_space<hbm>>) dst(%arg12 : memref<80xi32, #tpu.memory_space<vmem>>)
    %dma_start3A_144 = arith.constant 0 : i32
    %dma_start3A_145 = arith.constant 0 : i32
    %dma_start3A_146 = tpu.memref_slice %arg6[%dma_start3A_144, %dma_start3A_145] : memref<10032x128xf32, #tpu.memory_space<vmem_shared>> -> memref<10032x128xf32, #tpu.memory_space<vmem_shared>>
    tpu.enqueue_indirect_dma source(%arg17 : memref<80x128xf32, #tpu.memory_space<vmem>>) target(%dma_start3A_146 : memref<10032x128xf32, #tpu.memory_space<vmem_shared>>) offsets(%arg12 : memref<80xi32, #tpu.memory_space<vmem>>) semaphore(%arg25 : memref<!tpu.dma_semaphore, #tpu.memory_space<semaphore_mem>>) {add = true}
    %dma_wait3A_147 = arith.constant 0 : i32
    %dma_wait3A_148 = arith.constant 0 : i32
    %dma_wait3A_149 = tpu.memref_slice %arg6[%dma_wait3A_147, %dma_wait3A_148] : memref<10032x128xf32, #tpu.memory_space<vmem_shared>> -> memref<10032x128xf32, #tpu.memory_space<vmem_shared>>
    tpu.wait_indirect_dma semaphore(%arg24 : memref<!tpu.dma_semaphore, #tpu.memory_space<semaphore_mem>>) src(%arg16 : memref<80x128xf32, #tpu.memory_space<vmem>>) dst(%dma_wait3A_149 : memref<10032x128xf32, #tpu.memory_space<vmem_shared>>)
    %dma_wait3A_150 = arith.constant 0 : i32
    %dma_wait3A_151 = arith.constant 0 : i32
    %dma_wait3A_152 = tpu.memref_slice %arg2[%dma_wait3A_150, %dma_wait3A_151] : memref<10000x128xf32, #tpu.memory_space<hbm>> -> memref<10000x128xf32, #tpu.memory_space<hbm>>
    tpu.wait_indirect_dma semaphore(%arg22 : memref<!tpu.dma_semaphore, #tpu.memory_space<semaphore_mem>>) src(%dma_wait3A_152 : memref<10000x128xf32, #tpu.memory_space<hbm>>) dst(%arg18 : memref<80x128xf32, #tpu.memory_space<vmem>>)
    %dma_wait3A_153 = arith.constant 0 : i32
    %dma_wait3A_154 = tpu.memref_slice %arg4[%dma_wait3A_153] : memref<320000xi32, #tpu.memory_space<hbm>> -> memref<80xi32, #tpu.memory_space<hbm>>
    %dma_wait3A_155 = arith.constant 0 : i32
    %dma_wait3A_156 = tpu.memref_slice %arg4[%dma_wait3A_155] : memref<320000xi32, #tpu.memory_space<hbm>> -> memref<80xi32, #tpu.memory_space<hbm>>
    tpu.wait_dma2 semaphore(%arg34 : memref<!tpu.dma_semaphore, #tpu.memory_space<semaphore_mem>>) src(%dma_wait3A_156 : memref<80xi32, #tpu.memory_space<hbm>>) dst(%arg14 : memref<80xi32, #tpu.memory_space<vmem>>)
    %dma_start3A_157 = arith.constant 0 : i32
    %dma_start3A_158 = arith.constant 0 : i32
    %dma_start3A_159 = tpu.memref_slice %arg6[%dma_start3A_157, %dma_start3A_158] : memref<10032x128xf32, #tpu.memory_space<vmem_shared>> -> memref<10032x128xf32, #tpu.memory_space<vmem_shared>>
    tpu.enqueue_indirect_dma source(%arg18 : memref<80x128xf32, #tpu.memory_space<vmem>>) target(%dma_start3A_159 : memref<10032x128xf32, #tpu.memory_space<vmem_shared>>) offsets(%arg14 : memref<80xi32, #tpu.memory_space<vmem>>) semaphore(%arg26 : memref<!tpu.dma_semaphore, #tpu.memory_space<semaphore_mem>>) {add = true}
    %dma_wait3A_160 = arith.constant 0 : i32
    %dma_wait3A_161 = arith.constant 0 : i32
    %dma_wait3A_162 = tpu.memref_slice %arg6[%dma_wait3A_160, %dma_wait3A_161] : memref<10032x128xf32, #tpu.memory_space<vmem_shared>> -> memref<10032x128xf32, #tpu.memory_space<vmem_shared>>
    tpu.wait_indirect_dma semaphore(%arg25 : memref<!tpu.dma_semaphore, #tpu.memory_space<semaphore_mem>>) src(%arg17 : memref<80x128xf32, #tpu.memory_space<vmem>>) dst(%dma_wait3A_162 : memref<10032x128xf32, #tpu.memory_space<vmem_shared>>)
    %dma_wait3A_163 = arith.constant 0 : i32
    %dma_wait3A_164 = arith.constant 0 : i32
    %dma_wait3A_165 = tpu.memref_slice %arg2[%dma_wait3A_163, %dma_wait3A_164] : memref<10000x128xf32, #tpu.memory_space<hbm>> -> memref<10000x128xf32, #tpu.memory_space<hbm>>
    tpu.wait_indirect_dma semaphore(%arg19 : memref<!tpu.dma_semaphore, #tpu.memory_space<semaphore_mem>>) src(%dma_wait3A_165 : memref<10000x128xf32, #tpu.memory_space<hbm>>) dst(%arg15 : memref<80x128xf32, #tpu.memory_space<vmem>>)
    %dma_wait3A_166 = arith.constant 0 : i32
    %dma_wait3A_167 = tpu.memref_slice %arg4[%dma_wait3A_166] : memref<320000xi32, #tpu.memory_space<hbm>> -> memref<80xi32, #tpu.memory_space<hbm>>
    %dma_wait3A_168 = arith.constant 0 : i32
    %dma_wait3A_169 = tpu.memref_slice %arg4[%dma_wait3A_168] : memref<320000xi32, #tpu.memory_space<hbm>> -> memref<80xi32, #tpu.memory_space<hbm>>
    tpu.wait_dma2 semaphore(%arg31 : memref<!tpu.dma_semaphore, #tpu.memory_space<semaphore_mem>>) src(%dma_wait3A_169 : memref<80xi32, #tpu.memory_space<hbm>>) dst(%arg8 : memref<80xi32, #tpu.memory_space<vmem>>)
    %dma_start3A_170 = arith.constant 0 : i32
    %dma_start3A_171 = arith.constant 0 : i32
    %dma_start3A_172 = tpu.memref_slice %arg6[%dma_start3A_170, %dma_start3A_171] : memref<10032x128xf32, #tpu.memory_space<vmem_shared>> -> memref<10032x128xf32, #tpu.memory_space<vmem_shared>>
    tpu.enqueue_indirect_dma source(%arg15 : memref<80x128xf32, #tpu.memory_space<vmem>>) target(%dma_start3A_172 : memref<10032x128xf32, #tpu.memory_space<vmem_shared>>) offsets(%arg8 : memref<80xi32, #tpu.memory_space<vmem>>) semaphore(%arg23 : memref<!tpu.dma_semaphore, #tpu.memory_space<semaphore_mem>>) {add = true}
    %dma_wait3A_173 = arith.constant 0 : i32
    %dma_wait3A_174 = arith.constant 0 : i32
    %dma_wait3A_175 = tpu.memref_slice %arg6[%dma_wait3A_173, %dma_wait3A_174] : memref<10032x128xf32, #tpu.memory_space<vmem_shared>> -> memref<10032x128xf32, #tpu.memory_space<vmem_shared>>
    tpu.wait_indirect_dma semaphore(%arg26 : memref<!tpu.dma_semaphore, #tpu.memory_space<semaphore_mem>>) src(%arg18 : memref<80x128xf32, #tpu.memory_space<vmem>>) dst(%dma_wait3A_175 : memref<10032x128xf32, #tpu.memory_space<vmem_shared>>)
    %dma_wait3A_176 = arith.constant 0 : i32
    %dma_wait3A_177 = arith.constant 0 : i32
    %dma_wait3A_178 = tpu.memref_slice %arg6[%dma_wait3A_176, %dma_wait3A_177] : memref<10032x128xf32, #tpu.memory_space<vmem_shared>> -> memref<10032x128xf32, #tpu.memory_space<vmem_shared>>
    tpu.wait_indirect_dma semaphore(%arg23 : memref<!tpu.dma_semaphore, #tpu.memory_space<semaphore_mem>>) src(%arg15 : memref<80x128xf32, #tpu.memory_space<vmem>>) dst(%dma_wait3A_178 : memref<10032x128xf32, #tpu.memory_space<vmem_shared>>)
    %barrier3A_179 = arith.constant 0 : index
    tpu.barrier barrier_id(%barrier3A_179)
    %mul3A_180 = arith.constant 1000 : i32
    %mul3A_181 = arith.muli %arg1, %mul3A_180 : i32
    %multiple_of3A_182 = tpu.assume_multiple %mul3A_181, 8 : i32
    %lt3A = arith.constant 10 : i32
    %lt3A_183 = arith.cmpi slt, %arg1, %lt3A : i32
    %convert_element_type3A = arith.extui %lt3A_183 : i1 to i32
    %cond3A = arith.constant 0 : i32
    %cond3A_184 = arith.cmpi ne, %convert_element_type3A, %cond3A : i32
    scf.if %cond3A_184 {
      "tpu.region"() ({
        %run_scoped3A = tpu.sem_alloc : memref<!tpu.dma_semaphore, #tpu.memory_space<semaphore_mem>>
        %dma_start3A_185 = arith.constant 0 : i32
        %dma_start3A_186 = tpu.memref_slice %arg5[%arg0, %multiple_of3A_182, %dma_start3A_185] : memref<2x10000x128xf32, #tpu.memory_space<hbm>> -> memref<1x1000x128xf32, #tpu.memory_space<hbm>>
        %dma_start3A_187 = tpu.memref_squeeze %dma_start3A_186 : memref<1x1000x128xf32, #tpu.memory_space<hbm>> -> memref<1000x128xf32, #tpu.memory_space<hbm>>
        %dma_start3A_188 = arith.constant 0 : i32
        %dma_start3A_189 = tpu.memref_slice %arg6[%multiple_of3A_182, %dma_start3A_188] : memref<10032x128xf32, #tpu.memory_space<vmem_shared>> -> memref<1000x128xf32, #tpu.memory_space<vmem_shared>>
        tpu.enqueue_dma source(%dma_start3A_189 : memref<1000x128xf32, #tpu.memory_space<vmem_shared>>) target(%dma_start3A_187 : memref<1000x128xf32, #tpu.memory_space<hbm>>) target_semaphore(%run_scoped3A : memref<!tpu.dma_semaphore, #tpu.memory_space<semaphore_mem>>)
        %dma_wait3A_190 = arith.constant 0 : i32
        %dma_wait3A_191 = tpu.memref_slice %arg5[%arg0, %multiple_of3A_182, %dma_wait3A_190] : memref<2x10000x128xf32, #tpu.memory_space<hbm>> -> memref<1x1000x128xf32, #tpu.memory_space<hbm>>
        %dma_wait3A_192 = tpu.memref_squeeze %dma_wait3A_191 : memref<1x1000x128xf32, #tpu.memory_space<hbm>> -> memref<1000x128xf32, #tpu.memory_space<hbm>>
        %dma_wait3A_193 = arith.constant 0 : i32
        %dma_wait3A_194 = tpu.memref_slice %arg6[%multiple_of3A_182, %dma_wait3A_193] : memref<10032x128xf32, #tpu.memory_space<vmem_shared>> -> memref<1000x128xf32, #tpu.memory_space<vmem_shared>>
        tpu.wait_dma2 semaphore(%run_scoped3A : memref<!tpu.dma_semaphore, #tpu.memory_space<semaphore_mem>>) src(%dma_wait3A_194 : memref<1000x128xf32, #tpu.memory_space<vmem_shared>>) dst(%dma_wait3A_192 : memref<1000x128xf32, #tpu.memory_space<hbm>>)
        tpu.yield
      }) : () -> ()
    } else {
    }
    return
  }
}

module attributes {stable_mosaic.version = 14 : i64} {
  func.func @_tc_body(%arg0: i32, %arg1: memref<1000x128xf32, #tpu.memory_space<vmem>>, %arg2: memref<1000x128xf32, #tpu.memory_space<vmem>>, %arg3: memref<1000x1xf32, #tpu.memory_space<vmem>>, %arg4: memref<1000x1xf32, #tpu.memory_space<vmem>>, %arg5: memref<1000x128xf32, #tpu.memory_space<vmem>>, %arg6: memref<128x128xf32, #tpu.memory_space<vmem>>, %arg7: memref<1x128xf32, #tpu.memory_space<vmem>>, %arg8: memref<128x128xf32, #tpu.memory_space<vmem>>, %arg9: memref<1000x128xf32, #tpu.memory_space<vmem>>) attributes {dimension_semantics = [#tpu.dimension_semantics<arbitrary>], iteration_bounds = array<i64: 10>, scalar_prefetch = 0 : i64, scratch_operands = 0 : i64, tpu.core_type = #tpu.core_type<tc>, window_params = [{transform_indices = @transform_0, window_bounds = array<i64: 1000, 128>}, {transform_indices = @transform_1, window_bounds = array<i64: 1000, 128>}, {transform_indices = @transform_2, window_bounds = array<i64: 1000, 1>}, {transform_indices = @transform_3, window_bounds = array<i64: 1000, 1>}, {transform_indices = @transform_4, window_bounds = array<i64: 1000, 128>}, {pipeline_mode = #tpu.pipeline_mode<synchronous>, transform_indices = @transform_5, window_bounds = array<i64: 128, 128>}, {pipeline_mode = #tpu.pipeline_mode<synchronous>, transform_indices = @transform_6, window_bounds = array<i64: 1, 128>}, {pipeline_mode = #tpu.pipeline_mode<synchronous>, transform_indices = @transform_7, window_bounds = array<i64: 128, 128>}, {transform_indices = @transform_8, window_bounds = array<i64: 1000, 128>}]} {
    %get3A = arith.constant 0 : index
    %get3A_0 = arith.constant 0 : index
    %get3A_1 = vector.load %arg3[%get3A, %get3A_0] : memref<1000x1xf32, #tpu.memory_space<vmem>>, vector<1000x1xf32>
    %get3A_2 = arith.constant 0 : index
    %get3A_3 = arith.constant 0 : index
    %get3A_4 = vector.load %arg4[%get3A_2, %get3A_3] : memref<1000x1xf32, #tpu.memory_space<vmem>>, vector<1000x1xf32>
    %add3A = arith.addf %get3A_1, %get3A_4 : vector<1000x1xf32>
    %max3A = arith.constant 1.000000e+00 : f32
    %max3A_5 = vector.broadcast %max3A : f32 to vector<1000x1xf32>
    %max3A_6 = arith.maximumf %add3A, %max3A_5 : vector<1000x1xf32>
    %get3A_7 = arith.constant 0 : index
    %get3A_8 = arith.constant 0 : index
    %get3A_9 = vector.load %arg1[%get3A_7, %get3A_8] : memref<1000x128xf32, #tpu.memory_space<vmem>>, vector<1000x128xf32>
    %get3A_10 = arith.constant 0 : index
    %get3A_11 = arith.constant 0 : index
    %get3A_12 = vector.load %arg2[%get3A_10, %get3A_11] : memref<1000x128xf32, #tpu.memory_space<vmem>>, vector<1000x128xf32>
    %add3A_13 = arith.addf %get3A_9, %get3A_12 : vector<1000x128xf32>
    %div3A = vector.broadcast %max3A_6 : vector<1000x1xf32> to vector<1000x128xf32>
    %div3A_14 = arith.divf %add3A_13, %div3A : vector<1000x128xf32>
    %get3A_15 = arith.constant 0 : index
    %get3A_16 = arith.constant 0 : index
    %get3A_17 = vector.load %arg6[%get3A_15, %get3A_16] : memref<128x128xf32, #tpu.memory_space<vmem>>, vector<128x128xf32>
    %dot_general3A = arith.constant dense<0.000000e+00> : vector<1000x128xf32>
    %dot_general3A_18 = tpu.matmul %div3A_14, %get3A_17, %dot_general3A {dimension_numbers = #tpu.dot_dimension_numbers<[1], [0], [0], [1], [0, 0, 1, 1], [], []>, transpose_lhs_hint = false} : vector<1000x128xf32>, vector<128x128xf32>, vector<1000x128xf32> -> vector<1000x128xf32>
    %get3A_19 = arith.constant 0 : index
    %get3A_20 = arith.constant 0 : index
    %get3A_21 = vector.load %arg7[%get3A_19, %get3A_20] : memref<1x128xf32, #tpu.memory_space<vmem>>, vector<1x128xf32>
    %add3A_22 = vector.broadcast %get3A_21 : vector<1x128xf32> to vector<1000x128xf32>
    %add3A_23 = arith.addf %dot_general3A_18, %add3A_22 : vector<1000x128xf32>
    %get3A_24 = arith.constant 0 : index
    %get3A_25 = arith.constant 0 : index
    %get3A_26 = vector.load %arg5[%get3A_24, %get3A_25] : memref<1000x128xf32, #tpu.memory_space<vmem>>, vector<1000x128xf32>
    %get3A_27 = arith.constant 0 : index
    %get3A_28 = arith.constant 0 : index
    %get3A_29 = vector.load %arg8[%get3A_27, %get3A_28] : memref<128x128xf32, #tpu.memory_space<vmem>>, vector<128x128xf32>
    %dot_general3A_30 = arith.constant dense<0.000000e+00> : vector<1000x128xf32>
    %dot_general3A_31 = tpu.matmul %get3A_26, %get3A_29, %dot_general3A_30 {dimension_numbers = #tpu.dot_dimension_numbers<[1], [0], [0], [1], [0, 0, 1, 1], [], []>, transpose_lhs_hint = false} : vector<1000x128xf32>, vector<128x128xf32>, vector<1000x128xf32> -> vector<1000x128xf32>
    %add3A_32 = arith.addf %add3A_23, %dot_general3A_31 : vector<1000x128xf32>
    %max3A_33 = arith.constant 0.000000e+00 : f32
    %max3A_34 = vector.broadcast %max3A_33 : f32 to vector<1000x128xf32>
    %max3A_35 = arith.maximumf %add3A_32, %max3A_34 : vector<1000x128xf32>
    %swap3A = arith.constant 0 : index
    %swap3A_36 = arith.constant 0 : index
    %swap3A_37 = vector.load %arg9[%swap3A, %swap3A_36] : memref<1000x128xf32, #tpu.memory_space<vmem>>, vector<1000x128xf32>
    tpu.vector_store %arg9[%swap3A, %swap3A_36], %max3A_35 {strides = array<i32>} : memref<1000x128xf32, #tpu.memory_space<vmem>>, vector<1000x128xf32>,
    return
  }
  func.func @transform_0(%arg0: i32) -> (i32, i32) {
    %c0_i32 = arith.constant 0 : i32
    %c0_i32_0 = arith.constant 0 : i32
    return %arg0, %c0_i32 : i32, i32
  }
  func.func @transform_1(%arg0: i32) -> (i32, i32) {
    %c0_i32 = arith.constant 0 : i32
    %c0_i32_0 = arith.constant 0 : i32
    return %arg0, %c0_i32 : i32, i32
  }
  func.func @transform_2(%arg0: i32) -> (i32, i32) {
    %c0_i32 = arith.constant 0 : i32
    %c0_i32_0 = arith.constant 0 : i32
    return %arg0, %c0_i32 : i32, i32
  }
  func.func @transform_3(%arg0: i32) -> (i32, i32) {
    %c0_i32 = arith.constant 0 : i32
    %c0_i32_0 = arith.constant 0 : i32
    return %arg0, %c0_i32 : i32, i32
  }
  func.func @transform_4(%arg0: i32) -> (i32, i32) {
    %c0_i32 = arith.constant 0 : i32
    %c0_i32_0 = arith.constant 0 : i32
    return %arg0, %c0_i32 : i32, i32
  }
  func.func @transform_5(%arg0: i32) -> (i32, i32) {
    %c0_i32 = arith.constant 0 : i32
    %c0_i32_0 = arith.constant 0 : i32
    %c0_i32_1 = arith.constant 0 : i32
    return %c0_i32, %c0_i32_0 : i32, i32
  }
  func.func @transform_6(%arg0: i32) -> (i32, i32) {
    %c0_i32 = arith.constant 0 : i32
    %c0_i32_0 = arith.constant 0 : i32
    %c0_i32_1 = arith.constant 0 : i32
    return %c0_i32, %c0_i32_0 : i32, i32
  }
  func.func @transform_7(%arg0: i32) -> (i32, i32) {
    %c0_i32 = arith.constant 0 : i32
    %c0_i32_0 = arith.constant 0 : i32
    %c0_i32_1 = arith.constant 0 : i32
    return %c0_i32, %c0_i32_0 : i32, i32
  }
  func.func @transform_8(%arg0: i32) -> (i32, i32) {
    %c0_i32 = arith.constant 0 : i32
    %c0_i32_0 = arith.constant 0 : i32
    return %arg0, %c0_i32 : i32, i32
  }
}

module attributes {stable_mosaic.version = 14 : i64} {
  func.func @_tc_body(%arg0: i32, %arg1: memref<1000x128xf32, #tpu.memory_space<vmem>>, %arg2: memref<1000x128xf32, #tpu.memory_space<vmem>>, %arg3: memref<1000x1xf32, #tpu.memory_space<vmem>>, %arg4: memref<1000x1xf32, #tpu.memory_space<vmem>>, %arg5: memref<1000x128xf32, #tpu.memory_space<vmem>>, %arg6: memref<128x128xf32, #tpu.memory_space<vmem>>, %arg7: memref<1x128xf32, #tpu.memory_space<vmem>>, %arg8: memref<128x128xf32, #tpu.memory_space<vmem>>, %arg9: memref<1000x128xf32, #tpu.memory_space<vmem>>) attributes {dimension_semantics = [#tpu.dimension_semantics<arbitrary>], iteration_bounds = array<i64: 10>, scalar_prefetch = 0 : i64, scratch_operands = 0 : i64, tpu.core_type = #tpu.core_type<tc>, window_params = [{transform_indices = @transform_0, window_bounds = array<i64: 1000, 128>}, {transform_indices = @transform_1, window_bounds = array<i64: 1000, 128>}, {transform_indices = @transform_2, window_bounds = array<i64: 1000, 1>}, {transform_indices = @transform_3, window_bounds = array<i64: 1000, 1>}, {transform_indices = @transform_4, window_bounds = array<i64: 1000, 128>}, {pipeline_mode = #tpu.pipeline_mode<synchronous>, transform_indices = @transform_5, window_bounds = array<i64: 128, 128>}, {pipeline_mode = #tpu.pipeline_mode<synchronous>, transform_indices = @transform_6, window_bounds = array<i64: 1, 128>}, {pipeline_mode = #tpu.pipeline_mode<synchronous>, transform_indices = @transform_7, window_bounds = array<i64: 128, 128>}, {transform_indices = @transform_8, window_bounds = array<i64: 1000, 128>}]} {
    %get3A = arith.constant 0 : index
    %get3A_0 = arith.constant 0 : index
    %get3A_1 = vector.load %arg3[%get3A, %get3A_0] : memref<1000x1xf32, #tpu.memory_space<vmem>>, vector<1000x1xf32>
    %get3A_2 = arith.constant 0 : index
    %get3A_3 = arith.constant 0 : index
    %get3A_4 = vector.load %arg4[%get3A_2, %get3A_3] : memref<1000x1xf32, #tpu.memory_space<vmem>>, vector<1000x1xf32>
    %add3A = arith.addf %get3A_1, %get3A_4 : vector<1000x1xf32>
    %max3A = arith.constant 1.000000e+00 : f32
    %max3A_5 = vector.broadcast %max3A : f32 to vector<1000x1xf32>
    %max3A_6 = arith.maximumf %add3A, %max3A_5 : vector<1000x1xf32>
    %get3A_7 = arith.constant 0 : index
    %get3A_8 = arith.constant 0 : index
    %get3A_9 = vector.load %arg1[%get3A_7, %get3A_8] : memref<1000x128xf32, #tpu.memory_space<vmem>>, vector<1000x128xf32>
    %get3A_10 = arith.constant 0 : index
    %get3A_11 = arith.constant 0 : index
    %get3A_12 = vector.load %arg2[%get3A_10, %get3A_11] : memref<1000x128xf32, #tpu.memory_space<vmem>>, vector<1000x128xf32>
    %add3A_13 = arith.addf %get3A_9, %get3A_12 : vector<1000x128xf32>
    %div3A = vector.broadcast %max3A_6 : vector<1000x1xf32> to vector<1000x128xf32>
    %div3A_14 = arith.divf %add3A_13, %div3A : vector<1000x128xf32>
    %get3A_15 = arith.constant 0 : index
    %get3A_16 = arith.constant 0 : index
    %get3A_17 = vector.load %arg6[%get3A_15, %get3A_16] : memref<128x128xf32, #tpu.memory_space<vmem>>, vector<128x128xf32>
    %dot_general3A = arith.constant dense<0.000000e+00> : vector<1000x128xf32>
    %dot_general3A_18 = tpu.matmul %div3A_14, %get3A_17, %dot_general3A {dimension_numbers = #tpu.dot_dimension_numbers<[1], [0], [0], [1], [0, 0, 1, 1], [], []>, transpose_lhs_hint = false} : vector<1000x128xf32>, vector<128x128xf32>, vector<1000x128xf32> -> vector<1000x128xf32>
    %get3A_19 = arith.constant 0 : index
    %get3A_20 = arith.constant 0 : index
    %get3A_21 = vector.load %arg7[%get3A_19, %get3A_20] : memref<1x128xf32, #tpu.memory_space<vmem>>, vector<1x128xf32>
    %add3A_22 = vector.broadcast %get3A_21 : vector<1x128xf32> to vector<1000x128xf32>
    %add3A_23 = arith.addf %dot_general3A_18, %add3A_22 : vector<1000x128xf32>
    %get3A_24 = arith.constant 0 : index
    %get3A_25 = arith.constant 0 : index
    %get3A_26 = vector.load %arg5[%get3A_24, %get3A_25] : memref<1000x128xf32, #tpu.memory_space<vmem>>, vector<1000x128xf32>
    %get3A_27 = arith.constant 0 : index
    %get3A_28 = arith.constant 0 : index
    %get3A_29 = vector.load %arg8[%get3A_27, %get3A_28] : memref<128x128xf32, #tpu.memory_space<vmem>>, vector<128x128xf32>
    %dot_general3A_30 = arith.constant dense<0.000000e+00> : vector<1000x128xf32>
    %dot_general3A_31 = tpu.matmul %get3A_26, %get3A_29, %dot_general3A_30 {dimension_numbers = #tpu.dot_dimension_numbers<[1], [0], [0], [1], [0, 0, 1, 1], [], []>, transpose_lhs_hint = false} : vector<1000x128xf32>, vector<128x128xf32>, vector<1000x128xf32> -> vector<1000x128xf32>
    %add3A_32 = arith.addf %add3A_23, %dot_general3A_31 : vector<1000x128xf32>
    %neg3A = arith.constant 0.000000e+00 : f32
    %neg3A_33 = vector.broadcast %neg3A : f32 to vector<1000x128xf32>
    %neg3A_34 = arith.subf %neg3A_33, %add3A_32 : vector<1000x128xf32>
    %exp3A = math.exp %neg3A_34 : vector<1000x128xf32>
    %add3A_35 = arith.constant 1.000000e+00 : f32
    %add3A_36 = vector.broadcast %add3A_35 : f32 to vector<1000x128xf32>
    %add3A_37 = arith.addf %add3A_36, %exp3A : vector<1000x128xf32>
    %div3A_38 = arith.constant 1.000000e+00 : f32
    %div3A_39 = vector.broadcast %div3A_38 : f32 to vector<1000x128xf32>
    %div3A_40 = arith.divf %div3A_39, %add3A_37 : vector<1000x128xf32>
    %swap3A = arith.constant 0 : index
    %swap3A_41 = arith.constant 0 : index
    %swap3A_42 = vector.load %arg9[%swap3A, %swap3A_41] : memref<1000x128xf32, #tpu.memory_space<vmem>>, vector<1000x128xf32>
    tpu.vector_store %arg9[%swap3A, %swap3A_41], %div3A_40 {strides = array<i32>} : memref<1000x128xf32, #tpu.memory_space<vmem>>, vector<1000x128xf32>,
    return
  }
  func.func @transform_0(%arg0: i32) -> (i32, i32) {
    %c0_i32 = arith.constant 0 : i32
    %c0_i32_0 = arith.constant 0 : i32
    return %arg0, %c0_i32 : i32, i32
  }
  func.func @transform_1(%arg0: i32) -> (i32, i32) {
    %c0_i32 = arith.constant 0 : i32
    %c0_i32_0 = arith.constant 0 : i32
    return %arg0, %c0_i32 : i32, i32
  }
  func.func @transform_2(%arg0: i32) -> (i32, i32) {
    %c0_i32 = arith.constant 0 : i32
    %c0_i32_0 = arith.constant 0 : i32
    return %arg0, %c0_i32 : i32, i32
  }
  func.func @transform_3(%arg0: i32) -> (i32, i32) {
    %c0_i32 = arith.constant 0 : i32
    %c0_i32_0 = arith.constant 0 : i32
    return %arg0, %c0_i32 : i32, i32
  }
  func.func @transform_4(%arg0: i32) -> (i32, i32) {
    %c0_i32 = arith.constant 0 : i32
    %c0_i32_0 = arith.constant 0 : i32
    return %arg0, %c0_i32 : i32, i32
  }
  func.func @transform_5(%arg0: i32) -> (i32, i32) {
    %c0_i32 = arith.constant 0 : i32
    %c0_i32_0 = arith.constant 0 : i32
    %c0_i32_1 = arith.constant 0 : i32
    return %c0_i32, %c0_i32_0 : i32, i32
  }
  func.func @transform_6(%arg0: i32) -> (i32, i32) {
    %c0_i32 = arith.constant 0 : i32
    %c0_i32_0 = arith.constant 0 : i32
    %c0_i32_1 = arith.constant 0 : i32
    return %c0_i32, %c0_i32_0 : i32, i32
  }
  func.func @transform_7(%arg0: i32) -> (i32, i32) {
    %c0_i32 = arith.constant 0 : i32
    %c0_i32_0 = arith.constant 0 : i32
    %c0_i32_1 = arith.constant 0 : i32
    return %c0_i32, %c0_i32_0 : i32, i32
  }
  func.func @transform_8(%arg0: i32) -> (i32, i32) {
    %c0_i32 = arith.constant 0 : i32
    %c0_i32_0 = arith.constant 0 : i32
    return %arg0, %c0_i32 : i32, i32
  }
}

</mosaic_0001>

<sc_bundles>
// kernel: kernel.11.cloned.1.call-start
scs
__scs_entry_jumppad:
0x0: {  	(pc) =	sbr.rel $0x88, $3  }
0x1: {  	(tag) =	ssettag $0x0;
	lr =	simm.s32 $0x1  }
0x2: {  	[smem:$0x3F96] =	sst lr;
	_ =	strace $0xD0000000  }
0x3: {  	_ = 	snop  }
0x4: {  	_ = 	snop  }
0x5: {  	_ = 	snop  }
0x6: {  	_ = 	snop  }
0x7: {  	_ = 	snop  }
__scs_overlays_trampoline_lowered:
0x8: {  	[smem:$0x3FA5] =	sst s0  }
0x9: {  	[smem:$0x3FA6] =	sst s1  }
0xa: {  	[smem:$0x3FA7] =	sst s2  }
0xb: {  	[smem:$0x3FA8] =	sst s3  }
0xc: {  	[smem:$0x3FA9] =	sst s4  }
0xd: {  	[smem:$0x3FAA] =	sst s5  }
0xe: {  	[smem:$0x3FAB] =	sst s6  }
0xf: {  	[smem:$0x3FAC] =	sst s7  }
0x10: {  	[smem:$0x3FAD] =	sst s8  }
0x11: {  	[smem:$0x3FAE] =	sst s9;
	s0 =	simm.s32 @!p0 $0x0  }
0x12: {  	s1 =	sld [smem:$0x3F94];
	s0 =	simm.s32 @p0 $0x1  }
0x13: {  	[smem:$0x3FAF] =	sst s0;
	s0 =	simm.s32 @!p1 $0x0  }
0x14: {  	s2 =	sld [smem:$0x3F93];
	s0 =	simm.s32 @p1 $0x1  }
0x15: {  	[smem:$0x3FB0] =	sst s0;
	s0 =	simm.s32 @!p2 $0x0  }
0x16: {  	s3 =	sld [smem:$0x3FDB];
	s0 =	simm.s32 @p2 $0x1  }
0x17: {  	s4 =	simm.s32 $0x1BF5;
	[smem:$0x3FB2] =	sst s0  }
0x18: {  	s0 =	sld [smem:$0x3F95];
	_ =	swait.ge [sflag:s4], $0x0  }
0x19: {  	s7 =	sld [smem:$0x3F96]  }
0x1a: {  	s8 =	sadd.s32 $0xFFFFE003, lr  }
0x1b: {  	s9 =	sadd.s32 $0xFFFFFEF7, lr;
	s5 =	simm.s32 $0xFFFFFFFF;
	p2 =	slt.u32 s8, $0xFFFFF086  }
0x1c: {  	p1 =	slt.u32 s9, $0xF7A;
	s5 =	simm.s32 @!p2 $0x0  }
0x1d: {  	s5 =	simm.s32 @p1 $0x1;
	p0 =	seq.s32 s7, s2  }
0x1e: {  	s7 =	smul.u32 @!p0 $0xF7A, s2;
	p2 =	seq.s32 @!p0 s5, $0x0  }
0x1f: {  	s9 =	smul.u32 $0xF7A, s1;
	s8 =	simm.s32 @!p0 $0x1BF5;
	p2 =	por !p2, p0  }
0x20: {  	[sflag:s8] =	ssyncset.s32 @!p0 $0xFFFFF086;
	s6 =	sadd.s32 @!p0 s3, s7;
	s7 =	simm.s32 @!p0 $0x108  }
0x21: {  	s3 =	sadd.s32 s3, s9;
	s6 =	sadd.s32 @!p0 $0x88, s6;
	s7 =	simm.s32 @p2 $0x1082  }
0x22: {  	[simem:s7], [sflag:s8] =	dma.local @!p0 [hbm:s6], $0xF7A  }
0x23: {  	s9 =	sor.u32 $0xD0000000, s2;
	s6 =	simm.s32 $0x108;
	_ =	swait.ge @!p0 [sflag:s8], $0x0  }
0x24: {  	s3 =	sadd.s32 $0x88, s3;
	s6 =	simm.s32 @!p1 $0x1082;
	[sflag:s4] =	ssyncset.s32 $0xFFFFF086  }
0x25: {  	[simem:s6], [sflag:s4] =	dma.local [hbm:s3], $0xF7A  }
0x26: {  	[smem:$0x3F96] =	sst s1;
	(tag) =	ssettag s2;
	_ =	strace s9  }
0x27: {  	s1 =	sld [smem:$0x3FA6]  }
0x28: {  	s2 =	sld [smem:$0x3FA7]  }
0x29: {  	s4 =	sld [smem:$0x3FA9]  }
0x2a: {  	p0 =	seq.s32 s5, $0x0;
	s5 =	sld [smem:$0x3FAA]  }
0x2b: {  	s6 =	sld [smem:$0x3FAB]  }
0x2c: {  	s7 =	sld [smem:$0x3FAC]  }
0x2d: {  	s3 =	simm.s32 $0x108;
	s8 =	sld [smem:$0x3FAD]  }
0x2e: {  	s3 =	simm.s32 @!p0 $0x1082;
	s9 =	sld [smem:$0x3FAE]  }
0x2f: {  	lr =	sadd.s32 s0, s3;
	s0 =	sld [smem:$0x3FA5]  }
0x30: {  	s3 =	sld [smem:$0x3FA8]  }
0x31: {  	[smem:$0x3FB1] =	sst s10  }
0x32: {  	s10 =	sld [smem:$0x3FAF];
	_ =	sdelay $0x3  }
0x33: {  	p0 =	seq.s32 s10, $0x1;
	s10 =	sld [smem:$0x3FB1];
	_ =	sdelay $0x3  }
0x34: {  	[smem:$0x3FB1] =	sst s10  }
0x35: {  	s10 =	sld [smem:$0x3FB0];
	_ =	sdelay $0x3  }
0x36: {  	p1 =	seq.s32 s10, $0x1;
	s10 =	sld [smem:$0x3FB1];
	_ =	sdelay $0x3  }
0x37: {  	[smem:$0x3FB1] =	sst s10  }
0x38: {  	s10 =	sld [smem:$0x3FB2]  }
0x39: {  	_ = 	snop;
	(pc) =	sbr.ind lr, $3  }
0x3a: {  	_ = 	snop  }
0x3b: {  	_ = 	snop  }
0x3c: {  	p2 =	seq.s32 s10, $0x1;
	s10 =	sld [smem:$0x3FB1]  }
0x3d: {  	_ =	shalt  }
0x3e: {  	_ =	shalt  }
0x3f: {  	_ =	shalt  }
0x40: {  	_ =	shalt  }
0x41: {  	_ =	shalt  }
0x42: {  	_ =	shalt  }
0x43: {  	_ =	shalt  }
0x44: {  	_ =	shalt  }
0x45: {  	_ =	shalt  }
0x46: {  	_ =	shalt  }
0x47: {  	_ =	shalt  }
0x48: {  	_ =	shalt  }
0x49: {  	_ =	shalt  }
0x4a: {  	_ =	shalt  }
0x4b: {  	_ =	shalt  }
0x4c: {  	_ =	shalt  }
0x4d: {  	_ =	shalt  }
0x4e: {  	_ =	shalt  }
0x4f: {  	_ =	shalt  }
0x50: {  	_ =	shalt  }
0x51: {  	_ =	shalt  }
0x52: {  	_ =	shalt  }
0x53: {  	_ =	shalt  }
0x54: {  	_ =	shalt  }
0x55: {  	_ =	shalt  }
0x56: {  	_ =	shalt  }
0x57: {  	_ =	shalt  }
0x58: {  	_ =	shalt  }
0x59: {  	_ =	shalt  }
0x5a: {  	_ =	shalt  }
0x5b: {  	_ =	shalt  }
0x5c: {  	_ =	shalt  }
0x5d: {  	_ =	shalt  }
0x5e: {  	_ =	shalt  }
0x5f: {  	_ =	shalt  }
0x60: {  	_ =	shalt  }
0x61: {  	_ =	shalt  }
0x62: {  	_ =	shalt  }
0x63: {  	_ =	shalt  }
0x64: {  	_ =	shalt  }
0x65: {  	_ =	shalt  }
0x66: {  	_ =	shalt  }
0x67: {  	_ =	shalt  }
0x68: {  	_ =	shalt  }
0x69: {  	_ =	shalt  }
0x6a: {  	_ =	shalt  }
0x6b: {  	_ =	shalt  }
0x6c: {  	_ =	shalt  }
0x6d: {  	_ =	shalt  }
0x6e: {  	_ =	shalt  }
0x6f: {  	_ =	shalt  }
0x70: {  	_ =	shalt  }
0x71: {  	_ =	shalt  }
0x72: {  	_ =	shalt  }
0x73: {  	_ =	shalt  }
0x74: {  	_ =	shalt  }
0x75: {  	_ =	shalt  }
0x76: {  	_ =	shalt  }
0x77: {  	_ =	shalt  }
0x78: {  	_ =	shalt  }
0x79: {  	_ =	shalt  }
0x7a: {  	_ =	shalt  }
0x7b: {  	_ =	shalt  }
0x7c: {  	_ =	shalt  }
0x7d: {  	_ =	shalt  }
0x7e: {  	_ =	shalt  }
0x7f: {  	_ =	shalt  }
0x80: {  	_ =	shalt  }
0x81: {  	_ =	shalt  }
0x82: {  	_ =	shalt  }
0x83: {  	_ =	shalt  }
0x84: {  	_ =	shalt  }
0x85: {  	_ =	shalt  }
0x86: {  	_ =	shalt  }
0x87: {  	_ =	shalt  }
.Lfunc_end0:
.L_simem_size_0:
called_computation.1_lowered:
.L_overlay_start_0:
0x88: {  	s2 =	sld [smem:$0x3FD9]  }
0x89: {  	s3 =	sld [smem:$0x3FFE];
	_ =	sdelay $0x1  }
0x8a: {  	s1 =	srdreg.scid  }
0x8b: {  	s0 =	sand.u32 $0x1, s1  }
0x8c: {  	s16 =	sshll.u32 s0, $0xA;
	s2 =	sadd.s32 s3, s2  }
0x8d: {  	s2 =	sadd.s32 s2, s16  }
0x8e: {  	[smem:$0x3FBD] =	sst s2  }
0x8f: {  	_ = 	snop  }
0x90: {  	(tm) =	ssettm $0x1  }
0x91: {  	s17 =	sld [smem:$0x3FFB];
	_ =	sdelay $0x3  }
0x92: {  	_ =	strace s17  }
0x93: {  	s2 =	sld [smem:$0x3FFC];
	_ =	sdelay $0x3  }
0x94: {  	_ =	strace s2  }
0x95: {  	s2 =	sld [smem:$0x3FFD];
	_ =	sdelay $0x3  }
0x96: {  	_ =	strace s2  }
0x97: {  	_ =	strace $0x8FFFFFFF  }
0x98: {  	s18 =	sld [smem:$0x3FDB];
	_ =	sdelay $0x1  }
0x99: {  	s19 =	simm.s32 $_scs_section_size  }
0x9a: {  	s4 =	simm.s32 $_size__tile_overlayer_lowered;
	s5 =	simm.s32 $_tile_overlayer_lowered  }
0x9b: {  	s22 =	simm.s32 $0x1BFF;
	s21 =	sshll.u32 s5, $0x1;
	s2 =	sadd.s32 s19, s18  }
0x9c: {  	s6 =	simm.s32 $0x0;
	s20 =	sshll.u32 s4, $0x1;
	s4 =	sadd.s32 s21, s2  }
0x9d: {  	[timem:s6], [sflag:s22] =	dma.local [hbm:s4], s20  }
0x9e: {  	_ =	swait.ge [sflag:s22], s20  }
0x9f: {  	s3 =	ssub.s32 $0x0, s20;
	[sflag:s22] =	ssyncset.done $0x0  }
0xa0: {  	[sflag:s22] =	ssyncadd.s32 s3;
	_ =	sdelay $0x1  }
0xa1: {  	s23 =	simm.s32 $0x1B8B  }
0xa2: {  	_ =	swait.ge [sflag:s23], $0x1  }
0xa3: {  	[sflag:s23] =	ssyncset.done $0x0  }
0xa4: {  	s25 =	simm.s32 $0x1B8E;
	s24 =	sld [smem:$0x3FFE];
	[sflag:s23] =	ssyncadd.s32 $0xFFFFFFFF  }
0xa5: {  	s26 =	simm.s32 $execute0_lowered;
	[smem:$0x3FD2] =	sst s25  }
0xa6: {  	s4 =	sshll.u32 s26, $0x1;
	_ =	strace $0x80000049;
	[dreg:$0x1] =	wrdreg $0xFFFFFFFF  }
0xa7: {  	s28 =	simm.s32 $_size_execute0_lowered;
	s2 =	sadd.s32 s2, s4;
	[dreg:$0x0] =	wrdreg $0x0  }
0xa8: {  	s4 =	sshll.u32 s28, $0x1;
	[dreg:$0x2] =	wrdreg s2  }
0xa9: {  	[dreg:$0x3] =	wrdreg s4  }
0xaa: {  	[dreg:$0x4] =	wrdreg $0xC0  }
0xab: {  	_ =	task [dreg:s6], $0x5FFFF  }
0xac: {  	[dreg:$0x1] =	wrdreg $0xFFFFFFFF  }
0xad: {  	[dreg:$0x0] =	wrdreg $0x60  }
0xae: {  	[dreg:$0x2] =	wrdreg s24  }
0xaf: {  	[dreg:$0x3] =	wrdreg $0x0  }
0xb0: {  	[dreg:$0x4] =	wrdreg $0x9  }
0xb1: {  	_ =	task.clear_ibuf [dreg:s6], $0x5FFFF;
	_ =	strace $0x90000049  }
0xb2: {  	s29 =	simm.s32 $0x9;
	_ =	strace $0x8000004B  }
0xb3: {  	_ =	swait.ge [sflag:s29], $0x1  }
0xb4: {  	[sflag:s29] =	ssyncadd.s32 $0xFFFFFFFF  }
0xb5: {  	_ =	strace $0x9000004B  }
0xb6: {  	_ =	sfence  }
0xb7: {  	s30 =	sld [smem:$0x0];
	_ =	sdelay $0x2  }
0xb8: {  	s31 =	sshll.u32 s1, $0xD;
	s1 =	sshrl.u32 s1, $0x2  }
0xb9: {  	s3 =	sand.u32 $0x4000, s31;
	s1 =	sadd.s32 s1, s30  }
0xba: {  	s0 =	sor.u32 s3, s0;
	s1 =	sshll.u32 s1, $0x11  }
0xbb: {  	s0 =	sor.u32 s1, s0  }
0xbc: {  	s0 =	sadd.s32 $0x8F2B, s0  }
0xbd: {  	[sflag:s0] =	ssyncadd.remote.s32 $0x1  }
0xbe: {  	_ =	sfence.sel $0xFFFF  }
0xbf: {  	[dreg:$0x0] =	wrdreg $0xFFFFFFFF;
	(pc) =	sbr.abs _section_cstart, $3  }
0xc0: {  	[dreg:$0x1] =	wrdreg $0xFFFFFFFF  }
0xc1: {  	_ =	task.clear_ibuf [dreg:s6], $0x2FFFF;
	_ =	strace $0x9FFFFFFF  }
0xc2: {  	(tm) =	ssettm $0x7FFFFFFF  }
0xc3: {  	_ =	shalt  }
tec
execute0_lowered:
.L_overlay_start_1:
0x0: {  	(tag) =	ssettag $0x1  }
0x1: {  	s0 =	rddreg [dreg:$0x0]  }
0x2: {  	s29 =	rddreg [dreg:$0x1];
	s3 =	simm.s32 $0x0;
	s2 =	srdreg.scid  }
0x3: {  	s11 =	stileid.u32;
	[smem:$0x7FF] =	sst s3  }
0x4: {  	s2 =	sand.u32 $0x1, s2;
	s6 =	smul.u32 $0x1F400, s11;
	s4 =	sadd.s32 $0x16A00, s0  }
0x5: {  	s8 =	sadd.s32 $0xCC00, s0;
	s19 =	sadd.s32 $0x2E00, s0;
	s1 =	smul.u32 $0x2710, s11  }
0x6: {  	s5 =	smul.u32 $0x138800, s2;
	_ =	strace $0x8000004A;
	s7 =	sshll.u32 s2, $0x4  }
0x7: {  	s24 =	ssub.s32 $0x2, s2;
	s2 =	smul.u32 $0x27100, s2;
	[dreg:$0xa] =	wrdreg s19  }
0x8: {  	s7 =	sor.u32 s11, s7;
	s9 =	sshrl.u32 s24, $0x1;
	s5 =	sadd.s32 s6, s5  }
0x9: {  	s7 =	smul.u32 $0x2710, s7;
	s2 =	sadd.s32 s1, s2;
	s5 =	sshrl.u32 s5, $0x3  }
0xa: {  	s18 =	sadd.s32 $0x280, s2;
	s21 =	sadd.s32 $0x230, s2;
	s1 =	sadd.s32 $0x190, s2  }
0xb: {  	s0 =	sadd.s32 s5, s0;
	s5 =	ssub.s32 s24, s9;
	s25 =	sshrl.u32 s7, $0x3  }
0xc: {  	s9 =	sshrl.u32 s21, $0x3;
	s24 =	sadd.s32 $0x1E0, s2;
	s2 =	sadd.s32 $0x140, s2  }
0xd: {  	s12 =	sadd.s32 s8, s25;
	s7 =	sadd.s32 $0xA, s25;
	s13 =	sadd.s32 s19, s25  }
0xe: {  	s30 =	sadd.s32 $0x14, s25;
	s23 =	sadd.s32 s9, s19;
	[dreg:$0x1d] =	wrdreg s2  }
0xf: {  	s6 =	sadd.s32 $0x1E, s25;
	s25 =	sadd.s32 s9, s8;
	[dreg:$0x4] =	wrdreg s23  }
0x10: {  	s0 =	sadd.s32 $0x3DC00, s0;
	[dreg:$0x5] =	wrdreg s25  }
0x11: {  	s5 =	smax.u32 s5, $0x1;
	[dreg:$0x1b] =	wrdreg s0  }
0x12: {  	s31 =	simm.s32 $0xB;
	[dreg:$0x1c] =	wrdreg s5  }
0x13: {  	s28 =	simm.s32 $0xF;
	s26 =	smul.u32 $0x4E200, s11;
	[dreg:$0xb] =	wrdreg s12  }
0x14: {  	p0 =	sgt.u32 s11, $0x9;
	s10 =	sadd.s32 s8, s7;
	[dreg:$0xc] =	wrdreg s13  }
0x15: {  	s15 =	sshrl.u32 s26, $0x2;
	s7 =	sadd.s32 s19, s7;
	[dreg:$0xd] =	wrdreg s10  }
0x16: {  	s26 =	sshrl.u32 s24, $0x3;
	s14 =	sadd.s32 s8, s30;
	[dreg:$0xe] =	wrdreg s7  }
0x17: {  	s9 =	simm.s32 $0x13A00;
	s16 =	sadd.s32 s8, s6;
	[dreg:$0xf] =	wrdreg s14  }
0x18: {  	s6 =	sadd.s32 s19, s6;
	s5 =	simm.s32 $0x3;
	[dreg:$0x12] =	wrdreg s16  }
0x19: {  	s7 =	sadd.s32 s19, s30;
	s14 =	sadd.s32 s15, s29;
	[dreg:$0x1a] =	wrdreg s6  }
0x1a: {  	s30 =	sadd.s32 s26, s19;
	s15 =	sadd.s32 s26, s8;
	[dreg:$0x10] =	wrdreg s7  }
0x1b: {  	s16 =	sshrl.u32 s1, $0x3;
	s26 =	sadd.s32 $0x28, s12;
	[dreg:$0x6] =	wrdreg s30  }
0x1c: {  	s10 =	simm.s32 $0x13A80;
	s6 =	simm.s32 $0x50;
	[dreg:$0x7] =	wrdreg s15  }
0x1d: {  	s1 =	simm.s32 $0x6;
	s12 =	simm.s32 $0x0;
	[dreg:$0x11] =	wrdreg s14  }
0x1e: {  	s17 =	sadd.s32 $0x2800, s14;
	s20 =	sadd.s32 $0x5000, s14;
	[dreg:$0x1f] =	wrdreg s26  }
0x1f: {  	s7 =	sshrl.u32 s18, $0x3;
	s22 =	sadd.s32 $0x7800, s14;
	[dreg:$0x13] =	wrdreg s17  }
0x20: {  	s18 =	sadd.s32 s16, s19;
	s21 =	sadd.s32 s16, s8;
	[dreg:$0x14] =	wrdreg s20  }
0x21: {  	s23 =	sadd.s32 $0xF000, s14;
	s24 =	sadd.s32 $0x11800, s14;
	[dreg:$0x15] =	wrdreg s22  }
0x22: {  	s30 =	sadd.s32 $0x4D8, s13;
	s13 =	simm.s32 $0x1B580;
	[dreg:$0x8] =	wrdreg s18  }
0x23: {  	s15 =	simm.s32 $0xA;
	s16 =	simm.s32 $0x13D00;
	[dreg:$0x18] =	wrdreg s23  }
0x24: {  	s26 =	simm.s32 $0x2;
	s7 =	sadd.s32 s7, s8;
	[dreg:$0x9] =	wrdreg s21  }
0x25: {  	s17 =	sadd.s32 $0xA000, s14;
	s20 =	smul.u32 $0x7D000, s11;
	[dreg:$0x19] =	wrdreg s24  }
0x26: {  	s22 =	sadd.s32 $0xC800, s14;
	[smem:$0x7FD] =	sst s30;
	s8 =	simm.s32 $0x13980  }
0x27: {  	s14 =	simm.s32 $0x13B80;
	s18 =	simm.s32 $0x13D80;
	s21 =	simm.s32 $0x16580  }
0x28: {  	s23 =	simm.s32 $0xD;
	s24 =	simm.s32 $0xE;
	[dreg:$0x3] =	wrdreg s7  }
0x29: {  	s11 =	simm.s32 $0x5;
	[dreg:$0x16] =	wrdreg s17;
	s25 =	sshrl.u32 s20, $0x2  }
0x2a: {  	[dreg:$0x17] =	wrdreg s22;
	s7 =	simm.s32 $0x13B00;
	s0 =	sadd.s32 s25, s29  }
0x2b: {  	s17 =	simm.s32 $0x13C00;
	s22 =	simm.s32 $0x1;
	s0 =	sshrl.u32 @!p0 s0, $0x3  }
0x2c: {  	v0 =	vimm.f32 $0.0e+00;
	s20 =	simm.s32 $0x13C80;
	s25 =	simm.s32 $0xC;
	[dreg:$0x1e] =	wrdreg s0  }
.LBB2_1:
0x2d: {  	[smem:$0x7FC] =	sst s12  }
0x2e: {  	s0 =	rddreg [dreg:$0xb]  }
0x2f: {  	[tilespmem:s8], [sflag:$0x9] =	stream.linear.gather [hbm4b:s0+s3], $0x50, $0x38;
	[tilespmem:$0x1DD80] =	vst v63  }
0x30: {  	s2 =	rddreg [dreg:$0xc]  }
0x31: {  	[tilespmem:s9], [sflag:$0xD] =	stream.linear.gather [hbm4b:s2+s3], $0x50, $0x38;
	[tilespmem:$0x1DD80] =	vst v63  }
0x32: {  	s12 =	rddreg [dreg:$0xd]  }
0x33: {  	[tilespmem:s10], [sflag:$0xA] =	stream.linear.gather [hbm4b:s12+s3], $0x50, $0x38;
	[tilespmem:$0x1DD80] =	vst v63  }
0x34: {  	s2 =	rddreg [dreg:$0xe]  }
0x35: {  	[tilespmem:s7], [sflag:$0xE] =	stream.linear.gather [hbm4b:s2+s3], $0x50, $0x38;
	[tilespmem:$0x1DD80] =	vst v63  }
0x36: {  	s12 =	rddreg [dreg:$0xf]  }
0x37: {  	[tilespmem:s14], [sflag:$0xB] =	stream.linear.gather [hbm4b:s12+s3], $0x50, $0x38;
	[tilespmem:$0x1DD80] =	vst v63  }
0x38: {  	s2 =	rddreg [dreg:$0x10]  }
0x39: {  	[tilespmem:s17], [sflag:$0xF] =	stream.linear.gather [hbm4b:s2+s3], $0x50, $0x38;
	[tilespmem:$0x1DD80] =	vst v63  }
0x3a: {  	s30 =	simm.s32 $0x200;
	s0 =	simm.s32 $0x0;
	s12 =	rddreg [dreg:$0x12]  }
0x3b: {  	[tilespmem:s20], [sflag:$0xC] =	stream.linear.gather [hbm4b:s12+s3], $0x50, $0x38;
	[tilespmem:$0x1DD80] =	vst v63  }
.LBB2_2:
0x3c: {  	p1 =	sne.s32 s30, $0x9E00;
	[tilespmem:s0+$0x1B5F0] =	vst v0  }
0x3d: {  	[tilespmem:s0+$0x1B580] =	vst v0  }
0x3e: {  	[tilespmem:s0+$0x1B590] =	vst v0  }
.Ltmp0:
0x3f: {  	[tilespmem:s0+$0x1B5A0] =	vst v0;
	(pc) =	sbr.rel @p1 .LBB2_2-.Ltmp0, $4  }
0x40: {  	[tilespmem:s0+$0x1B5B0] =	vst v0  }
0x41: {  	[tilespmem:s0+$0x1B5C0] =	vst v0  }
0x42: {  	[tilespmem:s0+$0x1B5D0] =	vst v0  }
0x43: {  	[tilespmem:s0+$0x1B5E0] =	vst v0;
	s0 =	sshra.s32 s30, $0x2;
	s30 =	sadd.s32 $0x200, s30  }
0x44: {  	[tilespmem:s0+$0x1B5F0] =	vst v0  }
0x45: {  	[tilespmem:s0+$0x1B580] =	vst v0  }
0x46: {  	[tilespmem:s0+$0x1B590] =	vst v0  }
0x47: {  	[tilespmem:s0+$0x1B5A0] =	vst v0  }
0x48: {  	[tilespmem:s0+$0x1B5B0] =	vst v0  }
0x49: {  	[tilespmem:s0+$0x1B5C0] =	vst v0  }
0x4a: {  	[tilespmem:s0+$0x1B5D0] =	vst v0  }
0x4b: {  	[tilespmem:s0+$0x1B5E0] =	vst v0;
	s2 =	rddreg [dreg:$0x11]  }
0x4c: {  	[spmem:s2] =	stream.linear.scatter [tilespmem:s13], [sflag:$0x11], $0x2800, $0x38;
	[tilespmem:$0x1DD80] =	vst v63  }
0x4d: {  	s2 =	simm.s32 $0x11  }
0x4e: {  	_ =	swait.ge [sflag:s2], $0x2800  }
0x4f: {  	[sflag:s2] =	ssyncset.done $0x0  }
0x50: {  	s12 =	rddreg [dreg:$0x13];
	[sflag:s2] =	ssyncadd.s32 $0xFFFFD800  }
0x51: {  	[spmem:s12] =	stream.linear.scatter [tilespmem:s13], [sflag:$0x11], $0x2800, $0x38;
	[tilespmem:$0x1DD80] =	vst v63  }
0x52: {  	_ =	swait.ge [sflag:s2], $0x2800  }
0x53: {  	[sflag:s2] =	ssyncset.done $0x0  }
0x54: {  	s12 =	rddreg [dreg:$0x14];
	[sflag:s2] =	ssyncadd.s32 $0xFFFFD800  }
0x55: {  	[spmem:s12] =	stream.linear.scatter [tilespmem:s13], [sflag:$0x11], $0x2800, $0x38;
	[tilespmem:$0x1DD80] =	vst v63  }
0x56: {  	_ =	swait.ge [sflag:s2], $0x2800  }
0x57: {  	[sflag:s2] =	ssyncset.done $0x0  }
0x58: {  	s12 =	rddreg [dreg:$0x15];
	[sflag:s2] =	ssyncadd.s32 $0xFFFFD800  }
0x59: {  	[spmem:s12] =	stream.linear.scatter [tilespmem:s13], [sflag:$0x11], $0x2800, $0x38;
	[tilespmem:$0x1DD80] =	vst v63  }
0x5a: {  	_ =	swait.ge [sflag:s2], $0x2800  }
0x5b: {  	[sflag:s2] =	ssyncset.done $0x0  }
0x5c: {  	s12 =	rddreg [dreg:$0x16];
	[sflag:s2] =	ssyncadd.s32 $0xFFFFD800  }
0x5d: {  	[spmem:s12] =	stream.linear.scatter [tilespmem:s13], [sflag:$0x11], $0x2800, $0x38;
	[tilespmem:$0x1DD80] =	vst v63  }
0x5e: {  	_ =	swait.ge [sflag:s2], $0x2800  }
0x5f: {  	[sflag:s2] =	ssyncset.done $0x0  }
0x60: {  	s12 =	rddreg [dreg:$0x17];
	[sflag:s2] =	ssyncadd.s32 $0xFFFFD800  }
0x61: {  	[spmem:s12] =	stream.linear.scatter [tilespmem:s13], [sflag:$0x11], $0x2800, $0x38;
	[tilespmem:$0x1DD80] =	vst v63  }
0x62: {  	_ =	swait.ge [sflag:s2], $0x2800  }
0x63: {  	[sflag:s2] =	ssyncset.done $0x0  }
0x64: {  	s12 =	rddreg [dreg:$0x18];
	[sflag:s2] =	ssyncadd.s32 $0xFFFFD800  }
0x65: {  	[spmem:s12] =	stream.linear.scatter [tilespmem:s13], [sflag:$0x11], $0x2800, $0x38;
	[tilespmem:$0x1DD80] =	vst v63  }
0x66: {  	_ =	swait.ge [sflag:s2], $0x2800  }
0x67: {  	[sflag:s2] =	ssyncset.done $0x0  }
0x68: {  	s12 =	rddreg [dreg:$0x19];
	[sflag:s2] =	ssyncadd.s32 $0xFFFFD800  }
0x69: {  	[spmem:s12] =	stream.linear.scatter [tilespmem:s13], [sflag:$0x11], $0x2080, $0x38;
	[tilespmem:$0x1DD80] =	vst v63  }
0x6a: {  	_ =	swait.ge [sflag:s2], $0x2080  }
0x6b: {  	[sflag:s2] =	ssyncset.done $0x0  }
0x6c: {  	s12 =	simm.s32 $0x9;
	[sflag:s2] =	ssyncadd.s32 $0xFFFFDF80  }
0x6d: {  	_ =	swait.ge [sflag:s12], $0x50  }
0x6e: {  	[sflag:s12] =	ssyncset.done $0x0  }
0x6f: {  	[sflag:s12] =	ssyncadd.s32 $0xFFFFFFB0  }
0x70: {  	[tilespmem:s18], [sflag:$0x1] =	stream.indirect.gather [hbm4b:s4+s6], $0x80, s8, s6, $0xb8;
	[tilespmem:$0x1DD80] =	vst v63  }
0x71: {  	_ =	swait.ge [sflag:s15], $0x50  }
0x72: {  	[sflag:s15] =	ssyncset.done $0x0  }
0x73: {  	[sflag:s15] =	ssyncadd.s32 $0xFFFFFFB0  }
0x74: {  	[tilespmem:s21], [sflag:$0x2] =	stream.indirect.gather [hbm4b:s4+s6], $0x80, s10, s6, $0xb8;
	[tilespmem:$0x1DD80] =	vst v63  }
0x75: {  	_ =	swait.ge [sflag:s31], $0x50  }
0x76: {  	[sflag:s31] =	ssyncset.done $0x0  }
0x77: {  	s30 =	simm.s32 $0x18D80;
	[sflag:s31] =	ssyncadd.s32 $0xFFFFFFB0  }
0x78: {  	[tilespmem:s30], [sflag:$0x3] =	stream.indirect.gather [hbm4b:s4+s6], $0x80, s14, s6, $0xb8;
	[tilespmem:$0x1DD80] =	vst v63  }
0x79: {  	[bflag:$0x0] =	sbarrier.arrive $0xFFFF  }
0x7a: {  	_ =	swait.ge [sflag:s22], $0x2800  }
0x7b: {  	[sflag:s22] =	ssyncset.done $0x0  }
0x7c: {  	[sflag:s22] =	ssyncadd.s32 $0xFFFFD800  }
0x7d: {  	_ =	swait.ge [sflag:s23], $0x50  }
0x7e: {  	[sflag:s23] =	ssyncset.done $0x0  }
0x7f: {  	[sflag:s23] =	ssyncadd.s32 $0xFFFFFFB0  }
0x80: {  	[spmem:s29] =	stream.indirect.scatter.add.f32 [tilespmem:s18], [sflag:$0x5], $0x80, s9, s6, $0xb8;
	[tilespmem:$0x1DD80] =	vst v63  }
0x81: {  	s0 =	simm.s32 $0x0;
	s2 =	rddreg [dreg:$0x1a]  }
0x82: {  	[tilespmem:s16], [sflag:$0x10] =	stream.linear.gather [hbm4b:s2+s0], $0x50, $0x38;
	[tilespmem:$0x1DD80] =	vst v63  }
0x83: {  	_ =	swait.ge [sflag:s25], $0x50  }
0x84: {  	[sflag:s25] =	ssyncset.done $0x0  }
0x85: {  	[sflag:s25] =	ssyncadd.s32 $0xFFFFFFB0  }
0x86: {  	[tilespmem:s13], [sflag:$0x4] =	stream.indirect.gather [hbm4b:s4+s6], $0x80, s20, s6, $0xb8;
	[tilespmem:$0x1DD80] =	vst v63  }
0x87: {  	s2 =	rddreg [dreg:$0x1f]  }
0x88: {  	[tilespmem:s8], [sflag:$0x9] =	stream.linear.gather [hbm4b:s2+s0], $0x50, $0x38;
	[tilespmem:$0x1DD80] =	vst v63  }
0x89: {  	_ =	swait.ge [sflag:s26], $0x2800  }
0x8a: {  	[sflag:s26] =	ssyncset.done $0x0  }
0x8b: {  	[sflag:s26] =	ssyncadd.s32 $0xFFFFD800  }
0x8c: {  	_ =	swait.ge [sflag:s24], $0x50  }
0x8d: {  	[sflag:s24] =	ssyncset.done $0x0  }
0x8e: {  	[sflag:s24] =	ssyncadd.s32 $0xFFFFFFB0  }
0x8f: {  	[spmem:s29] =	stream.indirect.scatter.add.f32 [tilespmem:s21], [sflag:$0x6], $0x80, s7, s6, $0xb8;
	[tilespmem:$0x1DD80] =	vst v63  }
0x90: {  	_ =	swait.ge [sflag:s11], $0x2800  }
0x91: {  	s2 =	rddreg [dreg:$0x1d]  }
0x92: {  	[sflag:s11] =	ssyncset.done $0x0;
	s24 =	sshrl.u32 s2, $0x3  }
0x93: {  	[sflag:s11] =	ssyncadd.s32 $0xFFFFD800;
	s0 =	sadd.s32 s19, s24  }
0x94: {  	[tilespmem:s9], [sflag:$0xD] =	stream.linear.gather [hbm4b:s0+s3], $0x50, $0x38;
	[tilespmem:$0x1DD80] =	vst v63  }
0x95: {  	_ =	swait.ge [sflag:s12], $0x50  }
0x96: {  	[sflag:s12] =	ssyncset.done $0x0  }
0x97: {  	s26 =	rddreg [dreg:$0x9];
	[sflag:s12] =	ssyncadd.s32 $0xFFFFFFB0  }
0x98: {  	[tilespmem:s18], [sflag:$0x1] =	stream.indirect.gather [hbm4b:s4+s6], $0x80, s8, s6, $0xb8;
	[tilespmem:$0x1DD80] =	vst v63  }
0x99: {  	s0 =	sadd.s32 $0x0, s26  }
0x9a: {  	[tilespmem:s10], [sflag:$0xA] =	stream.linear.gather [hbm4b:s0+s3], $0x50, $0x38;
	[tilespmem:$0x1DD80] =	vst v63  }
0x9b: {  	_ =	swait.ge [sflag:s5], $0x2800  }
0x9c: {  	[sflag:s5] =	ssyncset.done $0x0  }
0x9d: {  	[sflag:s5] =	ssyncadd.s32 $0xFFFFD800  }
0x9e: {  	_ =	swait.ge [sflag:s28], $0x50  }
0x9f: {  	[sflag:s28] =	ssyncset.done $0x0  }
0xa0: {  	[sflag:s28] =	ssyncadd.s32 $0xFFFFFFB0  }
0xa1: {  	[spmem:s29] =	stream.indirect.scatter.add.f32 [tilespmem:s30], [sflag:$0x7], $0x80, s17, s6, $0xb8;
	[tilespmem:$0x1DD80] =	vst v63  }
0xa2: {  	_ =	swait.ge [sflag:s1], $0x2800  }
0xa3: {  	s5 =	rddreg [dreg:$0x8];
	[sflag:s1] =	ssyncset.done $0x0  }
0xa4: {  	[sflag:s1] =	ssyncadd.s32 $0xFFFFD800;
	s0 =	sadd.s32 $0x0, s5  }
0xa5: {  	[tilespmem:s7], [sflag:$0xE] =	stream.linear.gather [hbm4b:s0+s3], $0x50, $0x38;
	[tilespmem:$0x1DD80] =	vst v63  }
0xa6: {  	_ =	swait.ge [sflag:s15], $0x50  }
0xa7: {  	[sflag:s15] =	ssyncset.done $0x0  }
0xa8: {  	s8 =	rddreg [dreg:$0x7];
	[sflag:s15] =	ssyncadd.s32 $0xFFFFFFB0  }
0xa9: {  	[tilespmem:s21], [sflag:$0x2] =	stream.indirect.gather [hbm4b:s4+s6], $0x80, s10, s6, $0xb8;
	[tilespmem:$0x1DD80] =	vst v63  }
0xaa: {  	s11 =	simm.s32 $0x4;
	s0 =	sadd.s32 $0x0, s8  }
0xab: {  	[tilespmem:s14], [sflag:$0xB] =	stream.linear.gather [hbm4b:s0+s3], $0x50, $0x38;
	[tilespmem:$0x1DD80] =	vst v63  }
0xac: {  	_ =	swait.ge [sflag:s11], $0x2800  }
0xad: {  	[sflag:s11] =	ssyncset.done $0x0  }
0xae: {  	s19 =	simm.s32 $0x10;
	[sflag:s11] =	ssyncadd.s32 $0xFFFFD800  }
0xaf: {  	_ =	swait.ge [sflag:s19], $0x50  }
0xb0: {  	[sflag:s19] =	ssyncset.done $0x0  }
0xb1: {  	s12 =	simm.s32 $0x7;
	[sflag:s19] =	ssyncadd.s32 $0xFFFFFFB0  }
0xb2: {  	[spmem:s29] =	stream.indirect.scatter.add.f32 [tilespmem:s13], [sflag:$0x8], $0x80, s16, s6, $0xb8;
	[tilespmem:$0x1DD80] =	vst v63  }
0xb3: {  	_ =	swait.ge [sflag:s12], $0x2800  }
0xb4: {  	s15 =	rddreg [dreg:$0x6];
	[sflag:s12] =	ssyncset.done $0x0  }
0xb5: {  	[sflag:s12] =	ssyncadd.s32 $0xFFFFD800;
	s0 =	sadd.s32 $0x0, s15  }
0xb6: {  	[tilespmem:s17], [sflag:$0xF] =	stream.linear.gather [hbm4b:s0+s3], $0x50, $0x38;
	[tilespmem:$0x1DD80] =	vst v63  }
0xb7: {  	_ =	swait.ge [sflag:s31], $0x50  }
0xb8: {  	[sflag:s31] =	ssyncset.done $0x0  }
0xb9: {  	s21 =	rddreg [dreg:$0x5];
	[sflag:s31] =	ssyncadd.s32 $0xFFFFFFB0  }
0xba: {  	[tilespmem:s30], [sflag:$0x3] =	stream.indirect.gather [hbm4b:s4+s6], $0x80, s14, s6, $0xb8;
	[tilespmem:$0x1DD80] =	vst v63  }
0xbb: {  	s0 =	sadd.s32 $0x0, s21  }
0xbc: {  	[tilespmem:s20], [sflag:$0xC] =	stream.linear.gather [hbm4b:s0+s3], $0x50, $0x38;
	[tilespmem:$0x1DD80] =	vst v63  }
0xbd: {  	_ =	swait.ge [sflag:s22], $0x2800  }
0xbe: {  	[sflag:s22] =	ssyncset.done $0x0  }
0xbf: {  	[sflag:s22] =	ssyncadd.s32 $0xFFFFD800  }
0xc0: {  	_ =	swait.ge [sflag:s23], $0x50  }
0xc1: {  	s28 =	simm.s32 $0x2;
	[sflag:s23] =	ssyncset.done $0x0  }
0xc2: {  	s5 =	simm.s32 $0x3;
	s15 =	simm.s32 $0x8;
	[sflag:s23] =	ssyncadd.s32 $0xFFFFFFB0  }
0xc3: {  	[spmem:s29] =	stream.indirect.scatter.add.f32 [tilespmem:s18], [sflag:$0x5], $0x80, s9, s6, $0xb8;
	[tilespmem:$0x1DD80] =	vst v63  }
0xc4: {  	s1 =	simm.s32 $0x6;
	s8 =	simm.s32 $0xF;
	_ =	swait.ge [sflag:s15], $0x2800  }
0xc5: {  	s11 =	simm.s32 $0x5;
	s24 =	rddreg [dreg:$0x4];
	[sflag:s15] =	ssyncset.done $0x0  }
0xc6: {  	s21 =	simm.s32 $0xB;
	[sflag:s15] =	ssyncadd.s32 $0xFFFFD800;
	s0 =	sadd.s32 $0x0, s24  }
0xc7: {  	[tilespmem:s16], [sflag:$0x10] =	stream.linear.gather [hbm4b:s0+s3], $0x50, $0x38;
	[tilespmem:$0x1DD80] =	vst v63  }
0xc8: {  	s31 =	sadd.s32 $0x140, s2;
	s30 =	simm.s32 $0x28;
	_ =	swait.ge [sflag:s25], $0x50  }
0xc9: {  	s23 =	simm.s32 $0x1;
	s18 =	simm.s32 $0xA;
	[sflag:s25] =	ssyncset.done $0x0  }
0xca: {  	s24 =	simm.s32 $0xE;
	s26 =	rddreg [dreg:$0x3];
	[sflag:s25] =	ssyncadd.s32 $0xFFFFFFB0  }
0xcb: {  	s0 =	sadd.s32 $0x0, s26;
	s26 =	simm.s32 $0xC;
	s25 =	simm.s32 $0xD  }
0xcc: {  	[tilespmem:s13], [sflag:$0x4] =	stream.indirect.gather [hbm4b:s4+s6], $0x80, s20, s6, $0xb8;
	[tilespmem:$0x1DD80] =	vst v63  }
.LBB2_4:
0xcd: {  	s14 =	simm.s32 $0x13980  }
0xce: {  	[tilespmem:s14], [sflag:$0x9] =	stream.linear.gather [hbm4b:s0+s3], $0x50, $0x38;
	[tilespmem:$0x1DD80] =	vst v63  }
0xcf: {  	_ =	swait.ge [sflag:s28], $0x2800  }
0xd0: {  	[sflag:s28] =	ssyncset.done $0x0  }
0xd1: {  	[sflag:s28] =	ssyncadd.s32 $0xFFFFD800  }
0xd2: {  	_ =	swait.ge [sflag:s24], $0x50  }
0xd3: {  	[sflag:s24] =	ssyncset.done $0x0  }
0xd4: {  	s13 =	simm.s32 $0x13B00;
	s22 =	simm.s32 $0x16580;
	[sflag:s24] =	ssyncadd.s32 $0xFFFFFFB0  }
0xd5: {  	[spmem:s29] =	stream.indirect.scatter.add.f32 [tilespmem:s22], [sflag:$0x6], $0x80, s13, s6, $0xb8;
	[tilespmem:$0x1DD80] =	vst v63  }
0xd6: {  	s2 =	sshrl.u32 s31, $0x3;
	_ =	swait.ge [sflag:s11], $0x2800  }
0xd7: {  	s7 =	simm.s32 $0x13A00;
	[sflag:s11] =	ssyncset.done $0x0;
	s16 =	rddreg [dreg:$0xa]  }
0xd8: {  	s17 =	simm.s32 $0x9;
	[sflag:s11] =	ssyncadd.s32 $0xFFFFD800;
	s2 =	sadd.s32 s16, s2  }
0xd9: {  	[tilespmem:s7], [sflag:$0xD] =	stream.linear.gather [hbm4b:s2+s3], $0x50, $0x38;
	[tilespmem:$0x1DD80] =	vst v63  }
0xda: {  	_ =	swait.ge [sflag:s17], $0x50  }
0xdb: {  	s9 =	simm.s32 $0x13D80;
	[sflag:s17] =	ssyncset.done $0x0  }
0xdc: {  	s0 =	smov.u32 s30;
	s20 =	rddreg [dreg:$0x9];
	[sflag:s17] =	ssyncadd.s32 $0xFFFFFFB0  }
0xdd: {  	[tilespmem:s9], [sflag:$0x1] =	stream.indirect.gather [hbm4b:s4+s6], $0x80, s14, s6, $0xb8;
	[tilespmem:$0x1DD80] =	vst v63  }
0xde: {  	s12 =	simm.s32 $0x13A80;
	s2 =	sadd.s32 s0, s20  }
0xdf: {  	[tilespmem:s12], [sflag:$0xA] =	stream.linear.gather [hbm4b:s2+s3], $0x50, $0x38;
	[tilespmem:$0x1DD80] =	vst v63  }
0xe0: {  	_ =	swait.ge [sflag:s5], $0x2800  }
0xe1: {  	[sflag:s5] =	ssyncset.done $0x0  }
0xe2: {  	[sflag:s5] =	ssyncadd.s32 $0xFFFFD800  }
0xe3: {  	_ =	swait.ge [sflag:s8], $0x50  }
0xe4: {  	[sflag:s8] =	ssyncset.done $0x0  }
0xe5: {  	s16 =	simm.s32 $0x18D80;
	s20 =	simm.s32 $0x13C00;
	[sflag:s8] =	ssyncadd.s32 $0xFFFFFFB0  }
0xe6: {  	[spmem:s29] =	stream.indirect.scatter.add.f32 [tilespmem:s16], [sflag:$0x7], $0x80, s20, s6, $0xb8;
	[tilespmem:$0x1DD80] =	vst v63  }
0xe7: {  	_ =	swait.ge [sflag:s1], $0x2800  }
0xe8: {  	s10 =	rddreg [dreg:$0x8];
	[sflag:s1] =	ssyncset.done $0x0  }
0xe9: {  	[sflag:s1] =	ssyncadd.s32 $0xFFFFD800;
	s2 =	sadd.s32 s0, s10  }
0xea: {  	[tilespmem:s13], [sflag:$0xE] =	stream.linear.gather [hbm4b:s2+s3], $0x50, $0x38;
	[tilespmem:$0x1DD80] =	vst v63  }
0xeb: {  	_ =	swait.ge [sflag:s18], $0x50  }
0xec: {  	[sflag:s18] =	ssyncset.done $0x0  }
0xed: {  	s14 =	rddreg [dreg:$0x7];
	[sflag:s18] =	ssyncadd.s32 $0xFFFFFFB0  }
0xee: {  	[tilespmem:s22], [sflag:$0x2] =	stream.indirect.gather [hbm4b:s4+s6], $0x80, s12, s6, $0xb8;
	[tilespmem:$0x1DD80] =	vst v63  }
0xef: {  	s2 =	sadd.s32 s0, s14;
	s12 =	simm.s32 $0x13B80;
	s22 =	simm.s32 $0x4  }
0xf0: {  	[tilespmem:s12], [sflag:$0xB] =	stream.linear.gather [hbm4b:s2+s3], $0x50, $0x38;
	[tilespmem:$0x1DD80] =	vst v63  }
0xf1: {  	_ =	swait.ge [sflag:s22], $0x2800  }
0xf2: {  	[sflag:s22] =	ssyncset.done $0x0  }
0xf3: {  	[sflag:s22] =	ssyncadd.s32 $0xFFFFD800  }
0xf4: {  	_ =	swait.ge [sflag:s19], $0x50  }
0xf5: {  	s13 =	simm.s32 $0x7;
	[sflag:s19] =	ssyncset.done $0x0  }
0xf6: {  	s14 =	simm.s32 $0x1B580;
	s22 =	simm.s32 $0x13D00;
	[sflag:s19] =	ssyncadd.s32 $0xFFFFFFB0  }
0xf7: {  	[spmem:s29] =	stream.indirect.scatter.add.f32 [tilespmem:s14], [sflag:$0x8], $0x80, s22, s6, $0xb8;
	[tilespmem:$0x1DD80] =	vst v63  }
0xf8: {  	_ =	swait.ge [sflag:s13], $0x2800  }
0xf9: {  	s2 =	rddreg [dreg:$0x6];
	[sflag:s13] =	ssyncset.done $0x0  }
0xfa: {  	[sflag:s13] =	ssyncadd.s32 $0xFFFFD800;
	s2 =	sadd.s32 s0, s2  }
0xfb: {  	[tilespmem:s20], [sflag:$0xF] =	stream.linear.gather [hbm4b:s2+s3], $0x50, $0x38;
	[tilespmem:$0x1DD80] =	vst v63  }
0xfc: {  	_ =	swait.ge [sflag:s21], $0x50  }
0xfd: {  	[sflag:s21] =	ssyncset.done $0x0  }
0xfe: {  	s2 =	rddreg [dreg:$0x5];
	[sflag:s21] =	ssyncadd.s32 $0xFFFFFFB0  }
0xff: {  	[tilespmem:s16], [sflag:$0x3] =	stream.indirect.gather [hbm4b:s4+s6], $0x80, s12, s6, $0xb8;
	[tilespmem:$0x1DD80] =	vst v63  }
0x100: {  	s2 =	sadd.s32 s0, s2;
	s16 =	simm.s32 $0x13C80  }
0x101: {  	[tilespmem:s16], [sflag:$0xC] =	stream.linear.gather [hbm4b:s2+s3], $0x50, $0x38;
	[tilespmem:$0x1DD80] =	vst v63  }
0x102: {  	_ =	swait.ge [sflag:s23], $0x2800  }
0x103: {  	[sflag:s23] =	ssyncset.done $0x0  }
0x104: {  	[sflag:s23] =	ssyncadd.s32 $0xFFFFD800  }
0x105: {  	_ =	swait.ge [sflag:s25], $0x50  }
0x106: {  	[sflag:s25] =	ssyncset.done $0x0  }
0x107: {  	[sflag:s25] =	ssyncadd.s32 $0xFFFFFFB0  }
0x108: {  	[spmem:s29] =	stream.indirect.scatter.add.f32 [tilespmem:s9], [sflag:$0x5], $0x80, s7, s6, $0xb8;
	[tilespmem:$0x1DD80] =	vst v63  }
0x109: {  	p1 =	sne.s32 s30, $0x488;
	_ =	swait.ge [sflag:s15], $0x2800  }
0x10a: {  	s31 =	sadd.s32 $0x140, s31;
	s12 =	rddreg [dreg:$0x4];
	[sflag:s15] =	ssyncset.done $0x0  }
0x10b: {  	s30 =	sadd.s32 $0x28, s30;
	[sflag:s15] =	ssyncadd.s32 $0xFFFFD800;
	s2 =	sadd.s32 s0, s12  }
0x10c: {  	[tilespmem:s22], [sflag:$0x10] =	stream.linear.gather [hbm4b:s2+s3], $0x50, $0x38;
	[tilespmem:$0x1DD80] =	vst v63  }
.Ltmp1:
0x10d: {  	s17 =	simm.s32 $0x13B00;
	s10 =	simm.s32 $0x16580;
	(pc) =	sbr.rel @p1 .LBB2_4-.Ltmp1, $4  }
0x10e: {  	s13 =	simm.s32 $0x13C00;
	s20 =	simm.s32 $0x18D80;
	_ =	swait.ge [sflag:s26], $0x50  }
0x10f: {  	s7 =	simm.s32 $0x13D00;
	[sflag:s26] =	ssyncset.done $0x0;
	s22 =	rddreg [dreg:$0x3]  }
0x110: {  	s9 =	simm.s32 $0x1B580;
	[sflag:s26] =	ssyncadd.s32 $0xFFFFFFB0;
	s0 =	sadd.s32 s0, s22  }
0x111: {  	[tilespmem:s14], [sflag:$0x4] =	stream.indirect.gather [hbm4b:s4+s6], $0x80, s16, s6, $0xb8;
	[tilespmem:$0x1DD80] =	vst v63  }
0x112: {  	s14 =	simm.s32 $0x13980  }
0x113: {  	[tilespmem:s14], [sflag:$0x9] =	stream.linear.gather [hbm4b:s0+s3], $0x50, $0x38;
	[tilespmem:$0x1DD80] =	vst v63  }
0x114: {  	_ =	swait.ge [sflag:s28], $0x2800  }
0x115: {  	[sflag:s28] =	ssyncset.done $0x0  }
0x116: {  	[sflag:s28] =	ssyncadd.s32 $0xFFFFD800  }
0x117: {  	_ =	swait.ge [sflag:s24], $0x50  }
0x118: {  	[sflag:s24] =	ssyncset.done $0x0  }
0x119: {  	[sflag:s24] =	ssyncadd.s32 $0xFFFFFFB0  }
0x11a: {  	[spmem:s29] =	stream.indirect.scatter.add.f32 [tilespmem:s10], [sflag:$0x6], $0x80, s17, s6, $0xb8;
	[tilespmem:$0x1DD80] =	vst v63  }
0x11b: {  	_ =	swait.ge [sflag:s11], $0x2800  }
0x11c: {  	s18 =	sld [smem:$0x7FD]  }
0x11d: {  	[sflag:s11] =	ssyncset.done $0x0  }
0x11e: {  	s2 =	simm.s32 $0x13A00;
	s21 =	simm.s32 $0x9;
	[sflag:s11] =	ssyncadd.s32 $0xFFFFD800  }
0x11f: {  	[tilespmem:s2], [sflag:$0xD] =	stream.linear.gather [hbm4b:s18+s3], $0x50, $0x38;
	[tilespmem:$0x1DD80] =	vst v63  }
0x120: {  	_ =	swait.ge [sflag:s21], $0x50  }
0x121: {  	[sflag:s21] =	ssyncset.done $0x0  }
0x122: {  	s22 =	simm.s32 $0x13D80;
	[sflag:s21] =	ssyncadd.s32 $0xFFFFFFB0  }
0x123: {  	[tilespmem:s22], [sflag:$0x1] =	stream.indirect.gather [hbm4b:s4+s6], $0x80, s14, s6, $0xb8;
	[tilespmem:$0x1DD80] =	vst v63  }
0x124: {  	_ =	swait.ge [sflag:s5], $0x2800  }
0x125: {  	[sflag:s5] =	ssyncset.done $0x0  }
0x126: {  	[sflag:s5] =	ssyncadd.s32 $0xFFFFD800  }
0x127: {  	_ =	swait.ge [sflag:s8], $0x50  }
0x128: {  	[sflag:s8] =	ssyncset.done $0x0  }
0x129: {  	[sflag:s8] =	ssyncadd.s32 $0xFFFFFFB0  }
0x12a: {  	[spmem:s29] =	stream.indirect.scatter.add.f32 [tilespmem:s20], [sflag:$0x7], $0x80, s13, s6, $0xb8;
	[tilespmem:$0x1DD80] =	vst v63  }
0x12b: {  	_ =	swait.ge [sflag:s1], $0x2800  }
0x12c: {  	[sflag:s1] =	ssyncset.done $0x0  }
0x12d: {  	s24 =	simm.s32 $0x4;
	[sflag:s1] =	ssyncadd.s32 $0xFFFFD800  }
0x12e: {  	_ =	swait.ge [sflag:s24], $0x2800  }
0x12f: {  	[sflag:s24] =	ssyncset.done $0x0  }
0x130: {  	[sflag:s24] =	ssyncadd.s32 $0xFFFFD800  }
0x131: {  	_ =	swait.ge [sflag:s19], $0x50  }
0x132: {  	[sflag:s19] =	ssyncset.done $0x0  }
0x133: {  	s26 =	simm.s32 $0x7;
	[sflag:s19] =	ssyncadd.s32 $0xFFFFFFB0  }
0x134: {  	[spmem:s29] =	stream.indirect.scatter.add.f32 [tilespmem:s9], [sflag:$0x8], $0x80, s7, s6, $0xb8;
	[tilespmem:$0x1DD80] =	vst v63  }
0x135: {  	_ =	swait.ge [sflag:s26], $0x2800  }
0x136: {  	[sflag:s26] =	ssyncset.done $0x0  }
0x137: {  	[sflag:s26] =	ssyncadd.s32 $0xFFFFD800  }
0x138: {  	_ =	swait.ge [sflag:s23], $0x2800  }
0x139: {  	[sflag:s23] =	ssyncset.done $0x0  }
0x13a: {  	[sflag:s23] =	ssyncadd.s32 $0xFFFFD800  }
0x13b: {  	_ =	swait.ge [sflag:s25], $0x50  }
0x13c: {  	[sflag:s25] =	ssyncset.done $0x0  }
0x13d: {  	[sflag:s25] =	ssyncadd.s32 $0xFFFFFFB0  }
0x13e: {  	[spmem:s29] =	stream.indirect.scatter.add.f32 [tilespmem:s22], [sflag:$0x5], $0x80, s2, s6, $0xb8;
	[tilespmem:$0x1DD80] =	vst v63  }
0x13f: {  	_ =	swait.ge [sflag:s15], $0x2800  }
0x140: {  	[sflag:s15] =	ssyncset.done $0x0  }
0x141: {  	[sflag:s15] =	ssyncadd.s32 $0xFFFFD800  }
0x142: {  	_ =	swait.ge [sflag:s11], $0x2800  }
0x143: {  	[sflag:s11] =	ssyncset.done $0x0  }
0x144: {  	[sflag:s11] =	ssyncadd.s32 $0xFFFFD800  }
0x145: {  	s0 =	stileid.u32;
	[bflag:$0x0] =	sbarrier.arrive $0xFFFF  }
0x146: {  	s0 =	sshll.u32 @!p0 s0, $0x6;
	s2 =	rddreg [dreg:$0x1b]  }
0x147: {  	s0 =	sor.u32 @!p0 $0x1C11, s0;
	s30 =	rddreg [dreg:$0x1e]  }
0x148: {  	[hbm:s2], [sflag:s0] =	dma.local @!p0 [spmem:s30], $0x3E80  }
0x149: {  	s0 =	simm.s32 @!p0 $0x11  }
0x14a: {  	_ =	swait.ge @!p0 [sflag:s0], $0x3E80  }
0x14b: {  	s31 =	simm.s32 $0xB;
	s16 =	simm.s32 $0x13D00;
	s12 =	sld [smem:$0x7FC]  }
0x14c: {  	s28 =	simm.s32 $0xF;
	s10 =	simm.s32 $0x13A80;
	s17 =	simm.s32 $0x13C00  }
0x14d: {  	s18 =	simm.s32 $0x13D80;
	s21 =	simm.s32 $0x16580;
	s14 =	simm.s32 $0x13B80  }
0x14e: {  	s5 =	simm.s32 $0x3;
	s30 =	rddreg [dreg:$0x1c];
	s12 =	sadd.s32 $0x1, s12  }
0x14f: {  	s8 =	simm.s32 $0x13980;
	s20 =	simm.s32 $0x13C80;
	p1 =	sne.s32 s12, s30  }
.Ltmp2:
0x150: {  	s13 =	simm.s32 $0x1B580;
	s1 =	simm.s32 $0x6;
	(pc) =	sbr.rel @p1 .LBB2_1-.Ltmp2, $4  }
0x151: {  	s24 =	simm.s32 $0xE;
	s9 =	simm.s32 $0x13A00;
	s7 =	simm.s32 $0x13B00  }
0x152: {  	s26 =	simm.s32 $0x2;
	s23 =	simm.s32 $0xD;
	s25 =	simm.s32 $0xC  }
0x153: {  	s22 =	simm.s32 $0x1;
	s15 =	simm.s32 $0xA;
	[sflag:s0] =	ssyncset.done @!p0 $0x0  }
0x154: {  	s11 =	simm.s32 $0x5;
	s19 =	rddreg [dreg:$0xa];
	[sflag:s0] =	ssyncadd.s32 @!p0 $0xFFFFC180  }
0x155: {  	_ =	sfence.sel $0x180000  }
0x156: {  	[bflag:$0x0] =	sbarrier.arrive $0xFFFF  }
0x157: {  	_ =	strace $0x9000004A  }
0x158: {  	s0 =	stileid.u32;
	[bflag:$0x2] =	sbarrier.arrive $0xFFFF  }
0x159: {  	p0 =	sne.s32 s0, $0x0;
	s0 =	rddreg [dreg:$0x2]  }
0x15a: {  	s0 =	sadd.s32 @!p0 $0x100000, s0  }
0x15b: {  	[sflag:s0] =	ssyncadd.tile.s32 @!p0 $0x1;
	_ =	shalt  }
.Lfunc_end2:
_tile_overlayer_lowered:
.L_overlay_start_2:
0x15c: {  	(tag) =	ssettag $0x2  }
0x15d: {  	s0 =	rddreg [dreg:$0x0];
	s2 =	stileid.u32  }
0x15e: {  	s1 =	rddreg [dreg:$0x1];
	p0 =	sne.s32 s2, $0x0  }
0x15f: {  	s3 =	rddreg [dreg:$0x2];
	[bflag:$0x3] =	sbarrier.arrive $0xFFFF;
	s2 =	simm.s32 @!p0 $0x1C11  }
0x160: {  	[timem:s3], [sflag:s2] =	dma.local @!p0 [hbm:s0], s1  }
0x161: {  	s0 =	simm.s32 @!p0 $0x11  }
0x162: {  	_ =	swait.ge @!p0 [sflag:s0], s1  }
0x163: {  	s1 =	ssub.s32 @!p0 $0x0, s1;
	[sflag:s0] =	ssyncset.done @!p0 $0x0  }
0x164: {  	[sflag:s0] =	ssyncadd.s32 @!p0 s1  }
0x165: {  	[bflag:$0x3] =	sbarrier.arrive $0xFFFF  }
0x166: {  	_ =	shalt  }

// kernel: kernel.14.cloned.1.call-start
scs
__scs_entry_jumppad:
0x0: {  	(pc) =	sbr.rel $0x88, $3  }
0x1: {  	(tag) =	ssettag $0x0;
	lr =	simm.s32 $0x1  }
0x2: {  	[smem:$0x3F96] =	sst lr;
	_ =	strace $0xD0000000  }
0x3: {  	_ = 	snop  }
0x4: {  	_ = 	snop  }
0x5: {  	_ = 	snop  }
0x6: {  	_ = 	snop  }
0x7: {  	_ = 	snop  }
__scs_overlays_trampoline_lowered:
0x8: {  	[smem:$0x3FA5] =	sst s0  }
0x9: {  	[smem:$0x3FA6] =	sst s1  }
0xa: {  	[smem:$0x3FA7] =	sst s2  }
0xb: {  	[smem:$0x3FA8] =	sst s3  }
0xc: {  	[smem:$0x3FA9] =	sst s4  }
0xd: {  	[smem:$0x3FAA] =	sst s5  }
0xe: {  	[smem:$0x3FAB] =	sst s6  }
0xf: {  	[smem:$0x3FAC] =	sst s7  }
0x10: {  	[smem:$0x3FAD] =	sst s8  }
0x11: {  	[smem:$0x3FAE] =	sst s9;
	s0 =	simm.s32 @!p0 $0x0  }
0x12: {  	s1 =	sld [smem:$0x3F94];
	s0 =	simm.s32 @p0 $0x1  }
0x13: {  	[smem:$0x3FAF] =	sst s0;
	s0 =	simm.s32 @!p1 $0x0  }
0x14: {  	s2 =	sld [smem:$0x3F93];
	s0 =	simm.s32 @p1 $0x1  }
0x15: {  	[smem:$0x3FB0] =	sst s0;
	s0 =	simm.s32 @!p2 $0x0  }
0x16: {  	s3 =	sld [smem:$0x3FDB];
	s0 =	simm.s32 @p2 $0x1  }
0x17: {  	s4 =	simm.s32 $0x1BF5;
	[smem:$0x3FB2] =	sst s0  }
0x18: {  	s0 =	sld [smem:$0x3F95];
	_ =	swait.ge [sflag:s4], $0x0  }
0x19: {  	s7 =	sld [smem:$0x3F96]  }
0x1a: {  	s8 =	sadd.s32 $0xFFFFE003, lr  }
0x1b: {  	s9 =	sadd.s32 $0xFFFFFEF7, lr;
	s5 =	simm.s32 $0xFFFFFFFF;
	p2 =	slt.u32 s8, $0xFFFFF086  }
0x1c: {  	p1 =	slt.u32 s9, $0xF7A;
	s5 =	simm.s32 @!p2 $0x0  }
0x1d: {  	s5 =	simm.s32 @p1 $0x1;
	p0 =	seq.s32 s7, s2  }
0x1e: {  	s7 =	smul.u32 @!p0 $0xF7A, s2;
	p2 =	seq.s32 @!p0 s5, $0x0  }
0x1f: {  	s9 =	smul.u32 $0xF7A, s1;
	s8 =	simm.s32 @!p0 $0x1BF5;
	p2 =	por !p2, p0  }
0x20: {  	[sflag:s8] =	ssyncset.s32 @!p0 $0xFFFFF086;
	s6 =	sadd.s32 @!p0 s3, s7;
	s7 =	simm.s32 @!p0 $0x108  }
0x21: {  	s3 =	sadd.s32 s3, s9;
	s6 =	sadd.s32 @!p0 $0x88, s6;
	s7 =	simm.s32 @p2 $0x1082  }
0x22: {  	[simem:s7], [sflag:s8] =	dma.local @!p0 [hbm:s6], $0xF7A  }
0x23: {  	s9 =	sor.u32 $0xD0000000, s2;
	s6 =	simm.s32 $0x108;
	_ =	swait.ge @!p0 [sflag:s8], $0x0  }
0x24: {  	s3 =	sadd.s32 $0x88, s3;
	s6 =	simm.s32 @!p1 $0x1082;
	[sflag:s4] =	ssyncset.s32 $0xFFFFF086  }
0x25: {  	[simem:s6], [sflag:s4] =	dma.local [hbm:s3], $0xF7A  }
0x26: {  	[smem:$0x3F96] =	sst s1;
	(tag) =	ssettag s2;
	_ =	strace s9  }
0x27: {  	s1 =	sld [smem:$0x3FA6]  }
0x28: {  	s2 =	sld [smem:$0x3FA7]  }
0x29: {  	s4 =	sld [smem:$0x3FA9]  }
0x2a: {  	p0 =	seq.s32 s5, $0x0;
	s5 =	sld [smem:$0x3FAA]  }
0x2b: {  	s6 =	sld [smem:$0x3FAB]  }
0x2c: {  	s7 =	sld [smem:$0x3FAC]  }
0x2d: {  	s3 =	simm.s32 $0x108;
	s8 =	sld [smem:$0x3FAD]  }
0x2e: {  	s3 =	simm.s32 @!p0 $0x1082;
	s9 =	sld [smem:$0x3FAE]  }
0x2f: {  	lr =	sadd.s32 s0, s3;
	s0 =	sld [smem:$0x3FA5]  }
0x30: {  	s3 =	sld [smem:$0x3FA8]  }
0x31: {  	[smem:$0x3FB1] =	sst s10  }
0x32: {  	s10 =	sld [smem:$0x3FAF];
	_ =	sdelay $0x3  }
0x33: {  	p0 =	seq.s32 s10, $0x1;
	s10 =	sld [smem:$0x3FB1];
	_ =	sdelay $0x3  }
0x34: {  	[smem:$0x3FB1] =	sst s10  }
0x35: {  	s10 =	sld [smem:$0x3FB0];
	_ =	sdelay $0x3  }
0x36: {  	p1 =	seq.s32 s10, $0x1;
	s10 =	sld [smem:$0x3FB1];
	_ =	sdelay $0x3  }
0x37: {  	[smem:$0x3FB1] =	sst s10  }
0x38: {  	s10 =	sld [smem:$0x3FB2]  }
0x39: {  	_ = 	snop;
	(pc) =	sbr.ind lr, $3  }
0x3a: {  	_ = 	snop  }
0x3b: {  	_ = 	snop  }
0x3c: {  	p2 =	seq.s32 s10, $0x1;
	s10 =	sld [smem:$0x3FB1]  }
0x3d: {  	_ =	shalt  }
0x3e: {  	_ =	shalt  }
0x3f: {  	_ =	shalt  }
0x40: {  	_ =	shalt  }
0x41: {  	_ =	shalt  }
0x42: {  	_ =	shalt  }
0x43: {  	_ =	shalt  }
0x44: {  	_ =	shalt  }
0x45: {  	_ =	shalt  }
0x46: {  	_ =	shalt  }
0x47: {  	_ =	shalt  }
0x48: {  	_ =	shalt  }
0x49: {  	_ =	shalt  }
0x4a: {  	_ =	shalt  }
0x4b: {  	_ =	shalt  }
0x4c: {  	_ =	shalt  }
0x4d: {  	_ =	shalt  }
0x4e: {  	_ =	shalt  }
0x4f: {  	_ =	shalt  }
0x50: {  	_ =	shalt  }
0x51: {  	_ =	shalt  }
0x52: {  	_ =	shalt  }
0x53: {  	_ =	shalt  }
0x54: {  	_ =	shalt  }
0x55: {  	_ =	shalt  }
0x56: {  	_ =	shalt  }
0x57: {  	_ =	shalt  }
0x58: {  	_ =	shalt  }
0x59: {  	_ =	shalt  }
0x5a: {  	_ =	shalt  }
0x5b: {  	_ =	shalt  }
0x5c: {  	_ =	shalt  }
0x5d: {  	_ =	shalt  }
0x5e: {  	_ =	shalt  }
0x5f: {  	_ =	shalt  }
0x60: {  	_ =	shalt  }
0x61: {  	_ =	shalt  }
0x62: {  	_ =	shalt  }
0x63: {  	_ =	shalt  }
0x64: {  	_ =	shalt  }
0x65: {  	_ =	shalt  }
0x66: {  	_ =	shalt  }
0x67: {  	_ =	shalt  }
0x68: {  	_ =	shalt  }
0x69: {  	_ =	shalt  }
0x6a: {  	_ =	shalt  }
0x6b: {  	_ =	shalt  }
0x6c: {  	_ =	shalt  }
0x6d: {  	_ =	shalt  }
0x6e: {  	_ =	shalt  }
0x6f: {  	_ =	shalt  }
0x70: {  	_ =	shalt  }
0x71: {  	_ =	shalt  }
0x72: {  	_ =	shalt  }
0x73: {  	_ =	shalt  }
0x74: {  	_ =	shalt  }
0x75: {  	_ =	shalt  }
0x76: {  	_ =	shalt  }
0x77: {  	_ =	shalt  }
0x78: {  	_ =	shalt  }
0x79: {  	_ =	shalt  }
0x7a: {  	_ =	shalt  }
0x7b: {  	_ =	shalt  }
0x7c: {  	_ =	shalt  }
0x7d: {  	_ =	shalt  }
0x7e: {  	_ =	shalt  }
0x7f: {  	_ =	shalt  }
0x80: {  	_ =	shalt  }
0x81: {  	_ =	shalt  }
0x82: {  	_ =	shalt  }
0x83: {  	_ =	shalt  }
0x84: {  	_ =	shalt  }
0x85: {  	_ =	shalt  }
0x86: {  	_ =	shalt  }
0x87: {  	_ =	shalt  }
.Lfunc_end0:
.L_simem_size_0:
called_computation.2_lowered:
.L_overlay_start_0:
0x88: {  	s2 =	sld [smem:$0x3FD9]  }
0x89: {  	s3 =	sld [smem:$0x3FFE];
	_ =	sdelay $0x1  }
0x8a: {  	s1 =	srdreg.scid  }
0x8b: {  	s0 =	sand.u32 $0x1, s1  }
0x8c: {  	s16 =	sshll.u32 s0, $0xA;
	s2 =	sadd.s32 s3, s2  }
0x8d: {  	s2 =	sadd.s32 s2, s16  }
0x8e: {  	[smem:$0x3FBD] =	sst s2  }
0x8f: {  	_ = 	snop  }
0x90: {  	(tm) =	ssettm $0x1  }
0x91: {  	s17 =	sld [smem:$0x3FFB];
	_ =	sdelay $0x3  }
0x92: {  	_ =	strace s17  }
0x93: {  	s2 =	sld [smem:$0x3FFC];
	_ =	sdelay $0x3  }
0x94: {  	_ =	strace s2  }
0x95: {  	s2 =	sld [smem:$0x3FFD];
	_ =	sdelay $0x3  }
0x96: {  	_ =	strace s2  }
0x97: {  	_ =	strace $0x8FFFFFFF  }
0x98: {  	s18 =	sld [smem:$0x3FDB];
	_ =	sdelay $0x1  }
0x99: {  	s19 =	simm.s32 $_scs_section_size  }
0x9a: {  	s4 =	simm.s32 $_size__tile_overlayer_lowered;
	s5 =	simm.s32 $_tile_overlayer_lowered  }
0x9b: {  	s22 =	simm.s32 $0x1BFF;
	s21 =	sshll.u32 s5, $0x1;
	s2 =	sadd.s32 s19, s18  }
0x9c: {  	s6 =	simm.s32 $0x0;
	s20 =	sshll.u32 s4, $0x1;
	s4 =	sadd.s32 s21, s2  }
0x9d: {  	[timem:s6], [sflag:s22] =	dma.local [hbm:s4], s20  }
0x9e: {  	_ =	swait.ge [sflag:s22], s20  }
0x9f: {  	s3 =	ssub.s32 $0x0, s20;
	[sflag:s22] =	ssyncset.done $0x0  }
0xa0: {  	[sflag:s22] =	ssyncadd.s32 s3;
	_ =	sdelay $0x1  }
0xa1: {  	s23 =	simm.s32 $0x1B8B  }
0xa2: {  	_ =	swait.ge [sflag:s23], $0x1  }
0xa3: {  	[sflag:s23] =	ssyncset.done $0x0  }
0xa4: {  	s25 =	simm.s32 $0x1B8E;
	s24 =	sld [smem:$0x3FFE];
	[sflag:s23] =	ssyncadd.s32 $0xFFFFFFFF  }
0xa5: {  	s26 =	simm.s32 $execute0_lowered;
	[smem:$0x3FD2] =	sst s25  }
0xa6: {  	s4 =	sshll.u32 s26, $0x1;
	_ =	strace $0x8000004C;
	[dreg:$0x1] =	wrdreg $0xFFFFFFFF  }
0xa7: {  	s28 =	simm.s32 $_size_execute0_lowered;
	s2 =	sadd.s32 s2, s4;
	[dreg:$0x0] =	wrdreg $0x0  }
0xa8: {  	s4 =	sshll.u32 s28, $0x1;
	[dreg:$0x2] =	wrdreg s2  }
0xa9: {  	[dreg:$0x3] =	wrdreg s4  }
0xaa: {  	[dreg:$0x4] =	wrdreg $0xC0  }
0xab: {  	_ =	task [dreg:s6], $0x5FFFF  }
0xac: {  	[dreg:$0x1] =	wrdreg $0xFFFFFFFF  }
0xad: {  	[dreg:$0x0] =	wrdreg $0x60  }
0xae: {  	[dreg:$0x2] =	wrdreg s24  }
0xaf: {  	[dreg:$0x3] =	wrdreg $0x0  }
0xb0: {  	[dreg:$0x4] =	wrdreg $0x9  }
0xb1: {  	_ =	task.clear_ibuf [dreg:s6], $0x5FFFF;
	_ =	strace $0x9000004C  }
0xb2: {  	s29 =	simm.s32 $0x9;
	_ =	strace $0x8000004E  }
0xb3: {  	_ =	swait.ge [sflag:s29], $0x1  }
0xb4: {  	[sflag:s29] =	ssyncadd.s32 $0xFFFFFFFF  }
0xb5: {  	_ =	strace $0x9000004E  }
0xb6: {  	_ =	sfence  }
0xb7: {  	s30 =	sld [smem:$0x0];
	_ =	sdelay $0x2  }
0xb8: {  	s31 =	sshll.u32 s1, $0xD;
	s1 =	sshrl.u32 s1, $0x2  }
0xb9: {  	s3 =	sand.u32 $0x4000, s31;
	s1 =	sadd.s32 s1, s30  }
0xba: {  	s0 =	sor.u32 s3, s0;
	s1 =	sshll.u32 s1, $0x11  }
0xbb: {  	s0 =	sor.u32 s1, s0  }
0xbc: {  	s0 =	sadd.s32 $0x8F2B, s0  }
0xbd: {  	[sflag:s0] =	ssyncadd.remote.s32 $0x1  }
0xbe: {  	_ =	sfence.sel $0xFFFF  }
0xbf: {  	[dreg:$0x0] =	wrdreg $0xFFFFFFFF;
	(pc) =	sbr.abs _section_cstart, $3  }
0xc0: {  	[dreg:$0x1] =	wrdreg $0xFFFFFFFF  }
0xc1: {  	_ =	task.clear_ibuf [dreg:s6], $0x2FFFF;
	_ =	strace $0x9FFFFFFF  }
0xc2: {  	(tm) =	ssettm $0x7FFFFFFF  }
0xc3: {  	_ =	shalt  }
tec
execute0_lowered:
.L_overlay_start_1:
0x0: {  	(tag) =	ssettag $0x1  }
0x1: {  	s0 =	rddreg [dreg:$0x0]  }
0x2: {  	s29 =	rddreg [dreg:$0x1];
	s3 =	simm.s32 $0x0;
	s2 =	srdreg.scid  }
0x3: {  	s11 =	stileid.u32;
	[smem:$0x7FF] =	sst s3  }
0x4: {  	s2 =	sand.u32 $0x1, s2;
	s6 =	smul.u32 $0x1F400, s11;
	s4 =	sadd.s32 $0x16A00, s0  }
0x5: {  	s8 =	sadd.s32 $0xCC00, s0;
	s19 =	sadd.s32 $0x2E00, s0;
	s1 =	smul.u32 $0x2710, s11  }
0x6: {  	s5 =	smul.u32 $0x138800, s2;
	_ =	strace $0x8000004D;
	s7 =	sshll.u32 s2, $0x4  }
0x7: {  	s24 =	ssub.s32 $0x2, s2;
	s2 =	smul.u32 $0x27100, s2;
	[dreg:$0xa] =	wrdreg s19  }
0x8: {  	s7 =	sor.u32 s11, s7;
	s9 =	sshrl.u32 s24, $0x1;
	s5 =	sadd.s32 s6, s5  }
0x9: {  	s7 =	smul.u32 $0x2710, s7;
	s2 =	sadd.s32 s1, s2;
	s5 =	sshrl.u32 s5, $0x3  }
0xa: {  	s18 =	sadd.s32 $0x280, s2;
	s21 =	sadd.s32 $0x230, s2;
	s1 =	sadd.s32 $0x190, s2  }
0xb: {  	s0 =	sadd.s32 s5, s0;
	s5 =	ssub.s32 s24, s9;
	s25 =	sshrl.u32 s7, $0x3  }
0xc: {  	s9 =	sshrl.u32 s21, $0x3;
	s24 =	sadd.s32 $0x1E0, s2;
	s2 =	sadd.s32 $0x140, s2  }
0xd: {  	s12 =	sadd.s32 s8, s25;
	s7 =	sadd.s32 $0xA, s25;
	s13 =	sadd.s32 s19, s25  }
0xe: {  	s30 =	sadd.s32 $0x14, s25;
	s23 =	sadd.s32 s9, s19;
	[dreg:$0x1d] =	wrdreg s2  }
0xf: {  	s6 =	sadd.s32 $0x1E, s25;
	s25 =	sadd.s32 s9, s8;
	[dreg:$0x4] =	wrdreg s23  }
0x10: {  	s0 =	sadd.s32 $0x3DC00, s0;
	[dreg:$0x5] =	wrdreg s25  }
0x11: {  	s5 =	smax.u32 s5, $0x1;
	[dreg:$0x1b] =	wrdreg s0  }
0x12: {  	s31 =	simm.s32 $0xB;
	[dreg:$0x1c] =	wrdreg s5  }
0x13: {  	s28 =	simm.s32 $0xF;
	s26 =	smul.u32 $0x4E200, s11;
	[dreg:$0xb] =	wrdreg s12  }
0x14: {  	p0 =	sgt.u32 s11, $0x9;
	s10 =	sadd.s32 s8, s7;
	[dreg:$0xc] =	wrdreg s13  }
0x15: {  	s15 =	sshrl.u32 s26, $0x2;
	s7 =	sadd.s32 s19, s7;
	[dreg:$0xd] =	wrdreg s10  }
0x16: {  	s26 =	sshrl.u32 s24, $0x3;
	s14 =	sadd.s32 s8, s30;
	[dreg:$0xe] =	wrdreg s7  }
0x17: {  	s9 =	simm.s32 $0x13A00;
	s16 =	sadd.s32 s8, s6;
	[dreg:$0xf] =	wrdreg s14  }
0x18: {  	s6 =	sadd.s32 s19, s6;
	s5 =	simm.s32 $0x3;
	[dreg:$0x12] =	wrdreg s16  }
0x19: {  	s7 =	sadd.s32 s19, s30;
	s14 =	sadd.s32 s15, s29;
	[dreg:$0x1a] =	wrdreg s6  }
0x1a: {  	s30 =	sadd.s32 s26, s19;
	s15 =	sadd.s32 s26, s8;
	[dreg:$0x10] =	wrdreg s7  }
0x1b: {  	s16 =	sshrl.u32 s1, $0x3;
	s26 =	sadd.s32 $0x28, s12;
	[dreg:$0x6] =	wrdreg s30  }
0x1c: {  	s10 =	simm.s32 $0x13A80;
	s6 =	simm.s32 $0x50;
	[dreg:$0x7] =	wrdreg s15  }
0x1d: {  	s1 =	simm.s32 $0x6;
	s12 =	simm.s32 $0x0;
	[dreg:$0x11] =	wrdreg s14  }
0x1e: {  	s17 =	sadd.s32 $0x2800, s14;
	s20 =	sadd.s32 $0x5000, s14;
	[dreg:$0x1f] =	wrdreg s26  }
0x1f: {  	s7 =	sshrl.u32 s18, $0x3;
	s22 =	sadd.s32 $0x7800, s14;
	[dreg:$0x13] =	wrdreg s17  }
0x20: {  	s18 =	sadd.s32 s16, s19;
	s21 =	sadd.s32 s16, s8;
	[dreg:$0x14] =	wrdreg s20  }
0x21: {  	s23 =	sadd.s32 $0xF000, s14;
	s24 =	sadd.s32 $0x11800, s14;
	[dreg:$0x15] =	wrdreg s22  }
0x22: {  	s30 =	sadd.s32 $0x4D8, s13;
	s13 =	simm.s32 $0x1B580;
	[dreg:$0x8] =	wrdreg s18  }
0x23: {  	s15 =	simm.s32 $0xA;
	s16 =	simm.s32 $0x13D00;
	[dreg:$0x18] =	wrdreg s23  }
0x24: {  	s26 =	simm.s32 $0x2;
	s7 =	sadd.s32 s7, s8;
	[dreg:$0x9] =	wrdreg s21  }
0x25: {  	s17 =	sadd.s32 $0xA000, s14;
	s20 =	smul.u32 $0x7D000, s11;
	[dreg:$0x19] =	wrdreg s24  }
0x26: {  	s22 =	sadd.s32 $0xC800, s14;
	[smem:$0x7FD] =	sst s30;
	s8 =	simm.s32 $0x13980  }
0x27: {  	s14 =	simm.s32 $0x13B80;
	s18 =	simm.s32 $0x13D80;
	s21 =	simm.s32 $0x16580  }
0x28: {  	s23 =	simm.s32 $0xD;
	s24 =	simm.s32 $0xE;
	[dreg:$0x3] =	wrdreg s7  }
0x29: {  	s11 =	simm.s32 $0x5;
	[dreg:$0x16] =	wrdreg s17;
	s25 =	sshrl.u32 s20, $0x2  }
0x2a: {  	[dreg:$0x17] =	wrdreg s22;
	s7 =	simm.s32 $0x13B00;
	s0 =	sadd.s32 s25, s29  }
0x2b: {  	s17 =	simm.s32 $0x13C00;
	s22 =	simm.s32 $0x1;
	s0 =	sshrl.u32 @!p0 s0, $0x3  }
0x2c: {  	v0 =	vimm.f32 $0.0e+00;
	s20 =	simm.s32 $0x13C80;
	s25 =	simm.s32 $0xC;
	[dreg:$0x1e] =	wrdreg s0  }
.LBB2_1:
0x2d: {  	[smem:$0x7FC] =	sst s12  }
0x2e: {  	s0 =	rddreg [dreg:$0xb]  }
0x2f: {  	[tilespmem:s8], [sflag:$0x9] =	stream.linear.gather [hbm4b:s0+s3], $0x50, $0x38;
	[tilespmem:$0x1DD80] =	vst v63  }
0x30: {  	s2 =	rddreg [dreg:$0xc]  }
0x31: {  	[tilespmem:s9], [sflag:$0xD] =	stream.linear.gather [hbm4b:s2+s3], $0x50, $0x38;
	[tilespmem:$0x1DD80] =	vst v63  }
0x32: {  	s12 =	rddreg [dreg:$0xd]  }
0x33: {  	[tilespmem:s10], [sflag:$0xA] =	stream.linear.gather [hbm4b:s12+s3], $0x50, $0x38;
	[tilespmem:$0x1DD80] =	vst v63  }
0x34: {  	s2 =	rddreg [dreg:$0xe]  }
0x35: {  	[tilespmem:s7], [sflag:$0xE] =	stream.linear.gather [hbm4b:s2+s3], $0x50, $0x38;
	[tilespmem:$0x1DD80] =	vst v63  }
0x36: {  	s12 =	rddreg [dreg:$0xf]  }
0x37: {  	[tilespmem:s14], [sflag:$0xB] =	stream.linear.gather [hbm4b:s12+s3], $0x50, $0x38;
	[tilespmem:$0x1DD80] =	vst v63  }
0x38: {  	s2 =	rddreg [dreg:$0x10]  }
0x39: {  	[tilespmem:s17], [sflag:$0xF] =	stream.linear.gather [hbm4b:s2+s3], $0x50, $0x38;
	[tilespmem:$0x1DD80] =	vst v63  }
0x3a: {  	s30 =	simm.s32 $0x200;
	s0 =	simm.s32 $0x0;
	s12 =	rddreg [dreg:$0x12]  }
0x3b: {  	[tilespmem:s20], [sflag:$0xC] =	stream.linear.gather [hbm4b:s12+s3], $0x50, $0x38;
	[tilespmem:$0x1DD80] =	vst v63  }
.LBB2_2:
0x3c: {  	p1 =	sne.s32 s30, $0x9E00;
	[tilespmem:s0+$0x1B5F0] =	vst v0  }
0x3d: {  	[tilespmem:s0+$0x1B580] =	vst v0  }
0x3e: {  	[tilespmem:s0+$0x1B590] =	vst v0  }
.Ltmp0:
0x3f: {  	[tilespmem:s0+$0x1B5A0] =	vst v0;
	(pc) =	sbr.rel @p1 .LBB2_2-.Ltmp0, $4  }
0x40: {  	[tilespmem:s0+$0x1B5B0] =	vst v0  }
0x41: {  	[tilespmem:s0+$0x1B5C0] =	vst v0  }
0x42: {  	[tilespmem:s0+$0x1B5D0] =	vst v0  }
0x43: {  	[tilespmem:s0+$0x1B5E0] =	vst v0;
	s0 =	sshra.s32 s30, $0x2;
	s30 =	sadd.s32 $0x200, s30  }
0x44: {  	[tilespmem:s0+$0x1B5F0] =	vst v0  }
0x45: {  	[tilespmem:s0+$0x1B580] =	vst v0  }
0x46: {  	[tilespmem:s0+$0x1B590] =	vst v0  }
0x47: {  	[tilespmem:s0+$0x1B5A0] =	vst v0  }
0x48: {  	[tilespmem:s0+$0x1B5B0] =	vst v0  }
0x49: {  	[tilespmem:s0+$0x1B5C0] =	vst v0  }
0x4a: {  	[tilespmem:s0+$0x1B5D0] =	vst v0  }
0x4b: {  	[tilespmem:s0+$0x1B5E0] =	vst v0;
	s2 =	rddreg [dreg:$0x11]  }
0x4c: {  	[spmem:s2] =	stream.linear.scatter [tilespmem:s13], [sflag:$0x11], $0x2800, $0x38;
	[tilespmem:$0x1DD80] =	vst v63  }
0x4d: {  	s2 =	simm.s32 $0x11  }
0x4e: {  	_ =	swait.ge [sflag:s2], $0x2800  }
0x4f: {  	[sflag:s2] =	ssyncset.done $0x0  }
0x50: {  	s12 =	rddreg [dreg:$0x13];
	[sflag:s2] =	ssyncadd.s32 $0xFFFFD800  }
0x51: {  	[spmem:s12] =	stream.linear.scatter [tilespmem:s13], [sflag:$0x11], $0x2800, $0x38;
	[tilespmem:$0x1DD80] =	vst v63  }
0x52: {  	_ =	swait.ge [sflag:s2], $0x2800  }
0x53: {  	[sflag:s2] =	ssyncset.done $0x0  }
0x54: {  	s12 =	rddreg [dreg:$0x14];
	[sflag:s2] =	ssyncadd.s32 $0xFFFFD800  }
0x55: {  	[spmem:s12] =	stream.linear.scatter [tilespmem:s13], [sflag:$0x11], $0x2800, $0x38;
	[tilespmem:$0x1DD80] =	vst v63  }
0x56: {  	_ =	swait.ge [sflag:s2], $0x2800  }
0x57: {  	[sflag:s2] =	ssyncset.done $0x0  }
0x58: {  	s12 =	rddreg [dreg:$0x15];
	[sflag:s2] =	ssyncadd.s32 $0xFFFFD800  }
0x59: {  	[spmem:s12] =	stream.linear.scatter [tilespmem:s13], [sflag:$0x11], $0x2800, $0x38;
	[tilespmem:$0x1DD80] =	vst v63  }
0x5a: {  	_ =	swait.ge [sflag:s2], $0x2800  }
0x5b: {  	[sflag:s2] =	ssyncset.done $0x0  }
0x5c: {  	s12 =	rddreg [dreg:$0x16];
	[sflag:s2] =	ssyncadd.s32 $0xFFFFD800  }
0x5d: {  	[spmem:s12] =	stream.linear.scatter [tilespmem:s13], [sflag:$0x11], $0x2800, $0x38;
	[tilespmem:$0x1DD80] =	vst v63  }
0x5e: {  	_ =	swait.ge [sflag:s2], $0x2800  }
0x5f: {  	[sflag:s2] =	ssyncset.done $0x0  }
0x60: {  	s12 =	rddreg [dreg:$0x17];
	[sflag:s2] =	ssyncadd.s32 $0xFFFFD800  }
0x61: {  	[spmem:s12] =	stream.linear.scatter [tilespmem:s13], [sflag:$0x11], $0x2800, $0x38;
	[tilespmem:$0x1DD80] =	vst v63  }
0x62: {  	_ =	swait.ge [sflag:s2], $0x2800  }
0x63: {  	[sflag:s2] =	ssyncset.done $0x0  }
0x64: {  	s12 =	rddreg [dreg:$0x18];
	[sflag:s2] =	ssyncadd.s32 $0xFFFFD800  }
0x65: {  	[spmem:s12] =	stream.linear.scatter [tilespmem:s13], [sflag:$0x11], $0x2800, $0x38;
	[tilespmem:$0x1DD80] =	vst v63  }
0x66: {  	_ =	swait.ge [sflag:s2], $0x2800  }
0x67: {  	[sflag:s2] =	ssyncset.done $0x0  }
0x68: {  	s12 =	rddreg [dreg:$0x19];
	[sflag:s2] =	ssyncadd.s32 $0xFFFFD800  }
0x69: {  	[spmem:s12] =	stream.linear.scatter [tilespmem:s13], [sflag:$0x11], $0x2080, $0x38;
	[tilespmem:$0x1DD80] =	vst v63  }
0x6a: {  	_ =	swait.ge [sflag:s2], $0x2080  }
0x6b: {  	[sflag:s2] =	ssyncset.done $0x0  }
0x6c: {  	s12 =	simm.s32 $0x9;
	[sflag:s2] =	ssyncadd.s32 $0xFFFFDF80  }
0x6d: {  	_ =	swait.ge [sflag:s12], $0x50  }
0x6e: {  	[sflag:s12] =	ssyncset.done $0x0  }
0x6f: {  	[sflag:s12] =	ssyncadd.s32 $0xFFFFFFB0  }
0x70: {  	[tilespmem:s18], [sflag:$0x1] =	stream.indirect.gather [hbm4b:s4+s6], $0x80, s8, s6, $0xb8;
	[tilespmem:$0x1DD80] =	vst v63  }
0x71: {  	_ =	swait.ge [sflag:s15], $0x50  }
0x72: {  	[sflag:s15] =	ssyncset.done $0x0  }
0x73: {  	[sflag:s15] =	ssyncadd.s32 $0xFFFFFFB0  }
0x74: {  	[tilespmem:s21], [sflag:$0x2] =	stream.indirect.gather [hbm4b:s4+s6], $0x80, s10, s6, $0xb8;
	[tilespmem:$0x1DD80] =	vst v63  }
0x75: {  	_ =	swait.ge [sflag:s31], $0x50  }
0x76: {  	[sflag:s31] =	ssyncset.done $0x0  }
0x77: {  	s30 =	simm.s32 $0x18D80;
	[sflag:s31] =	ssyncadd.s32 $0xFFFFFFB0  }
0x78: {  	[tilespmem:s30], [sflag:$0x3] =	stream.indirect.gather [hbm4b:s4+s6], $0x80, s14, s6, $0xb8;
	[tilespmem:$0x1DD80] =	vst v63  }
0x79: {  	[bflag:$0x0] =	sbarrier.arrive $0xFFFF  }
0x7a: {  	_ =	swait.ge [sflag:s22], $0x2800  }
0x7b: {  	[sflag:s22] =	ssyncset.done $0x0  }
0x7c: {  	[sflag:s22] =	ssyncadd.s32 $0xFFFFD800  }
0x7d: {  	_ =	swait.ge [sflag:s23], $0x50  }
0x7e: {  	[sflag:s23] =	ssyncset.done $0x0  }
0x7f: {  	[sflag:s23] =	ssyncadd.s32 $0xFFFFFFB0  }
0x80: {  	[spmem:s29] =	stream.indirect.scatter.add.f32 [tilespmem:s18], [sflag:$0x5], $0x80, s9, s6, $0xb8;
	[tilespmem:$0x1DD80] =	vst v63  }
0x81: {  	s0 =	simm.s32 $0x0;
	s2 =	rddreg [dreg:$0x1a]  }
0x82: {  	[tilespmem:s16], [sflag:$0x10] =	stream.linear.gather [hbm4b:s2+s0], $0x50, $0x38;
	[tilespmem:$0x1DD80] =	vst v63  }
0x83: {  	_ =	swait.ge [sflag:s25], $0x50  }
0x84: {  	[sflag:s25] =	ssyncset.done $0x0  }
0x85: {  	[sflag:s25] =	ssyncadd.s32 $0xFFFFFFB0  }
0x86: {  	[tilespmem:s13], [sflag:$0x4] =	stream.indirect.gather [hbm4b:s4+s6], $0x80, s20, s6, $0xb8;
	[tilespmem:$0x1DD80] =	vst v63  }
0x87: {  	s2 =	rddreg [dreg:$0x1f]  }
0x88: {  	[tilespmem:s8], [sflag:$0x9] =	stream.linear.gather [hbm4b:s2+s0], $0x50, $0x38;
	[tilespmem:$0x1DD80] =	vst v63  }
0x89: {  	_ =	swait.ge [sflag:s26], $0x2800  }
0x8a: {  	[sflag:s26] =	ssyncset.done $0x0  }
0x8b: {  	[sflag:s26] =	ssyncadd.s32 $0xFFFFD800  }
0x8c: {  	_ =	swait.ge [sflag:s24], $0x50  }
0x8d: {  	[sflag:s24] =	ssyncset.done $0x0  }
0x8e: {  	[sflag:s24] =	ssyncadd.s32 $0xFFFFFFB0  }
0x8f: {  	[spmem:s29] =	stream.indirect.scatter.add.f32 [tilespmem:s21], [sflag:$0x6], $0x80, s7, s6, $0xb8;
	[tilespmem:$0x1DD80] =	vst v63  }
0x90: {  	_ =	swait.ge [sflag:s11], $0x2800  }
0x91: {  	s2 =	rddreg [dreg:$0x1d]  }
0x92: {  	[sflag:s11] =	ssyncset.done $0x0;
	s24 =	sshrl.u32 s2, $0x3  }
0x93: {  	[sflag:s11] =	ssyncadd.s32 $0xFFFFD800;
	s0 =	sadd.s32 s19, s24  }
0x94: {  	[tilespmem:s9], [sflag:$0xD] =	stream.linear.gather [hbm4b:s0+s3], $0x50, $0x38;
	[tilespmem:$0x1DD80] =	vst v63  }
0x95: {  	_ =	swait.ge [sflag:s12], $0x50  }
0x96: {  	[sflag:s12] =	ssyncset.done $0x0  }
0x97: {  	s26 =	rddreg [dreg:$0x9];
	[sflag:s12] =	ssyncadd.s32 $0xFFFFFFB0  }
0x98: {  	[tilespmem:s18], [sflag:$0x1] =	stream.indirect.gather [hbm4b:s4+s6], $0x80, s8, s6, $0xb8;
	[tilespmem:$0x1DD80] =	vst v63  }
0x99: {  	s0 =	sadd.s32 $0x0, s26  }
0x9a: {  	[tilespmem:s10], [sflag:$0xA] =	stream.linear.gather [hbm4b:s0+s3], $0x50, $0x38;
	[tilespmem:$0x1DD80] =	vst v63  }
0x9b: {  	_ =	swait.ge [sflag:s5], $0x2800  }
0x9c: {  	[sflag:s5] =	ssyncset.done $0x0  }
0x9d: {  	[sflag:s5] =	ssyncadd.s32 $0xFFFFD800  }
0x9e: {  	_ =	swait.ge [sflag:s28], $0x50  }
0x9f: {  	[sflag:s28] =	ssyncset.done $0x0  }
0xa0: {  	[sflag:s28] =	ssyncadd.s32 $0xFFFFFFB0  }
0xa1: {  	[spmem:s29] =	stream.indirect.scatter.add.f32 [tilespmem:s30], [sflag:$0x7], $0x80, s17, s6, $0xb8;
	[tilespmem:$0x1DD80] =	vst v63  }
0xa2: {  	_ =	swait.ge [sflag:s1], $0x2800  }
0xa3: {  	s5 =	rddreg [dreg:$0x8];
	[sflag:s1] =	ssyncset.done $0x0  }
0xa4: {  	[sflag:s1] =	ssyncadd.s32 $0xFFFFD800;
	s0 =	sadd.s32 $0x0, s5  }
0xa5: {  	[tilespmem:s7], [sflag:$0xE] =	stream.linear.gather [hbm4b:s0+s3], $0x50, $0x38;
	[tilespmem:$0x1DD80] =	vst v63  }
0xa6: {  	_ =	swait.ge [sflag:s15], $0x50  }
0xa7: {  	[sflag:s15] =	ssyncset.done $0x0  }
0xa8: {  	s8 =	rddreg [dreg:$0x7];
	[sflag:s15] =	ssyncadd.s32 $0xFFFFFFB0  }
0xa9: {  	[tilespmem:s21], [sflag:$0x2] =	stream.indirect.gather [hbm4b:s4+s6], $0x80, s10, s6, $0xb8;
	[tilespmem:$0x1DD80] =	vst v63  }
0xaa: {  	s11 =	simm.s32 $0x4;
	s0 =	sadd.s32 $0x0, s8  }
0xab: {  	[tilespmem:s14], [sflag:$0xB] =	stream.linear.gather [hbm4b:s0+s3], $0x50, $0x38;
	[tilespmem:$0x1DD80] =	vst v63  }
0xac: {  	_ =	swait.ge [sflag:s11], $0x2800  }
0xad: {  	[sflag:s11] =	ssyncset.done $0x0  }
0xae: {  	s19 =	simm.s32 $0x10;
	[sflag:s11] =	ssyncadd.s32 $0xFFFFD800  }
0xaf: {  	_ =	swait.ge [sflag:s19], $0x50  }
0xb0: {  	[sflag:s19] =	ssyncset.done $0x0  }
0xb1: {  	s12 =	simm.s32 $0x7;
	[sflag:s19] =	ssyncadd.s32 $0xFFFFFFB0  }
0xb2: {  	[spmem:s29] =	stream.indirect.scatter.add.f32 [tilespmem:s13], [sflag:$0x8], $0x80, s16, s6, $0xb8;
	[tilespmem:$0x1DD80] =	vst v63  }
0xb3: {  	_ =	swait.ge [sflag:s12], $0x2800  }
0xb4: {  	s15 =	rddreg [dreg:$0x6];
	[sflag:s12] =	ssyncset.done $0x0  }
0xb5: {  	[sflag:s12] =	ssyncadd.s32 $0xFFFFD800;
	s0 =	sadd.s32 $0x0, s15  }
0xb6: {  	[tilespmem:s17], [sflag:$0xF] =	stream.linear.gather [hbm4b:s0+s3], $0x50, $0x38;
	[tilespmem:$0x1DD80] =	vst v63  }
0xb7: {  	_ =	swait.ge [sflag:s31], $0x50  }
0xb8: {  	[sflag:s31] =	ssyncset.done $0x0  }
0xb9: {  	s21 =	rddreg [dreg:$0x5];
	[sflag:s31] =	ssyncadd.s32 $0xFFFFFFB0  }
0xba: {  	[tilespmem:s30], [sflag:$0x3] =	stream.indirect.gather [hbm4b:s4+s6], $0x80, s14, s6, $0xb8;
	[tilespmem:$0x1DD80] =	vst v63  }
0xbb: {  	s0 =	sadd.s32 $0x0, s21  }
0xbc: {  	[tilespmem:s20], [sflag:$0xC] =	stream.linear.gather [hbm4b:s0+s3], $0x50, $0x38;
	[tilespmem:$0x1DD80] =	vst v63  }
0xbd: {  	_ =	swait.ge [sflag:s22], $0x2800  }
0xbe: {  	[sflag:s22] =	ssyncset.done $0x0  }
0xbf: {  	[sflag:s22] =	ssyncadd.s32 $0xFFFFD800  }
0xc0: {  	_ =	swait.ge [sflag:s23], $0x50  }
0xc1: {  	s28 =	simm.s32 $0x2;
	[sflag:s23] =	ssyncset.done $0x0  }
0xc2: {  	s5 =	simm.s32 $0x3;
	s15 =	simm.s32 $0x8;
	[sflag:s23] =	ssyncadd.s32 $0xFFFFFFB0  }
0xc3: {  	[spmem:s29] =	stream.indirect.scatter.add.f32 [tilespmem:s18], [sflag:$0x5], $0x80, s9, s6, $0xb8;
	[tilespmem:$0x1DD80] =	vst v63  }
0xc4: {  	s1 =	simm.s32 $0x6;
	s8 =	simm.s32 $0xF;
	_ =	swait.ge [sflag:s15], $0x2800  }
0xc5: {  	s11 =	simm.s32 $0x5;
	s24 =	rddreg [dreg:$0x4];
	[sflag:s15] =	ssyncset.done $0x0  }
0xc6: {  	s21 =	simm.s32 $0xB;
	[sflag:s15] =	ssyncadd.s32 $0xFFFFD800;
	s0 =	sadd.s32 $0x0, s24  }
0xc7: {  	[tilespmem:s16], [sflag:$0x10] =	stream.linear.gather [hbm4b:s0+s3], $0x50, $0x38;
	[tilespmem:$0x1DD80] =	vst v63  }
0xc8: {  	s31 =	sadd.s32 $0x140, s2;
	s30 =	simm.s32 $0x28;
	_ =	swait.ge [sflag:s25], $0x50  }
0xc9: {  	s23 =	simm.s32 $0x1;
	s18 =	simm.s32 $0xA;
	[sflag:s25] =	ssyncset.done $0x0  }
0xca: {  	s24 =	simm.s32 $0xE;
	s26 =	rddreg [dreg:$0x3];
	[sflag:s25] =	ssyncadd.s32 $0xFFFFFFB0  }
0xcb: {  	s0 =	sadd.s32 $0x0, s26;
	s26 =	simm.s32 $0xC;
	s25 =	simm.s32 $0xD  }
0xcc: {  	[tilespmem:s13], [sflag:$0x4] =	stream.indirect.gather [hbm4b:s4+s6], $0x80, s20, s6, $0xb8;
	[tilespmem:$0x1DD80] =	vst v63  }
.LBB2_4:
0xcd: {  	s14 =	simm.s32 $0x13980  }
0xce: {  	[tilespmem:s14], [sflag:$0x9] =	stream.linear.gather [hbm4b:s0+s3], $0x50, $0x38;
	[tilespmem:$0x1DD80] =	vst v63  }
0xcf: {  	_ =	swait.ge [sflag:s28], $0x2800  }
0xd0: {  	[sflag:s28] =	ssyncset.done $0x0  }
0xd1: {  	[sflag:s28] =	ssyncadd.s32 $0xFFFFD800  }
0xd2: {  	_ =	swait.ge [sflag:s24], $0x50  }
0xd3: {  	[sflag:s24] =	ssyncset.done $0x0  }
0xd4: {  	s13 =	simm.s32 $0x13B00;
	s22 =	simm.s32 $0x16580;
	[sflag:s24] =	ssyncadd.s32 $0xFFFFFFB0  }
0xd5: {  	[spmem:s29] =	stream.indirect.scatter.add.f32 [tilespmem:s22], [sflag:$0x6], $0x80, s13, s6, $0xb8;
	[tilespmem:$0x1DD80] =	vst v63  }
0xd6: {  	s2 =	sshrl.u32 s31, $0x3;
	_ =	swait.ge [sflag:s11], $0x2800  }
0xd7: {  	s7 =	simm.s32 $0x13A00;
	[sflag:s11] =	ssyncset.done $0x0;
	s16 =	rddreg [dreg:$0xa]  }
0xd8: {  	s17 =	simm.s32 $0x9;
	[sflag:s11] =	ssyncadd.s32 $0xFFFFD800;
	s2 =	sadd.s32 s16, s2  }
0xd9: {  	[tilespmem:s7], [sflag:$0xD] =	stream.linear.gather [hbm4b:s2+s3], $0x50, $0x38;
	[tilespmem:$0x1DD80] =	vst v63  }
0xda: {  	_ =	swait.ge [sflag:s17], $0x50  }
0xdb: {  	s9 =	simm.s32 $0x13D80;
	[sflag:s17] =	ssyncset.done $0x0  }
0xdc: {  	s0 =	smov.u32 s30;
	s20 =	rddreg [dreg:$0x9];
	[sflag:s17] =	ssyncadd.s32 $0xFFFFFFB0  }
0xdd: {  	[tilespmem:s9], [sflag:$0x1] =	stream.indirect.gather [hbm4b:s4+s6], $0x80, s14, s6, $0xb8;
	[tilespmem:$0x1DD80] =	vst v63  }
0xde: {  	s12 =	simm.s32 $0x13A80;
	s2 =	sadd.s32 s0, s20  }
0xdf: {  	[tilespmem:s12], [sflag:$0xA] =	stream.linear.gather [hbm4b:s2+s3], $0x50, $0x38;
	[tilespmem:$0x1DD80] =	vst v63  }
0xe0: {  	_ =	swait.ge [sflag:s5], $0x2800  }
0xe1: {  	[sflag:s5] =	ssyncset.done $0x0  }
0xe2: {  	[sflag:s5] =	ssyncadd.s32 $0xFFFFD800  }
0xe3: {  	_ =	swait.ge [sflag:s8], $0x50  }
0xe4: {  	[sflag:s8] =	ssyncset.done $0x0  }
0xe5: {  	s16 =	simm.s32 $0x18D80;
	s20 =	simm.s32 $0x13C00;
	[sflag:s8] =	ssyncadd.s32 $0xFFFFFFB0  }
0xe6: {  	[spmem:s29] =	stream.indirect.scatter.add.f32 [tilespmem:s16], [sflag:$0x7], $0x80, s20, s6, $0xb8;
	[tilespmem:$0x1DD80] =	vst v63  }
0xe7: {  	_ =	swait.ge [sflag:s1], $0x2800  }
0xe8: {  	s10 =	rddreg [dreg:$0x8];
	[sflag:s1] =	ssyncset.done $0x0  }
0xe9: {  	[sflag:s1] =	ssyncadd.s32 $0xFFFFD800;
	s2 =	sadd.s32 s0, s10  }
0xea: {  	[tilespmem:s13], [sflag:$0xE] =	stream.linear.gather [hbm4b:s2+s3], $0x50, $0x38;
	[tilespmem:$0x1DD80] =	vst v63  }
0xeb: {  	_ =	swait.ge [sflag:s18], $0x50  }
0xec: {  	[sflag:s18] =	ssyncset.done $0x0  }
0xed: {  	s14 =	rddreg [dreg:$0x7];
	[sflag:s18] =	ssyncadd.s32 $0xFFFFFFB0  }
0xee: {  	[tilespmem:s22], [sflag:$0x2] =	stream.indirect.gather [hbm4b:s4+s6], $0x80, s12, s6, $0xb8;
	[tilespmem:$0x1DD80] =	vst v63  }
0xef: {  	s2 =	sadd.s32 s0, s14;
	s12 =	simm.s32 $0x13B80;
	s22 =	simm.s32 $0x4  }
0xf0: {  	[tilespmem:s12], [sflag:$0xB] =	stream.linear.gather [hbm4b:s2+s3], $0x50, $0x38;
	[tilespmem:$0x1DD80] =	vst v63  }
0xf1: {  	_ =	swait.ge [sflag:s22], $0x2800  }
0xf2: {  	[sflag:s22] =	ssyncset.done $0x0  }
0xf3: {  	[sflag:s22] =	ssyncadd.s32 $0xFFFFD800  }
0xf4: {  	_ =	swait.ge [sflag:s19], $0x50  }
0xf5: {  	s13 =	simm.s32 $0x7;
	[sflag:s19] =	ssyncset.done $0x0  }
0xf6: {  	s14 =	simm.s32 $0x1B580;
	s22 =	simm.s32 $0x13D00;
	[sflag:s19] =	ssyncadd.s32 $0xFFFFFFB0  }
0xf7: {  	[spmem:s29] =	stream.indirect.scatter.add.f32 [tilespmem:s14], [sflag:$0x8], $0x80, s22, s6, $0xb8;
	[tilespmem:$0x1DD80] =	vst v63  }
0xf8: {  	_ =	swait.ge [sflag:s13], $0x2800  }
0xf9: {  	s2 =	rddreg [dreg:$0x6];
	[sflag:s13] =	ssyncset.done $0x0  }
0xfa: {  	[sflag:s13] =	ssyncadd.s32 $0xFFFFD800;
	s2 =	sadd.s32 s0, s2  }
0xfb: {  	[tilespmem:s20], [sflag:$0xF] =	stream.linear.gather [hbm4b:s2+s3], $0x50, $0x38;
	[tilespmem:$0x1DD80] =	vst v63  }
0xfc: {  	_ =	swait.ge [sflag:s21], $0x50  }
0xfd: {  	[sflag:s21] =	ssyncset.done $0x0  }
0xfe: {  	s2 =	rddreg [dreg:$0x5];
	[sflag:s21] =	ssyncadd.s32 $0xFFFFFFB0  }
0xff: {  	[tilespmem:s16], [sflag:$0x3] =	stream.indirect.gather [hbm4b:s4+s6], $0x80, s12, s6, $0xb8;
	[tilespmem:$0x1DD80] =	vst v63  }
0x100: {  	s2 =	sadd.s32 s0, s2;
	s16 =	simm.s32 $0x13C80  }
0x101: {  	[tilespmem:s16], [sflag:$0xC] =	stream.linear.gather [hbm4b:s2+s3], $0x50, $0x38;
	[tilespmem:$0x1DD80] =	vst v63  }
0x102: {  	_ =	swait.ge [sflag:s23], $0x2800  }
0x103: {  	[sflag:s23] =	ssyncset.done $0x0  }
0x104: {  	[sflag:s23] =	ssyncadd.s32 $0xFFFFD800  }
0x105: {  	_ =	swait.ge [sflag:s25], $0x50  }
0x106: {  	[sflag:s25] =	ssyncset.done $0x0  }
0x107: {  	[sflag:s25] =	ssyncadd.s32 $0xFFFFFFB0  }
0x108: {  	[spmem:s29] =	stream.indirect.scatter.add.f32 [tilespmem:s9], [sflag:$0x5], $0x80, s7, s6, $0xb8;
	[tilespmem:$0x1DD80] =	vst v63  }
0x109: {  	p1 =	sne.s32 s30, $0x488;
	_ =	swait.ge [sflag:s15], $0x2800  }
0x10a: {  	s31 =	sadd.s32 $0x140, s31;
	s12 =	rddreg [dreg:$0x4];
	[sflag:s15] =	ssyncset.done $0x0  }
0x10b: {  	s30 =	sadd.s32 $0x28, s30;
	[sflag:s15] =	ssyncadd.s32 $0xFFFFD800;
	s2 =	sadd.s32 s0, s12  }
0x10c: {  	[tilespmem:s22], [sflag:$0x10] =	stream.linear.gather [hbm4b:s2+s3], $0x50, $0x38;
	[tilespmem:$0x1DD80] =	vst v63  }
.Ltmp1:
0x10d: {  	s17 =	simm.s32 $0x13B00;
	s10 =	simm.s32 $0x16580;
	(pc) =	sbr.rel @p1 .LBB2_4-.Ltmp1, $4  }
0x10e: {  	s13 =	simm.s32 $0x13C00;
	s20 =	simm.s32 $0x18D80;
	_ =	swait.ge [sflag:s26], $0x50  }
0x10f: {  	s7 =	simm.s32 $0x13D00;
	[sflag:s26] =	ssyncset.done $0x0;
	s22 =	rddreg [dreg:$0x3]  }
0x110: {  	s9 =	simm.s32 $0x1B580;
	[sflag:s26] =	ssyncadd.s32 $0xFFFFFFB0;
	s0 =	sadd.s32 s0, s22  }
0x111: {  	[tilespmem:s14], [sflag:$0x4] =	stream.indirect.gather [hbm4b:s4+s6], $0x80, s16, s6, $0xb8;
	[tilespmem:$0x1DD80] =	vst v63  }
0x112: {  	s14 =	simm.s32 $0x13980  }
0x113: {  	[tilespmem:s14], [sflag:$0x9] =	stream.linear.gather [hbm4b:s0+s3], $0x50, $0x38;
	[tilespmem:$0x1DD80] =	vst v63  }
0x114: {  	_ =	swait.ge [sflag:s28], $0x2800  }
0x115: {  	[sflag:s28] =	ssyncset.done $0x0  }
0x116: {  	[sflag:s28] =	ssyncadd.s32 $0xFFFFD800  }
0x117: {  	_ =	swait.ge [sflag:s24], $0x50  }
0x118: {  	[sflag:s24] =	ssyncset.done $0x0  }
0x119: {  	[sflag:s24] =	ssyncadd.s32 $0xFFFFFFB0  }
0x11a: {  	[spmem:s29] =	stream.indirect.scatter.add.f32 [tilespmem:s10], [sflag:$0x6], $0x80, s17, s6, $0xb8;
	[tilespmem:$0x1DD80] =	vst v63  }
0x11b: {  	_ =	swait.ge [sflag:s11], $0x2800  }
0x11c: {  	s18 =	sld [smem:$0x7FD]  }
0x11d: {  	[sflag:s11] =	ssyncset.done $0x0  }
0x11e: {  	s2 =	simm.s32 $0x13A00;
	s21 =	simm.s32 $0x9;
	[sflag:s11] =	ssyncadd.s32 $0xFFFFD800  }
0x11f: {  	[tilespmem:s2], [sflag:$0xD] =	stream.linear.gather [hbm4b:s18+s3], $0x50, $0x38;
	[tilespmem:$0x1DD80] =	vst v63  }
0x120: {  	_ =	swait.ge [sflag:s21], $0x50  }
0x121: {  	[sflag:s21] =	ssyncset.done $0x0  }
0x122: {  	s22 =	simm.s32 $0x13D80;
	[sflag:s21] =	ssyncadd.s32 $0xFFFFFFB0  }
0x123: {  	[tilespmem:s22], [sflag:$0x1] =	stream.indirect.gather [hbm4b:s4+s6], $0x80, s14, s6, $0xb8;
	[tilespmem:$0x1DD80] =	vst v63  }
0x124: {  	_ =	swait.ge [sflag:s5], $0x2800  }
0x125: {  	[sflag:s5] =	ssyncset.done $0x0  }
0x126: {  	[sflag:s5] =	ssyncadd.s32 $0xFFFFD800  }
0x127: {  	_ =	swait.ge [sflag:s8], $0x50  }
0x128: {  	[sflag:s8] =	ssyncset.done $0x0  }
0x129: {  	[sflag:s8] =	ssyncadd.s32 $0xFFFFFFB0  }
0x12a: {  	[spmem:s29] =	stream.indirect.scatter.add.f32 [tilespmem:s20], [sflag:$0x7], $0x80, s13, s6, $0xb8;
	[tilespmem:$0x1DD80] =	vst v63  }
0x12b: {  	_ =	swait.ge [sflag:s1], $0x2800  }
0x12c: {  	[sflag:s1] =	ssyncset.done $0x0  }
0x12d: {  	s24 =	simm.s32 $0x4;
	[sflag:s1] =	ssyncadd.s32 $0xFFFFD800  }
0x12e: {  	_ =	swait.ge [sflag:s24], $0x2800  }
0x12f: {  	[sflag:s24] =	ssyncset.done $0x0  }
0x130: {  	[sflag:s24] =	ssyncadd.s32 $0xFFFFD800  }
0x131: {  	_ =	swait.ge [sflag:s19], $0x50  }
0x132: {  	[sflag:s19] =	ssyncset.done $0x0  }
0x133: {  	s26 =	simm.s32 $0x7;
	[sflag:s19] =	ssyncadd.s32 $0xFFFFFFB0  }
0x134: {  	[spmem:s29] =	stream.indirect.scatter.add.f32 [tilespmem:s9], [sflag:$0x8], $0x80, s7, s6, $0xb8;
	[tilespmem:$0x1DD80] =	vst v63  }
0x135: {  	_ =	swait.ge [sflag:s26], $0x2800  }
0x136: {  	[sflag:s26] =	ssyncset.done $0x0  }
0x137: {  	[sflag:s26] =	ssyncadd.s32 $0xFFFFD800  }
0x138: {  	_ =	swait.ge [sflag:s23], $0x2800  }
0x139: {  	[sflag:s23] =	ssyncset.done $0x0  }
0x13a: {  	[sflag:s23] =	ssyncadd.s32 $0xFFFFD800  }
0x13b: {  	_ =	swait.ge [sflag:s25], $0x50  }
0x13c: {  	[sflag:s25] =	ssyncset.done $0x0  }
0x13d: {  	[sflag:s25] =	ssyncadd.s32 $0xFFFFFFB0  }
0x13e: {  	[spmem:s29] =	stream.indirect.scatter.add.f32 [tilespmem:s22], [sflag:$0x5], $0x80, s2, s6, $0xb8;
	[tilespmem:$0x1DD80] =	vst v63  }
0x13f: {  	_ =	swait.ge [sflag:s15], $0x2800  }
0x140: {  	[sflag:s15] =	ssyncset.done $0x0  }
0x141: {  	[sflag:s15] =	ssyncadd.s32 $0xFFFFD800  }
0x142: {  	_ =	swait.ge [sflag:s11], $0x2800  }
0x143: {  	[sflag:s11] =	ssyncset.done $0x0  }
0x144: {  	[sflag:s11] =	ssyncadd.s32 $0xFFFFD800  }
0x145: {  	s0 =	stileid.u32;
	[bflag:$0x0] =	sbarrier.arrive $0xFFFF  }
0x146: {  	s0 =	sshll.u32 @!p0 s0, $0x6;
	s2 =	rddreg [dreg:$0x1b]  }
0x147: {  	s0 =	sor.u32 @!p0 $0x1C11, s0;
	s30 =	rddreg [dreg:$0x1e]  }
0x148: {  	[hbm:s2], [sflag:s0] =	dma.local @!p0 [spmem:s30], $0x3E80  }
0x149: {  	s0 =	simm.s32 @!p0 $0x11  }
0x14a: {  	_ =	swait.ge @!p0 [sflag:s0], $0x3E80  }
0x14b: {  	s31 =	simm.s32 $0xB;
	s16 =	simm.s32 $0x13D00;
	s12 =	sld [smem:$0x7FC]  }
0x14c: {  	s28 =	simm.s32 $0xF;
	s10 =	simm.s32 $0x13A80;
	s17 =	simm.s32 $0x13C00  }
0x14d: {  	s18 =	simm.s32 $0x13D80;
	s21 =	simm.s32 $0x16580;
	s14 =	simm.s32 $0x13B80  }
0x14e: {  	s5 =	simm.s32 $0x3;
	s30 =	rddreg [dreg:$0x1c];
	s12 =	sadd.s32 $0x1, s12  }
0x14f: {  	s8 =	simm.s32 $0x13980;
	s20 =	simm.s32 $0x13C80;
	p1 =	sne.s32 s12, s30  }
.Ltmp2:
0x150: {  	s13 =	simm.s32 $0x1B580;
	s1 =	simm.s32 $0x6;
	(pc) =	sbr.rel @p1 .LBB2_1-.Ltmp2, $4  }
0x151: {  	s24 =	simm.s32 $0xE;
	s9 =	simm.s32 $0x13A00;
	s7 =	simm.s32 $0x13B00  }
0x152: {  	s26 =	simm.s32 $0x2;
	s23 =	simm.s32 $0xD;
	s25 =	simm.s32 $0xC  }
0x153: {  	s22 =	simm.s32 $0x1;
	s15 =	simm.s32 $0xA;
	[sflag:s0] =	ssyncset.done @!p0 $0x0  }
0x154: {  	s11 =	simm.s32 $0x5;
	s19 =	rddreg [dreg:$0xa];
	[sflag:s0] =	ssyncadd.s32 @!p0 $0xFFFFC180  }
0x155: {  	_ =	sfence.sel $0x180000  }
0x156: {  	[bflag:$0x0] =	sbarrier.arrive $0xFFFF  }
0x157: {  	_ =	strace $0x9000004D  }
0x158: {  	s0 =	stileid.u32;
	[bflag:$0x2] =	sbarrier.arrive $0xFFFF  }
0x159: {  	p0 =	sne.s32 s0, $0x0;
	s0 =	rddreg [dreg:$0x2]  }
0x15a: {  	s0 =	sadd.s32 @!p0 $0x100000, s0  }
0x15b: {  	[sflag:s0] =	ssyncadd.tile.s32 @!p0 $0x1;
	_ =	shalt  }
.Lfunc_end2:
_tile_overlayer_lowered:
.L_overlay_start_2:
0x15c: {  	(tag) =	ssettag $0x2  }
0x15d: {  	s0 =	rddreg [dreg:$0x0];
	s2 =	stileid.u32  }
0x15e: {  	s1 =	rddreg [dreg:$0x1];
	p0 =	sne.s32 s2, $0x0  }
0x15f: {  	s3 =	rddreg [dreg:$0x2];
	[bflag:$0x3] =	sbarrier.arrive $0xFFFF;
	s2 =	simm.s32 @!p0 $0x1C11  }
0x160: {  	[timem:s3], [sflag:s2] =	dma.local @!p0 [hbm:s0], s1  }
0x161: {  	s0 =	simm.s32 @!p0 $0x11  }
0x162: {  	_ =	swait.ge @!p0 [sflag:s0], s1  }
0x163: {  	s1 =	ssub.s32 @!p0 $0x0, s1;
	[sflag:s0] =	ssyncset.done @!p0 $0x0  }
0x164: {  	[sflag:s0] =	ssyncadd.s32 @!p0 s1  }
0x165: {  	[bflag:$0x3] =	sbarrier.arrive $0xFFFF  }
0x166: {  	_ =	shalt  }

// kernel: kernel.8.cloned.1.call-start
scs
__scs_entry_jumppad:
0x0: {  	(pc) =	sbr.rel $0x88, $3  }
0x1: {  	(tag) =	ssettag $0x0;
	lr =	simm.s32 $0x1  }
0x2: {  	[smem:$0x3F96] =	sst lr;
	_ =	strace $0xD0000000  }
0x3: {  	_ = 	snop  }
0x4: {  	_ = 	snop  }
0x5: {  	_ = 	snop  }
0x6: {  	_ = 	snop  }
0x7: {  	_ = 	snop  }
__scs_overlays_trampoline_lowered:
0x8: {  	[smem:$0x3FA5] =	sst s0  }
0x9: {  	[smem:$0x3FA6] =	sst s1  }
0xa: {  	[smem:$0x3FA7] =	sst s2  }
0xb: {  	[smem:$0x3FA8] =	sst s3  }
0xc: {  	[smem:$0x3FA9] =	sst s4  }
0xd: {  	[smem:$0x3FAA] =	sst s5  }
0xe: {  	[smem:$0x3FAB] =	sst s6  }
0xf: {  	[smem:$0x3FAC] =	sst s7  }
0x10: {  	[smem:$0x3FAD] =	sst s8  }
0x11: {  	[smem:$0x3FAE] =	sst s9;
	s0 =	simm.s32 @!p0 $0x0  }
0x12: {  	s1 =	sld [smem:$0x3F94];
	s0 =	simm.s32 @p0 $0x1  }
0x13: {  	[smem:$0x3FAF] =	sst s0;
	s0 =	simm.s32 @!p1 $0x0  }
0x14: {  	s2 =	sld [smem:$0x3F93];
	s0 =	simm.s32 @p1 $0x1  }
0x15: {  	[smem:$0x3FB0] =	sst s0;
	s0 =	simm.s32 @!p2 $0x0  }
0x16: {  	s3 =	sld [smem:$0x3FDB];
	s0 =	simm.s32 @p2 $0x1  }
0x17: {  	s4 =	simm.s32 $0x1BF5;
	[smem:$0x3FB2] =	sst s0  }
0x18: {  	s0 =	sld [smem:$0x3F95];
	_ =	swait.ge [sflag:s4], $0x0  }
0x19: {  	s7 =	sld [smem:$0x3F96]  }
0x1a: {  	s8 =	sadd.s32 $0xFFFFE003, lr  }
0x1b: {  	s9 =	sadd.s32 $0xFFFFFEF7, lr;
	s5 =	simm.s32 $0xFFFFFFFF;
	p2 =	slt.u32 s8, $0xFFFFF086  }
0x1c: {  	p1 =	slt.u32 s9, $0xF7A;
	s5 =	simm.s32 @!p2 $0x0  }
0x1d: {  	s5 =	simm.s32 @p1 $0x1;
	p0 =	seq.s32 s7, s2  }
0x1e: {  	s7 =	smul.u32 @!p0 $0xF7A, s2;
	p2 =	seq.s32 @!p0 s5, $0x0  }
0x1f: {  	s9 =	smul.u32 $0xF7A, s1;
	s8 =	simm.s32 @!p0 $0x1BF5;
	p2 =	por !p2, p0  }
0x20: {  	[sflag:s8] =	ssyncset.s32 @!p0 $0xFFFFF086;
	s6 =	sadd.s32 @!p0 s3, s7;
	s7 =	simm.s32 @!p0 $0x108  }
0x21: {  	s3 =	sadd.s32 s3, s9;
	s6 =	sadd.s32 @!p0 $0x88, s6;
	s7 =	simm.s32 @p2 $0x1082  }
0x22: {  	[simem:s7], [sflag:s8] =	dma.local @!p0 [hbm:s6], $0xF7A  }
0x23: {  	s9 =	sor.u32 $0xD0000000, s2;
	s6 =	simm.s32 $0x108;
	_ =	swait.ge @!p0 [sflag:s8], $0x0  }
0x24: {  	s3 =	sadd.s32 $0x88, s3;
	s6 =	simm.s32 @!p1 $0x1082;
	[sflag:s4] =	ssyncset.s32 $0xFFFFF086  }
0x25: {  	[simem:s6], [sflag:s4] =	dma.local [hbm:s3], $0xF7A  }
0x26: {  	[smem:$0x3F96] =	sst s1;
	(tag) =	ssettag s2;
	_ =	strace s9  }
0x27: {  	s1 =	sld [smem:$0x3FA6]  }
0x28: {  	s2 =	sld [smem:$0x3FA7]  }
0x29: {  	s4 =	sld [smem:$0x3FA9]  }
0x2a: {  	p0 =	seq.s32 s5, $0x0;
	s5 =	sld [smem:$0x3FAA]  }
0x2b: {  	s6 =	sld [smem:$0x3FAB]  }
0x2c: {  	s7 =	sld [smem:$0x3FAC]  }
0x2d: {  	s3 =	simm.s32 $0x108;
	s8 =	sld [smem:$0x3FAD]  }
0x2e: {  	s3 =	simm.s32 @!p0 $0x1082;
	s9 =	sld [smem:$0x3FAE]  }
0x2f: {  	lr =	sadd.s32 s0, s3;
	s0 =	sld [smem:$0x3FA5]  }
0x30: {  	s3 =	sld [smem:$0x3FA8]  }
0x31: {  	[smem:$0x3FB1] =	sst s10  }
0x32: {  	s10 =	sld [smem:$0x3FAF];
	_ =	sdelay $0x3  }
0x33: {  	p0 =	seq.s32 s10, $0x1;
	s10 =	sld [smem:$0x3FB1];
	_ =	sdelay $0x3  }
0x34: {  	[smem:$0x3FB1] =	sst s10  }
0x35: {  	s10 =	sld [smem:$0x3FB0];
	_ =	sdelay $0x3  }
0x36: {  	p1 =	seq.s32 s10, $0x1;
	s10 =	sld [smem:$0x3FB1];
	_ =	sdelay $0x3  }
0x37: {  	[smem:$0x3FB1] =	sst s10  }
0x38: {  	s10 =	sld [smem:$0x3FB2]  }
0x39: {  	_ = 	snop;
	(pc) =	sbr.ind lr, $3  }
0x3a: {  	_ = 	snop  }
0x3b: {  	_ = 	snop  }
0x3c: {  	p2 =	seq.s32 s10, $0x1;
	s10 =	sld [smem:$0x3FB1]  }
0x3d: {  	_ =	shalt  }
0x3e: {  	_ =	shalt  }
0x3f: {  	_ =	shalt  }
0x40: {  	_ =	shalt  }
0x41: {  	_ =	shalt  }
0x42: {  	_ =	shalt  }
0x43: {  	_ =	shalt  }
0x44: {  	_ =	shalt  }
0x45: {  	_ =	shalt  }
0x46: {  	_ =	shalt  }
0x47: {  	_ =	shalt  }
0x48: {  	_ =	shalt  }
0x49: {  	_ =	shalt  }
0x4a: {  	_ =	shalt  }
0x4b: {  	_ =	shalt  }
0x4c: {  	_ =	shalt  }
0x4d: {  	_ =	shalt  }
0x4e: {  	_ =	shalt  }
0x4f: {  	_ =	shalt  }
0x50: {  	_ =	shalt  }
0x51: {  	_ =	shalt  }
0x52: {  	_ =	shalt  }
0x53: {  	_ =	shalt  }
0x54: {  	_ =	shalt  }
0x55: {  	_ =	shalt  }
0x56: {  	_ =	shalt  }
0x57: {  	_ =	shalt  }
0x58: {  	_ =	shalt  }
0x59: {  	_ =	shalt  }
0x5a: {  	_ =	shalt  }
0x5b: {  	_ =	shalt  }
0x5c: {  	_ =	shalt  }
0x5d: {  	_ =	shalt  }
0x5e: {  	_ =	shalt  }
0x5f: {  	_ =	shalt  }
0x60: {  	_ =	shalt  }
0x61: {  	_ =	shalt  }
0x62: {  	_ =	shalt  }
0x63: {  	_ =	shalt  }
0x64: {  	_ =	shalt  }
0x65: {  	_ =	shalt  }
0x66: {  	_ =	shalt  }
0x67: {  	_ =	shalt  }
0x68: {  	_ =	shalt  }
0x69: {  	_ =	shalt  }
0x6a: {  	_ =	shalt  }
0x6b: {  	_ =	shalt  }
0x6c: {  	_ =	shalt  }
0x6d: {  	_ =	shalt  }
0x6e: {  	_ =	shalt  }
0x6f: {  	_ =	shalt  }
0x70: {  	_ =	shalt  }
0x71: {  	_ =	shalt  }
0x72: {  	_ =	shalt  }
0x73: {  	_ =	shalt  }
0x74: {  	_ =	shalt  }
0x75: {  	_ =	shalt  }
0x76: {  	_ =	shalt  }
0x77: {  	_ =	shalt  }
0x78: {  	_ =	shalt  }
0x79: {  	_ =	shalt  }
0x7a: {  	_ =	shalt  }
0x7b: {  	_ =	shalt  }
0x7c: {  	_ =	shalt  }
0x7d: {  	_ =	shalt  }
0x7e: {  	_ =	shalt  }
0x7f: {  	_ =	shalt  }
0x80: {  	_ =	shalt  }
0x81: {  	_ =	shalt  }
0x82: {  	_ =	shalt  }
0x83: {  	_ =	shalt  }
0x84: {  	_ =	shalt  }
0x85: {  	_ =	shalt  }
0x86: {  	_ =	shalt  }
0x87: {  	_ =	shalt  }
.Lfunc_end0:
.L_simem_size_0:
called_computation_lowered:
.L_overlay_start_0:
0x88: {  	s2 =	sld [smem:$0x3FD9]  }
0x89: {  	s3 =	sld [smem:$0x3FFE];
	_ =	sdelay $0x1  }
0x8a: {  	s1 =	srdreg.scid  }
0x8b: {  	s0 =	sand.u32 $0x1, s1  }
0x8c: {  	s17 =	sshll.u32 s0, $0xA;
	s2 =	sadd.s32 s3, s2  }
0x8d: {  	s2 =	sadd.s32 s2, s17  }
0x8e: {  	[smem:$0x3FBD] =	sst s2  }
0x8f: {  	_ = 	snop  }
0x90: {  	s2 =	sld [smem:$0x3FC9]  }
0x91: {  	s18 =	sld [smem:$0x3FD0];
	(tm) =	ssettm $0x1  }
0x92: {  	s4 =	sld [smem:$0x3FFB];
	_ =	sdelay $0x3  }
0x93: {  	_ =	strace s4  }
0x94: {  	s4 =	sld [smem:$0x3FFC];
	_ =	sdelay $0x3  }
0x95: {  	_ =	strace s4  }
0x96: {  	s4 =	sld [smem:$0x3FFD];
	_ =	sdelay $0x3  }
0x97: {  	_ =	strace s4  }
0x98: {  	_ =	strace $0x8FFFFFFF  }
0x99: {  	s19 =	sld [smem:$0x3FDB];
	_ =	sdelay $0x1  }
0x9a: {  	s5 =	simm.s32 $_scs_section_size  }
0x9b: {  	s6 =	simm.s32 $_size__tile_overlayer_lowered;
	s7 =	simm.s32 $_tile_overlayer_lowered  }
0x9c: {  	s22 =	simm.s32 $0x1BFF;
	s21 =	sshll.u32 s7, $0x1;
	s4 =	sadd.s32 s5, s19  }
0x9d: {  	s8 =	simm.s32 $0x0;
	s20 =	sshll.u32 s6, $0x1;
	s6 =	sadd.s32 s21, s4  }
0x9e: {  	[timem:s8], [sflag:s22] =	dma.local [hbm:s6], s20  }
0x9f: {  	_ =	swait.ge [sflag:s22], s20  }
0xa0: {  	s5 =	ssub.s32 $0x0, s20;
	[sflag:s22] =	ssyncset.done $0x0  }
0xa1: {  	[sflag:s22] =	ssyncadd.s32 s5;
	_ =	sdelay $0x1  }
0xa2: {  	s23 =	simm.s32 $0x1B8B  }
0xa3: {  	_ =	swait.ge [sflag:s23], $0x1  }
0xa4: {  	[sflag:s23] =	ssyncset.done $0x0  }
0xa5: {  	s25 =	simm.s32 $0x1B8E;
	s24 =	sld [smem:$0x3FFE];
	[sflag:s23] =	ssyncadd.s32 $0xFFFFFFFF  }
0xa6: {  	s26 =	simm.s32 $execute0_lowered;
	[smem:$0x3FD2] =	sst s25  }
0xa7: {  	s6 =	sshll.u32 s26, $0x1;
	_ =	strace $0x80000046;
	[dreg:$0x1] =	wrdreg $0xFFFFFFFF  }
0xa8: {  	s28 =	simm.s32 $_size_execute0_lowered;
	s4 =	sadd.s32 s4, s6;
	[dreg:$0x0] =	wrdreg $0x0  }
0xa9: {  	s6 =	sshll.u32 s28, $0x1;
	[dreg:$0x2] =	wrdreg s4  }
0xaa: {  	[dreg:$0x3] =	wrdreg s6  }
0xab: {  	[dreg:$0x4] =	wrdreg $0xC0  }
0xac: {  	_ =	task [dreg:s8], $0x5FFFF  }
0xad: {  	[dreg:$0x1] =	wrdreg $0xFFFFFFFF  }
0xae: {  	[dreg:$0x0] =	wrdreg $0x60  }
0xaf: {  	[dreg:$0x2] =	wrdreg s2  }
0xb0: {  	[dreg:$0x3] =	wrdreg s24  }
0xb1: {  	[dreg:$0x4] =	wrdreg s18  }
0xb2: {  	[dreg:$0x5] =	wrdreg $0x0  }
0xb3: {  	[dreg:$0x6] =	wrdreg $0x139800  }
0xb4: {  	[dreg:$0x7] =	wrdreg $0x9  }
0xb5: {  	_ =	task.clear_ibuf [dreg:s8], $0x8FFFF;
	_ =	strace $0x90000046  }
0xb6: {  	s29 =	simm.s32 $0x9;
	_ =	strace $0x80000048  }
0xb7: {  	_ =	swait.ge [sflag:s29], $0x1  }
0xb8: {  	[sflag:s29] =	ssyncadd.s32 $0xFFFFFFFF  }
0xb9: {  	_ =	strace $0x90000048  }
0xba: {  	_ =	sfence  }
0xbb: {  	s30 =	sld [smem:$0x0];
	_ =	sdelay $0x2  }
0xbc: {  	s31 =	sshll.u32 s1, $0xD;
	s1 =	sshrl.u32 s1, $0x2  }
0xbd: {  	s3 =	sand.u32 $0x4000, s31;
	s1 =	sadd.s32 s1, s30  }
0xbe: {  	s0 =	sor.u32 s3, s0;
	s1 =	sshll.u32 s1, $0x11  }
0xbf: {  	s0 =	sor.u32 s1, s0  }
0xc0: {  	s0 =	sadd.s32 $0x8F2B, s0  }
0xc1: {  	[sflag:s0] =	ssyncadd.remote.s32 $0x1  }
0xc2: {  	_ =	sfence.sel $0xFFFF  }
0xc3: {  	[dreg:$0x0] =	wrdreg $0xFFFFFFFF;
	(pc) =	sbr.abs _section_cstart, $3  }
0xc4: {  	[dreg:$0x1] =	wrdreg $0xFFFFFFFF  }
0xc5: {  	_ =	task.clear_ibuf [dreg:s8], $0x2FFFF;
	_ =	strace $0x9FFFFFFF  }
0xc6: {  	(tm) =	ssettm $0x7FFFFFFF  }
0xc7: {  	_ =	shalt  }
tec
execute0_lowered:
.L_overlay_start_1:
0x0: {  	(tag) =	ssettag $0x1  }
0x1: {  	s31 =	rddreg [dreg:$0x0]  }
0x2: {  	s0 =	rddreg [dreg:$0x1]  }
0x3: {  	s4 =	rddreg [dreg:$0x2]  }
0x4: {  	s2 =	rddreg [dreg:$0x3]  }
0x5: {  	s3 =	rddreg [dreg:$0x4];
	s5 =	srdreg.scid  }
0x6: {  	s15 =	stileid.u32;
	s28 =	simm.s32 $0x13FF8;
	s29 =	simm.s32 $0xA  }
0x7: {  	s30 =	simm.s32 $0xB;
	s6 =	sand.u32 $0x1, s5;
	s8 =	smul.u32 $0x1F400, s15  }
0x8: {  	s5 =	simm.s32 $0x0;
	s10 =	sadd.s32 $0xCC00, s0;
	s24 =	smul.u32 $0x4E200, s15  }
0x9: {  	s1 =	sadd.s32 $0x2E00, s0;
	s14 =	smul.u32 $0x2710, s15;
	p0 =	sgt.u32 s15, $0x9  }
0xa: {  	p1 =	sgt.u32 s15, $0x4;
	s7 =	smul.u32 $0x138800, s6;
	[smem:$0x7FF] =	sst s5  }
0xb: {  	s9 =	sshll.u32 s6, $0x4;
	s22 =	ssub.s32 $0x2, s6;
	s12 =	smul.u32 $0x27100, s6  }
0xc: {  	s6 =	smul.u32 $0x2710, s6;
	s9 =	sor.u32 s15, s9;
	s7 =	sadd.s32 s8, s7  }
0xd: {  	p2 =	sgt.u32 @!p0 s15, $0x4;
	s21 =	smul.u32 $0x2710, s9;
	s7 =	sshrl.u32 s7, $0x3  }
0xe: {  	_ =	strace $0x80000047;
	[dreg:$0xd] =	wrdreg s1;
	s0 =	sadd.s32 s7, s0  }
0xf: {  	s23 =	sshrl.u32 s22, $0x1;
	s8 =	sshrl.u32 s21, $0x3;
	s0 =	sadd.s32 $0x16A00, s0  }
0x10: {  	p2 =	por p2, p0;
	s16 =	sadd.s32 s10, s8;
	[dreg:$0x1c] =	wrdreg s0  }
0x11: {  	s17 =	sadd.s32 s1, s8;
	s11 =	sadd.s32 $0xA, s8;
	[dreg:$0xe] =	wrdreg s16  }
0x12: {  	s9 =	sshrl.u32 s24, $0x2;
	s13 =	sadd.s32 s10, s11;
	[dreg:$0xf] =	wrdreg s17  }
0x13: {  	s25 =	sadd.s32 $0x14, s8;
	s11 =	sadd.s32 s1, s11;
	[dreg:$0x10] =	wrdreg s13  }
0x14: {  	s7 =	ssub.s32 s22, s23;
	s26 =	sadd.s32 s10, s25;
	[dreg:$0x11] =	wrdreg s11  }
0x15: {  	s8 =	sadd.s32 $0x1E, s8;
	s18 =	sadd.s32 s1, s25;
	[dreg:$0x12] =	wrdreg s26  }
0x16: {  	s19 =	sadd.s32 s10, s8;
	s25 =	smul.u32 $0x1F40, s15;
	[dreg:$0x13] =	wrdreg s18  }
0x17: {  	s11 =	sadd.s32 s14, s12;
	[dreg:$0x14] =	wrdreg s19;
	s18 =	sadd.s32 s9, s2  }
0x18: {  	s12 =	smul.u32 $0x7D0, s15;
	s20 =	sadd.s32 $0x280, s11;
	s21 =	sadd.s32 $0x230, s11  }
0x19: {  	s14 =	sadd.s32 $0x1E0, s11;
	s19 =	sadd.s32 $0x190, s11;
	[dreg:$0x15] =	wrdreg s18  }
0x1a: {  	s9 =	sshrl.u32 s20, $0x3;
	s13 =	sshrl.u32 s21, $0x3;
	s21 =	sadd.s32 $0x2800, s18  }
0x1b: {  	s24 =	sshrl.u32 s14, $0x3;
	s14 =	sadd.s32 s12, s3;
	[dreg:$0x17] =	wrdreg s21  }
0x1c: {  	s6 =	sadd.s32 s12, s6;
	s9 =	sadd.s32 s9, s10;
	[dreg:$0x1d] =	wrdreg s14  }
0x1d: {  	s12 =	simm.s32 $0x13CF8;
	s22 =	sadd.s32 s13, s1;
	[dreg:$0x6] =	wrdreg s9  }
0x1e: {  	s23 =	sadd.s32 s13, s10;
	s26 =	sadd.s32 s24, s1;
	[dreg:$0x7] =	wrdreg s22  }
0x1f: {  	s6 =	sshrl.u32 s6, $0x3;
	s13 =	sadd.s32 s24, s10;
	[dreg:$0x8] =	wrdreg s23  }
0x20: {  	s21 =	sadd.s32 $0xA000, s18;
	s14 =	simm.s32 $0x0;
	[dreg:$0x9] =	wrdreg s26  }
0x21: {  	s9 =	sshrl.u32 s19, $0x3;
	s4 =	sadd.s32 s4, s6;
	[dreg:$0xa] =	wrdreg s13  }
0x22: {  	s22 =	sadd.s32 $0x5000, s18;
	s23 =	sshrl.u32 s25, $0x2;
	[smem:$0x7F8] =	sst s21  }
0x23: {  	s25 =	smul.u32 $0x7D000, s15;
	s26 =	sadd.s32 $0x7800, s18;
	[dreg:$0x16] =	wrdreg s4  }
0x24: {  	s19 =	smax.u32 s7, $0x1;
	s15 =	simm.s32 $0x13D78;
	[dreg:$0x18] =	wrdreg s22  }
0x25: {  	s6 =	simm.s32 $0xE;
	s20 =	sadd.s32 s9, s1;
	[dreg:$0x19] =	wrdreg s26  }
0x26: {  	s24 =	sadd.s32 s9, s10;
	s4 =	sadd.s32 s23, s3;
	[dreg:$0x1e] =	wrdreg s19  }
0x27: {  	s10 =	sadd.s32 s1, s8;
	s22 =	sadd.s32 $0xC800, s18;
	[dreg:$0xb] =	wrdreg s20  }
0x28: {  	s23 =	sadd.s32 $0xF000, s18;
	s26 =	sadd.s32 $0x4D8, s17;
	[dreg:$0xc] =	wrdreg s24  }
0x29: {  	s17 =	simm.s32 $0x13DF8;
	s1 =	simm.s32 $0x13E78;
	[dreg:$0x1a] =	wrdreg s4  }
0x2a: {  	s19 =	simm.s32 $0xD;
	s8 =	simm.s32 $0x6;
	[dreg:$0x1b] =	wrdreg s10  }
0x2b: {  	s9 =	simm.s32 $0x7;
	s13 =	sshrl.u32 s25, $0x2;
	[smem:$0x7F9] =	sst s22  }
0x2c: {  	s20 =	sadd.s32 $0x140, s11;
	[smem:$0x7FA] =	sst s23;
	s24 =	sadd.s32 $0x11800, s18  }
0x2d: {  	s25 =	sadd.s32 $0x28, s16;
	[smem:$0x7FD] =	sst s26;
	s4 =	simm.s32 $0x13BF8  }
0x2e: {  	s10 =	simm.s32 $0x13C78;
	s23 =	simm.s32 $0x1B7F8;
	s16 =	simm.s32 $0x50  }
0x2f: {  	s26 =	simm.s32 $0x1DFF8;
	s22 =	simm.s32 $0xC;
	[dreg:$0x1f] =	wrdreg s20  }
0x30: {  	s11 =	simm.s32 $0x8;
	s0 =	sadd.s32 s13, s2;
	[smem:$0x7FB] =	sst s24  }
0x31: {  	[smem:$0x7FC] =	sst s25;
	s25 =	simm.s32 $0x13EF8;
	s0 =	sshrl.u32 @!p0 s0, $0x3  }
0x32: {  	v0 =	vimm.f32 $0.0e+00;
	v1 =	vimm.f32 $1.000000000e+00;
	s24 =	simm.s32 $0x1;
	[smem:$0x7F7] =	sst s0;
	s0 =	simm.s32 $0x5  }
.LBB2_1:
0x33: {  	s7 =	rddreg [dreg:$0xe]  }
0x34: {  	[tilespmem:s4], [sflag:$0x9] =	stream.linear.gather [hbm4b:s7+s5], $0x50, $0x38;
	[tilespmem:$0x1E878] =	vst v63  }
0x35: {  	s20 =	rddreg [dreg:$0xf]  }
0x36: {  	[tilespmem:s10], [sflag:$0xD] =	stream.linear.gather [hbm4b:s20+s5], $0x50, $0x38;
	[tilespmem:$0x1E878] =	vst v63  }
0x37: {  	s21 =	rddreg [dreg:$0x10]  }
0x38: {  	[tilespmem:s12], [sflag:$0xA] =	stream.linear.gather [hbm4b:s21+s5], $0x50, $0x38;
	[tilespmem:$0x1E878] =	vst v63  }
0x39: {  	s13 =	rddreg [dreg:$0x11]  }
0x3a: {  	[tilespmem:s15], [sflag:$0xE] =	stream.linear.gather [hbm4b:s13+s5], $0x50, $0x38;
	[tilespmem:$0x1E878] =	vst v63  }
0x3b: {  	s18 =	rddreg [dreg:$0x12]  }
0x3c: {  	[tilespmem:s17], [sflag:$0xB] =	stream.linear.gather [hbm4b:s18+s5], $0x50, $0x38;
	[tilespmem:$0x1E878] =	vst v63  }
0x3d: {  	s20 =	rddreg [dreg:$0x13]  }
0x3e: {  	[tilespmem:s1], [sflag:$0xF] =	stream.linear.gather [hbm4b:s20+s5], $0x50, $0x38;
	[tilespmem:$0x1E878] =	vst v63  }
0x3f: {  	s7 =	simm.s32 $0x0;
	s21 =	rddreg [dreg:$0x14];
	s13 =	simm.s32 $0x200  }
0x40: {  	[tilespmem:s25], [sflag:$0xC] =	stream.linear.gather [hbm4b:s21+s5], $0x50, $0x38;
	[tilespmem:$0x1E878] =	vst v63  }
.LBB2_2:
0x41: {  	p3 =	sne.s32 s13, $0x9E00;
	[tilespmem:s7+$0x1B868] =	vst v0  }
0x42: {  	[tilespmem:s7+$0x1B7F8] =	vst v0  }
0x43: {  	[tilespmem:s7+$0x1B808] =	vst v0  }
.Ltmp0:
0x44: {  	[tilespmem:s7+$0x1B818] =	vst v0;
	(pc) =	sbr.rel @p3 .LBB2_2-.Ltmp0, $4  }
0x45: {  	[tilespmem:s7+$0x1B828] =	vst v0  }
0x46: {  	[tilespmem:s7+$0x1B838] =	vst v0  }
0x47: {  	[tilespmem:s7+$0x1B848] =	vst v0  }
0x48: {  	[tilespmem:s7+$0x1B858] =	vst v0;
	s7 =	sshra.s32 s13, $0x2;
	s13 =	sadd.s32 $0x200, s13  }
0x49: {  	[tilespmem:s7+$0x1B868] =	vst v0  }
0x4a: {  	[tilespmem:s7+$0x1B7F8] =	vst v0  }
0x4b: {  	[tilespmem:s7+$0x1B808] =	vst v0  }
0x4c: {  	[tilespmem:s7+$0x1B818] =	vst v0  }
0x4d: {  	[tilespmem:s7+$0x1B828] =	vst v0  }
0x4e: {  	[tilespmem:s7+$0x1B838] =	vst v0  }
0x4f: {  	[tilespmem:s7+$0x1B848] =	vst v0  }
0x50: {  	[tilespmem:s7+$0x1B858] =	vst v0;
	s20 =	rddreg [dreg:$0x15];
	s13 =	simm.s32 $0x11  }
0x51: {  	[spmem:s20] =	stream.linear.scatter [tilespmem:s23], [sflag:$0x11], $0x2800, $0x38;
	[tilespmem:$0x1E878] =	vst v63  }
0x52: {  	_ =	swait.ge [sflag:s13], $0x2800  }
0x53: {  	[sflag:s13] =	ssyncset.done $0x0  }
0x54: {  	s21 =	rddreg [dreg:$0x17];
	[sflag:s13] =	ssyncadd.s32 $0xFFFFD800  }
0x55: {  	[spmem:s21] =	stream.linear.scatter [tilespmem:s23], [sflag:$0x11], $0x2800, $0x38;
	[tilespmem:$0x1E878] =	vst v63  }
0x56: {  	_ =	swait.ge [sflag:s13], $0x2800  }
0x57: {  	[sflag:s13] =	ssyncset.done $0x0  }
0x58: {  	s18 =	rddreg [dreg:$0x18];
	[sflag:s13] =	ssyncadd.s32 $0xFFFFD800  }
0x59: {  	[spmem:s18] =	stream.linear.scatter [tilespmem:s23], [sflag:$0x11], $0x2800, $0x38;
	[tilespmem:$0x1E878] =	vst v63  }
0x5a: {  	_ =	swait.ge [sflag:s13], $0x2800  }
0x5b: {  	[sflag:s13] =	ssyncset.done $0x0  }
0x5c: {  	s20 =	rddreg [dreg:$0x19];
	[sflag:s13] =	ssyncadd.s32 $0xFFFFD800  }
0x5d: {  	[spmem:s20] =	stream.linear.scatter [tilespmem:s23], [sflag:$0x11], $0x2800, $0x38;
	[tilespmem:$0x1E878] =	vst v63  }
0x5e: {  	_ =	swait.ge [sflag:s13], $0x2800  }
0x5f: {  	s21 =	sld [smem:$0x7F8]  }
0x60: {  	[sflag:s13] =	ssyncset.done $0x0  }
0x61: {  	[sflag:s13] =	ssyncadd.s32 $0xFFFFD800  }
0x62: {  	[spmem:s21] =	stream.linear.scatter [tilespmem:s23], [sflag:$0x11], $0x2800, $0x38;
	[tilespmem:$0x1E878] =	vst v63  }
0x63: {  	_ =	swait.ge [sflag:s13], $0x2800  }
0x64: {  	s18 =	sld [smem:$0x7F9]  }
0x65: {  	[sflag:s13] =	ssyncset.done $0x0  }
0x66: {  	[sflag:s13] =	ssyncadd.s32 $0xFFFFD800  }
0x67: {  	[spmem:s18] =	stream.linear.scatter [tilespmem:s23], [sflag:$0x11], $0x2800, $0x38;
	[tilespmem:$0x1E878] =	vst v63  }
0x68: {  	_ =	swait.ge [sflag:s13], $0x2800  }
0x69: {  	s20 =	sld [smem:$0x7FA]  }
0x6a: {  	[sflag:s13] =	ssyncset.done $0x0  }
0x6b: {  	[sflag:s13] =	ssyncadd.s32 $0xFFFFD800  }
0x6c: {  	[spmem:s20] =	stream.linear.scatter [tilespmem:s23], [sflag:$0x11], $0x2800, $0x38;
	[tilespmem:$0x1E878] =	vst v63  }
0x6d: {  	_ =	swait.ge [sflag:s13], $0x2800  }
0x6e: {  	s21 =	sld [smem:$0x7FB]  }
0x6f: {  	[sflag:s13] =	ssyncset.done $0x0  }
.Ltmp1:
0x70: {  	[sflag:s13] =	ssyncadd.s32 $0xFFFFD800;
	(pc) =	sbr.rel @p1 .LBB2_7-.Ltmp1, $4  }
0x71: {  	[spmem:s21] =	stream.linear.scatter [tilespmem:s23], [sflag:$0x11], $0x2080, $0x38;
	[tilespmem:$0x1E878] =	vst v63  }
0x72: {  	_ =	swait.ge [sflag:s13], $0x2080  }
0x73: {  	[sflag:s13] =	ssyncset.done $0x0  }
0x74: {  	s20 =	simm.s32 $0x2;
	s21 =	simm.s32 $0x9;
	[sflag:s13] =	ssyncadd.s32 $0xFFFFDF80  }
0x75: {  	s13 =	simm.s32 $0x40;
	s17 =	simm.s32 $0x0  }
.LBB2_5:
0x76: {  	p3 =	sne.s32 s13, $0x1F00;
	[tilespmem:s17+$0x1E078] =	vst v0;
	s17 =	smov.u32 s13;
	s13 =	sadd.s32 $0x40, s13  }
.Ltmp2:
0x77: {  	(pc) =	sbr.rel @p3 .LBB2_5-.Ltmp2, $2  }
0x78: {  	_ =	sdelay $0x2  }
0x79: {  	s17 =	sshra.s32 s17, $0x2  }
0x7a: {  	[tilespmem:s17+$0x1E078] =	vst v0;
	s13 =	rddreg [dreg:$0x1a];
	s4 =	simm.s32 $0x1E078;
	s18 =	simm.s32 $0x11  }
0x7b: {  	[spmem:s13] =	stream.linear.scatter [tilespmem:s4], [sflag:$0x11], $0x7D0, $0x38;
	[tilespmem:$0x1E878] =	vst v63  }
0x7c: {  	s10 =	simm.s32 $0x13C78;
	_ =	swait.ge [sflag:s18], $0x7D0  }
0x7d: {  	s12 =	simm.s32 $0x13CF8;
	s15 =	simm.s32 $0x13D78;
	[sflag:s18] =	ssyncset.done $0x0  }
0x7e: {  	s17 =	simm.s32 $0x13DF8;
	s4 =	simm.s32 $0x13BF8;
	[sflag:s18] =	ssyncadd.s32 $0xFFFFF830  }
.LBB2_7:
0x7f: {  	[tilespmem:$0x1DFF8] =	vst v1  }
0x80: {  	[tilespmem:$0x1E008] =	vst v1  }
0x81: {  	[tilespmem:$0x1E018] =	vst v1  }
0x82: {  	[tilespmem:$0x1E028] =	vst v1  }
0x83: {  	[smem:$0x7F6] =	sst s14;
	[tilespmem:$0x1E038] =	vst v1  }
0x84: {  	_ =	swait.ge [sflag:s21], $0x50  }
0x85: {  	[sflag:s21] =	ssyncset.done $0x0  }
0x86: {  	[sflag:s21] =	ssyncadd.s32 $0xFFFFFFB0  }
0x87: {  	[tilespmem:s28], [sflag:$0x1] =	stream.indirect.gather [hbm4b:s31+s16], $0x80, s4, s16, $0xb8;
	[tilespmem:$0x1E878] =	vst v63  }
0x88: {  	_ =	swait.ge [sflag:s29], $0x50  }
0x89: {  	[sflag:s29] =	ssyncset.done $0x0  }
0x8a: {  	s14 =	simm.s32 $0x167F8;
	[sflag:s29] =	ssyncadd.s32 $0xFFFFFFB0  }
0x8b: {  	[tilespmem:s14], [sflag:$0x2] =	stream.indirect.gather [hbm4b:s31+s16], $0x80, s12, s16, $0xb8;
	[tilespmem:$0x1E878] =	vst v63  }
0x8c: {  	_ =	swait.ge [sflag:s30], $0x50  }
0x8d: {  	[sflag:s30] =	ssyncset.done $0x0  }
0x8e: {  	s7 =	simm.s32 $0x18FF8;
	[sflag:s30] =	ssyncadd.s32 $0xFFFFFFB0  }
0x8f: {  	[tilespmem:s7], [sflag:$0x3] =	stream.indirect.gather [hbm4b:s31+s16], $0x80, s17, s16, $0xb8;
	[tilespmem:$0x1E878] =	vst v63  }
0x90: {  	[bflag:$0x0] =	sbarrier.arrive $0xFFFF  }
0x91: {  	_ =	swait.ge [sflag:s24], $0x2800  }
0x92: {  	[sflag:s24] =	ssyncset.done $0x0  }
0x93: {  	[sflag:s24] =	ssyncadd.s32 $0xFFFFD800  }
0x94: {  	_ =	swait.ge [sflag:s19], $0x50  }
0x95: {  	[sflag:s19] =	ssyncset.done $0x0  }
0x96: {  	[sflag:s19] =	ssyncadd.s32 $0xFFFFFFB0  }
0x97: {  	[spmem:s2] =	stream.indirect.scatter.add.f32 [tilespmem:s28], [sflag:$0x5], $0x80, s10, s16, $0xb8;
	[tilespmem:$0x1E878] =	vst v63  }
0x98: {  	_ = 	snop  }
0x99: {  	[spmem:s3] =	stream.indirect.scatter.add.f32 [tilespmem:s26], [sflag:$0x5], $0x1, s10, s16, $0xb8;
	[tilespmem:$0x1E878] =	vst v63  }
0x9a: {  	s18 =	simm.s32 $0x0;
	s7 =	simm.s32 $0x13F78;
	s13 =	rddreg [dreg:$0x1b]  }
0x9b: {  	[tilespmem:s7], [sflag:$0x10] =	stream.linear.gather [hbm4b:s13+s18], $0x50, $0x38;
	[tilespmem:$0x1E878] =	vst v63  }
0x9c: {  	_ =	swait.ge [sflag:s22], $0x50  }
0x9d: {  	[sflag:s22] =	ssyncset.done $0x0  }
0x9e: {  	s7 =	sld [smem:$0x7FC];
	[sflag:s22] =	ssyncadd.s32 $0xFFFFFFB0  }
0x9f: {  	[tilespmem:s23], [sflag:$0x4] =	stream.indirect.gather [hbm4b:s31+s16], $0x80, s25, s16, $0xb8;
	[tilespmem:$0x1E878] =	vst v63  }
0xa0: {  	_ = 	snop  }
0xa1: {  	[tilespmem:s4], [sflag:$0x9] =	stream.linear.gather [hbm4b:s7+s18], $0x50, $0x38;
	[tilespmem:$0x1E878] =	vst v63  }
0xa2: {  	_ =	swait.ge [sflag:s20], $0x2800  }
0xa3: {  	[sflag:s20] =	ssyncset.done $0x0  }
0xa4: {  	[sflag:s20] =	ssyncadd.s32 $0xFFFFD800  }
0xa5: {  	_ =	swait.ge [sflag:s6], $0x50  }
0xa6: {  	[sflag:s6] =	ssyncset.done $0x0  }
0xa7: {  	[sflag:s6] =	ssyncadd.s32 $0xFFFFFFB0  }
0xa8: {  	[spmem:s2] =	stream.indirect.scatter.add.f32 [tilespmem:s14], [sflag:$0x6], $0x80, s15, s16, $0xb8;
	[tilespmem:$0x1E878] =	vst v63  }
0xa9: {  	_ = 	snop  }
0xaa: {  	[spmem:s3] =	stream.indirect.scatter.add.f32 [tilespmem:s26], [sflag:$0x6], $0x1, s15, s16, $0xb8;
	[tilespmem:$0x1E878] =	vst v63  }
0xab: {  	_ =	swait.ge [sflag:s0], $0x2800  }
0xac: {  	[sflag:s0] =	ssyncset.done $0x0  }
0xad: {  	[sflag:s0] =	ssyncadd.s32 $0xFFFFD800  }
0xae: {  	_ =	swait.ge [sflag:s0], $0x50  }
0xaf: {  	s20 =	rddreg [dreg:$0x1f]  }
0xb0: {  	[sflag:s0] =	ssyncset.done $0x0;
	s25 =	rddreg [dreg:$0xd];
	s18 =	sshrl.u32 s20, $0x3  }
0xb1: {  	[sflag:s0] =	ssyncadd.s32 $0xFFFFFFB0;
	s7 =	sadd.s32 s25, s18  }
0xb2: {  	[tilespmem:s10], [sflag:$0xD] =	stream.linear.gather [hbm4b:s7+s5], $0x50, $0x38;
	[tilespmem:$0x1E878] =	vst v63  }
0xb3: {  	_ =	swait.ge [sflag:s21], $0x50  }
0xb4: {  	[sflag:s21] =	ssyncset.done $0x0  }
0xb5: {  	s6 =	rddreg [dreg:$0xc];
	[sflag:s21] =	ssyncadd.s32 $0xFFFFFFB0  }
0xb6: {  	[tilespmem:s28], [sflag:$0x1] =	stream.indirect.gather [hbm4b:s31+s16], $0x80, s4, s16, $0xb8;
	[tilespmem:$0x1E878] =	vst v63  }
0xb7: {  	s18 =	simm.s32 $0x3;
	s7 =	sadd.s32 $0x0, s6  }
0xb8: {  	[tilespmem:s12], [sflag:$0xA] =	stream.linear.gather [hbm4b:s7+s5], $0x50, $0x38;
	[tilespmem:$0x1E878] =	vst v63  }
0xb9: {  	_ =	swait.ge [sflag:s18], $0x2800  }
0xba: {  	[sflag:s18] =	ssyncset.done $0x0  }
0xbb: {  	s21 =	simm.s32 $0xF;
	[sflag:s18] =	ssyncadd.s32 $0xFFFFD800  }
0xbc: {  	_ =	swait.ge [sflag:s21], $0x50  }
0xbd: {  	[sflag:s21] =	ssyncset.done $0x0  }
0xbe: {  	s6 =	simm.s32 $0x18FF8;
	[sflag:s21] =	ssyncadd.s32 $0xFFFFFFB0  }
0xbf: {  	[spmem:s2] =	stream.indirect.scatter.add.f32 [tilespmem:s6], [sflag:$0x7], $0x80, s1, s16, $0xb8;
	[tilespmem:$0x1E878] =	vst v63  }
0xc0: {  	_ = 	snop  }
0xc1: {  	[spmem:s3] =	stream.indirect.scatter.add.f32 [tilespmem:s26], [sflag:$0x7], $0x1, s1, s16, $0xb8;
	[tilespmem:$0x1E878] =	vst v63  }
0xc2: {  	_ =	swait.ge [sflag:s8], $0x2800  }
0xc3: {  	[sflag:s8] =	ssyncset.done $0x0  }
0xc4: {  	[sflag:s8] =	ssyncadd.s32 $0xFFFFD800  }
0xc5: {  	_ =	swait.ge [sflag:s8], $0x50  }
0xc6: {  	s25 =	rddreg [dreg:$0xb];
	[sflag:s8] =	ssyncset.done $0x0  }
0xc7: {  	[sflag:s8] =	ssyncadd.s32 $0xFFFFFFB0;
	s7 =	sadd.s32 $0x0, s25  }
0xc8: {  	[tilespmem:s15], [sflag:$0xE] =	stream.linear.gather [hbm4b:s7+s5], $0x50, $0x38;
	[tilespmem:$0x1E878] =	vst v63  }
0xc9: {  	_ =	swait.ge [sflag:s29], $0x50  }
0xca: {  	[sflag:s29] =	ssyncset.done $0x0  }
0xcb: {  	s4 =	rddreg [dreg:$0xa];
	[sflag:s29] =	ssyncadd.s32 $0xFFFFFFB0  }
0xcc: {  	[tilespmem:s14], [sflag:$0x2] =	stream.indirect.gather [hbm4b:s31+s16], $0x80, s12, s16, $0xb8;
	[tilespmem:$0x1E878] =	vst v63  }
0xcd: {  	s7 =	sadd.s32 $0x0, s4  }
0xce: {  	[tilespmem:s17], [sflag:$0xB] =	stream.linear.gather [hbm4b:s7+s5], $0x50, $0x38;
	[tilespmem:$0x1E878] =	vst v63  }
0xcf: {  	s7 =	simm.s32 $0x4  }
0xd0: {  	_ =	swait.ge [sflag:s7], $0x2800  }
0xd1: {  	[sflag:s7] =	ssyncset.done $0x0  }
0xd2: {  	s18 =	simm.s32 $0x10;
	[sflag:s7] =	ssyncadd.s32 $0xFFFFD800  }
0xd3: {  	_ =	swait.ge [sflag:s18], $0x50  }
0xd4: {  	[sflag:s18] =	ssyncset.done $0x0  }
0xd5: {  	s12 =	simm.s32 $0x13F78;
	[sflag:s18] =	ssyncadd.s32 $0xFFFFFFB0  }
0xd6: {  	[spmem:s2] =	stream.indirect.scatter.add.f32 [tilespmem:s23], [sflag:$0x8], $0x80, s12, s16, $0xb8;
	[tilespmem:$0x1E878] =	vst v63  }
0xd7: {  	_ = 	snop  }
0xd8: {  	[spmem:s3] =	stream.indirect.scatter.add.f32 [tilespmem:s26], [sflag:$0x8], $0x1, s12, s16, $0xb8;
	[tilespmem:$0x1E878] =	vst v63  }
0xd9: {  	_ =	swait.ge [sflag:s9], $0x2800  }
0xda: {  	[sflag:s9] =	ssyncset.done $0x0  }
0xdb: {  	[sflag:s9] =	ssyncadd.s32 $0xFFFFD800  }
0xdc: {  	_ =	swait.ge [sflag:s9], $0x50  }
0xdd: {  	s15 =	rddreg [dreg:$0x9];
	[sflag:s9] =	ssyncset.done $0x0  }
0xde: {  	[sflag:s9] =	ssyncadd.s32 $0xFFFFFFB0;
	s7 =	sadd.s32 $0x0, s15  }
0xdf: {  	[tilespmem:s1], [sflag:$0xF] =	stream.linear.gather [hbm4b:s7+s5], $0x50, $0x38;
	[tilespmem:$0x1E878] =	vst v63  }
0xe0: {  	_ =	swait.ge [sflag:s30], $0x50  }
0xe1: {  	[sflag:s30] =	ssyncset.done $0x0  }
0xe2: {  	s21 =	rddreg [dreg:$0x8];
	[sflag:s30] =	ssyncadd.s32 $0xFFFFFFB0  }
0xe3: {  	[tilespmem:s6], [sflag:$0x3] =	stream.indirect.gather [hbm4b:s31+s16], $0x80, s17, s16, $0xb8;
	[tilespmem:$0x1E878] =	vst v63  }
0xe4: {  	s13 =	simm.s32 $0x13EF8;
	s7 =	sadd.s32 $0x0, s21  }
0xe5: {  	[tilespmem:s13], [sflag:$0xC] =	stream.linear.gather [hbm4b:s7+s5], $0x50, $0x38;
	[tilespmem:$0x1E878] =	vst v63  }
0xe6: {  	_ =	swait.ge [sflag:s24], $0x2800  }
0xe7: {  	[sflag:s24] =	ssyncset.done $0x0  }
0xe8: {  	[sflag:s24] =	ssyncadd.s32 $0xFFFFD800  }
0xe9: {  	_ =	swait.ge [sflag:s19], $0x50  }
0xea: {  	[sflag:s19] =	ssyncset.done $0x0  }
0xeb: {  	[sflag:s19] =	ssyncadd.s32 $0xFFFFFFB0  }
0xec: {  	[spmem:s2] =	stream.indirect.scatter.add.f32 [tilespmem:s28], [sflag:$0x5], $0x80, s10, s16, $0xb8;
	[tilespmem:$0x1E878] =	vst v63  }
0xed: {  	_ = 	snop  }
0xee: {  	[spmem:s3] =	stream.indirect.scatter.add.f32 [tilespmem:s26], [sflag:$0x5], $0x1, s10, s16, $0xb8;
	[tilespmem:$0x1E878] =	vst v63  }
0xef: {  	_ =	swait.ge [sflag:s11], $0x2800  }
0xf0: {  	s29 =	simm.s32 $0x1DFF8;
	[sflag:s11] =	ssyncset.done $0x0  }
0xf1: {  	s14 =	simm.s32 $0x13F78;
	s15 =	simm.s32 $0x13D78;
	[sflag:s11] =	ssyncadd.s32 $0xFFFFD800  }
0xf2: {  	s1 =	simm.s32 $0x13F78;
	s30 =	simm.s32 $0xA;
	_ =	swait.ge [sflag:s11], $0x50  }
0xf3: {  	s21 =	simm.s32 $0x13E78;
	s24 =	rddreg [dreg:$0x7];
	[sflag:s11] =	ssyncset.done $0x0  }
0xf4: {  	s19 =	simm.s32 $0xD;
	[sflag:s11] =	ssyncadd.s32 $0xFFFFFFB0;
	s7 =	sadd.s32 $0x0, s24  }
0xf5: {  	[tilespmem:s14], [sflag:$0x10] =	stream.linear.gather [hbm4b:s7+s5], $0x50, $0x38;
	[tilespmem:$0x1E878] =	vst v63  }
0xf6: {  	s28 =	simm.s32 $0x9;
	s10 =	simm.s32 $0x13C78;
	_ =	swait.ge [sflag:s22], $0x50  }
0xf7: {  	s26 =	simm.s32 $0xC;
	s24 =	simm.s32 $0x1;
	[sflag:s22] =	ssyncset.done $0x0  }
0xf8: {  	s7 =	sadd.s32 $0x140, s20;
	s25 =	rddreg [dreg:$0x6];
	[sflag:s22] =	ssyncadd.s32 $0xFFFFFFB0  }
0xf9: {  	[tilespmem:s23], [sflag:$0x4] =	stream.indirect.gather [hbm4b:s31+s16], $0x80, s13, s16, $0xb8;
	[tilespmem:$0x1E878] =	vst v63  }
0xfa: {  	s22 =	simm.s32 $0xB;
	s17 =	sadd.s32 $0x0, s25;
	s13 =	simm.s32 $0x28  }
.LBB2_8:
0xfb: {  	s6 =	simm.s32 $0x13BF8;
	s4 =	simm.s32 $0x2  }
0xfc: {  	[tilespmem:s6], [sflag:$0x9] =	stream.linear.gather [hbm4b:s17+s5], $0x50, $0x38;
	[tilespmem:$0x1E878] =	vst v63  }
0xfd: {  	_ =	swait.ge [sflag:s4], $0x2800  }
0xfe: {  	[sflag:s4] =	ssyncset.done $0x0  }
0xff: {  	s25 =	simm.s32 $0xE;
	[sflag:s4] =	ssyncadd.s32 $0xFFFFD800  }
0x100: {  	_ =	swait.ge [sflag:s25], $0x50  }
0x101: {  	[sflag:s25] =	ssyncset.done $0x0  }
0x102: {  	s14 =	simm.s32 $0x167F8;
	[sflag:s25] =	ssyncadd.s32 $0xFFFFFFB0  }
0x103: {  	[spmem:s2] =	stream.indirect.scatter.add.f32 [tilespmem:s14], [sflag:$0x6], $0x80, s15, s16, $0xb8;
	[tilespmem:$0x1E878] =	vst v63  }
0x104: {  	_ = 	snop  }
0x105: {  	[spmem:s3] =	stream.indirect.scatter.add.f32 [tilespmem:s29], [sflag:$0x6], $0x1, s15, s16, $0xb8;
	[tilespmem:$0x1E878] =	vst v63  }
0x106: {  	_ =	swait.ge [sflag:s0], $0x2800  }
0x107: {  	[sflag:s0] =	ssyncset.done $0x0  }
0x108: {  	[sflag:s0] =	ssyncadd.s32 $0xFFFFD800  }
0x109: {  	_ =	swait.ge [sflag:s0], $0x50  }
0x10a: {  	s20 =	sshrl.u32 s7, $0x3;
	[sflag:s0] =	ssyncset.done $0x0;
	s23 =	rddreg [dreg:$0xd]  }
0x10b: {  	[sflag:s0] =	ssyncadd.s32 $0xFFFFFFB0;
	s20 =	sadd.s32 s23, s20  }
0x10c: {  	[tilespmem:s10], [sflag:$0xD] =	stream.linear.gather [hbm4b:s20+s5], $0x50, $0x38;
	[tilespmem:$0x1E878] =	vst v63  }
0x10d: {  	_ =	swait.ge [sflag:s28], $0x50  }
0x10e: {  	s17 =	smov.u32 s13;
	[sflag:s28] =	ssyncset.done $0x0  }
0x10f: {  	s23 =	simm.s32 $0x13FF8;
	s4 =	rddreg [dreg:$0xc];
	[sflag:s28] =	ssyncadd.s32 $0xFFFFFFB0  }
0x110: {  	[tilespmem:s23], [sflag:$0x1] =	stream.indirect.gather [hbm4b:s31+s16], $0x80, s6, s16, $0xb8;
	[tilespmem:$0x1E878] =	vst v63  }
0x111: {  	s12 =	simm.s32 $0x13CF8;
	s20 =	sadd.s32 s17, s4;
	s6 =	simm.s32 $0x3  }
0x112: {  	[tilespmem:s12], [sflag:$0xA] =	stream.linear.gather [hbm4b:s20+s5], $0x50, $0x38;
	[tilespmem:$0x1E878] =	vst v63  }
0x113: {  	_ =	swait.ge [sflag:s6], $0x2800  }
0x114: {  	[sflag:s6] =	ssyncset.done $0x0  }
0x115: {  	s20 =	simm.s32 $0xF;
	[sflag:s6] =	ssyncadd.s32 $0xFFFFD800  }
0x116: {  	_ =	swait.ge [sflag:s20], $0x50  }
0x117: {  	[sflag:s20] =	ssyncset.done $0x0  }
0x118: {  	s6 =	simm.s32 $0x18FF8;
	[sflag:s20] =	ssyncadd.s32 $0xFFFFFFB0  }
0x119: {  	[spmem:s2] =	stream.indirect.scatter.add.f32 [tilespmem:s6], [sflag:$0x7], $0x80, s21, s16, $0xb8;
	[tilespmem:$0x1E878] =	vst v63  }
0x11a: {  	_ = 	snop  }
0x11b: {  	[spmem:s3] =	stream.indirect.scatter.add.f32 [tilespmem:s29], [sflag:$0x7], $0x1, s21, s16, $0xb8;
	[tilespmem:$0x1E878] =	vst v63  }
0x11c: {  	_ =	swait.ge [sflag:s8], $0x2800  }
0x11d: {  	[sflag:s8] =	ssyncset.done $0x0  }
0x11e: {  	[sflag:s8] =	ssyncadd.s32 $0xFFFFD800  }
0x11f: {  	_ =	swait.ge [sflag:s8], $0x50  }
0x120: {  	s25 =	rddreg [dreg:$0xb];
	[sflag:s8] =	ssyncset.done $0x0  }
0x121: {  	[sflag:s8] =	ssyncadd.s32 $0xFFFFFFB0;
	s20 =	sadd.s32 s17, s25  }
0x122: {  	[tilespmem:s15], [sflag:$0xE] =	stream.linear.gather [hbm4b:s20+s5], $0x50, $0x38;
	[tilespmem:$0x1E878] =	vst v63  }
0x123: {  	_ =	swait.ge [sflag:s30], $0x50  }
0x124: {  	[sflag:s30] =	ssyncset.done $0x0  }
0x125: {  	s4 =	rddreg [dreg:$0xa];
	[sflag:s30] =	ssyncadd.s32 $0xFFFFFFB0  }
0x126: {  	[tilespmem:s14], [sflag:$0x2] =	stream.indirect.gather [hbm4b:s31+s16], $0x80, s12, s16, $0xb8;
	[tilespmem:$0x1E878] =	vst v63  }
0x127: {  	s20 =	sadd.s32 s17, s4;
	s12 =	simm.s32 $0x13DF8  }
0x128: {  	[tilespmem:s12], [sflag:$0xB] =	stream.linear.gather [hbm4b:s20+s5], $0x50, $0x38;
	[tilespmem:$0x1E878] =	vst v63  }
0x129: {  	s20 =	simm.s32 $0x4  }
0x12a: {  	_ =	swait.ge [sflag:s20], $0x2800  }
0x12b: {  	[sflag:s20] =	ssyncset.done $0x0  }
0x12c: {  	[sflag:s20] =	ssyncadd.s32 $0xFFFFD800  }
0x12d: {  	_ =	swait.ge [sflag:s18], $0x50  }
0x12e: {  	[sflag:s18] =	ssyncset.done $0x0  }
0x12f: {  	s4 =	simm.s32 $0x1B7F8;
	[sflag:s18] =	ssyncadd.s32 $0xFFFFFFB0  }
0x130: {  	[spmem:s2] =	stream.indirect.scatter.add.f32 [tilespmem:s4], [sflag:$0x8], $0x80, s1, s16, $0xb8;
	[tilespmem:$0x1E878] =	vst v63  }
0x131: {  	_ = 	snop  }
0x132: {  	[spmem:s3] =	stream.indirect.scatter.add.f32 [tilespmem:s29], [sflag:$0x8], $0x1, s1, s16, $0xb8;
	[tilespmem:$0x1E878] =	vst v63  }
0x133: {  	_ =	swait.ge [sflag:s9], $0x2800  }
0x134: {  	[sflag:s9] =	ssyncset.done $0x0  }
0x135: {  	[sflag:s9] =	ssyncadd.s32 $0xFFFFD800  }
0x136: {  	_ =	swait.ge [sflag:s9], $0x50  }
0x137: {  	s14 =	rddreg [dreg:$0x9];
	[sflag:s9] =	ssyncset.done $0x0  }
0x138: {  	[sflag:s9] =	ssyncadd.s32 $0xFFFFFFB0;
	s20 =	sadd.s32 s17, s14  }
0x139: {  	[tilespmem:s21], [sflag:$0xF] =	stream.linear.gather [hbm4b:s20+s5], $0x50, $0x38;
	[tilespmem:$0x1E878] =	vst v63  }
0x13a: {  	_ =	swait.ge [sflag:s22], $0x50  }
0x13b: {  	[sflag:s22] =	ssyncset.done $0x0  }
0x13c: {  	s20 =	rddreg [dreg:$0x8];
	[sflag:s22] =	ssyncadd.s32 $0xFFFFFFB0  }
0x13d: {  	[tilespmem:s6], [sflag:$0x3] =	stream.indirect.gather [hbm4b:s31+s16], $0x80, s12, s16, $0xb8;
	[tilespmem:$0x1E878] =	vst v63  }
0x13e: {  	s20 =	sadd.s32 s17, s20;
	s6 =	simm.s32 $0x13EF8  }
0x13f: {  	[tilespmem:s6], [sflag:$0xC] =	stream.linear.gather [hbm4b:s20+s5], $0x50, $0x38;
	[tilespmem:$0x1E878] =	vst v63  }
0x140: {  	_ =	swait.ge [sflag:s24], $0x2800  }
0x141: {  	[sflag:s24] =	ssyncset.done $0x0  }
0x142: {  	[sflag:s24] =	ssyncadd.s32 $0xFFFFD800  }
0x143: {  	_ =	swait.ge [sflag:s19], $0x50  }
0x144: {  	[sflag:s19] =	ssyncset.done $0x0  }
0x145: {  	[sflag:s19] =	ssyncadd.s32 $0xFFFFFFB0  }
0x146: {  	[spmem:s2] =	stream.indirect.scatter.add.f32 [tilespmem:s23], [sflag:$0x5], $0x80, s10, s16, $0xb8;
	[tilespmem:$0x1E878] =	vst v63  }
0x147: {  	_ = 	snop  }
0x148: {  	[spmem:s3] =	stream.indirect.scatter.add.f32 [tilespmem:s29], [sflag:$0x5], $0x1, s10, s16, $0xb8;
	[tilespmem:$0x1E878] =	vst v63  }
0x149: {  	_ =	swait.ge [sflag:s11], $0x2800  }
0x14a: {  	[sflag:s11] =	ssyncset.done $0x0  }
0x14b: {  	[sflag:s11] =	ssyncadd.s32 $0xFFFFD800  }
0x14c: {  	_ =	swait.ge [sflag:s11], $0x50  }
0x14d: {  	s23 =	rddreg [dreg:$0x7];
	[sflag:s11] =	ssyncset.done $0x0  }
0x14e: {  	p3 =	sne.s32 s13, $0x488;
	[sflag:s11] =	ssyncadd.s32 $0xFFFFFFB0;
	s20 =	sadd.s32 s17, s23  }
0x14f: {  	[tilespmem:s1], [sflag:$0x10] =	stream.linear.gather [hbm4b:s20+s5], $0x50, $0x38;
	[tilespmem:$0x1E878] =	vst v63  }
.Ltmp3:
0x150: {  	s7 =	sadd.s32 $0x140, s7;
	(pc) =	sbr.rel @p3 .LBB2_8-.Ltmp3, $4  }
0x151: {  	s13 =	sadd.s32 $0x28, s13;
	s25 =	simm.s32 $0x167F8;
	_ =	swait.ge [sflag:s26], $0x50  }
0x152: {  	s14 =	simm.s32 $0x18FF8;
	[sflag:s26] =	ssyncset.done $0x0;
	s12 =	rddreg [dreg:$0x6]  }
0x153: {  	s23 =	simm.s32 $0x1B7F8;
	[sflag:s26] =	ssyncadd.s32 $0xFFFFFFB0;
	s17 =	sadd.s32 s17, s12  }
0x154: {  	[tilespmem:s4], [sflag:$0x4] =	stream.indirect.gather [hbm4b:s31+s16], $0x80, s6, s16, $0xb8;
	[tilespmem:$0x1E878] =	vst v63  }
0x155: {  	s13 =	simm.s32 $0x13BF8;
	s4 =	simm.s32 $0x2  }
0x156: {  	[tilespmem:s13], [sflag:$0x9] =	stream.linear.gather [hbm4b:s17+s5], $0x50, $0x38;
	[tilespmem:$0x1E878] =	vst v63  }
0x157: {  	_ =	swait.ge [sflag:s4], $0x2800  }
0x158: {  	[sflag:s4] =	ssyncset.done $0x0  }
0x159: {  	s12 =	simm.s32 $0xE;
	[sflag:s4] =	ssyncadd.s32 $0xFFFFD800  }
0x15a: {  	_ =	swait.ge [sflag:s12], $0x50  }
0x15b: {  	[sflag:s12] =	ssyncset.done $0x0  }
0x15c: {  	[sflag:s12] =	ssyncadd.s32 $0xFFFFFFB0  }
0x15d: {  	[spmem:s2] =	stream.indirect.scatter.add.f32 [tilespmem:s25], [sflag:$0x6], $0x80, s15, s16, $0xb8;
	[tilespmem:$0x1E878] =	vst v63  }
0x15e: {  	_ = 	snop  }
0x15f: {  	[spmem:s3] =	stream.indirect.scatter.add.f32 [tilespmem:s29], [sflag:$0x6], $0x1, s15, s16, $0xb8;
	[tilespmem:$0x1E878] =	vst v63  }
0x160: {  	_ =	swait.ge [sflag:s0], $0x2800  }
0x161: {  	[sflag:s0] =	ssyncset.done $0x0  }
0x162: {  	[sflag:s0] =	ssyncadd.s32 $0xFFFFD800  }
0x163: {  	_ =	swait.ge [sflag:s0], $0x50  }
0x164: {  	s7 =	sld [smem:$0x7FD]  }
0x165: {  	[sflag:s0] =	ssyncset.done $0x0  }
0x166: {  	[sflag:s0] =	ssyncadd.s32 $0xFFFFFFB0  }
0x167: {  	[tilespmem:s10], [sflag:$0xD] =	stream.linear.gather [hbm4b:s7+s5], $0x50, $0x38;
	[tilespmem:$0x1E878] =	vst v63  }
0x168: {  	_ =	swait.ge [sflag:s28], $0x50  }
0x169: {  	[sflag:s28] =	ssyncset.done $0x0  }
0x16a: {  	s6 =	simm.s32 $0x13FF8;
	s17 =	simm.s32 $0x3;
	[sflag:s28] =	ssyncadd.s32 $0xFFFFFFB0  }
0x16b: {  	[tilespmem:s6], [sflag:$0x1] =	stream.indirect.gather [hbm4b:s31+s16], $0x80, s13, s16, $0xb8;
	[tilespmem:$0x1E878] =	vst v63  }
0x16c: {  	_ =	swait.ge [sflag:s17], $0x2800  }
0x16d: {  	[sflag:s17] =	ssyncset.done $0x0  }
0x16e: {  	s20 =	simm.s32 $0xF;
	[sflag:s17] =	ssyncadd.s32 $0xFFFFD800  }
0x16f: {  	_ =	swait.ge [sflag:s20], $0x50  }
0x170: {  	[sflag:s20] =	ssyncset.done $0x0  }
0x171: {  	[sflag:s20] =	ssyncadd.s32 $0xFFFFFFB0  }
0x172: {  	[spmem:s2] =	stream.indirect.scatter.add.f32 [tilespmem:s14], [sflag:$0x7], $0x80, s21, s16, $0xb8;
	[tilespmem:$0x1E878] =	vst v63  }
0x173: {  	_ = 	snop  }
0x174: {  	[spmem:s3] =	stream.indirect.scatter.add.f32 [tilespmem:s29], [sflag:$0x7], $0x1, s21, s16, $0xb8;
	[tilespmem:$0x1E878] =	vst v63  }
0x175: {  	_ =	swait.ge [sflag:s8], $0x2800  }
0x176: {  	[sflag:s8] =	ssyncset.done $0x0  }
0x177: {  	[sflag:s8] =	ssyncadd.s32 $0xFFFFD800  }
0x178: {  	_ =	swait.ge [sflag:s8], $0x50  }
0x179: {  	[sflag:s8] =	ssyncset.done $0x0  }
0x17a: {  	s22 =	simm.s32 $0x4;
	[sflag:s8] =	ssyncadd.s32 $0xFFFFFFB0  }
0x17b: {  	_ =	swait.ge [sflag:s22], $0x2800  }
0x17c: {  	[sflag:s22] =	ssyncset.done $0x0  }
0x17d: {  	[sflag:s22] =	ssyncadd.s32 $0xFFFFD800  }
0x17e: {  	_ =	swait.ge [sflag:s18], $0x50  }
0x17f: {  	[sflag:s18] =	ssyncset.done $0x0  }
0x180: {  	[sflag:s18] =	ssyncadd.s32 $0xFFFFFFB0  }
0x181: {  	[spmem:s2] =	stream.indirect.scatter.add.f32 [tilespmem:s23], [sflag:$0x8], $0x80, s1, s16, $0xb8;
	[tilespmem:$0x1E878] =	vst v63  }
0x182: {  	_ = 	snop  }
0x183: {  	[spmem:s3] =	stream.indirect.scatter.add.f32 [tilespmem:s29], [sflag:$0x8], $0x1, s1, s16, $0xb8;
	[tilespmem:$0x1E878] =	vst v63  }
0x184: {  	_ =	swait.ge [sflag:s9], $0x2800  }
0x185: {  	[sflag:s9] =	ssyncset.done $0x0  }
0x186: {  	[sflag:s9] =	ssyncadd.s32 $0xFFFFD800  }
0x187: {  	_ =	swait.ge [sflag:s9], $0x50  }
0x188: {  	[sflag:s9] =	ssyncset.done $0x0  }
0x189: {  	[sflag:s9] =	ssyncadd.s32 $0xFFFFFFB0  }
0x18a: {  	_ =	swait.ge [sflag:s24], $0x2800  }
0x18b: {  	[sflag:s24] =	ssyncset.done $0x0  }
0x18c: {  	[sflag:s24] =	ssyncadd.s32 $0xFFFFD800  }
0x18d: {  	_ =	swait.ge [sflag:s19], $0x50  }
0x18e: {  	[sflag:s19] =	ssyncset.done $0x0  }
0x18f: {  	[sflag:s19] =	ssyncadd.s32 $0xFFFFFFB0  }
0x190: {  	[spmem:s2] =	stream.indirect.scatter.add.f32 [tilespmem:s6], [sflag:$0x5], $0x80, s10, s16, $0xb8;
	[tilespmem:$0x1E878] =	vst v63  }
0x191: {  	_ = 	snop  }
0x192: {  	[spmem:s3] =	stream.indirect.scatter.add.f32 [tilespmem:s29], [sflag:$0x5], $0x1, s10, s16, $0xb8;
	[tilespmem:$0x1E878] =	vst v63  }
0x193: {  	_ =	swait.ge [sflag:s11], $0x2800  }
0x194: {  	[sflag:s11] =	ssyncset.done $0x0  }
0x195: {  	[sflag:s11] =	ssyncadd.s32 $0xFFFFD800  }
0x196: {  	_ =	swait.ge [sflag:s11], $0x50  }
0x197: {  	[sflag:s11] =	ssyncset.done $0x0  }
0x198: {  	[sflag:s11] =	ssyncadd.s32 $0xFFFFFFB0  }
0x199: {  	_ =	swait.ge [sflag:s0], $0x2800  }
0x19a: {  	[sflag:s0] =	ssyncset.done $0x0  }
0x19b: {  	[sflag:s0] =	ssyncadd.s32 $0xFFFFD800  }
0x19c: {  	_ =	swait.ge [sflag:s0], $0x50  }
0x19d: {  	[sflag:s0] =	ssyncset.done $0x0  }
0x19e: {  	[sflag:s0] =	ssyncadd.s32 $0xFFFFFFB0  }
0x19f: {  	[bflag:$0x0] =	sbarrier.arrive $0xFFFF  }
0x1a0: {  	s7 =	stileid.u32;
	s17 =	sld [smem:$0x7F7]  }
0x1a1: {  	s7 =	sshll.u32 @!p0 s7, $0x6  }
0x1a2: {  	s7 =	sor.u32 @!p0 $0x1C11, s7;
	s13 =	rddreg [dreg:$0x1c]  }
0x1a3: {  	[hbm:s13], [sflag:s7] =	dma.local @!p0 [spmem:s17], $0x3E80  }
0x1a4: {  	s7 =	simm.s32 @!p0 $0x11  }
0x1a5: {  	_ =	swait.ge @!p0 [sflag:s7], $0x3E80  }
0x1a6: {  	[sflag:s7] =	ssyncset.done @!p0 $0x0  }
0x1a7: {  	s13 =	rddreg [dreg:$0x1d];
	[sflag:s7] =	ssyncadd.s32 @!p0 $0xFFFFC180;
	s7 =	simm.s32 @!p2 $0x1E078  }
0x1a8: {  	[tilespmem:s7], [sflag:$0x11] =	stream.linear.gather @!p2 [spmem:s13], $0x7D0, $0x38;
	[tilespmem:$0x1E878] =	vst v63  }
0x1a9: {  	s13 =	simm.s32 @!p2 $0x11  }
0x1aa: {  	_ =	swait.ge @!p2 [sflag:s13], $0x7D0  }
0x1ab: {  	[sflag:s13] =	ssyncset.done @!p2 $0x0  }
0x1ac: {  	s17 =	simm.s32 @!p2 $0x0;
	s20 =	rddreg [dreg:$0x16];
	[sflag:s13] =	ssyncadd.s32 @!p2 $0xFFFFF830  }
0x1ad: {  	[hbm4b:s20+s17] =	stream.linear.scatter @!p2 [tilespmem:s7], [sflag:$0x11], $0x7D0, $0x38;
	[tilespmem:$0x1E878] =	vst v63  }
0x1ae: {  	_ =	swait.ge @!p2 [sflag:s13], $0x7D0  }
0x1af: {  	s25 =	sld [smem:$0x7F6];
	_ =	sdelay $0x1  }
0x1b0: {  	s30 =	simm.s32 $0xB  }
0x1b1: {  	s4 =	simm.s32 $0x13BF8;
	s26 =	rddreg [dreg:$0x1e];
	s14 =	sadd.s32 $0x1, s25  }
0x1b2: {  	s12 =	simm.s32 $0x13CF8;
	s15 =	simm.s32 $0x13D78;
	p3 =	sne.s32 s14, s26  }
.Ltmp4:
0x1b3: {  	s28 =	simm.s32 $0x13FF8;
	s22 =	simm.s32 $0xC;
	(pc) =	sbr.rel @p3 .LBB2_1-.Ltmp4, $4  }
0x1b4: {  	s23 =	simm.s32 $0x1B7F8;
	s1 =	simm.s32 $0x13E78;
	s24 =	simm.s32 $0x1  }
0x1b5: {  	s19 =	simm.s32 $0xD;
	s6 =	simm.s32 $0xE;
	s10 =	simm.s32 $0x13C78  }
0x1b6: {  	s29 =	simm.s32 $0xA;
	s17 =	simm.s32 $0x13DF8;
	[sflag:s13] =	ssyncset.done @!p2 $0x0  }
0x1b7: {  	[sflag:s13] =	ssyncadd.s32 @!p2 $0xFFFFF830;
	s25 =	simm.s32 $0x13EF8;
	s26 =	simm.s32 $0x1DFF8  }
0x1b8: {  	_ =	sfence.sel $0x180000  }
0x1b9: {  	[bflag:$0x0] =	sbarrier.arrive $0xFFFF  }
0x1ba: {  	_ =	strace $0x90000047  }
0x1bb: {  	s0 =	stileid.u32;
	[bflag:$0x2] =	sbarrier.arrive $0xFFFF  }
0x1bc: {  	p0 =	sne.s32 s0, $0x0;
	s0 =	rddreg [dreg:$0x5]  }
0x1bd: {  	s0 =	sadd.s32 @!p0 $0x100000, s0  }
0x1be: {  	[sflag:s0] =	ssyncadd.tile.s32 @!p0 $0x1;
	_ =	shalt  }
.Lfunc_end2:
_tile_overlayer_lowered:
.L_overlay_start_2:
0x1bf: {  	(tag) =	ssettag $0x2  }
0x1c0: {  	s0 =	rddreg [dreg:$0x0];
	s2 =	stileid.u32  }
0x1c1: {  	s1 =	rddreg [dreg:$0x1];
	p0 =	sne.s32 s2, $0x0  }
0x1c2: {  	s3 =	rddreg [dreg:$0x2];
	[bflag:$0x3] =	sbarrier.arrive $0xFFFF;
	s2 =	simm.s32 @!p0 $0x1C11  }
0x1c3: {  	[timem:s3], [sflag:s2] =	dma.local @!p0 [hbm:s0], s1  }
0x1c4: {  	s0 =	simm.s32 @!p0 $0x11  }
0x1c5: {  	_ =	swait.ge @!p0 [sflag:s0], s1  }
0x1c6: {  	s1 =	ssub.s32 @!p0 $0x0, s1;
	[sflag:s0] =	ssyncset.done @!p0 $0x0  }
0x1c7: {  	[sflag:s0] =	ssyncadd.s32 @!p0 s1  }
0x1c8: {  	[bflag:$0x3] =	sbarrier.arrive $0xFFFF  }
0x1c9: {  	_ =	shalt  }

</sc_bundles>
